<compile_context>
chip_gen: v7x
topology: tpu7x:2x2x1
jax: 0.10.2.dev20260603
libtpu: 0.0.44.dev20260713+nightly
codegen_flags: <defaults>
</compile_context>

<pallas_src>
import jax
import jax.numpy as jnp
from jax import lax
from jax.experimental import pallas as pl
from jax.experimental.pallas import tpu as pltpu
from jax.experimental.pallas import tpu_sc as plsc

N = 10000
NPAD = 10240
NFEAT = 128
NHID = 128
NCLASS = 40
DW = 64
DPAD2 = 64

NC = 2
NS = 16
NW = NC * NS
CH = 128
ROWS_PT = NPAD // NS

_MESH = plsc.VectorSubcoreMesh(
    core_axis_name="c", subcore_axis_name="s", num_cores=NC, num_subcores=NS)

_SC_PARAMS = pltpu.CompilerParams(needs_layout_passes=False,
                                  use_tc_tiling_on_sc=False)


def _rsqrt_newton(x):
  i = plsc.bitcast(x, jnp.int32)
  y = plsc.bitcast(jnp.int32(0x5F3759DF) - (i >> 1), jnp.float32)
  hx = 0.5 * x
  y = y * (1.5 - hx * y * y)
  y = y * (1.5 - hx * y * y)
  y = y * (1.5 - hx * y * y)
  return y


def _interleave64(t):
  n = t.shape[0]
  return t.reshape(n, 2, 2, 16).transpose(0, 1, 3, 2).reshape(n, 64)


_DEG_W = 1280
_DEG_R = _DEG_W // NS


def _make_deg(cpt):

  def body(col_hbm, ew_hbm, out_hbm, col_v, ew_v, deg_v, acc_v, tmp_v, spbuf):
    cid = lax.axis_index("c")
    sid = lax.axis_index("s")
    wid = sid * NC + cid
    pltpu.sync_copy(col_hbm.at[wid], col_v)
    pltpu.sync_copy(ew_hbm.at[wid], ew_v)

    z16 = jnp.zeros((16,), jnp.float32)

    def zbody(i, _):
      deg_v[pl.ds(i * 16, 16)] = z16
      return 0
    lax.fori_loop(0, NPAD // 16, zbody, 0)

    def sbody(c, _):
      for k in range(CH // 16):
        s = pl.ds(k * 16, 16)
        plsc.addupdate_scatter(deg_v, [col_v[c, s]], ew_v[c, s])
      return 0
    lax.fori_loop(0, cpt, sbody, 0)

    for r in range(NPAD // _DEG_W):
      pltpu.sync_copy(deg_v.at[pl.ds(r * _DEG_W, _DEG_W)], spbuf.at[sid])
      plsc.subcore_barrier()
      pltpu.sync_copy(spbuf.at[0, pl.ds(sid * _DEG_R, _DEG_R)], acc_v)

      def rbody(k, _):
        pltpu.sync_copy(spbuf.at[k, pl.ds(sid * _DEG_R, _DEG_R)], tmp_v)

        def abody(i, _):
          s = pl.ds(i * 16, 16)
          acc_v[s] = acc_v[s] + tmp_v[s]
          return 0
        lax.fori_loop(0, _DEG_R // 16, abody, 0)
        return 0
      lax.fori_loop(1, NS, rbody, 0)

      pltpu.sync_copy(acc_v,
                      out_hbm.at[cid, pl.ds(r * _DEG_W + sid * _DEG_R, _DEG_R)])
      plsc.subcore_barrier()

  return pl.kernel(
      body,
      out_type=jax.ShapeDtypeStruct((NC, NPAD), jnp.float32),
      mesh=_MESH,
      compiler_params=_SC_PARAMS,
      scratch_types=[
          pltpu.VMEM((cpt, CH), jnp.int32),
          pltpu.VMEM((cpt, CH), jnp.float32),
          pltpu.VMEM((NPAD,), jnp.float32),
          pltpu.VMEM((_DEG_R,), jnp.float32),
          pltpu.VMEM((_DEG_R,), jnp.float32),
          pltpu.VMEM_SHARED((NS, _DEG_W), jnp.float32),
      ],
  )


def _make_spmm(cpt, nh):

  def body(h_hbm, row_hbm, col_hbm, ew_hbm, deg_hbm, out_hbm,
           row_v, col_v, idx2_v, ew_v, dis_v, dtmp_v,
           rvb0, rvb1, stage, accum, sg0, sg1, sh0, sh1):
    rbufs = (rvb0, rvb1)
    gsems = (sg0, sg1)
    hsems = (sh0, sh1)
    cid = lax.axis_index("c")
    sid = lax.axis_index("s")
    wid = sid * NC + cid
    pltpu.sync_copy(row_hbm.at[wid], row_v)
    pltpu.sync_copy(col_hbm.at[wid], col_v)
    pltpu.sync_copy(ew_hbm.at[wid], ew_v)
    pltpu.sync_copy(deg_hbm.at[0], dis_v)
    pltpu.sync_copy(deg_hbm.at[1], dtmp_v)

    def disbody(i, _):
      s = pl.ds(i * 16, 16)
      dis_v[s] = _rsqrt_newton(dis_v[s] + dtmp_v[s] + 1.0)
      return 0
    lax.fori_loop(0, NPAD // 16, disbody, 0)

    def nbody(c, _):
      for k in range(CH // 16):
        s = pl.ds(k * 16, 16)
        r = plsc.load_gather(dis_v, [row_v[c, s]])
        cc = plsc.load_gather(dis_v, [col_v[c, s]])
        ew_v[c, s] = r * ew_v[c, s] * cc
      return 0
    lax.fori_loop(0, cpt, nbody, 0)

    z16 = jnp.zeros((16,), jnp.float32)
    base = sid * ROWS_PT

    for fh in range(nh):
      if nh > 1:
        def ibody(c, _):
          for k in range(CH // 16):
            s = pl.ds(k * 16, 16)
            idx2_v[c, s] = row_v[c, s] * nh + fh
          return 0
        lax.fori_loop(0, cpt, ibody, 0)
        idx_ref = idx2_v
      else:
        idx_ref = row_v

      def zbody(i, _):
        for q in range(DW // 16):
          stage[i, pl.ds(q * 16, 16)] = z16
        return 0
      lax.fori_loop(0, CH, zbody, 0)
      for b in range(ROWS_PT // CH):
        pltpu.sync_copy(stage, accum.at[pl.ds(base + b * CH, CH)])
      plsc.subcore_barrier()

      HH = CH // 2
      pltpu.async_copy(h_hbm.at[idx_ref.at[0, pl.ds(0, HH)]],
                       rvb0.at[pl.ds(0, HH)], sg0)
      pltpu.async_copy(h_hbm.at[idx_ref.at[0, pl.ds(HH, HH)]],
                       rvb0.at[pl.ds(HH, HH)], sh0)

      def gbody(j, _):
        for b in range(2):
          rv, sg, sh = rbufs[b], gsems[b], hsems[b]
          ov, og, oh = rbufs[1 - b], gsems[1 - b], hsems[1 - b]
          c = j * 2 + b

          @pl.when(c + 1 < cpt)
          def _():
            pltpu.async_copy(h_hbm.at[idx_ref.at[c + 1, pl.ds(0, HH)]],
                             ov.at[pl.ds(0, HH)], og)
            pltpu.async_copy(h_hbm.at[idx_ref.at[c + 1, pl.ds(HH, HH)]],
                             ov.at[pl.ds(HH, HH)], oh)

          pltpu.make_async_copy(h_hbm.at[idx_ref.at[c, pl.ds(0, HH)]],
                                rv.at[pl.ds(0, HH)], sg).wait()
          pltpu.make_async_copy(h_hbm.at[idx_ref.at[c, pl.ds(HH, HH)]],
                                rv.at[pl.ds(HH, HH)], sh).wait()

          def scbody(i, _):
            bi = jnp.zeros((16,), jnp.int32) + i
            nv = plsc.load_gather(ew_v.at[c], [bi])
            for g in range(DW // 32):
              w = plsc.bitcast(rv[i, pl.ds(g * 32, 32)], jnp.int32)
              a = plsc.bitcast(w << 16, jnp.float32)
              bb = plsc.bitcast(w & jnp.int32(-65536), jnp.float32)
              stage[i, pl.ds(g * 32, 16)] = a * nv
              stage[i, pl.ds(g * 32 + 16, 16)] = bb * nv
            return 0
          lax.fori_loop(0, CH, scbody, 0)

          pltpu.sync_copy(stage, accum.at[col_v.at[c]], add=True)
        return 0
      lax.fori_loop(0, cpt // 2, gbody, 0)

      plsc.subcore_barrier()
      pltpu.sync_copy(accum.at[pl.ds(base, ROWS_PT)],
                      out_hbm.at[cid, fh, pl.ds(base, ROWS_PT)])
      if fh + 1 < nh:
        plsc.subcore_barrier()

  return pl.kernel(
      body,
      out_type=jax.ShapeDtypeStruct((NC, nh, NPAD, DW), jnp.float32),
      mesh=_MESH,
      compiler_params=_SC_PARAMS,
      scratch_types=[
          pltpu.VMEM((cpt, CH), jnp.int32),
          pltpu.VMEM((cpt, CH), jnp.int32),
          pltpu.VMEM((cpt, CH), jnp.int32),
          pltpu.VMEM((cpt, CH), jnp.float32),
          pltpu.VMEM((NPAD,), jnp.float32),
          pltpu.VMEM((NPAD,), jnp.float32),
          pltpu.VMEM((CH, DW), jnp.bfloat16),
          pltpu.VMEM((CH, DW), jnp.bfloat16),
          pltpu.VMEM((CH, DW), jnp.float32),
          pltpu.VMEM_SHARED((NPAD, DW), jnp.float32),
          pltpu.SemaphoreType.DMA,
          pltpu.SemaphoreType.DMA,
          pltpu.SemaphoreType.DMA,
          pltpu.SemaphoreType.DMA,
      ],
  )


_R = 1280


def _mm1(xp, W1):
  def body(x_ref, w_ref, o_ref):
    o_ref[...] = jnp.dot(x_ref[...], w_ref[...],
                         preferred_element_type=jnp.float32)
  return pl.pallas_call(
      body,
      out_shape=jax.ShapeDtypeStruct((NPAD, NHID), jnp.float32),
      grid=(NPAD // _R,),
      in_specs=[pl.BlockSpec((_R, NFEAT), lambda i: (i, 0)),
                pl.BlockSpec((NFEAT, NHID), lambda i: (0, 0))],
      out_specs=pl.BlockSpec((_R, NHID), lambda i: (i, 0)),
  )(xp, W1)


def _mid(agg, h, degp, b1, W2p):
  def body(a_ref, h_ref, d_ref, b_ref, w_ref, o_ref):
    inv = 1.0 / (d_ref[0] + d_ref[1] + 1.0)
    t0 = (a_ref[0, 0] + a_ref[1, 0] + inv[:, None] * h_ref[:, :DW]
          + b_ref[...][None, :DW])
    t1 = (a_ref[0, 1] + a_ref[1, 1] + inv[:, None] * h_ref[:, DW:]
          + b_ref[...][None, DW:])
    h1a = jnp.maximum(t0, 0.0)
    h1b = jnp.maximum(t1, 0.0)
    o_ref[...] = (
        jnp.dot(h1a, w_ref[:DW], preferred_element_type=jnp.float32)
        + jnp.dot(h1b, w_ref[DW:], preferred_element_type=jnp.float32))
  return pl.pallas_call(
      body,
      out_shape=jax.ShapeDtypeStruct((NPAD, DPAD2), jnp.float32),
      grid=(NPAD // _R,),
      in_specs=[pl.BlockSpec((NC, 2, _R, DW), lambda i: (0, 0, i, 0)),
                pl.BlockSpec((_R, NHID), lambda i: (i, 0)),
                pl.BlockSpec((NC, _R), lambda i: (0, i)),
                pl.BlockSpec((NHID,), lambda i: (0,)),
                pl.BlockSpec((NHID, DPAD2), lambda i: (0, 0))],
      out_specs=pl.BlockSpec((_R, DPAD2), lambda i: (i, 0)),
  )(agg, h, degp, b1, W2p)


def _fin(agg, g, degp, b2p):
  def body(a_ref, g_ref, d_ref, b_ref, o_ref):
    inv = 1.0 / (d_ref[0] + d_ref[1] + 1.0)
    z = (a_ref[0, 0] + a_ref[1, 0] + inv[:, None] * g_ref[...]
         + b_ref[...][None, :])
    mask = lax.broadcasted_iota(jnp.int32, (_R, DPAD2), 1) < NCLASS
    zneg = jnp.where(mask, z, -jnp.inf)
    m = jnp.max(zneg, axis=1, keepdims=True)
    e = jnp.where(mask, jnp.exp(z - m), 0.0)
    lse = jnp.log(jnp.sum(e, axis=1, keepdims=True)) + m
    o_ref[...] = z - lse
  return pl.pallas_call(
      body,
      out_shape=jax.ShapeDtypeStruct((NPAD, DPAD2), jnp.float32),
      grid=(NPAD // _R,),
      in_specs=[pl.BlockSpec((NC, 1, _R, DPAD2), lambda i: (0, 0, i, 0)),
                pl.BlockSpec((_R, DPAD2), lambda i: (i, 0)),
                pl.BlockSpec((NC, _R), lambda i: (0, i)),
                pl.BlockSpec((DPAD2,), lambda i: (0,))],
      out_specs=pl.BlockSpec((_R, DPAD2), lambda i: (i, 0)),
  )(agg, g, degp, b2p)


def kernel(x, edge_index, edge_weight, W1, b1, W2, b2):
  e = edge_index.shape[1]
  cpt = -(-e // (NW * CH))
  cpt = -(-cpt // 2) * 2
  epad = NW * cpt * CH
  pad = epad - e

  row = jnp.concatenate([edge_index[0], jnp.zeros((pad,), jnp.int32)])
  col = jnp.concatenate([edge_index[1], jnp.zeros((pad,), jnp.int32)])
  ew = jnp.concatenate([edge_weight, jnp.zeros((pad,), jnp.float32)])
  rowp = row.reshape(NW, cpt, CH)
  colp = col.reshape(NW, cpt, CH)
  ewp = ew.reshape(NW, cpt, CH)
  xp = jnp.pad(x, ((0, NPAD - N), (0, 0)))
  W2p = jnp.pad(W2, ((0, 0), (0, DPAD2 - NCLASS)))
  b2p = jnp.pad(b2, (0, DPAD2 - NCLASS))

  degp = _make_deg(cpt)(colp, ewp)
  h = _mm1(xp, W1)
  hb = _interleave64(h.reshape(2 * NPAD, DW)).astype(jnp.bfloat16)
  agg1 = _make_spmm(cpt, 2)(hb, rowp, colp, ewp, degp)
  g = _mid(agg1, h, degp, b1, W2p)
  gb = _interleave64(g).astype(jnp.bfloat16)
  agg2 = _make_spmm(cpt, 1)(gb, rowp, colp, ewp, degp)
  fin = _fin(agg2, g, degp, b2p)
  return fin[:N, :NCLASS]

# --- scband reference (transcript-rebuilt; emitter-appended) ---
"""Pipeline reference for scband-gcn-66692252172817 (READ-ONLY COPY).

The authoritative reference and input builder live on the scoring server;
editing this copy changes nothing except your own understanding.
"""

import jax, jax.numpy as jnp
import numpy as np

N_NODES = 10000
N_EDGES = 320000
NFEAT = 128
NHID = 128
NCLASS = 40


def setup_inputs(seed: int = 0) -> dict:
    key = jax.random.key(seed)
    k1, k2, k3, k4, k5 = jax.random.split(key, 5)
    x = jax.random.normal(k1, (N_NODES, NFEAT), dtype=jnp.float32)
    edge_index = jax.random.randint(k2, (2, N_EDGES), 0, N_NODES).astype(jnp.int32)
    edge_weight = jax.random.uniform(k3, (N_EDGES,), dtype=jnp.float32)
    W1 = jax.random.normal(k4, (NFEAT, NHID), dtype=jnp.float32) * (1.0 / np.sqrt(NFEAT))
    b1 = jnp.zeros((NHID,), dtype=jnp.float32)
    W2 = jax.random.normal(k5, (NHID, NCLASS), dtype=jnp.float32) * (1.0 / np.sqrt(NHID))
    b2 = jnp.zeros((NCLASS,), dtype=jnp.float32)
    return {"x": x, "edge_index": edge_index, "edge_weight": edge_weight,
            "W1": W1, "b1": b1, "W2": W2, "b2": b2}


def _gcn_conv(x, edge_index, edge_weight, W, b):
    # PyG GCNConv with add_self_loops=True and symmetric normalization:
    # out = D^{-1/2}(A+I)D^{-1/2} (x W) + b
    N = x.shape[0]
    row = edge_index[0]
    col = edge_index[1]
    sl = jnp.arange(N, dtype=row.dtype)
    row = jnp.concatenate([row, sl])
    col = jnp.concatenate([col, sl])
    ew = jnp.concatenate([edge_weight, jnp.ones((N,), dtype=x.dtype)])
    deg = jnp.zeros((N,), dtype=x.dtype).at[col].add(ew)
    deg_inv_sqrt = jnp.where(deg > 0, jax.lax.rsqrt(jnp.maximum(deg, 1e-12)), 0.0)
    norm = deg_inv_sqrt[row] * ew * deg_inv_sqrt[col]
    h = x @ W
    msg = jnp.take(h, row, axis=0) * norm[:, None]
    out = jnp.zeros((N, W.shape[1]), dtype=x.dtype).at[col].add(msg)
    return out + b


def reference(x, edge_index, edge_weight, W1, b1, W2, b2):
    # GCN.forward in eval mode (dropout is identity; layer_norm_first=False, use_ln=False)
    h = jax.nn.relu(_gcn_conv(x, edge_index, edge_weight, W1, b1))
    final_pre_act = _gcn_conv(h, edge_index, edge_weight, W2, b2)
    return jax.nn.log_softmax(final_pre_act, axis=1)

if __name__ == "__main__":
    import jax
    _d = setup_inputs()
    print(jax.jit(kernel)(*tuple(_d.values())))

</pallas_src>

<mosaic_0001>
#map = affine_map<(d0, d1) -> (0, 0, 0)>
#map1 = affine_map<(d0, d1) -> (0, 0)>
module attributes {stable_mosaic.version = 14 : i64} {
  func.func @body(%arg0: i32, %arg1: i32, %arg2: memref<32x80x128xi32, #tpu.memory_space<hbm>>, %arg3: memref<32x80x128xf32, #tpu.memory_space<hbm>>, %arg4: memref<2x10240xf32, #tpu.memory_space<hbm>>, %arg5: memref<80x128xi32, #tpu.memory_space<vmem>>, %arg6: memref<80x128xf32, #tpu.memory_space<vmem>>, %arg7: memref<10240xf32, #tpu.memory_space<vmem>>, %arg8: memref<80xf32, #tpu.memory_space<vmem>>, %arg9: memref<80xf32, #tpu.memory_space<vmem>>, %arg10: memref<16x1280xf32, #tpu.memory_space<vmem_shared>>) attributes {dimension_semantics = [#tpu.dimension_semantics<core_parallel>, #tpu.dimension_semantics<subcore_parallel>], iteration_bounds = array<i64: 2, 16>, scalar_prefetch = 0 : i64, scratch_operands = 6 : i64, tpu.core_type = #tpu.core_type<sc_vector_subcore>, window_params = [{transform_indices = #map}, {transform_indices = #map}, {transform_indices = #map1}]} {
    %mul3A = arith.constant 2 : i32
    %mul3A_0 = arith.muli %arg1, %mul3A : i32
    %add3A = arith.addi %mul3A_0, %arg0 : i32
    "tpu.region"() ({
      %run_scoped3A_141 = tpu.sem_alloc : memref<!tpu.dma_semaphore, #tpu.memory_space<semaphore_mem>>
      %dma_start3A = arith.constant 0 : i32
      %dma_start3A_142 = arith.constant 0 : i32
      %dma_start3A_143 = tpu.memref_slice %arg2[%add3A, %dma_start3A, %dma_start3A_142] : memref<32x80x128xi32, #tpu.memory_space<hbm>> -> memref<1x80x128xi32, #tpu.memory_space<hbm>>
      %dma_start3A_144 = tpu.memref_squeeze %dma_start3A_143 : memref<1x80x128xi32, #tpu.memory_space<hbm>> -> memref<80x128xi32, #tpu.memory_space<hbm>>
      %dma_start3A_145 = arith.constant 0 : i32
      %dma_start3A_146 = arith.constant 0 : i32
      %dma_start3A_147 = tpu.memref_slice %arg2[%add3A, %dma_start3A_145, %dma_start3A_146] : memref<32x80x128xi32, #tpu.memory_space<hbm>> -> memref<1x80x128xi32, #tpu.memory_space<hbm>>
      %dma_start3A_148 = tpu.memref_squeeze %dma_start3A_147 : memref<1x80x128xi32, #tpu.memory_space<hbm>> -> memref<80x128xi32, #tpu.memory_space<hbm>>
      tpu.enqueue_dma source(%dma_start3A_148 : memref<80x128xi32, #tpu.memory_space<hbm>>) target(%arg5 : memref<80x128xi32, #tpu.memory_space<vmem>>) target_semaphore(%run_scoped3A_141 : memref<!tpu.dma_semaphore, #tpu.memory_space<semaphore_mem>>)
      %dma_wait3A = arith.constant 0 : i32
      %dma_wait3A_149 = arith.constant 0 : i32
      %dma_wait3A_150 = tpu.memref_slice %arg2[%add3A, %dma_wait3A, %dma_wait3A_149] : memref<32x80x128xi32, #tpu.memory_space<hbm>> -> memref<1x80x128xi32, #tpu.memory_space<hbm>>
      %dma_wait3A_151 = tpu.memref_squeeze %dma_wait3A_150 : memref<1x80x128xi32, #tpu.memory_space<hbm>> -> memref<80x128xi32, #tpu.memory_space<hbm>>
      %dma_wait3A_152 = arith.constant 0 : i32
      %dma_wait3A_153 = arith.constant 0 : i32
      %dma_wait3A_154 = tpu.memref_slice %arg2[%add3A, %dma_wait3A_152, %dma_wait3A_153] : memref<32x80x128xi32, #tpu.memory_space<hbm>> -> memref<1x80x128xi32, #tpu.memory_space<hbm>>
      %dma_wait3A_155 = tpu.memref_squeeze %dma_wait3A_154 : memref<1x80x128xi32, #tpu.memory_space<hbm>> -> memref<80x128xi32, #tpu.memory_space<hbm>>
      tpu.wait_dma2 semaphore(%run_scoped3A_141 : memref<!tpu.dma_semaphore, #tpu.memory_space<semaphore_mem>>) src(%dma_wait3A_155 : memref<80x128xi32, #tpu.memory_space<hbm>>) dst(%arg5 : memref<80x128xi32, #tpu.memory_space<vmem>>)
      tpu.yield
    }) : () -> ()
    "tpu.region"() ({
      %run_scoped3A_141 = tpu.sem_alloc : memref<!tpu.dma_semaphore, #tpu.memory_space<semaphore_mem>>
      %dma_start3A = arith.constant 0 : i32
      %dma_start3A_142 = arith.constant 0 : i32
      %dma_start3A_143 = tpu.memref_slice %arg3[%add3A, %dma_start3A, %dma_start3A_142] : memref<32x80x128xf32, #tpu.memory_space<hbm>> -> memref<1x80x128xf32, #tpu.memory_space<hbm>>
      %dma_start3A_144 = tpu.memref_squeeze %dma_start3A_143 : memref<1x80x128xf32, #tpu.memory_space<hbm>> -> memref<80x128xf32, #tpu.memory_space<hbm>>
      %dma_start3A_145 = arith.constant 0 : i32
      %dma_start3A_146 = arith.constant 0 : i32
      %dma_start3A_147 = tpu.memref_slice %arg3[%add3A, %dma_start3A_145, %dma_start3A_146] : memref<32x80x128xf32, #tpu.memory_space<hbm>> -> memref<1x80x128xf32, #tpu.memory_space<hbm>>
      %dma_start3A_148 = tpu.memref_squeeze %dma_start3A_147 : memref<1x80x128xf32, #tpu.memory_space<hbm>> -> memref<80x128xf32, #tpu.memory_space<hbm>>
      tpu.enqueue_dma source(%dma_start3A_148 : memref<80x128xf32, #tpu.memory_space<hbm>>) target(%arg6 : memref<80x128xf32, #tpu.memory_space<vmem>>) target_semaphore(%run_scoped3A_141 : memref<!tpu.dma_semaphore, #tpu.memory_space<semaphore_mem>>)
      %dma_wait3A = arith.constant 0 : i32
      %dma_wait3A_149 = arith.constant 0 : i32
      %dma_wait3A_150 = tpu.memref_slice %arg3[%add3A, %dma_wait3A, %dma_wait3A_149] : memref<32x80x128xf32, #tpu.memory_space<hbm>> -> memref<1x80x128xf32, #tpu.memory_space<hbm>>
      %dma_wait3A_151 = tpu.memref_squeeze %dma_wait3A_150 : memref<1x80x128xf32, #tpu.memory_space<hbm>> -> memref<80x128xf32, #tpu.memory_space<hbm>>
      %dma_wait3A_152 = arith.constant 0 : i32
      %dma_wait3A_153 = arith.constant 0 : i32
      %dma_wait3A_154 = tpu.memref_slice %arg3[%add3A, %dma_wait3A_152, %dma_wait3A_153] : memref<32x80x128xf32, #tpu.memory_space<hbm>> -> memref<1x80x128xf32, #tpu.memory_space<hbm>>
      %dma_wait3A_155 = tpu.memref_squeeze %dma_wait3A_154 : memref<1x80x128xf32, #tpu.memory_space<hbm>> -> memref<80x128xf32, #tpu.memory_space<hbm>>
      tpu.wait_dma2 semaphore(%run_scoped3A_141 : memref<!tpu.dma_semaphore, #tpu.memory_space<semaphore_mem>>) src(%dma_wait3A_155 : memref<80x128xf32, #tpu.memory_space<hbm>>) dst(%arg6 : memref<80x128xf32, #tpu.memory_space<vmem>>)
      tpu.yield
    }) : () -> ()
    %broadcast_in_dim3A = arith.constant 0.000000e+00 : f32
    %broadcast_in_dim3A_1 = vector.broadcast %broadcast_in_dim3A : f32 to vector<16xf32>
    %scan3A = arith.constant 0 : i32
    %scan3A_2 = arith.constant 0 : i32
    %scan3A_3 = arith.constant 640 : i32
    %scan3A_4 = arith.addi %scan3A_2, %scan3A_3 : i32
    %scan3A_5 = arith.constant 1 : i32
    %scan3A_6 = scf.for %scan3A_141 = %scan3A_2 to %scan3A_4 step %scan3A_5 iter_args(%scan3A_142 = %scan3A) -> (i32)  : i32 {
      %mul3A_143 = arith.constant 16 : i32
      %mul3A_144 = arith.muli %scan3A_141, %mul3A_143 : i32
      %swap3A = arith.index_cast %mul3A_144 : i32 to index
      %swap3A_145 = tpu.vector_load %arg7[%swap3A] {strides = array<i32>} : memref<10240xf32, #tpu.memory_space<vmem>>, vector<16xf32>,
      tpu.vector_store %arg7[%swap3A], %broadcast_in_dim3A_1 {strides = array<i32>} : memref<10240xf32, #tpu.memory_space<vmem>>, vector<16xf32>,
      %scan3A_146 = arith.constant 0 : i32
      scf.yield %scan3A_146 : i32
    }
    %scan3A_7 = arith.constant 640 : i32
    %scan3A_8 = arith.constant 0 : i32
    %scan3A_9 = arith.constant 0 : i32
    %scan3A_10 = arith.constant 80 : i32
    %scan3A_11 = arith.addi %scan3A_9, %scan3A_10 : i32
    %scan3A_12 = arith.constant 1 : i32
    %scan3A_13 = scf.for %scan3A_141 = %scan3A_9 to %scan3A_11 step %scan3A_12 iter_args(%scan3A_142 = %scan3A_8) -> (i32)  : i32 {
      %get3A = arith.index_cast %scan3A_141 : i32 to index
      %get3A_143 = arith.constant 0 : index
      %get3A_144 = tpu.vector_load %arg5[%get3A, %get3A_143] {strides = array<i32>} : memref<80x128xi32, #tpu.memory_space<vmem>>, vector<16xi32>,
      %get3A_145 = arith.index_cast %scan3A_141 : i32 to index
      %get3A_146 = arith.constant 0 : index
      %get3A_147 = tpu.vector_load %arg6[%get3A_145, %get3A_146] {strides = array<i32>} : memref<80x128xf32, #tpu.memory_space<vmem>>, vector<16xf32>,
      tpu.vector_store_idx %arg7[%get3A_144], %get3A_147 {add = true} : memref<10240xf32, #tpu.memory_space<vmem>>[vector<16xi32>], vector<16xf32>,
      %get3A_148 = arith.index_cast %scan3A_141 : i32 to index
      %get3A_149 = arith.constant 16 : index
      %get3A_150 = tpu.vector_load %arg5[%get3A_148, %get3A_149] {strides = array<i32>} : memref<80x128xi32, #tpu.memory_space<vmem>>, vector<16xi32>,
      %get3A_151 = arith.index_cast %scan3A_141 : i32 to index
      %get3A_152 = arith.constant 16 : index
      %get3A_153 = tpu.vector_load %arg6[%get3A_151, %get3A_152] {strides = array<i32>} : memref<80x128xf32, #tpu.memory_space<vmem>>, vector<16xf32>,
      tpu.vector_store_idx %arg7[%get3A_150], %get3A_153 {add = true} : memref<10240xf32, #tpu.memory_space<vmem>>[vector<16xi32>], vector<16xf32>,
      %get3A_154 = arith.index_cast %scan3A_141 : i32 to index
      %get3A_155 = arith.constant 32 : index
      %get3A_156 = tpu.vector_load %arg5[%get3A_154, %get3A_155] {strides = array<i32>} : memref<80x128xi32, #tpu.memory_space<vmem>>, vector<16xi32>,
      %get3A_157 = arith.index_cast %scan3A_141 : i32 to index
      %get3A_158 = arith.constant 32 : index
      %get3A_159 = tpu.vector_load %arg6[%get3A_157, %get3A_158] {strides = array<i32>} : memref<80x128xf32, #tpu.memory_space<vmem>>, vector<16xf32>,
      tpu.vector_store_idx %arg7[%get3A_156], %get3A_159 {add = true} : memref<10240xf32, #tpu.memory_space<vmem>>[vector<16xi32>], vector<16xf32>,
      %get3A_160 = arith.index_cast %scan3A_141 : i32 to index
      %get3A_161 = arith.constant 48 : index
      %get3A_162 = tpu.vector_load %arg5[%get3A_160, %get3A_161] {strides = array<i32>} : memref<80x128xi32, #tpu.memory_space<vmem>>, vector<16xi32>,
      %get3A_163 = arith.index_cast %scan3A_141 : i32 to index
      %get3A_164 = arith.constant 48 : index
      %get3A_165 = tpu.vector_load %arg6[%get3A_163, %get3A_164] {strides = array<i32>} : memref<80x128xf32, #tpu.memory_space<vmem>>, vector<16xf32>,
      tpu.vector_store_idx %arg7[%get3A_162], %get3A_165 {add = true} : memref<10240xf32, #tpu.memory_space<vmem>>[vector<16xi32>], vector<16xf32>,
      %get3A_166 = arith.index_cast %scan3A_141 : i32 to index
      %get3A_167 = arith.constant 64 : index
      %get3A_168 = tpu.vector_load %arg5[%get3A_166, %get3A_167] {strides = array<i32>} : memref<80x128xi32, #tpu.memory_space<vmem>>, vector<16xi32>,
      %get3A_169 = arith.index_cast %scan3A_141 : i32 to index
      %get3A_170 = arith.constant 64 : index
      %get3A_171 = tpu.vector_load %arg6[%get3A_169, %get3A_170] {strides = array<i32>} : memref<80x128xf32, #tpu.memory_space<vmem>>, vector<16xf32>,
      tpu.vector_store_idx %arg7[%get3A_168], %get3A_171 {add = true} : memref<10240xf32, #tpu.memory_space<vmem>>[vector<16xi32>], vector<16xf32>,
      %get3A_172 = arith.index_cast %scan3A_141 : i32 to index
      %get3A_173 = arith.constant 80 : index
      %get3A_174 = tpu.vector_load %arg5[%get3A_172, %get3A_173] {strides = array<i32>} : memref<80x128xi32, #tpu.memory_space<vmem>>, vector<16xi32>,
      %get3A_175 = arith.index_cast %scan3A_141 : i32 to index
      %get3A_176 = arith.constant 80 : index
      %get3A_177 = tpu.vector_load %arg6[%get3A_175, %get3A_176] {strides = array<i32>} : memref<80x128xf32, #tpu.memory_space<vmem>>, vector<16xf32>,
      tpu.vector_store_idx %arg7[%get3A_174], %get3A_177 {add = true} : memref<10240xf32, #tpu.memory_space<vmem>>[vector<16xi32>], vector<16xf32>,
      %get3A_178 = arith.index_cast %scan3A_141 : i32 to index
      %get3A_179 = arith.constant 96 : index
      %get3A_180 = tpu.vector_load %arg5[%get3A_178, %get3A_179] {strides = array<i32>} : memref<80x128xi32, #tpu.memory_space<vmem>>, vector<16xi32>,
      %get3A_181 = arith.index_cast %scan3A_141 : i32 to index
      %get3A_182 = arith.constant 96 : index
      %get3A_183 = tpu.vector_load %arg6[%get3A_181, %get3A_182] {strides = array<i32>} : memref<80x128xf32, #tpu.memory_space<vmem>>, vector<16xf32>,
      tpu.vector_store_idx %arg7[%get3A_180], %get3A_183 {add = true} : memref<10240xf32, #tpu.memory_space<vmem>>[vector<16xi32>], vector<16xf32>,
      %get3A_184 = arith.index_cast %scan3A_141 : i32 to index
      %get3A_185 = arith.constant 112 : index
      %get3A_186 = tpu.vector_load %arg5[%get3A_184, %get3A_185] {strides = array<i32>} : memref<80x128xi32, #tpu.memory_space<vmem>>, vector<16xi32>,
      %get3A_187 = arith.index_cast %scan3A_141 : i32 to index
      %get3A_188 = arith.constant 112 : index
      %get3A_189 = tpu.vector_load %arg6[%get3A_187, %get3A_188] {strides = array<i32>} : memref<80x128xf32, #tpu.memory_space<vmem>>, vector<16xf32>,
      tpu.vector_store_idx %arg7[%get3A_186], %get3A_189 {add = true} : memref<10240xf32, #tpu.memory_space<vmem>>[vector<16xi32>], vector<16xf32>,
      %scan3A_190 = arith.constant 0 : i32
      scf.yield %scan3A_190 : i32
    }
    %scan3A_14 = arith.constant 80 : i32
    "tpu.region"() ({
      %run_scoped3A_141 = tpu.sem_alloc : memref<!tpu.dma_semaphore, #tpu.memory_space<semaphore_mem>>
      %dma_start3A = arith.constant 0 : i32
      %dma_start3A_142 = tpu.memref_slice %arg7[%dma_start3A] : memref<10240xf32, #tpu.memory_space<vmem>> -> memref<1280xf32, #tpu.memory_space<vmem>>
      %dma_start3A_143 = arith.constant 0 : i32
      %dma_start3A_144 = tpu.memref_slice %arg10[%arg1, %dma_start3A_143] : memref<16x1280xf32, #tpu.memory_space<vmem_shared>> -> memref<1x1280xf32, #tpu.memory_space<vmem_shared>>
      %dma_start3A_145 = tpu.memref_squeeze %dma_start3A_144 : memref<1x1280xf32, #tpu.memory_space<vmem_shared>> -> memref<1280xf32, #tpu.memory_space<vmem_shared>>
      %dma_start3A_146 = arith.constant 0 : i32
      %dma_start3A_147 = tpu.memref_slice %arg10[%arg1, %dma_start3A_146] : memref<16x1280xf32, #tpu.memory_space<vmem_shared>> -> memref<1x1280xf32, #tpu.memory_space<vmem_shared>>
      %dma_start3A_148 = tpu.memref_squeeze %dma_start3A_147 : memref<1x1280xf32, #tpu.memory_space<vmem_shared>> -> memref<1280xf32, #tpu.memory_space<vmem_shared>>
      %dma_start3A_149 = arith.constant 0 : i32
      %dma_start3A_150 = tpu.memref_slice %arg7[%dma_start3A_149] : memref<10240xf32, #tpu.memory_space<vmem>> -> memref<1280xf32, #tpu.memory_space<vmem>>
      tpu.enqueue_dma source(%dma_start3A_150 : memref<1280xf32, #tpu.memory_space<vmem>>) target(%dma_start3A_148 : memref<1280xf32, #tpu.memory_space<vmem_shared>>) target_semaphore(%run_scoped3A_141 : memref<!tpu.dma_semaphore, #tpu.memory_space<semaphore_mem>>)
      %dma_wait3A = arith.constant 0 : i32
      %dma_wait3A_151 = tpu.memref_slice %arg7[%dma_wait3A] : memref<10240xf32, #tpu.memory_space<vmem>> -> memref<1280xf32, #tpu.memory_space<vmem>>
      %dma_wait3A_152 = arith.constant 0 : i32
      %dma_wait3A_153 = tpu.memref_slice %arg10[%arg1, %dma_wait3A_152] : memref<16x1280xf32, #tpu.memory_space<vmem_shared>> -> memref<1x1280xf32, #tpu.memory_space<vmem_shared>>
      %dma_wait3A_154 = tpu.memref_squeeze %dma_wait3A_153 : memref<1x1280xf32, #tpu.memory_space<vmem_shared>> -> memref<1280xf32, #tpu.memory_space<vmem_shared>>
      %dma_wait3A_155 = arith.constant 0 : i32
      %dma_wait3A_156 = tpu.memref_slice %arg10[%arg1, %dma_wait3A_155] : memref<16x1280xf32, #tpu.memory_space<vmem_shared>> -> memref<1x1280xf32, #tpu.memory_space<vmem_shared>>
      %dma_wait3A_157 = tpu.memref_squeeze %dma_wait3A_156 : memref<1x1280xf32, #tpu.memory_space<vmem_shared>> -> memref<1280xf32, #tpu.memory_space<vmem_shared>>
      %dma_wait3A_158 = arith.constant 0 : i32
      %dma_wait3A_159 = tpu.memref_slice %arg7[%dma_wait3A_158] : memref<10240xf32, #tpu.memory_space<vmem>> -> memref<1280xf32, #tpu.memory_space<vmem>>
      tpu.wait_dma2 semaphore(%run_scoped3A_141 : memref<!tpu.dma_semaphore, #tpu.memory_space<semaphore_mem>>) src(%dma_wait3A_159 : memref<1280xf32, #tpu.memory_space<vmem>>) dst(%dma_wait3A_157 : memref<1280xf32, #tpu.memory_space<vmem_shared>>)
      tpu.yield
    }) : () -> ()
    %barrier3A = arith.constant 0 : index
    tpu.barrier barrier_id(%barrier3A)
    %mul3A_15 = arith.constant 80 : i32
    %mul3A_16 = arith.muli %arg1, %mul3A_15 : i32
    %run_scoped3A = arith.constant 0 : i32
    "tpu.region"() ({
      %run_scoped3A_141 = tpu.sem_alloc : memref<!tpu.dma_semaphore, #tpu.memory_space<semaphore_mem>>
      %dma_start3A = tpu.memref_slice %arg10[%run_scoped3A, %mul3A_16] : memref<16x1280xf32, #tpu.memory_space<vmem_shared>> -> memref<1x80xf32, #tpu.memory_space<vmem_shared>>
      %dma_start3A_142 = tpu.memref_squeeze %dma_start3A : memref<1x80xf32, #tpu.memory_space<vmem_shared>> -> memref<80xf32, #tpu.memory_space<vmem_shared>>
      %dma_start3A_143 = tpu.memref_slice %arg10[%run_scoped3A, %mul3A_16] : memref<16x1280xf32, #tpu.memory_space<vmem_shared>> -> memref<1x80xf32, #tpu.memory_space<vmem_shared>>
      %dma_start3A_144 = tpu.memref_squeeze %dma_start3A_143 : memref<1x80xf32, #tpu.memory_space<vmem_shared>> -> memref<80xf32, #tpu.memory_space<vmem_shared>>
      tpu.enqueue_dma source(%dma_start3A_144 : memref<80xf32, #tpu.memory_space<vmem_shared>>) target(%arg8 : memref<80xf32, #tpu.memory_space<vmem>>) target_semaphore(%run_scoped3A_141 : memref<!tpu.dma_semaphore, #tpu.memory_space<semaphore_mem>>)
      %dma_wait3A = tpu.memref_slice %arg10[%run_scoped3A, %mul3A_16] : memref<16x1280xf32, #tpu.memory_space<vmem_shared>> -> memref<1x80xf32, #tpu.memory_space<vmem_shared>>
      %dma_wait3A_145 = tpu.memref_squeeze %dma_wait3A : memref<1x80xf32, #tpu.memory_space<vmem_shared>> -> memref<80xf32, #tpu.memory_space<vmem_shared>>
      %dma_wait3A_146 = tpu.memref_slice %arg10[%run_scoped3A, %mul3A_16] : memref<16x1280xf32, #tpu.memory_space<vmem_shared>> -> memref<1x80xf32, #tpu.memory_space<vmem_shared>>
      %dma_wait3A_147 = tpu.memref_squeeze %dma_wait3A_146 : memref<1x80xf32, #tpu.memory_space<vmem_shared>> -> memref<80xf32, #tpu.memory_space<vmem_shared>>
      tpu.wait_dma2 semaphore(%run_scoped3A_141 : memref<!tpu.dma_semaphore, #tpu.memory_space<semaphore_mem>>) src(%dma_wait3A_147 : memref<80xf32, #tpu.memory_space<vmem_shared>>) dst(%arg8 : memref<80xf32, #tpu.memory_space<vmem>>)
      tpu.yield
    }) : () -> ()
    %scan3A_17 = arith.constant 0 : i32
    %scan3A_18 = arith.constant 1 : i32
    %scan3A_19 = arith.constant 15 : i32
    %scan3A_20 = arith.addi %scan3A_18, %scan3A_19 : i32
    %scan3A_21 = arith.constant 1 : i32
    %scan3A_22 = scf.for %scan3A_141 = %scan3A_18 to %scan3A_20 step %scan3A_21 iter_args(%scan3A_142 = %scan3A_17) -> (i32)  : i32 {
      %mul3A_143 = arith.constant 80 : i32
      %mul3A_144 = arith.muli %arg1, %mul3A_143 : i32
      "tpu.region"() ({
        %run_scoped3A_153 = tpu.sem_alloc : memref<!tpu.dma_semaphore, #tpu.memory_space<semaphore_mem>>
        %dma_start3A = tpu.memref_slice %arg10[%scan3A_141, %mul3A_144] : memref<16x1280xf32, #tpu.memory_space<vmem_shared>> -> memref<1x80xf32, #tpu.memory_space<vmem_shared>>
        %dma_start3A_154 = tpu.memref_squeeze %dma_start3A : memref<1x80xf32, #tpu.memory_space<vmem_shared>> -> memref<80xf32, #tpu.memory_space<vmem_shared>>
        %dma_start3A_155 = tpu.memref_slice %arg10[%scan3A_141, %mul3A_144] : memref<16x1280xf32, #tpu.memory_space<vmem_shared>> -> memref<1x80xf32, #tpu.memory_space<vmem_shared>>
        %dma_start3A_156 = tpu.memref_squeeze %dma_start3A_155 : memref<1x80xf32, #tpu.memory_space<vmem_shared>> -> memref<80xf32, #tpu.memory_space<vmem_shared>>
        tpu.enqueue_dma source(%dma_start3A_156 : memref<80xf32, #tpu.memory_space<vmem_shared>>) target(%arg9 : memref<80xf32, #tpu.memory_space<vmem>>) target_semaphore(%run_scoped3A_153 : memref<!tpu.dma_semaphore, #tpu.memory_space<semaphore_mem>>)
        %dma_wait3A = tpu.memref_slice %arg10[%scan3A_141, %mul3A_144] : memref<16x1280xf32, #tpu.memory_space<vmem_shared>> -> memref<1x80xf32, #tpu.memory_space<vmem_shared>>
        %dma_wait3A_157 = tpu.memref_squeeze %dma_wait3A : memref<1x80xf32, #tpu.memory_space<vmem_shared>> -> memref<80xf32, #tpu.memory_space<vmem_shared>>
        %dma_wait3A_158 = tpu.memref_slice %arg10[%scan3A_141, %mul3A_144] : memref<16x1280xf32, #tpu.memory_space<vmem_shared>> -> memref<1x80xf32, #tpu.memory_space<vmem_shared>>
        %dma_wait3A_159 = tpu.memref_squeeze %dma_wait3A_158 : memref<1x80xf32, #tpu.memory_space<vmem_shared>> -> memref<80xf32, #tpu.memory_space<vmem_shared>>
        tpu.wait_dma2 semaphore(%run_scoped3A_153 : memref<!tpu.dma_semaphore, #tpu.memory_space<semaphore_mem>>) src(%dma_wait3A_159 : memref<80xf32, #tpu.memory_space<vmem_shared>>) dst(%arg9 : memref<80xf32, #tpu.memory_space<vmem>>)
        tpu.yield
      }) : () -> ()
      %scan3A_145 = arith.constant 0 : i32
      %scan3A_146 = arith.constant 0 : i32
      %scan3A_147 = arith.constant 5 : i32
      %scan3A_148 = arith.addi %scan3A_146, %scan3A_147 : i32
      %scan3A_149 = arith.constant 1 : i32
      %scan3A_150 = scf.for %scan3A_153 = %scan3A_146 to %scan3A_148 step %scan3A_149 iter_args(%scan3A_154 = %scan3A_145) -> (i32)  : i32 {
        %mul3A_155 = arith.constant 16 : i32
        %mul3A_156 = arith.muli %scan3A_153, %mul3A_155 : i32
        %get3A = arith.index_cast %mul3A_156 : i32 to index
        %get3A_157 = tpu.vector_load %arg8[%get3A] {strides = array<i32>} : memref<80xf32, #tpu.memory_space<vmem>>, vector<16xf32>,
        %get3A_158 = arith.index_cast %mul3A_156 : i32 to index
        %get3A_159 = tpu.vector_load %arg9[%get3A_158] {strides = array<i32>} : memref<80xf32, #tpu.memory_space<vmem>>, vector<16xf32>,
        %add3A_160 = arith.addf %get3A_157, %get3A_159 : vector<16xf32>
        %swap3A = arith.index_cast %mul3A_156 : i32 to index
        %swap3A_161 = tpu.vector_load %arg8[%swap3A] {strides = array<i32>} : memref<80xf32, #tpu.memory_space<vmem>>, vector<16xf32>,
        tpu.vector_store %arg8[%swap3A], %add3A_160 {strides = array<i32>} : memref<80xf32, #tpu.memory_space<vmem>>, vector<16xf32>,
        %scan3A_162 = arith.constant 0 : i32
        scf.yield %scan3A_162 : i32
      }
      %scan3A_151 = arith.constant 5 : i32
      %scan3A_152 = arith.constant 0 : i32
      scf.yield %scan3A_152 : i32
    }
    %scan3A_23 = arith.constant 15 : i32
    %mul3A_24 = arith.constant 80 : i32
    %mul3A_25 = arith.muli %arg1, %mul3A_24 : i32
    %add3A_26 = arith.constant 0 : i32
    %add3A_27 = arith.addi %add3A_26, %mul3A_25 : i32
    "tpu.region"() ({
      %run_scoped3A_141 = tpu.sem_alloc : memref<!tpu.dma_semaphore, #tpu.memory_space<semaphore_mem>>
      %dma_start3A = tpu.memref_slice %arg4[%arg0, %add3A_27] : memref<2x10240xf32, #tpu.memory_space<hbm>> -> memref<1x80xf32, #tpu.memory_space<hbm>>
      %dma_start3A_142 = tpu.memref_squeeze %dma_start3A : memref<1x80xf32, #tpu.memory_space<hbm>> -> memref<80xf32, #tpu.memory_space<hbm>>
      %dma_start3A_143 = tpu.memref_slice %arg4[%arg0, %add3A_27] : memref<2x10240xf32, #tpu.memory_space<hbm>> -> memref<1x80xf32, #tpu.memory_space<hbm>>
      %dma_start3A_144 = tpu.memref_squeeze %dma_start3A_143 : memref<1x80xf32, #tpu.memory_space<hbm>> -> memref<80xf32, #tpu.memory_space<hbm>>
      tpu.enqueue_dma source(%arg8 : memref<80xf32, #tpu.memory_space<vmem>>) target(%dma_start3A_144 : memref<80xf32, #tpu.memory_space<hbm>>) target_semaphore(%run_scoped3A_141 : memref<!tpu.dma_semaphore, #tpu.memory_space<semaphore_mem>>)
      %dma_wait3A = tpu.memref_slice %arg4[%arg0, %add3A_27] : memref<2x10240xf32, #tpu.memory_space<hbm>> -> memref<1x80xf32, #tpu.memory_space<hbm>>
      %dma_wait3A_145 = tpu.memref_squeeze %dma_wait3A : memref<1x80xf32, #tpu.memory_space<hbm>> -> memref<80xf32, #tpu.memory_space<hbm>>
      %dma_wait3A_146 = tpu.memref_slice %arg4[%arg0, %add3A_27] : memref<2x10240xf32, #tpu.memory_space<hbm>> -> memref<1x80xf32, #tpu.memory_space<hbm>>
      %dma_wait3A_147 = tpu.memref_squeeze %dma_wait3A_146 : memref<1x80xf32, #tpu.memory_space<hbm>> -> memref<80xf32, #tpu.memory_space<hbm>>
      tpu.wait_dma2 semaphore(%run_scoped3A_141 : memref<!tpu.dma_semaphore, #tpu.memory_space<semaphore_mem>>) src(%arg8 : memref<80xf32, #tpu.memory_space<vmem>>) dst(%dma_wait3A_147 : memref<80xf32, #tpu.memory_space<hbm>>)
      tpu.yield
    }) : () -> ()
    %barrier3A_28 = arith.constant 0 : index
    tpu.barrier barrier_id(%barrier3A_28)
    "tpu.region"() ({
      %run_scoped3A_141 = tpu.sem_alloc : memref<!tpu.dma_semaphore, #tpu.memory_space<semaphore_mem>>
      %dma_start3A = arith.constant 1280 : i32
      %dma_start3A_142 = tpu.memref_slice %arg7[%dma_start3A] : memref<10240xf32, #tpu.memory_space<vmem>> -> memref<1280xf32, #tpu.memory_space<vmem>>
      %dma_start3A_143 = arith.constant 0 : i32
      %dma_start3A_144 = tpu.memref_slice %arg10[%arg1, %dma_start3A_143] : memref<16x1280xf32, #tpu.memory_space<vmem_shared>> -> memref<1x1280xf32, #tpu.memory_space<vmem_shared>>
      %dma_start3A_145 = tpu.memref_squeeze %dma_start3A_144 : memref<1x1280xf32, #tpu.memory_space<vmem_shared>> -> memref<1280xf32, #tpu.memory_space<vmem_shared>>
      %dma_start3A_146 = arith.constant 0 : i32
      %dma_start3A_147 = tpu.memref_slice %arg10[%arg1, %dma_start3A_146] : memref<16x1280xf32, #tpu.memory_space<vmem_shared>> -> memref<1x1280xf32, #tpu.memory_space<vmem_shared>>
      %dma_start3A_148 = tpu.memref_squeeze %dma_start3A_147 : memref<1x1280xf32, #tpu.memory_space<vmem_shared>> -> memref<1280xf32, #tpu.memory_space<vmem_shared>>
      %dma_start3A_149 = arith.constant 1280 : i32
      %dma_start3A_150 = tpu.memref_slice %arg7[%dma_start3A_149] : memref<10240xf32, #tpu.memory_space<vmem>> -> memref<1280xf32, #tpu.memory_space<vmem>>
      tpu.enqueue_dma source(%dma_start3A_150 : memref<1280xf32, #tpu.memory_space<vmem>>) target(%dma_start3A_148 : memref<1280xf32, #tpu.memory_space<vmem_shared>>) target_semaphore(%run_scoped3A_141 : memref<!tpu.dma_semaphore, #tpu.memory_space<semaphore_mem>>)
      %dma_wait3A = arith.constant 1280 : i32
      %dma_wait3A_151 = tpu.memref_slice %arg7[%dma_wait3A] : memref<10240xf32, #tpu.memory_space<vmem>> -> memref<1280xf32, #tpu.memory_space<vmem>>
      %dma_wait3A_152 = arith.constant 0 : i32
      %dma_wait3A_153 = tpu.memref_slice %arg10[%arg1, %dma_wait3A_152] : memref<16x1280xf32, #tpu.memory_space<vmem_shared>> -> memref<1x1280xf32, #tpu.memory_space<vmem_shared>>
      %dma_wait3A_154 = tpu.memref_squeeze %dma_wait3A_153 : memref<1x1280xf32, #tpu.memory_space<vmem_shared>> -> memref<1280xf32, #tpu.memory_space<vmem_shared>>
      %dma_wait3A_155 = arith.constant 0 : i32
      %dma_wait3A_156 = tpu.memref_slice %arg10[%arg1, %dma_wait3A_155] : memref<16x1280xf32, #tpu.memory_space<vmem_shared>> -> memref<1x1280xf32, #tpu.memory_space<vmem_shared>>
      %dma_wait3A_157 = tpu.memref_squeeze %dma_wait3A_156 : memref<1x1280xf32, #tpu.memory_space<vmem_shared>> -> memref<1280xf32, #tpu.memory_space<vmem_shared>>
      %dma_wait3A_158 = arith.constant 1280 : i32
      %dma_wait3A_159 = tpu.memref_slice %arg7[%dma_wait3A_158] : memref<10240xf32, #tpu.memory_space<vmem>> -> memref<1280xf32, #tpu.memory_space<vmem>>
      tpu.wait_dma2 semaphore(%run_scoped3A_141 : memref<!tpu.dma_semaphore, #tpu.memory_space<semaphore_mem>>) src(%dma_wait3A_159 : memref<1280xf32, #tpu.memory_space<vmem>>) dst(%dma_wait3A_157 : memref<1280xf32, #tpu.memory_space<vmem_shared>>)
      tpu.yield
    }) : () -> ()
    %barrier3A_29 = arith.constant 0 : index
    tpu.barrier barrier_id(%barrier3A_29)
    %mul3A_30 = arith.constant 80 : i32
    %mul3A_31 = arith.muli %arg1, %mul3A_30 : i32
    %run_scoped3A_32 = arith.constant 0 : i32
    "tpu.region"() ({
      %run_scoped3A_141 = tpu.sem_alloc : memref<!tpu.dma_semaphore, #tpu.memory_space<semaphore_mem>>
      %dma_start3A = tpu.memref_slice %arg10[%run_scoped3A_32, %mul3A_31] : memref<16x1280xf32, #tpu.memory_space<vmem_shared>> -> memref<1x80xf32, #tpu.memory_space<vmem_shared>>
      %dma_start3A_142 = tpu.memref_squeeze %dma_start3A : memref<1x80xf32, #tpu.memory_space<vmem_shared>> -> memref<80xf32, #tpu.memory_space<vmem_shared>>
      %dma_start3A_143 = tpu.memref_slice %arg10[%run_scoped3A_32, %mul3A_31] : memref<16x1280xf32, #tpu.memory_space<vmem_shared>> -> memref<1x80xf32, #tpu.memory_space<vmem_shared>>
      %dma_start3A_144 = tpu.memref_squeeze %dma_start3A_143 : memref<1x80xf32, #tpu.memory_space<vmem_shared>> -> memref<80xf32, #tpu.memory_space<vmem_shared>>
      tpu.enqueue_dma source(%dma_start3A_144 : memref<80xf32, #tpu.memory_space<vmem_shared>>) target(%arg8 : memref<80xf32, #tpu.memory_space<vmem>>) target_semaphore(%run_scoped3A_141 : memref<!tpu.dma_semaphore, #tpu.memory_space<semaphore_mem>>)
      %dma_wait3A = tpu.memref_slice %arg10[%run_scoped3A_32, %mul3A_31] : memref<16x1280xf32, #tpu.memory_space<vmem_shared>> -> memref<1x80xf32, #tpu.memory_space<vmem_shared>>
      %dma_wait3A_145 = tpu.memref_squeeze %dma_wait3A : memref<1x80xf32, #tpu.memory_space<vmem_shared>> -> memref<80xf32, #tpu.memory_space<vmem_shared>>
      %dma_wait3A_146 = tpu.memref_slice %arg10[%run_scoped3A_32, %mul3A_31] : memref<16x1280xf32, #tpu.memory_space<vmem_shared>> -> memref<1x80xf32, #tpu.memory_space<vmem_shared>>
      %dma_wait3A_147 = tpu.memref_squeeze %dma_wait3A_146 : memref<1x80xf32, #tpu.memory_space<vmem_shared>> -> memref<80xf32, #tpu.memory_space<vmem_shared>>
      tpu.wait_dma2 semaphore(%run_scoped3A_141 : memref<!tpu.dma_semaphore, #tpu.memory_space<semaphore_mem>>) src(%dma_wait3A_147 : memref<80xf32, #tpu.memory_space<vmem_shared>>) dst(%arg8 : memref<80xf32, #tpu.memory_space<vmem>>)
      tpu.yield
    }) : () -> ()
    %scan3A_33 = arith.constant 0 : i32
    %scan3A_34 = arith.constant 1 : i32
    %scan3A_35 = arith.constant 15 : i32
    %scan3A_36 = arith.addi %scan3A_34, %scan3A_35 : i32
    %scan3A_37 = arith.constant 1 : i32
    %scan3A_38 = scf.for %scan3A_141 = %scan3A_34 to %scan3A_36 step %scan3A_37 iter_args(%scan3A_142 = %scan3A_33) -> (i32)  : i32 {
      %mul3A_143 = arith.constant 80 : i32
      %mul3A_144 = arith.muli %arg1, %mul3A_143 : i32
      "tpu.region"() ({
        %run_scoped3A_153 = tpu.sem_alloc : memref<!tpu.dma_semaphore, #tpu.memory_space<semaphore_mem>>
        %dma_start3A = tpu.memref_slice %arg10[%scan3A_141, %mul3A_144] : memref<16x1280xf32, #tpu.memory_space<vmem_shared>> -> memref<1x80xf32, #tpu.memory_space<vmem_shared>>
        %dma_start3A_154 = tpu.memref_squeeze %dma_start3A : memref<1x80xf32, #tpu.memory_space<vmem_shared>> -> memref<80xf32, #tpu.memory_space<vmem_shared>>
        %dma_start3A_155 = tpu.memref_slice %arg10[%scan3A_141, %mul3A_144] : memref<16x1280xf32, #tpu.memory_space<vmem_shared>> -> memref<1x80xf32, #tpu.memory_space<vmem_shared>>
        %dma_start3A_156 = tpu.memref_squeeze %dma_start3A_155 : memref<1x80xf32, #tpu.memory_space<vmem_shared>> -> memref<80xf32, #tpu.memory_space<vmem_shared>>
        tpu.enqueue_dma source(%dma_start3A_156 : memref<80xf32, #tpu.memory_space<vmem_shared>>) target(%arg9 : memref<80xf32, #tpu.memory_space<vmem>>) target_semaphore(%run_scoped3A_153 : memref<!tpu.dma_semaphore, #tpu.memory_space<semaphore_mem>>)
        %dma_wait3A = tpu.memref_slice %arg10[%scan3A_141, %mul3A_144] : memref<16x1280xf32, #tpu.memory_space<vmem_shared>> -> memref<1x80xf32, #tpu.memory_space<vmem_shared>>
        %dma_wait3A_157 = tpu.memref_squeeze %dma_wait3A : memref<1x80xf32, #tpu.memory_space<vmem_shared>> -> memref<80xf32, #tpu.memory_space<vmem_shared>>
        %dma_wait3A_158 = tpu.memref_slice %arg10[%scan3A_141, %mul3A_144] : memref<16x1280xf32, #tpu.memory_space<vmem_shared>> -> memref<1x80xf32, #tpu.memory_space<vmem_shared>>
        %dma_wait3A_159 = tpu.memref_squeeze %dma_wait3A_158 : memref<1x80xf32, #tpu.memory_space<vmem_shared>> -> memref<80xf32, #tpu.memory_space<vmem_shared>>
        tpu.wait_dma2 semaphore(%run_scoped3A_153 : memref<!tpu.dma_semaphore, #tpu.memory_space<semaphore_mem>>) src(%dma_wait3A_159 : memref<80xf32, #tpu.memory_space<vmem_shared>>) dst(%arg9 : memref<80xf32, #tpu.memory_space<vmem>>)
        tpu.yield
      }) : () -> ()
      %scan3A_145 = arith.constant 0 : i32
      %scan3A_146 = arith.constant 0 : i32
      %scan3A_147 = arith.constant 5 : i32
      %scan3A_148 = arith.addi %scan3A_146, %scan3A_147 : i32
      %scan3A_149 = arith.constant 1 : i32
      %scan3A_150 = scf.for %scan3A_153 = %scan3A_146 to %scan3A_148 step %scan3A_149 iter_args(%scan3A_154 = %scan3A_145) -> (i32)  : i32 {
        %mul3A_155 = arith.constant 16 : i32
        %mul3A_156 = arith.muli %scan3A_153, %mul3A_155 : i32
        %get3A = arith.index_cast %mul3A_156 : i32 to index
        %get3A_157 = tpu.vector_load %arg8[%get3A] {strides = array<i32>} : memref<80xf32, #tpu.memory_space<vmem>>, vector<16xf32>,
        %get3A_158 = arith.index_cast %mul3A_156 : i32 to index
        %get3A_159 = tpu.vector_load %arg9[%get3A_158] {strides = array<i32>} : memref<80xf32, #tpu.memory_space<vmem>>, vector<16xf32>,
        %add3A_160 = arith.addf %get3A_157, %get3A_159 : vector<16xf32>
        %swap3A = arith.index_cast %mul3A_156 : i32 to index
        %swap3A_161 = tpu.vector_load %arg8[%swap3A] {strides = array<i32>} : memref<80xf32, #tpu.memory_space<vmem>>, vector<16xf32>,
        tpu.vector_store %arg8[%swap3A], %add3A_160 {strides = array<i32>} : memref<80xf32, #tpu.memory_space<vmem>>, vector<16xf32>,
        %scan3A_162 = arith.constant 0 : i32
        scf.yield %scan3A_162 : i32
      }
      %scan3A_151 = arith.constant 5 : i32
      %scan3A_152 = arith.constant 0 : i32
      scf.yield %scan3A_152 : i32
    }
    %scan3A_39 = arith.constant 15 : i32
    %mul3A_40 = arith.constant 80 : i32
    %mul3A_41 = arith.muli %arg1, %mul3A_40 : i32
    %add3A_42 = arith.constant 1280 : i32
    %add3A_43 = arith.addi %add3A_42, %mul3A_41 : i32
    "tpu.region"() ({
      %run_scoped3A_141 = tpu.sem_alloc : memref<!tpu.dma_semaphore, #tpu.memory_space<semaphore_mem>>
      %dma_start3A = tpu.memref_slice %arg4[%arg0, %add3A_43] : memref<2x10240xf32, #tpu.memory_space<hbm>> -> memref<1x80xf32, #tpu.memory_space<hbm>>
      %dma_start3A_142 = tpu.memref_squeeze %dma_start3A : memref<1x80xf32, #tpu.memory_space<hbm>> -> memref<80xf32, #tpu.memory_space<hbm>>
      %dma_start3A_143 = tpu.memref_slice %arg4[%arg0, %add3A_43] : memref<2x10240xf32, #tpu.memory_space<hbm>> -> memref<1x80xf32, #tpu.memory_space<hbm>>
      %dma_start3A_144 = tpu.memref_squeeze %dma_start3A_143 : memref<1x80xf32, #tpu.memory_space<hbm>> -> memref<80xf32, #tpu.memory_space<hbm>>
      tpu.enqueue_dma source(%arg8 : memref<80xf32, #tpu.memory_space<vmem>>) target(%dma_start3A_144 : memref<80xf32, #tpu.memory_space<hbm>>) target_semaphore(%run_scoped3A_141 : memref<!tpu.dma_semaphore, #tpu.memory_space<semaphore_mem>>)
      %dma_wait3A = tpu.memref_slice %arg4[%arg0, %add3A_43] : memref<2x10240xf32, #tpu.memory_space<hbm>> -> memref<1x80xf32, #tpu.memory_space<hbm>>
      %dma_wait3A_145 = tpu.memref_squeeze %dma_wait3A : memref<1x80xf32, #tpu.memory_space<hbm>> -> memref<80xf32, #tpu.memory_space<hbm>>
      %dma_wait3A_146 = tpu.memref_slice %arg4[%arg0, %add3A_43] : memref<2x10240xf32, #tpu.memory_space<hbm>> -> memref<1x80xf32, #tpu.memory_space<hbm>>
      %dma_wait3A_147 = tpu.memref_squeeze %dma_wait3A_146 : memref<1x80xf32, #tpu.memory_space<hbm>> -> memref<80xf32, #tpu.memory_space<hbm>>
      tpu.wait_dma2 semaphore(%run_scoped3A_141 : memref<!tpu.dma_semaphore, #tpu.memory_space<semaphore_mem>>) src(%arg8 : memref<80xf32, #tpu.memory_space<vmem>>) dst(%dma_wait3A_147 : memref<80xf32, #tpu.memory_space<hbm>>)
      tpu.yield
    }) : () -> ()
    %barrier3A_44 = arith.constant 0 : index
    tpu.barrier barrier_id(%barrier3A_44)
    "tpu.region"() ({
      %run_scoped3A_141 = tpu.sem_alloc : memref<!tpu.dma_semaphore, #tpu.memory_space<semaphore_mem>>
      %dma_start3A = arith.constant 2560 : i32
      %dma_start3A_142 = tpu.memref_slice %arg7[%dma_start3A] : memref<10240xf32, #tpu.memory_space<vmem>> -> memref<1280xf32, #tpu.memory_space<vmem>>
      %dma_start3A_143 = arith.constant 0 : i32
      %dma_start3A_144 = tpu.memref_slice %arg10[%arg1, %dma_start3A_143] : memref<16x1280xf32, #tpu.memory_space<vmem_shared>> -> memref<1x1280xf32, #tpu.memory_space<vmem_shared>>
      %dma_start3A_145 = tpu.memref_squeeze %dma_start3A_144 : memref<1x1280xf32, #tpu.memory_space<vmem_shared>> -> memref<1280xf32, #tpu.memory_space<vmem_shared>>
      %dma_start3A_146 = arith.constant 0 : i32
      %dma_start3A_147 = tpu.memref_slice %arg10[%arg1, %dma_start3A_146] : memref<16x1280xf32, #tpu.memory_space<vmem_shared>> -> memref<1x1280xf32, #tpu.memory_space<vmem_shared>>
      %dma_start3A_148 = tpu.memref_squeeze %dma_start3A_147 : memref<1x1280xf32, #tpu.memory_space<vmem_shared>> -> memref<1280xf32, #tpu.memory_space<vmem_shared>>
      %dma_start3A_149 = arith.constant 2560 : i32
      %dma_start3A_150 = tpu.memref_slice %arg7[%dma_start3A_149] : memref<10240xf32, #tpu.memory_space<vmem>> -> memref<1280xf32, #tpu.memory_space<vmem>>
      tpu.enqueue_dma source(%dma_start3A_150 : memref<1280xf32, #tpu.memory_space<vmem>>) target(%dma_start3A_148 : memref<1280xf32, #tpu.memory_space<vmem_shared>>) target_semaphore(%run_scoped3A_141 : memref<!tpu.dma_semaphore, #tpu.memory_space<semaphore_mem>>)
      %dma_wait3A = arith.constant 2560 : i32
      %dma_wait3A_151 = tpu.memref_slice %arg7[%dma_wait3A] : memref<10240xf32, #tpu.memory_space<vmem>> -> memref<1280xf32, #tpu.memory_space<vmem>>
      %dma_wait3A_152 = arith.constant 0 : i32
      %dma_wait3A_153 = tpu.memref_slice %arg10[%arg1, %dma_wait3A_152] : memref<16x1280xf32, #tpu.memory_space<vmem_shared>> -> memref<1x1280xf32, #tpu.memory_space<vmem_shared>>
      %dma_wait3A_154 = tpu.memref_squeeze %dma_wait3A_153 : memref<1x1280xf32, #tpu.memory_space<vmem_shared>> -> memref<1280xf32, #tpu.memory_space<vmem_shared>>
      %dma_wait3A_155 = arith.constant 0 : i32
      %dma_wait3A_156 = tpu.memref_slice %arg10[%arg1, %dma_wait3A_155] : memref<16x1280xf32, #tpu.memory_space<vmem_shared>> -> memref<1x1280xf32, #tpu.memory_space<vmem_shared>>
      %dma_wait3A_157 = tpu.memref_squeeze %dma_wait3A_156 : memref<1x1280xf32, #tpu.memory_space<vmem_shared>> -> memref<1280xf32, #tpu.memory_space<vmem_shared>>
      %dma_wait3A_158 = arith.constant 2560 : i32
      %dma_wait3A_159 = tpu.memref_slice %arg7[%dma_wait3A_158] : memref<10240xf32, #tpu.memory_space<vmem>> -> memref<1280xf32, #tpu.memory_space<vmem>>
      tpu.wait_dma2 semaphore(%run_scoped3A_141 : memref<!tpu.dma_semaphore, #tpu.memory_space<semaphore_mem>>) src(%dma_wait3A_159 : memref<1280xf32, #tpu.memory_space<vmem>>) dst(%dma_wait3A_157 : memref<1280xf32, #tpu.memory_space<vmem_shared>>)
      tpu.yield
    }) : () -> ()
    %barrier3A_45 = arith.constant 0 : index
    tpu.barrier barrier_id(%barrier3A_45)
    %mul3A_46 = arith.constant 80 : i32
    %mul3A_47 = arith.muli %arg1, %mul3A_46 : i32
    %run_scoped3A_48 = arith.constant 0 : i32
    "tpu.region"() ({
      %run_scoped3A_141 = tpu.sem_alloc : memref<!tpu.dma_semaphore, #tpu.memory_space<semaphore_mem>>
      %dma_start3A = tpu.memref_slice %arg10[%run_scoped3A_48, %mul3A_47] : memref<16x1280xf32, #tpu.memory_space<vmem_shared>> -> memref<1x80xf32, #tpu.memory_space<vmem_shared>>
      %dma_start3A_142 = tpu.memref_squeeze %dma_start3A : memref<1x80xf32, #tpu.memory_space<vmem_shared>> -> memref<80xf32, #tpu.memory_space<vmem_shared>>
      %dma_start3A_143 = tpu.memref_slice %arg10[%run_scoped3A_48, %mul3A_47] : memref<16x1280xf32, #tpu.memory_space<vmem_shared>> -> memref<1x80xf32, #tpu.memory_space<vmem_shared>>
      %dma_start3A_144 = tpu.memref_squeeze %dma_start3A_143 : memref<1x80xf32, #tpu.memory_space<vmem_shared>> -> memref<80xf32, #tpu.memory_space<vmem_shared>>
      tpu.enqueue_dma source(%dma_start3A_144 : memref<80xf32, #tpu.memory_space<vmem_shared>>) target(%arg8 : memref<80xf32, #tpu.memory_space<vmem>>) target_semaphore(%run_scoped3A_141 : memref<!tpu.dma_semaphore, #tpu.memory_space<semaphore_mem>>)
      %dma_wait3A = tpu.memref_slice %arg10[%run_scoped3A_48, %mul3A_47] : memref<16x1280xf32, #tpu.memory_space<vmem_shared>> -> memref<1x80xf32, #tpu.memory_space<vmem_shared>>
      %dma_wait3A_145 = tpu.memref_squeeze %dma_wait3A : memref<1x80xf32, #tpu.memory_space<vmem_shared>> -> memref<80xf32, #tpu.memory_space<vmem_shared>>
      %dma_wait3A_146 = tpu.memref_slice %arg10[%run_scoped3A_48, %mul3A_47] : memref<16x1280xf32, #tpu.memory_space<vmem_shared>> -> memref<1x80xf32, #tpu.memory_space<vmem_shared>>
      %dma_wait3A_147 = tpu.memref_squeeze %dma_wait3A_146 : memref<1x80xf32, #tpu.memory_space<vmem_shared>> -> memref<80xf32, #tpu.memory_space<vmem_shared>>
      tpu.wait_dma2 semaphore(%run_scoped3A_141 : memref<!tpu.dma_semaphore, #tpu.memory_space<semaphore_mem>>) src(%dma_wait3A_147 : memref<80xf32, #tpu.memory_space<vmem_shared>>) dst(%arg8 : memref<80xf32, #tpu.memory_space<vmem>>)
      tpu.yield
    }) : () -> ()
    %scan3A_49 = arith.constant 0 : i32
    %scan3A_50 = arith.constant 1 : i32
    %scan3A_51 = arith.constant 15 : i32
    %scan3A_52 = arith.addi %scan3A_50, %scan3A_51 : i32
    %scan3A_53 = arith.constant 1 : i32
    %scan3A_54 = scf.for %scan3A_141 = %scan3A_50 to %scan3A_52 step %scan3A_53 iter_args(%scan3A_142 = %scan3A_49) -> (i32)  : i32 {
      %mul3A_143 = arith.constant 80 : i32
      %mul3A_144 = arith.muli %arg1, %mul3A_143 : i32
      "tpu.region"() ({
        %run_scoped3A_153 = tpu.sem_alloc : memref<!tpu.dma_semaphore, #tpu.memory_space<semaphore_mem>>
        %dma_start3A = tpu.memref_slice %arg10[%scan3A_141, %mul3A_144] : memref<16x1280xf32, #tpu.memory_space<vmem_shared>> -> memref<1x80xf32, #tpu.memory_space<vmem_shared>>
        %dma_start3A_154 = tpu.memref_squeeze %dma_start3A : memref<1x80xf32, #tpu.memory_space<vmem_shared>> -> memref<80xf32, #tpu.memory_space<vmem_shared>>
        %dma_start3A_155 = tpu.memref_slice %arg10[%scan3A_141, %mul3A_144] : memref<16x1280xf32, #tpu.memory_space<vmem_shared>> -> memref<1x80xf32, #tpu.memory_space<vmem_shared>>
        %dma_start3A_156 = tpu.memref_squeeze %dma_start3A_155 : memref<1x80xf32, #tpu.memory_space<vmem_shared>> -> memref<80xf32, #tpu.memory_space<vmem_shared>>
        tpu.enqueue_dma source(%dma_start3A_156 : memref<80xf32, #tpu.memory_space<vmem_shared>>) target(%arg9 : memref<80xf32, #tpu.memory_space<vmem>>) target_semaphore(%run_scoped3A_153 : memref<!tpu.dma_semaphore, #tpu.memory_space<semaphore_mem>>)
        %dma_wait3A = tpu.memref_slice %arg10[%scan3A_141, %mul3A_144] : memref<16x1280xf32, #tpu.memory_space<vmem_shared>> -> memref<1x80xf32, #tpu.memory_space<vmem_shared>>
        %dma_wait3A_157 = tpu.memref_squeeze %dma_wait3A : memref<1x80xf32, #tpu.memory_space<vmem_shared>> -> memref<80xf32, #tpu.memory_space<vmem_shared>>
        %dma_wait3A_158 = tpu.memref_slice %arg10[%scan3A_141, %mul3A_144] : memref<16x1280xf32, #tpu.memory_space<vmem_shared>> -> memref<1x80xf32, #tpu.memory_space<vmem_shared>>
        %dma_wait3A_159 = tpu.memref_squeeze %dma_wait3A_158 : memref<1x80xf32, #tpu.memory_space<vmem_shared>> -> memref<80xf32, #tpu.memory_space<vmem_shared>>
        tpu.wait_dma2 semaphore(%run_scoped3A_153 : memref<!tpu.dma_semaphore, #tpu.memory_space<semaphore_mem>>) src(%dma_wait3A_159 : memref<80xf32, #tpu.memory_space<vmem_shared>>) dst(%arg9 : memref<80xf32, #tpu.memory_space<vmem>>)
        tpu.yield
      }) : () -> ()
      %scan3A_145 = arith.constant 0 : i32
      %scan3A_146 = arith.constant 0 : i32
      %scan3A_147 = arith.constant 5 : i32
      %scan3A_148 = arith.addi %scan3A_146, %scan3A_147 : i32
      %scan3A_149 = arith.constant 1 : i32
      %scan3A_150 = scf.for %scan3A_153 = %scan3A_146 to %scan3A_148 step %scan3A_149 iter_args(%scan3A_154 = %scan3A_145) -> (i32)  : i32 {
        %mul3A_155 = arith.constant 16 : i32
        %mul3A_156 = arith.muli %scan3A_153, %mul3A_155 : i32
        %get3A = arith.index_cast %mul3A_156 : i32 to index
        %get3A_157 = tpu.vector_load %arg8[%get3A] {strides = array<i32>} : memref<80xf32, #tpu.memory_space<vmem>>, vector<16xf32>,
        %get3A_158 = arith.index_cast %mul3A_156 : i32 to index
        %get3A_159 = tpu.vector_load %arg9[%get3A_158] {strides = array<i32>} : memref<80xf32, #tpu.memory_space<vmem>>, vector<16xf32>,
        %add3A_160 = arith.addf %get3A_157, %get3A_159 : vector<16xf32>
        %swap3A = arith.index_cast %mul3A_156 : i32 to index
        %swap3A_161 = tpu.vector_load %arg8[%swap3A] {strides = array<i32>} : memref<80xf32, #tpu.memory_space<vmem>>, vector<16xf32>,
        tpu.vector_store %arg8[%swap3A], %add3A_160 {strides = array<i32>} : memref<80xf32, #tpu.memory_space<vmem>>, vector<16xf32>,
        %scan3A_162 = arith.constant 0 : i32
        scf.yield %scan3A_162 : i32
      }
      %scan3A_151 = arith.constant 5 : i32
      %scan3A_152 = arith.constant 0 : i32
      scf.yield %scan3A_152 : i32
    }
    %scan3A_55 = arith.constant 15 : i32
    %mul3A_56 = arith.constant 80 : i32
    %mul3A_57 = arith.muli %arg1, %mul3A_56 : i32
    %add3A_58 = arith.constant 2560 : i32
    %add3A_59 = arith.addi %add3A_58, %mul3A_57 : i32
    "tpu.region"() ({
      %run_scoped3A_141 = tpu.sem_alloc : memref<!tpu.dma_semaphore, #tpu.memory_space<semaphore_mem>>
      %dma_start3A = tpu.memref_slice %arg4[%arg0, %add3A_59] : memref<2x10240xf32, #tpu.memory_space<hbm>> -> memref<1x80xf32, #tpu.memory_space<hbm>>
      %dma_start3A_142 = tpu.memref_squeeze %dma_start3A : memref<1x80xf32, #tpu.memory_space<hbm>> -> memref<80xf32, #tpu.memory_space<hbm>>
      %dma_start3A_143 = tpu.memref_slice %arg4[%arg0, %add3A_59] : memref<2x10240xf32, #tpu.memory_space<hbm>> -> memref<1x80xf32, #tpu.memory_space<hbm>>
      %dma_start3A_144 = tpu.memref_squeeze %dma_start3A_143 : memref<1x80xf32, #tpu.memory_space<hbm>> -> memref<80xf32, #tpu.memory_space<hbm>>
      tpu.enqueue_dma source(%arg8 : memref<80xf32, #tpu.memory_space<vmem>>) target(%dma_start3A_144 : memref<80xf32, #tpu.memory_space<hbm>>) target_semaphore(%run_scoped3A_141 : memref<!tpu.dma_semaphore, #tpu.memory_space<semaphore_mem>>)
      %dma_wait3A = tpu.memref_slice %arg4[%arg0, %add3A_59] : memref<2x10240xf32, #tpu.memory_space<hbm>> -> memref<1x80xf32, #tpu.memory_space<hbm>>
      %dma_wait3A_145 = tpu.memref_squeeze %dma_wait3A : memref<1x80xf32, #tpu.memory_space<hbm>> -> memref<80xf32, #tpu.memory_space<hbm>>
      %dma_wait3A_146 = tpu.memref_slice %arg4[%arg0, %add3A_59] : memref<2x10240xf32, #tpu.memory_space<hbm>> -> memref<1x80xf32, #tpu.memory_space<hbm>>
      %dma_wait3A_147 = tpu.memref_squeeze %dma_wait3A_146 : memref<1x80xf32, #tpu.memory_space<hbm>> -> memref<80xf32, #tpu.memory_space<hbm>>
      tpu.wait_dma2 semaphore(%run_scoped3A_141 : memref<!tpu.dma_semaphore, #tpu.memory_space<semaphore_mem>>) src(%arg8 : memref<80xf32, #tpu.memory_space<vmem>>) dst(%dma_wait3A_147 : memref<80xf32, #tpu.memory_space<hbm>>)
      tpu.yield
    }) : () -> ()
    %barrier3A_60 = arith.constant 0 : index
    tpu.barrier barrier_id(%barrier3A_60)
    "tpu.region"() ({
      %run_scoped3A_141 = tpu.sem_alloc : memref<!tpu.dma_semaphore, #tpu.memory_space<semaphore_mem>>
      %dma_start3A = arith.constant 3840 : i32
      %dma_start3A_142 = tpu.memref_slice %arg7[%dma_start3A] : memref<10240xf32, #tpu.memory_space<vmem>> -> memref<1280xf32, #tpu.memory_space<vmem>>
      %dma_start3A_143 = arith.constant 0 : i32
      %dma_start3A_144 = tpu.memref_slice %arg10[%arg1, %dma_start3A_143] : memref<16x1280xf32, #tpu.memory_space<vmem_shared>> -> memref<1x1280xf32, #tpu.memory_space<vmem_shared>>
      %dma_start3A_145 = tpu.memref_squeeze %dma_start3A_144 : memref<1x1280xf32, #tpu.memory_space<vmem_shared>> -> memref<1280xf32, #tpu.memory_space<vmem_shared>>
      %dma_start3A_146 = arith.constant 0 : i32
      %dma_start3A_147 = tpu.memref_slice %arg10[%arg1, %dma_start3A_146] : memref<16x1280xf32, #tpu.memory_space<vmem_shared>> -> memref<1x1280xf32, #tpu.memory_space<vmem_shared>>
      %dma_start3A_148 = tpu.memref_squeeze %dma_start3A_147 : memref<1x1280xf32, #tpu.memory_space<vmem_shared>> -> memref<1280xf32, #tpu.memory_space<vmem_shared>>
      %dma_start3A_149 = arith.constant 3840 : i32
      %dma_start3A_150 = tpu.memref_slice %arg7[%dma_start3A_149] : memref<10240xf32, #tpu.memory_space<vmem>> -> memref<1280xf32, #tpu.memory_space<vmem>>
      tpu.enqueue_dma source(%dma_start3A_150 : memref<1280xf32, #tpu.memory_space<vmem>>) target(%dma_start3A_148 : memref<1280xf32, #tpu.memory_space<vmem_shared>>) target_semaphore(%run_scoped3A_141 : memref<!tpu.dma_semaphore, #tpu.memory_space<semaphore_mem>>)
      %dma_wait3A = arith.constant 3840 : i32
      %dma_wait3A_151 = tpu.memref_slice %arg7[%dma_wait3A] : memref<10240xf32, #tpu.memory_space<vmem>> -> memref<1280xf32, #tpu.memory_space<vmem>>
      %dma_wait3A_152 = arith.constant 0 : i32
      %dma_wait3A_153 = tpu.memref_slice %arg10[%arg1, %dma_wait3A_152] : memref<16x1280xf32, #tpu.memory_space<vmem_shared>> -> memref<1x1280xf32, #tpu.memory_space<vmem_shared>>
      %dma_wait3A_154 = tpu.memref_squeeze %dma_wait3A_153 : memref<1x1280xf32, #tpu.memory_space<vmem_shared>> -> memref<1280xf32, #tpu.memory_space<vmem_shared>>
      %dma_wait3A_155 = arith.constant 0 : i32
      %dma_wait3A_156 = tpu.memref_slice %arg10[%arg1, %dma_wait3A_155] : memref<16x1280xf32, #tpu.memory_space<vmem_shared>> -> memref<1x1280xf32, #tpu.memory_space<vmem_shared>>
      %dma_wait3A_157 = tpu.memref_squeeze %dma_wait3A_156 : memref<1x1280xf32, #tpu.memory_space<vmem_shared>> -> memref<1280xf32, #tpu.memory_space<vmem_shared>>
      %dma_wait3A_158 = arith.constant 3840 : i32
      %dma_wait3A_159 = tpu.memref_slice %arg7[%dma_wait3A_158] : memref<10240xf32, #tpu.memory_space<vmem>> -> memref<1280xf32, #tpu.memory_space<vmem>>
      tpu.wait_dma2 semaphore(%run_scoped3A_141 : memref<!tpu.dma_semaphore, #tpu.memory_space<semaphore_mem>>) src(%dma_wait3A_159 : memref<1280xf32, #tpu.memory_space<vmem>>) dst(%dma_wait3A_157 : memref<1280xf32, #tpu.memory_space<vmem_shared>>)
      tpu.yield
    }) : () -> ()
    %barrier3A_61 = arith.constant 0 : index
    tpu.barrier barrier_id(%barrier3A_61)
    %mul3A_62 = arith.constant 80 : i32
    %mul3A_63 = arith.muli %arg1, %mul3A_62 : i32
    %run_scoped3A_64 = arith.constant 0 : i32
    "tpu.region"() ({
      %run_scoped3A_141 = tpu.sem_alloc : memref<!tpu.dma_semaphore, #tpu.memory_space<semaphore_mem>>
      %dma_start3A = tpu.memref_slice %arg10[%run_scoped3A_64, %mul3A_63] : memref<16x1280xf32, #tpu.memory_space<vmem_shared>> -> memref<1x80xf32, #tpu.memory_space<vmem_shared>>
      %dma_start3A_142 = tpu.memref_squeeze %dma_start3A : memref<1x80xf32, #tpu.memory_space<vmem_shared>> -> memref<80xf32, #tpu.memory_space<vmem_shared>>
      %dma_start3A_143 = tpu.memref_slice %arg10[%run_scoped3A_64, %mul3A_63] : memref<16x1280xf32, #tpu.memory_space<vmem_shared>> -> memref<1x80xf32, #tpu.memory_space<vmem_shared>>
      %dma_start3A_144 = tpu.memref_squeeze %dma_start3A_143 : memref<1x80xf32, #tpu.memory_space<vmem_shared>> -> memref<80xf32, #tpu.memory_space<vmem_shared>>
      tpu.enqueue_dma source(%dma_start3A_144 : memref<80xf32, #tpu.memory_space<vmem_shared>>) target(%arg8 : memref<80xf32, #tpu.memory_space<vmem>>) target_semaphore(%run_scoped3A_141 : memref<!tpu.dma_semaphore, #tpu.memory_space<semaphore_mem>>)
      %dma_wait3A = tpu.memref_slice %arg10[%run_scoped3A_64, %mul3A_63] : memref<16x1280xf32, #tpu.memory_space<vmem_shared>> -> memref<1x80xf32, #tpu.memory_space<vmem_shared>>
      %dma_wait3A_145 = tpu.memref_squeeze %dma_wait3A : memref<1x80xf32, #tpu.memory_space<vmem_shared>> -> memref<80xf32, #tpu.memory_space<vmem_shared>>
      %dma_wait3A_146 = tpu.memref_slice %arg10[%run_scoped3A_64, %mul3A_63] : memref<16x1280xf32, #tpu.memory_space<vmem_shared>> -> memref<1x80xf32, #tpu.memory_space<vmem_shared>>
      %dma_wait3A_147 = tpu.memref_squeeze %dma_wait3A_146 : memref<1x80xf32, #tpu.memory_space<vmem_shared>> -> memref<80xf32, #tpu.memory_space<vmem_shared>>
      tpu.wait_dma2 semaphore(%run_scoped3A_141 : memref<!tpu.dma_semaphore, #tpu.memory_space<semaphore_mem>>) src(%dma_wait3A_147 : memref<80xf32, #tpu.memory_space<vmem_shared>>) dst(%arg8 : memref<80xf32, #tpu.memory_space<vmem>>)
      tpu.yield
    }) : () -> ()
    %scan3A_65 = arith.constant 0 : i32
    %scan3A_66 = arith.constant 1 : i32
    %scan3A_67 = arith.constant 15 : i32
    %scan3A_68 = arith.addi %scan3A_66, %scan3A_67 : i32
    %scan3A_69 = arith.constant 1 : i32
    %scan3A_70 = scf.for %scan3A_141 = %scan3A_66 to %scan3A_68 step %scan3A_69 iter_args(%scan3A_142 = %scan3A_65) -> (i32)  : i32 {
      %mul3A_143 = arith.constant 80 : i32
      %mul3A_144 = arith.muli %arg1, %mul3A_143 : i32
      "tpu.region"() ({
        %run_scoped3A_153 = tpu.sem_alloc : memref<!tpu.dma_semaphore, #tpu.memory_space<semaphore_mem>>
        %dma_start3A = tpu.memref_slice %arg10[%scan3A_141, %mul3A_144] : memref<16x1280xf32, #tpu.memory_space<vmem_shared>> -> memref<1x80xf32, #tpu.memory_space<vmem_shared>>
        %dma_start3A_154 = tpu.memref_squeeze %dma_start3A : memref<1x80xf32, #tpu.memory_space<vmem_shared>> -> memref<80xf32, #tpu.memory_space<vmem_shared>>
        %dma_start3A_155 = tpu.memref_slice %arg10[%scan3A_141, %mul3A_144] : memref<16x1280xf32, #tpu.memory_space<vmem_shared>> -> memref<1x80xf32, #tpu.memory_space<vmem_shared>>
        %dma_start3A_156 = tpu.memref_squeeze %dma_start3A_155 : memref<1x80xf32, #tpu.memory_space<vmem_shared>> -> memref<80xf32, #tpu.memory_space<vmem_shared>>
        tpu.enqueue_dma source(%dma_start3A_156 : memref<80xf32, #tpu.memory_space<vmem_shared>>) target(%arg9 : memref<80xf32, #tpu.memory_space<vmem>>) target_semaphore(%run_scoped3A_153 : memref<!tpu.dma_semaphore, #tpu.memory_space<semaphore_mem>>)
        %dma_wait3A = tpu.memref_slice %arg10[%scan3A_141, %mul3A_144] : memref<16x1280xf32, #tpu.memory_space<vmem_shared>> -> memref<1x80xf32, #tpu.memory_space<vmem_shared>>
        %dma_wait3A_157 = tpu.memref_squeeze %dma_wait3A : memref<1x80xf32, #tpu.memory_space<vmem_shared>> -> memref<80xf32, #tpu.memory_space<vmem_shared>>
        %dma_wait3A_158 = tpu.memref_slice %arg10[%scan3A_141, %mul3A_144] : memref<16x1280xf32, #tpu.memory_space<vmem_shared>> -> memref<1x80xf32, #tpu.memory_space<vmem_shared>>
        %dma_wait3A_159 = tpu.memref_squeeze %dma_wait3A_158 : memref<1x80xf32, #tpu.memory_space<vmem_shared>> -> memref<80xf32, #tpu.memory_space<vmem_shared>>
        tpu.wait_dma2 semaphore(%run_scoped3A_153 : memref<!tpu.dma_semaphore, #tpu.memory_space<semaphore_mem>>) src(%dma_wait3A_159 : memref<80xf32, #tpu.memory_space<vmem_shared>>) dst(%arg9 : memref<80xf32, #tpu.memory_space<vmem>>)
        tpu.yield
      }) : () -> ()
      %scan3A_145 = arith.constant 0 : i32
      %scan3A_146 = arith.constant 0 : i32
      %scan3A_147 = arith.constant 5 : i32
      %scan3A_148 = arith.addi %scan3A_146, %scan3A_147 : i32
      %scan3A_149 = arith.constant 1 : i32
      %scan3A_150 = scf.for %scan3A_153 = %scan3A_146 to %scan3A_148 step %scan3A_149 iter_args(%scan3A_154 = %scan3A_145) -> (i32)  : i32 {
        %mul3A_155 = arith.constant 16 : i32
        %mul3A_156 = arith.muli %scan3A_153, %mul3A_155 : i32
        %get3A = arith.index_cast %mul3A_156 : i32 to index
        %get3A_157 = tpu.vector_load %arg8[%get3A] {strides = array<i32>} : memref<80xf32, #tpu.memory_space<vmem>>, vector<16xf32>,
        %get3A_158 = arith.index_cast %mul3A_156 : i32 to index
        %get3A_159 = tpu.vector_load %arg9[%get3A_158] {strides = array<i32>} : memref<80xf32, #tpu.memory_space<vmem>>, vector<16xf32>,
        %add3A_160 = arith.addf %get3A_157, %get3A_159 : vector<16xf32>
        %swap3A = arith.index_cast %mul3A_156 : i32 to index
        %swap3A_161 = tpu.vector_load %arg8[%swap3A] {strides = array<i32>} : memref<80xf32, #tpu.memory_space<vmem>>, vector<16xf32>,
        tpu.vector_store %arg8[%swap3A], %add3A_160 {strides = array<i32>} : memref<80xf32, #tpu.memory_space<vmem>>, vector<16xf32>,
        %scan3A_162 = arith.constant 0 : i32
        scf.yield %scan3A_162 : i32
      }
      %scan3A_151 = arith.constant 5 : i32
      %scan3A_152 = arith.constant 0 : i32
      scf.yield %scan3A_152 : i32
    }
    %scan3A_71 = arith.constant 15 : i32
    %mul3A_72 = arith.constant 80 : i32
    %mul3A_73 = arith.muli %arg1, %mul3A_72 : i32
    %add3A_74 = arith.constant 3840 : i32
    %add3A_75 = arith.addi %add3A_74, %mul3A_73 : i32
    "tpu.region"() ({
      %run_scoped3A_141 = tpu.sem_alloc : memref<!tpu.dma_semaphore, #tpu.memory_space<semaphore_mem>>
      %dma_start3A = tpu.memref_slice %arg4[%arg0, %add3A_75] : memref<2x10240xf32, #tpu.memory_space<hbm>> -> memref<1x80xf32, #tpu.memory_space<hbm>>
      %dma_start3A_142 = tpu.memref_squeeze %dma_start3A : memref<1x80xf32, #tpu.memory_space<hbm>> -> memref<80xf32, #tpu.memory_space<hbm>>
      %dma_start3A_143 = tpu.memref_slice %arg4[%arg0, %add3A_75] : memref<2x10240xf32, #tpu.memory_space<hbm>> -> memref<1x80xf32, #tpu.memory_space<hbm>>
      %dma_start3A_144 = tpu.memref_squeeze %dma_start3A_143 : memref<1x80xf32, #tpu.memory_space<hbm>> -> memref<80xf32, #tpu.memory_space<hbm>>
      tpu.enqueue_dma source(%arg8 : memref<80xf32, #tpu.memory_space<vmem>>) target(%dma_start3A_144 : memref<80xf32, #tpu.memory_space<hbm>>) target_semaphore(%run_scoped3A_141 : memref<!tpu.dma_semaphore, #tpu.memory_space<semaphore_mem>>)
      %dma_wait3A = tpu.memref_slice %arg4[%arg0, %add3A_75] : memref<2x10240xf32, #tpu.memory_space<hbm>> -> memref<1x80xf32, #tpu.memory_space<hbm>>
      %dma_wait3A_145 = tpu.memref_squeeze %dma_wait3A : memref<1x80xf32, #tpu.memory_space<hbm>> -> memref<80xf32, #tpu.memory_space<hbm>>
      %dma_wait3A_146 = tpu.memref_slice %arg4[%arg0, %add3A_75] : memref<2x10240xf32, #tpu.memory_space<hbm>> -> memref<1x80xf32, #tpu.memory_space<hbm>>
      %dma_wait3A_147 = tpu.memref_squeeze %dma_wait3A_146 : memref<1x80xf32, #tpu.memory_space<hbm>> -> memref<80xf32, #tpu.memory_space<hbm>>
      tpu.wait_dma2 semaphore(%run_scoped3A_141 : memref<!tpu.dma_semaphore, #tpu.memory_space<semaphore_mem>>) src(%arg8 : memref<80xf32, #tpu.memory_space<vmem>>) dst(%dma_wait3A_147 : memref<80xf32, #tpu.memory_space<hbm>>)
      tpu.yield
    }) : () -> ()
    %barrier3A_76 = arith.constant 0 : index
    tpu.barrier barrier_id(%barrier3A_76)
    "tpu.region"() ({
      %run_scoped3A_141 = tpu.sem_alloc : memref<!tpu.dma_semaphore, #tpu.memory_space<semaphore_mem>>
      %dma_start3A = arith.constant 5120 : i32
      %dma_start3A_142 = tpu.memref_slice %arg7[%dma_start3A] : memref<10240xf32, #tpu.memory_space<vmem>> -> memref<1280xf32, #tpu.memory_space<vmem>>
      %dma_start3A_143 = arith.constant 0 : i32
      %dma_start3A_144 = tpu.memref_slice %arg10[%arg1, %dma_start3A_143] : memref<16x1280xf32, #tpu.memory_space<vmem_shared>> -> memref<1x1280xf32, #tpu.memory_space<vmem_shared>>
      %dma_start3A_145 = tpu.memref_squeeze %dma_start3A_144 : memref<1x1280xf32, #tpu.memory_space<vmem_shared>> -> memref<1280xf32, #tpu.memory_space<vmem_shared>>
      %dma_start3A_146 = arith.constant 0 : i32
      %dma_start3A_147 = tpu.memref_slice %arg10[%arg1, %dma_start3A_146] : memref<16x1280xf32, #tpu.memory_space<vmem_shared>> -> memref<1x1280xf32, #tpu.memory_space<vmem_shared>>
      %dma_start3A_148 = tpu.memref_squeeze %dma_start3A_147 : memref<1x1280xf32, #tpu.memory_space<vmem_shared>> -> memref<1280xf32, #tpu.memory_space<vmem_shared>>
      %dma_start3A_149 = arith.constant 5120 : i32
      %dma_start3A_150 = tpu.memref_slice %arg7[%dma_start3A_149] : memref<10240xf32, #tpu.memory_space<vmem>> -> memref<1280xf32, #tpu.memory_space<vmem>>
      tpu.enqueue_dma source(%dma_start3A_150 : memref<1280xf32, #tpu.memory_space<vmem>>) target(%dma_start3A_148 : memref<1280xf32, #tpu.memory_space<vmem_shared>>) target_semaphore(%run_scoped3A_141 : memref<!tpu.dma_semaphore, #tpu.memory_space<semaphore_mem>>)
      %dma_wait3A = arith.constant 5120 : i32
      %dma_wait3A_151 = tpu.memref_slice %arg7[%dma_wait3A] : memref<10240xf32, #tpu.memory_space<vmem>> -> memref<1280xf32, #tpu.memory_space<vmem>>
      %dma_wait3A_152 = arith.constant 0 : i32
      %dma_wait3A_153 = tpu.memref_slice %arg10[%arg1, %dma_wait3A_152] : memref<16x1280xf32, #tpu.memory_space<vmem_shared>> -> memref<1x1280xf32, #tpu.memory_space<vmem_shared>>
      %dma_wait3A_154 = tpu.memref_squeeze %dma_wait3A_153 : memref<1x1280xf32, #tpu.memory_space<vmem_shared>> -> memref<1280xf32, #tpu.memory_space<vmem_shared>>
      %dma_wait3A_155 = arith.constant 0 : i32
      %dma_wait3A_156 = tpu.memref_slice %arg10[%arg1, %dma_wait3A_155] : memref<16x1280xf32, #tpu.memory_space<vmem_shared>> -> memref<1x1280xf32, #tpu.memory_space<vmem_shared>>
      %dma_wait3A_157 = tpu.memref_squeeze %dma_wait3A_156 : memref<1x1280xf32, #tpu.memory_space<vmem_shared>> -> memref<1280xf32, #tpu.memory_space<vmem_shared>>
      %dma_wait3A_158 = arith.constant 5120 : i32
      %dma_wait3A_159 = tpu.memref_slice %arg7[%dma_wait3A_158] : memref<10240xf32, #tpu.memory_space<vmem>> -> memref<1280xf32, #tpu.memory_space<vmem>>
      tpu.wait_dma2 semaphore(%run_scoped3A_141 : memref<!tpu.dma_semaphore, #tpu.memory_space<semaphore_mem>>) src(%dma_wait3A_159 : memref<1280xf32, #tpu.memory_space<vmem>>) dst(%dma_wait3A_157 : memref<1280xf32, #tpu.memory_space<vmem_shared>>)
      tpu.yield
    }) : () -> ()
    %barrier3A_77 = arith.constant 0 : index
    tpu.barrier barrier_id(%barrier3A_77)
    %mul3A_78 = arith.constant 80 : i32
    %mul3A_79 = arith.muli %arg1, %mul3A_78 : i32
    %run_scoped3A_80 = arith.constant 0 : i32
    "tpu.region"() ({
      %run_scoped3A_141 = tpu.sem_alloc : memref<!tpu.dma_semaphore, #tpu.memory_space<semaphore_mem>>
      %dma_start3A = tpu.memref_slice %arg10[%run_scoped3A_80, %mul3A_79] : memref<16x1280xf32, #tpu.memory_space<vmem_shared>> -> memref<1x80xf32, #tpu.memory_space<vmem_shared>>
      %dma_start3A_142 = tpu.memref_squeeze %dma_start3A : memref<1x80xf32, #tpu.memory_space<vmem_shared>> -> memref<80xf32, #tpu.memory_space<vmem_shared>>
      %dma_start3A_143 = tpu.memref_slice %arg10[%run_scoped3A_80, %mul3A_79] : memref<16x1280xf32, #tpu.memory_space<vmem_shared>> -> memref<1x80xf32, #tpu.memory_space<vmem_shared>>
      %dma_start3A_144 = tpu.memref_squeeze %dma_start3A_143 : memref<1x80xf32, #tpu.memory_space<vmem_shared>> -> memref<80xf32, #tpu.memory_space<vmem_shared>>
      tpu.enqueue_dma source(%dma_start3A_144 : memref<80xf32, #tpu.memory_space<vmem_shared>>) target(%arg8 : memref<80xf32, #tpu.memory_space<vmem>>) target_semaphore(%run_scoped3A_141 : memref<!tpu.dma_semaphore, #tpu.memory_space<semaphore_mem>>)
      %dma_wait3A = tpu.memref_slice %arg10[%run_scoped3A_80, %mul3A_79] : memref<16x1280xf32, #tpu.memory_space<vmem_shared>> -> memref<1x80xf32, #tpu.memory_space<vmem_shared>>
      %dma_wait3A_145 = tpu.memref_squeeze %dma_wait3A : memref<1x80xf32, #tpu.memory_space<vmem_shared>> -> memref<80xf32, #tpu.memory_space<vmem_shared>>
      %dma_wait3A_146 = tpu.memref_slice %arg10[%run_scoped3A_80, %mul3A_79] : memref<16x1280xf32, #tpu.memory_space<vmem_shared>> -> memref<1x80xf32, #tpu.memory_space<vmem_shared>>
      %dma_wait3A_147 = tpu.memref_squeeze %dma_wait3A_146 : memref<1x80xf32, #tpu.memory_space<vmem_shared>> -> memref<80xf32, #tpu.memory_space<vmem_shared>>
      tpu.wait_dma2 semaphore(%run_scoped3A_141 : memref<!tpu.dma_semaphore, #tpu.memory_space<semaphore_mem>>) src(%dma_wait3A_147 : memref<80xf32, #tpu.memory_space<vmem_shared>>) dst(%arg8 : memref<80xf32, #tpu.memory_space<vmem>>)
      tpu.yield
    }) : () -> ()
    %scan3A_81 = arith.constant 0 : i32
    %scan3A_82 = arith.constant 1 : i32
    %scan3A_83 = arith.constant 15 : i32
    %scan3A_84 = arith.addi %scan3A_82, %scan3A_83 : i32
    %scan3A_85 = arith.constant 1 : i32
    %scan3A_86 = scf.for %scan3A_141 = %scan3A_82 to %scan3A_84 step %scan3A_85 iter_args(%scan3A_142 = %scan3A_81) -> (i32)  : i32 {
      %mul3A_143 = arith.constant 80 : i32
      %mul3A_144 = arith.muli %arg1, %mul3A_143 : i32
      "tpu.region"() ({
        %run_scoped3A_153 = tpu.sem_alloc : memref<!tpu.dma_semaphore, #tpu.memory_space<semaphore_mem>>
        %dma_start3A = tpu.memref_slice %arg10[%scan3A_141, %mul3A_144] : memref<16x1280xf32, #tpu.memory_space<vmem_shared>> -> memref<1x80xf32, #tpu.memory_space<vmem_shared>>
        %dma_start3A_154 = tpu.memref_squeeze %dma_start3A : memref<1x80xf32, #tpu.memory_space<vmem_shared>> -> memref<80xf32, #tpu.memory_space<vmem_shared>>
        %dma_start3A_155 = tpu.memref_slice %arg10[%scan3A_141, %mul3A_144] : memref<16x1280xf32, #tpu.memory_space<vmem_shared>> -> memref<1x80xf32, #tpu.memory_space<vmem_shared>>
        %dma_start3A_156 = tpu.memref_squeeze %dma_start3A_155 : memref<1x80xf32, #tpu.memory_space<vmem_shared>> -> memref<80xf32, #tpu.memory_space<vmem_shared>>
        tpu.enqueue_dma source(%dma_start3A_156 : memref<80xf32, #tpu.memory_space<vmem_shared>>) target(%arg9 : memref<80xf32, #tpu.memory_space<vmem>>) target_semaphore(%run_scoped3A_153 : memref<!tpu.dma_semaphore, #tpu.memory_space<semaphore_mem>>)
        %dma_wait3A = tpu.memref_slice %arg10[%scan3A_141, %mul3A_144] : memref<16x1280xf32, #tpu.memory_space<vmem_shared>> -> memref<1x80xf32, #tpu.memory_space<vmem_shared>>
        %dma_wait3A_157 = tpu.memref_squeeze %dma_wait3A : memref<1x80xf32, #tpu.memory_space<vmem_shared>> -> memref<80xf32, #tpu.memory_space<vmem_shared>>
        %dma_wait3A_158 = tpu.memref_slice %arg10[%scan3A_141, %mul3A_144] : memref<16x1280xf32, #tpu.memory_space<vmem_shared>> -> memref<1x80xf32, #tpu.memory_space<vmem_shared>>
        %dma_wait3A_159 = tpu.memref_squeeze %dma_wait3A_158 : memref<1x80xf32, #tpu.memory_space<vmem_shared>> -> memref<80xf32, #tpu.memory_space<vmem_shared>>
        tpu.wait_dma2 semaphore(%run_scoped3A_153 : memref<!tpu.dma_semaphore, #tpu.memory_space<semaphore_mem>>) src(%dma_wait3A_159 : memref<80xf32, #tpu.memory_space<vmem_shared>>) dst(%arg9 : memref<80xf32, #tpu.memory_space<vmem>>)
        tpu.yield
      }) : () -> ()
      %scan3A_145 = arith.constant 0 : i32
      %scan3A_146 = arith.constant 0 : i32
      %scan3A_147 = arith.constant 5 : i32
      %scan3A_148 = arith.addi %scan3A_146, %scan3A_147 : i32
      %scan3A_149 = arith.constant 1 : i32
      %scan3A_150 = scf.for %scan3A_153 = %scan3A_146 to %scan3A_148 step %scan3A_149 iter_args(%scan3A_154 = %scan3A_145) -> (i32)  : i32 {
        %mul3A_155 = arith.constant 16 : i32
        %mul3A_156 = arith.muli %scan3A_153, %mul3A_155 : i32
        %get3A = arith.index_cast %mul3A_156 : i32 to index
        %get3A_157 = tpu.vector_load %arg8[%get3A] {strides = array<i32>} : memref<80xf32, #tpu.memory_space<vmem>>, vector<16xf32>,
        %get3A_158 = arith.index_cast %mul3A_156 : i32 to index
        %get3A_159 = tpu.vector_load %arg9[%get3A_158] {strides = array<i32>} : memref<80xf32, #tpu.memory_space<vmem>>, vector<16xf32>,
        %add3A_160 = arith.addf %get3A_157, %get3A_159 : vector<16xf32>
        %swap3A = arith.index_cast %mul3A_156 : i32 to index
        %swap3A_161 = tpu.vector_load %arg8[%swap3A] {strides = array<i32>} : memref<80xf32, #tpu.memory_space<vmem>>, vector<16xf32>,
        tpu.vector_store %arg8[%swap3A], %add3A_160 {strides = array<i32>} : memref<80xf32, #tpu.memory_space<vmem>>, vector<16xf32>,
        %scan3A_162 = arith.constant 0 : i32
        scf.yield %scan3A_162 : i32
      }
      %scan3A_151 = arith.constant 5 : i32
      %scan3A_152 = arith.constant 0 : i32
      scf.yield %scan3A_152 : i32
    }
    %scan3A_87 = arith.constant 15 : i32
    %mul3A_88 = arith.constant 80 : i32
    %mul3A_89 = arith.muli %arg1, %mul3A_88 : i32
    %add3A_90 = arith.constant 5120 : i32
    %add3A_91 = arith.addi %add3A_90, %mul3A_89 : i32
    "tpu.region"() ({
      %run_scoped3A_141 = tpu.sem_alloc : memref<!tpu.dma_semaphore, #tpu.memory_space<semaphore_mem>>
      %dma_start3A = tpu.memref_slice %arg4[%arg0, %add3A_91] : memref<2x10240xf32, #tpu.memory_space<hbm>> -> memref<1x80xf32, #tpu.memory_space<hbm>>
      %dma_start3A_142 = tpu.memref_squeeze %dma_start3A : memref<1x80xf32, #tpu.memory_space<hbm>> -> memref<80xf32, #tpu.memory_space<hbm>>
      %dma_start3A_143 = tpu.memref_slice %arg4[%arg0, %add3A_91] : memref<2x10240xf32, #tpu.memory_space<hbm>> -> memref<1x80xf32, #tpu.memory_space<hbm>>
      %dma_start3A_144 = tpu.memref_squeeze %dma_start3A_143 : memref<1x80xf32, #tpu.memory_space<hbm>> -> memref<80xf32, #tpu.memory_space<hbm>>
      tpu.enqueue_dma source(%arg8 : memref<80xf32, #tpu.memory_space<vmem>>) target(%dma_start3A_144 : memref<80xf32, #tpu.memory_space<hbm>>) target_semaphore(%run_scoped3A_141 : memref<!tpu.dma_semaphore, #tpu.memory_space<semaphore_mem>>)
      %dma_wait3A = tpu.memref_slice %arg4[%arg0, %add3A_91] : memref<2x10240xf32, #tpu.memory_space<hbm>> -> memref<1x80xf32, #tpu.memory_space<hbm>>
      %dma_wait3A_145 = tpu.memref_squeeze %dma_wait3A : memref<1x80xf32, #tpu.memory_space<hbm>> -> memref<80xf32, #tpu.memory_space<hbm>>
      %dma_wait3A_146 = tpu.memref_slice %arg4[%arg0, %add3A_91] : memref<2x10240xf32, #tpu.memory_space<hbm>> -> memref<1x80xf32, #tpu.memory_space<hbm>>
      %dma_wait3A_147 = tpu.memref_squeeze %dma_wait3A_146 : memref<1x80xf32, #tpu.memory_space<hbm>> -> memref<80xf32, #tpu.memory_space<hbm>>
      tpu.wait_dma2 semaphore(%run_scoped3A_141 : memref<!tpu.dma_semaphore, #tpu.memory_space<semaphore_mem>>) src(%arg8 : memref<80xf32, #tpu.memory_space<vmem>>) dst(%dma_wait3A_147 : memref<80xf32, #tpu.memory_space<hbm>>)
      tpu.yield
    }) : () -> ()
    %barrier3A_92 = arith.constant 0 : index
    tpu.barrier barrier_id(%barrier3A_92)
    "tpu.region"() ({
      %run_scoped3A_141 = tpu.sem_alloc : memref<!tpu.dma_semaphore, #tpu.memory_space<semaphore_mem>>
      %dma_start3A = arith.constant 6400 : i32
      %dma_start3A_142 = tpu.memref_slice %arg7[%dma_start3A] : memref<10240xf32, #tpu.memory_space<vmem>> -> memref<1280xf32, #tpu.memory_space<vmem>>
      %dma_start3A_143 = arith.constant 0 : i32
      %dma_start3A_144 = tpu.memref_slice %arg10[%arg1, %dma_start3A_143] : memref<16x1280xf32, #tpu.memory_space<vmem_shared>> -> memref<1x1280xf32, #tpu.memory_space<vmem_shared>>
      %dma_start3A_145 = tpu.memref_squeeze %dma_start3A_144 : memref<1x1280xf32, #tpu.memory_space<vmem_shared>> -> memref<1280xf32, #tpu.memory_space<vmem_shared>>
      %dma_start3A_146 = arith.constant 0 : i32
      %dma_start3A_147 = tpu.memref_slice %arg10[%arg1, %dma_start3A_146] : memref<16x1280xf32, #tpu.memory_space<vmem_shared>> -> memref<1x1280xf32, #tpu.memory_space<vmem_shared>>
      %dma_start3A_148 = tpu.memref_squeeze %dma_start3A_147 : memref<1x1280xf32, #tpu.memory_space<vmem_shared>> -> memref<1280xf32, #tpu.memory_space<vmem_shared>>
      %dma_start3A_149 = arith.constant 6400 : i32
      %dma_start3A_150 = tpu.memref_slice %arg7[%dma_start3A_149] : memref<10240xf32, #tpu.memory_space<vmem>> -> memref<1280xf32, #tpu.memory_space<vmem>>
      tpu.enqueue_dma source(%dma_start3A_150 : memref<1280xf32, #tpu.memory_space<vmem>>) target(%dma_start3A_148 : memref<1280xf32, #tpu.memory_space<vmem_shared>>) target_semaphore(%run_scoped3A_141 : memref<!tpu.dma_semaphore, #tpu.memory_space<semaphore_mem>>)
      %dma_wait3A = arith.constant 6400 : i32
      %dma_wait3A_151 = tpu.memref_slice %arg7[%dma_wait3A] : memref<10240xf32, #tpu.memory_space<vmem>> -> memref<1280xf32, #tpu.memory_space<vmem>>
      %dma_wait3A_152 = arith.constant 0 : i32
      %dma_wait3A_153 = tpu.memref_slice %arg10[%arg1, %dma_wait3A_152] : memref<16x1280xf32, #tpu.memory_space<vmem_shared>> -> memref<1x1280xf32, #tpu.memory_space<vmem_shared>>
      %dma_wait3A_154 = tpu.memref_squeeze %dma_wait3A_153 : memref<1x1280xf32, #tpu.memory_space<vmem_shared>> -> memref<1280xf32, #tpu.memory_space<vmem_shared>>
      %dma_wait3A_155 = arith.constant 0 : i32
      %dma_wait3A_156 = tpu.memref_slice %arg10[%arg1, %dma_wait3A_155] : memref<16x1280xf32, #tpu.memory_space<vmem_shared>> -> memref<1x1280xf32, #tpu.memory_space<vmem_shared>>
      %dma_wait3A_157 = tpu.memref_squeeze %dma_wait3A_156 : memref<1x1280xf32, #tpu.memory_space<vmem_shared>> -> memref<1280xf32, #tpu.memory_space<vmem_shared>>
      %dma_wait3A_158 = arith.constant 6400 : i32
      %dma_wait3A_159 = tpu.memref_slice %arg7[%dma_wait3A_158] : memref<10240xf32, #tpu.memory_space<vmem>> -> memref<1280xf32, #tpu.memory_space<vmem>>
      tpu.wait_dma2 semaphore(%run_scoped3A_141 : memref<!tpu.dma_semaphore, #tpu.memory_space<semaphore_mem>>) src(%dma_wait3A_159 : memref<1280xf32, #tpu.memory_space<vmem>>) dst(%dma_wait3A_157 : memref<1280xf32, #tpu.memory_space<vmem_shared>>)
      tpu.yield
    }) : () -> ()
    %barrier3A_93 = arith.constant 0 : index
    tpu.barrier barrier_id(%barrier3A_93)
    %mul3A_94 = arith.constant 80 : i32
    %mul3A_95 = arith.muli %arg1, %mul3A_94 : i32
    %run_scoped3A_96 = arith.constant 0 : i32
    "tpu.region"() ({
      %run_scoped3A_141 = tpu.sem_alloc : memref<!tpu.dma_semaphore, #tpu.memory_space<semaphore_mem>>
      %dma_start3A = tpu.memref_slice %arg10[%run_scoped3A_96, %mul3A_95] : memref<16x1280xf32, #tpu.memory_space<vmem_shared>> -> memref<1x80xf32, #tpu.memory_space<vmem_shared>>
      %dma_start3A_142 = tpu.memref_squeeze %dma_start3A : memref<1x80xf32, #tpu.memory_space<vmem_shared>> -> memref<80xf32, #tpu.memory_space<vmem_shared>>
      %dma_start3A_143 = tpu.memref_slice %arg10[%run_scoped3A_96, %mul3A_95] : memref<16x1280xf32, #tpu.memory_space<vmem_shared>> -> memref<1x80xf32, #tpu.memory_space<vmem_shared>>
      %dma_start3A_144 = tpu.memref_squeeze %dma_start3A_143 : memref<1x80xf32, #tpu.memory_space<vmem_shared>> -> memref<80xf32, #tpu.memory_space<vmem_shared>>
      tpu.enqueue_dma source(%dma_start3A_144 : memref<80xf32, #tpu.memory_space<vmem_shared>>) target(%arg8 : memref<80xf32, #tpu.memory_space<vmem>>) target_semaphore(%run_scoped3A_141 : memref<!tpu.dma_semaphore, #tpu.memory_space<semaphore_mem>>)
      %dma_wait3A = tpu.memref_slice %arg10[%run_scoped3A_96, %mul3A_95] : memref<16x1280xf32, #tpu.memory_space<vmem_shared>> -> memref<1x80xf32, #tpu.memory_space<vmem_shared>>
      %dma_wait3A_145 = tpu.memref_squeeze %dma_wait3A : memref<1x80xf32, #tpu.memory_space<vmem_shared>> -> memref<80xf32, #tpu.memory_space<vmem_shared>>
      %dma_wait3A_146 = tpu.memref_slice %arg10[%run_scoped3A_96, %mul3A_95] : memref<16x1280xf32, #tpu.memory_space<vmem_shared>> -> memref<1x80xf32, #tpu.memory_space<vmem_shared>>
      %dma_wait3A_147 = tpu.memref_squeeze %dma_wait3A_146 : memref<1x80xf32, #tpu.memory_space<vmem_shared>> -> memref<80xf32, #tpu.memory_space<vmem_shared>>
      tpu.wait_dma2 semaphore(%run_scoped3A_141 : memref<!tpu.dma_semaphore, #tpu.memory_space<semaphore_mem>>) src(%dma_wait3A_147 : memref<80xf32, #tpu.memory_space<vmem_shared>>) dst(%arg8 : memref<80xf32, #tpu.memory_space<vmem>>)
      tpu.yield
    }) : () -> ()
    %scan3A_97 = arith.constant 0 : i32
    %scan3A_98 = arith.constant 1 : i32
    %scan3A_99 = arith.constant 15 : i32
    %scan3A_100 = arith.addi %scan3A_98, %scan3A_99 : i32
    %scan3A_101 = arith.constant 1 : i32
    %scan3A_102 = scf.for %scan3A_141 = %scan3A_98 to %scan3A_100 step %scan3A_101 iter_args(%scan3A_142 = %scan3A_97) -> (i32)  : i32 {
      %mul3A_143 = arith.constant 80 : i32
      %mul3A_144 = arith.muli %arg1, %mul3A_143 : i32
      "tpu.region"() ({
        %run_scoped3A_153 = tpu.sem_alloc : memref<!tpu.dma_semaphore, #tpu.memory_space<semaphore_mem>>
        %dma_start3A = tpu.memref_slice %arg10[%scan3A_141, %mul3A_144] : memref<16x1280xf32, #tpu.memory_space<vmem_shared>> -> memref<1x80xf32, #tpu.memory_space<vmem_shared>>
        %dma_start3A_154 = tpu.memref_squeeze %dma_start3A : memref<1x80xf32, #tpu.memory_space<vmem_shared>> -> memref<80xf32, #tpu.memory_space<vmem_shared>>
        %dma_start3A_155 = tpu.memref_slice %arg10[%scan3A_141, %mul3A_144] : memref<16x1280xf32, #tpu.memory_space<vmem_shared>> -> memref<1x80xf32, #tpu.memory_space<vmem_shared>>
        %dma_start3A_156 = tpu.memref_squeeze %dma_start3A_155 : memref<1x80xf32, #tpu.memory_space<vmem_shared>> -> memref<80xf32, #tpu.memory_space<vmem_shared>>
        tpu.enqueue_dma source(%dma_start3A_156 : memref<80xf32, #tpu.memory_space<vmem_shared>>) target(%arg9 : memref<80xf32, #tpu.memory_space<vmem>>) target_semaphore(%run_scoped3A_153 : memref<!tpu.dma_semaphore, #tpu.memory_space<semaphore_mem>>)
        %dma_wait3A = tpu.memref_slice %arg10[%scan3A_141, %mul3A_144] : memref<16x1280xf32, #tpu.memory_space<vmem_shared>> -> memref<1x80xf32, #tpu.memory_space<vmem_shared>>
        %dma_wait3A_157 = tpu.memref_squeeze %dma_wait3A : memref<1x80xf32, #tpu.memory_space<vmem_shared>> -> memref<80xf32, #tpu.memory_space<vmem_shared>>
        %dma_wait3A_158 = tpu.memref_slice %arg10[%scan3A_141, %mul3A_144] : memref<16x1280xf32, #tpu.memory_space<vmem_shared>> -> memref<1x80xf32, #tpu.memory_space<vmem_shared>>
        %dma_wait3A_159 = tpu.memref_squeeze %dma_wait3A_158 : memref<1x80xf32, #tpu.memory_space<vmem_shared>> -> memref<80xf32, #tpu.memory_space<vmem_shared>>
        tpu.wait_dma2 semaphore(%run_scoped3A_153 : memref<!tpu.dma_semaphore, #tpu.memory_space<semaphore_mem>>) src(%dma_wait3A_159 : memref<80xf32, #tpu.memory_space<vmem_shared>>) dst(%arg9 : memref<80xf32, #tpu.memory_space<vmem>>)
        tpu.yield
      }) : () -> ()
      %scan3A_145 = arith.constant 0 : i32
      %scan3A_146 = arith.constant 0 : i32
      %scan3A_147 = arith.constant 5 : i32
      %scan3A_148 = arith.addi %scan3A_146, %scan3A_147 : i32
      %scan3A_149 = arith.constant 1 : i32
      %scan3A_150 = scf.for %scan3A_153 = %scan3A_146 to %scan3A_148 step %scan3A_149 iter_args(%scan3A_154 = %scan3A_145) -> (i32)  : i32 {
        %mul3A_155 = arith.constant 16 : i32
        %mul3A_156 = arith.muli %scan3A_153, %mul3A_155 : i32
        %get3A = arith.index_cast %mul3A_156 : i32 to index
        %get3A_157 = tpu.vector_load %arg8[%get3A] {strides = array<i32>} : memref<80xf32, #tpu.memory_space<vmem>>, vector<16xf32>,
        %get3A_158 = arith.index_cast %mul3A_156 : i32 to index
        %get3A_159 = tpu.vector_load %arg9[%get3A_158] {strides = array<i32>} : memref<80xf32, #tpu.memory_space<vmem>>, vector<16xf32>,
        %add3A_160 = arith.addf %get3A_157, %get3A_159 : vector<16xf32>
        %swap3A = arith.index_cast %mul3A_156 : i32 to index
        %swap3A_161 = tpu.vector_load %arg8[%swap3A] {strides = array<i32>} : memref<80xf32, #tpu.memory_space<vmem>>, vector<16xf32>,
        tpu.vector_store %arg8[%swap3A], %add3A_160 {strides = array<i32>} : memref<80xf32, #tpu.memory_space<vmem>>, vector<16xf32>,
        %scan3A_162 = arith.constant 0 : i32
        scf.yield %scan3A_162 : i32
      }
      %scan3A_151 = arith.constant 5 : i32
      %scan3A_152 = arith.constant 0 : i32
      scf.yield %scan3A_152 : i32
    }
    %scan3A_103 = arith.constant 15 : i32
    %mul3A_104 = arith.constant 80 : i32
    %mul3A_105 = arith.muli %arg1, %mul3A_104 : i32
    %add3A_106 = arith.constant 6400 : i32
    %add3A_107 = arith.addi %add3A_106, %mul3A_105 : i32
    "tpu.region"() ({
      %run_scoped3A_141 = tpu.sem_alloc : memref<!tpu.dma_semaphore, #tpu.memory_space<semaphore_mem>>
      %dma_start3A = tpu.memref_slice %arg4[%arg0, %add3A_107] : memref<2x10240xf32, #tpu.memory_space<hbm>> -> memref<1x80xf32, #tpu.memory_space<hbm>>
      %dma_start3A_142 = tpu.memref_squeeze %dma_start3A : memref<1x80xf32, #tpu.memory_space<hbm>> -> memref<80xf32, #tpu.memory_space<hbm>>
      %dma_start3A_143 = tpu.memref_slice %arg4[%arg0, %add3A_107] : memref<2x10240xf32, #tpu.memory_space<hbm>> -> memref<1x80xf32, #tpu.memory_space<hbm>>
      %dma_start3A_144 = tpu.memref_squeeze %dma_start3A_143 : memref<1x80xf32, #tpu.memory_space<hbm>> -> memref<80xf32, #tpu.memory_space<hbm>>
      tpu.enqueue_dma source(%arg8 : memref<80xf32, #tpu.memory_space<vmem>>) target(%dma_start3A_144 : memref<80xf32, #tpu.memory_space<hbm>>) target_semaphore(%run_scoped3A_141 : memref<!tpu.dma_semaphore, #tpu.memory_space<semaphore_mem>>)
      %dma_wait3A = tpu.memref_slice %arg4[%arg0, %add3A_107] : memref<2x10240xf32, #tpu.memory_space<hbm>> -> memref<1x80xf32, #tpu.memory_space<hbm>>
      %dma_wait3A_145 = tpu.memref_squeeze %dma_wait3A : memref<1x80xf32, #tpu.memory_space<hbm>> -> memref<80xf32, #tpu.memory_space<hbm>>
      %dma_wait3A_146 = tpu.memref_slice %arg4[%arg0, %add3A_107] : memref<2x10240xf32, #tpu.memory_space<hbm>> -> memref<1x80xf32, #tpu.memory_space<hbm>>
      %dma_wait3A_147 = tpu.memref_squeeze %dma_wait3A_146 : memref<1x80xf32, #tpu.memory_space<hbm>> -> memref<80xf32, #tpu.memory_space<hbm>>
      tpu.wait_dma2 semaphore(%run_scoped3A_141 : memref<!tpu.dma_semaphore, #tpu.memory_space<semaphore_mem>>) src(%arg8 : memref<80xf32, #tpu.memory_space<vmem>>) dst(%dma_wait3A_147 : memref<80xf32, #tpu.memory_space<hbm>>)
      tpu.yield
    }) : () -> ()
    %barrier3A_108 = arith.constant 0 : index
    tpu.barrier barrier_id(%barrier3A_108)
    "tpu.region"() ({
      %run_scoped3A_141 = tpu.sem_alloc : memref<!tpu.dma_semaphore, #tpu.memory_space<semaphore_mem>>
      %dma_start3A = arith.constant 7680 : i32
      %dma_start3A_142 = tpu.memref_slice %arg7[%dma_start3A] : memref<10240xf32, #tpu.memory_space<vmem>> -> memref<1280xf32, #tpu.memory_space<vmem>>
      %dma_start3A_143 = arith.constant 0 : i32
      %dma_start3A_144 = tpu.memref_slice %arg10[%arg1, %dma_start3A_143] : memref<16x1280xf32, #tpu.memory_space<vmem_shared>> -> memref<1x1280xf32, #tpu.memory_space<vmem_shared>>
      %dma_start3A_145 = tpu.memref_squeeze %dma_start3A_144 : memref<1x1280xf32, #tpu.memory_space<vmem_shared>> -> memref<1280xf32, #tpu.memory_space<vmem_shared>>
      %dma_start3A_146 = arith.constant 0 : i32
      %dma_start3A_147 = tpu.memref_slice %arg10[%arg1, %dma_start3A_146] : memref<16x1280xf32, #tpu.memory_space<vmem_shared>> -> memref<1x1280xf32, #tpu.memory_space<vmem_shared>>
      %dma_start3A_148 = tpu.memref_squeeze %dma_start3A_147 : memref<1x1280xf32, #tpu.memory_space<vmem_shared>> -> memref<1280xf32, #tpu.memory_space<vmem_shared>>
      %dma_start3A_149 = arith.constant 7680 : i32
      %dma_start3A_150 = tpu.memref_slice %arg7[%dma_start3A_149] : memref<10240xf32, #tpu.memory_space<vmem>> -> memref<1280xf32, #tpu.memory_space<vmem>>
      tpu.enqueue_dma source(%dma_start3A_150 : memref<1280xf32, #tpu.memory_space<vmem>>) target(%dma_start3A_148 : memref<1280xf32, #tpu.memory_space<vmem_shared>>) target_semaphore(%run_scoped3A_141 : memref<!tpu.dma_semaphore, #tpu.memory_space<semaphore_mem>>)
      %dma_wait3A = arith.constant 7680 : i32
      %dma_wait3A_151 = tpu.memref_slice %arg7[%dma_wait3A] : memref<10240xf32, #tpu.memory_space<vmem>> -> memref<1280xf32, #tpu.memory_space<vmem>>
      %dma_wait3A_152 = arith.constant 0 : i32
      %dma_wait3A_153 = tpu.memref_slice %arg10[%arg1, %dma_wait3A_152] : memref<16x1280xf32, #tpu.memory_space<vmem_shared>> -> memref<1x1280xf32, #tpu.memory_space<vmem_shared>>
      %dma_wait3A_154 = tpu.memref_squeeze %dma_wait3A_153 : memref<1x1280xf32, #tpu.memory_space<vmem_shared>> -> memref<1280xf32, #tpu.memory_space<vmem_shared>>
      %dma_wait3A_155 = arith.constant 0 : i32
      %dma_wait3A_156 = tpu.memref_slice %arg10[%arg1, %dma_wait3A_155] : memref<16x1280xf32, #tpu.memory_space<vmem_shared>> -> memref<1x1280xf32, #tpu.memory_space<vmem_shared>>
      %dma_wait3A_157 = tpu.memref_squeeze %dma_wait3A_156 : memref<1x1280xf32, #tpu.memory_space<vmem_shared>> -> memref<1280xf32, #tpu.memory_space<vmem_shared>>
      %dma_wait3A_158 = arith.constant 7680 : i32
      %dma_wait3A_159 = tpu.memref_slice %arg7[%dma_wait3A_158] : memref<10240xf32, #tpu.memory_space<vmem>> -> memref<1280xf32, #tpu.memory_space<vmem>>
      tpu.wait_dma2 semaphore(%run_scoped3A_141 : memref<!tpu.dma_semaphore, #tpu.memory_space<semaphore_mem>>) src(%dma_wait3A_159 : memref<1280xf32, #tpu.memory_space<vmem>>) dst(%dma_wait3A_157 : memref<1280xf32, #tpu.memory_space<vmem_shared>>)
      tpu.yield
    }) : () -> ()
    %barrier3A_109 = arith.constant 0 : index
    tpu.barrier barrier_id(%barrier3A_109)
    %mul3A_110 = arith.constant 80 : i32
    %mul3A_111 = arith.muli %arg1, %mul3A_110 : i32
    %run_scoped3A_112 = arith.constant 0 : i32
    "tpu.region"() ({
      %run_scoped3A_141 = tpu.sem_alloc : memref<!tpu.dma_semaphore, #tpu.memory_space<semaphore_mem>>
      %dma_start3A = tpu.memref_slice %arg10[%run_scoped3A_112, %mul3A_111] : memref<16x1280xf32, #tpu.memory_space<vmem_shared>> -> memref<1x80xf32, #tpu.memory_space<vmem_shared>>
      %dma_start3A_142 = tpu.memref_squeeze %dma_start3A : memref<1x80xf32, #tpu.memory_space<vmem_shared>> -> memref<80xf32, #tpu.memory_space<vmem_shared>>
      %dma_start3A_143 = tpu.memref_slice %arg10[%run_scoped3A_112, %mul3A_111] : memref<16x1280xf32, #tpu.memory_space<vmem_shared>> -> memref<1x80xf32, #tpu.memory_space<vmem_shared>>
      %dma_start3A_144 = tpu.memref_squeeze %dma_start3A_143 : memref<1x80xf32, #tpu.memory_space<vmem_shared>> -> memref<80xf32, #tpu.memory_space<vmem_shared>>
      tpu.enqueue_dma source(%dma_start3A_144 : memref<80xf32, #tpu.memory_space<vmem_shared>>) target(%arg8 : memref<80xf32, #tpu.memory_space<vmem>>) target_semaphore(%run_scoped3A_141 : memref<!tpu.dma_semaphore, #tpu.memory_space<semaphore_mem>>)
      %dma_wait3A = tpu.memref_slice %arg10[%run_scoped3A_112, %mul3A_111] : memref<16x1280xf32, #tpu.memory_space<vmem_shared>> -> memref<1x80xf32, #tpu.memory_space<vmem_shared>>
      %dma_wait3A_145 = tpu.memref_squeeze %dma_wait3A : memref<1x80xf32, #tpu.memory_space<vmem_shared>> -> memref<80xf32, #tpu.memory_space<vmem_shared>>
      %dma_wait3A_146 = tpu.memref_slice %arg10[%run_scoped3A_112, %mul3A_111] : memref<16x1280xf32, #tpu.memory_space<vmem_shared>> -> memref<1x80xf32, #tpu.memory_space<vmem_shared>>
      %dma_wait3A_147 = tpu.memref_squeeze %dma_wait3A_146 : memref<1x80xf32, #tpu.memory_space<vmem_shared>> -> memref<80xf32, #tpu.memory_space<vmem_shared>>
      tpu.wait_dma2 semaphore(%run_scoped3A_141 : memref<!tpu.dma_semaphore, #tpu.memory_space<semaphore_mem>>) src(%dma_wait3A_147 : memref<80xf32, #tpu.memory_space<vmem_shared>>) dst(%arg8 : memref<80xf32, #tpu.memory_space<vmem>>)
      tpu.yield
    }) : () -> ()
    %scan3A_113 = arith.constant 0 : i32
    %scan3A_114 = arith.constant 1 : i32
    %scan3A_115 = arith.constant 15 : i32
    %scan3A_116 = arith.addi %scan3A_114, %scan3A_115 : i32
    %scan3A_117 = arith.constant 1 : i32
    %scan3A_118 = scf.for %scan3A_141 = %scan3A_114 to %scan3A_116 step %scan3A_117 iter_args(%scan3A_142 = %scan3A_113) -> (i32)  : i32 {
      %mul3A_143 = arith.constant 80 : i32
      %mul3A_144 = arith.muli %arg1, %mul3A_143 : i32
      "tpu.region"() ({
        %run_scoped3A_153 = tpu.sem_alloc : memref<!tpu.dma_semaphore, #tpu.memory_space<semaphore_mem>>
        %dma_start3A = tpu.memref_slice %arg10[%scan3A_141, %mul3A_144] : memref<16x1280xf32, #tpu.memory_space<vmem_shared>> -> memref<1x80xf32, #tpu.memory_space<vmem_shared>>
        %dma_start3A_154 = tpu.memref_squeeze %dma_start3A : memref<1x80xf32, #tpu.memory_space<vmem_shared>> -> memref<80xf32, #tpu.memory_space<vmem_shared>>
        %dma_start3A_155 = tpu.memref_slice %arg10[%scan3A_141, %mul3A_144] : memref<16x1280xf32, #tpu.memory_space<vmem_shared>> -> memref<1x80xf32, #tpu.memory_space<vmem_shared>>
        %dma_start3A_156 = tpu.memref_squeeze %dma_start3A_155 : memref<1x80xf32, #tpu.memory_space<vmem_shared>> -> memref<80xf32, #tpu.memory_space<vmem_shared>>
        tpu.enqueue_dma source(%dma_start3A_156 : memref<80xf32, #tpu.memory_space<vmem_shared>>) target(%arg9 : memref<80xf32, #tpu.memory_space<vmem>>) target_semaphore(%run_scoped3A_153 : memref<!tpu.dma_semaphore, #tpu.memory_space<semaphore_mem>>)
        %dma_wait3A = tpu.memref_slice %arg10[%scan3A_141, %mul3A_144] : memref<16x1280xf32, #tpu.memory_space<vmem_shared>> -> memref<1x80xf32, #tpu.memory_space<vmem_shared>>
        %dma_wait3A_157 = tpu.memref_squeeze %dma_wait3A : memref<1x80xf32, #tpu.memory_space<vmem_shared>> -> memref<80xf32, #tpu.memory_space<vmem_shared>>
        %dma_wait3A_158 = tpu.memref_slice %arg10[%scan3A_141, %mul3A_144] : memref<16x1280xf32, #tpu.memory_space<vmem_shared>> -> memref<1x80xf32, #tpu.memory_space<vmem_shared>>
        %dma_wait3A_159 = tpu.memref_squeeze %dma_wait3A_158 : memref<1x80xf32, #tpu.memory_space<vmem_shared>> -> memref<80xf32, #tpu.memory_space<vmem_shared>>
        tpu.wait_dma2 semaphore(%run_scoped3A_153 : memref<!tpu.dma_semaphore, #tpu.memory_space<semaphore_mem>>) src(%dma_wait3A_159 : memref<80xf32, #tpu.memory_space<vmem_shared>>) dst(%arg9 : memref<80xf32, #tpu.memory_space<vmem>>)
        tpu.yield
      }) : () -> ()
      %scan3A_145 = arith.constant 0 : i32
      %scan3A_146 = arith.constant 0 : i32
      %scan3A_147 = arith.constant 5 : i32
      %scan3A_148 = arith.addi %scan3A_146, %scan3A_147 : i32
      %scan3A_149 = arith.constant 1 : i32
      %scan3A_150 = scf.for %scan3A_153 = %scan3A_146 to %scan3A_148 step %scan3A_149 iter_args(%scan3A_154 = %scan3A_145) -> (i32)  : i32 {
        %mul3A_155 = arith.constant 16 : i32
        %mul3A_156 = arith.muli %scan3A_153, %mul3A_155 : i32
        %get3A = arith.index_cast %mul3A_156 : i32 to index
        %get3A_157 = tpu.vector_load %arg8[%get3A] {strides = array<i32>} : memref<80xf32, #tpu.memory_space<vmem>>, vector<16xf32>,
        %get3A_158 = arith.index_cast %mul3A_156 : i32 to index
        %get3A_159 = tpu.vector_load %arg9[%get3A_158] {strides = array<i32>} : memref<80xf32, #tpu.memory_space<vmem>>, vector<16xf32>,
        %add3A_160 = arith.addf %get3A_157, %get3A_159 : vector<16xf32>
        %swap3A = arith.index_cast %mul3A_156 : i32 to index
        %swap3A_161 = tpu.vector_load %arg8[%swap3A] {strides = array<i32>} : memref<80xf32, #tpu.memory_space<vmem>>, vector<16xf32>,
        tpu.vector_store %arg8[%swap3A], %add3A_160 {strides = array<i32>} : memref<80xf32, #tpu.memory_space<vmem>>, vector<16xf32>,
        %scan3A_162 = arith.constant 0 : i32
        scf.yield %scan3A_162 : i32
      }
      %scan3A_151 = arith.constant 5 : i32
      %scan3A_152 = arith.constant 0 : i32
      scf.yield %scan3A_152 : i32
    }
    %scan3A_119 = arith.constant 15 : i32
    %mul3A_120 = arith.constant 80 : i32
    %mul3A_121 = arith.muli %arg1, %mul3A_120 : i32
    %add3A_122 = arith.constant 7680 : i32
    %add3A_123 = arith.addi %add3A_122, %mul3A_121 : i32
    "tpu.region"() ({
      %run_scoped3A_141 = tpu.sem_alloc : memref<!tpu.dma_semaphore, #tpu.memory_space<semaphore_mem>>
      %dma_start3A = tpu.memref_slice %arg4[%arg0, %add3A_123] : memref<2x10240xf32, #tpu.memory_space<hbm>> -> memref<1x80xf32, #tpu.memory_space<hbm>>
      %dma_start3A_142 = tpu.memref_squeeze %dma_start3A : memref<1x80xf32, #tpu.memory_space<hbm>> -> memref<80xf32, #tpu.memory_space<hbm>>
      %dma_start3A_143 = tpu.memref_slice %arg4[%arg0, %add3A_123] : memref<2x10240xf32, #tpu.memory_space<hbm>> -> memref<1x80xf32, #tpu.memory_space<hbm>>
      %dma_start3A_144 = tpu.memref_squeeze %dma_start3A_143 : memref<1x80xf32, #tpu.memory_space<hbm>> -> memref<80xf32, #tpu.memory_space<hbm>>
      tpu.enqueue_dma source(%arg8 : memref<80xf32, #tpu.memory_space<vmem>>) target(%dma_start3A_144 : memref<80xf32, #tpu.memory_space<hbm>>) target_semaphore(%run_scoped3A_141 : memref<!tpu.dma_semaphore, #tpu.memory_space<semaphore_mem>>)
      %dma_wait3A = tpu.memref_slice %arg4[%arg0, %add3A_123] : memref<2x10240xf32, #tpu.memory_space<hbm>> -> memref<1x80xf32, #tpu.memory_space<hbm>>
      %dma_wait3A_145 = tpu.memref_squeeze %dma_wait3A : memref<1x80xf32, #tpu.memory_space<hbm>> -> memref<80xf32, #tpu.memory_space<hbm>>
      %dma_wait3A_146 = tpu.memref_slice %arg4[%arg0, %add3A_123] : memref<2x10240xf32, #tpu.memory_space<hbm>> -> memref<1x80xf32, #tpu.memory_space<hbm>>
      %dma_wait3A_147 = tpu.memref_squeeze %dma_wait3A_146 : memref<1x80xf32, #tpu.memory_space<hbm>> -> memref<80xf32, #tpu.memory_space<hbm>>
      tpu.wait_dma2 semaphore(%run_scoped3A_141 : memref<!tpu.dma_semaphore, #tpu.memory_space<semaphore_mem>>) src(%arg8 : memref<80xf32, #tpu.memory_space<vmem>>) dst(%dma_wait3A_147 : memref<80xf32, #tpu.memory_space<hbm>>)
      tpu.yield
    }) : () -> ()
    %barrier3A_124 = arith.constant 0 : index
    tpu.barrier barrier_id(%barrier3A_124)
    "tpu.region"() ({
      %run_scoped3A_141 = tpu.sem_alloc : memref<!tpu.dma_semaphore, #tpu.memory_space<semaphore_mem>>
      %dma_start3A = arith.constant 8960 : i32
      %dma_start3A_142 = tpu.memref_slice %arg7[%dma_start3A] : memref<10240xf32, #tpu.memory_space<vmem>> -> memref<1280xf32, #tpu.memory_space<vmem>>
      %dma_start3A_143 = arith.constant 0 : i32
      %dma_start3A_144 = tpu.memref_slice %arg10[%arg1, %dma_start3A_143] : memref<16x1280xf32, #tpu.memory_space<vmem_shared>> -> memref<1x1280xf32, #tpu.memory_space<vmem_shared>>
      %dma_start3A_145 = tpu.memref_squeeze %dma_start3A_144 : memref<1x1280xf32, #tpu.memory_space<vmem_shared>> -> memref<1280xf32, #tpu.memory_space<vmem_shared>>
      %dma_start3A_146 = arith.constant 0 : i32
      %dma_start3A_147 = tpu.memref_slice %arg10[%arg1, %dma_start3A_146] : memref<16x1280xf32, #tpu.memory_space<vmem_shared>> -> memref<1x1280xf32, #tpu.memory_space<vmem_shared>>
      %dma_start3A_148 = tpu.memref_squeeze %dma_start3A_147 : memref<1x1280xf32, #tpu.memory_space<vmem_shared>> -> memref<1280xf32, #tpu.memory_space<vmem_shared>>
      %dma_start3A_149 = arith.constant 8960 : i32
      %dma_start3A_150 = tpu.memref_slice %arg7[%dma_start3A_149] : memref<10240xf32, #tpu.memory_space<vmem>> -> memref<1280xf32, #tpu.memory_space<vmem>>
      tpu.enqueue_dma source(%dma_start3A_150 : memref<1280xf32, #tpu.memory_space<vmem>>) target(%dma_start3A_148 : memref<1280xf32, #tpu.memory_space<vmem_shared>>) target_semaphore(%run_scoped3A_141 : memref<!tpu.dma_semaphore, #tpu.memory_space<semaphore_mem>>)
      %dma_wait3A = arith.constant 8960 : i32
      %dma_wait3A_151 = tpu.memref_slice %arg7[%dma_wait3A] : memref<10240xf32, #tpu.memory_space<vmem>> -> memref<1280xf32, #tpu.memory_space<vmem>>
      %dma_wait3A_152 = arith.constant 0 : i32
      %dma_wait3A_153 = tpu.memref_slice %arg10[%arg1, %dma_wait3A_152] : memref<16x1280xf32, #tpu.memory_space<vmem_shared>> -> memref<1x1280xf32, #tpu.memory_space<vmem_shared>>
      %dma_wait3A_154 = tpu.memref_squeeze %dma_wait3A_153 : memref<1x1280xf32, #tpu.memory_space<vmem_shared>> -> memref<1280xf32, #tpu.memory_space<vmem_shared>>
      %dma_wait3A_155 = arith.constant 0 : i32
      %dma_wait3A_156 = tpu.memref_slice %arg10[%arg1, %dma_wait3A_155] : memref<16x1280xf32, #tpu.memory_space<vmem_shared>> -> memref<1x1280xf32, #tpu.memory_space<vmem_shared>>
      %dma_wait3A_157 = tpu.memref_squeeze %dma_wait3A_156 : memref<1x1280xf32, #tpu.memory_space<vmem_shared>> -> memref<1280xf32, #tpu.memory_space<vmem_shared>>
      %dma_wait3A_158 = arith.constant 8960 : i32
      %dma_wait3A_159 = tpu.memref_slice %arg7[%dma_wait3A_158] : memref<10240xf32, #tpu.memory_space<vmem>> -> memref<1280xf32, #tpu.memory_space<vmem>>
      tpu.wait_dma2 semaphore(%run_scoped3A_141 : memref<!tpu.dma_semaphore, #tpu.memory_space<semaphore_mem>>) src(%dma_wait3A_159 : memref<1280xf32, #tpu.memory_space<vmem>>) dst(%dma_wait3A_157 : memref<1280xf32, #tpu.memory_space<vmem_shared>>)
      tpu.yield
    }) : () -> ()
    %barrier3A_125 = arith.constant 0 : index
    tpu.barrier barrier_id(%barrier3A_125)
    %mul3A_126 = arith.constant 80 : i32
    %mul3A_127 = arith.muli %arg1, %mul3A_126 : i32
    %run_scoped3A_128 = arith.constant 0 : i32
    "tpu.region"() ({
      %run_scoped3A_141 = tpu.sem_alloc : memref<!tpu.dma_semaphore, #tpu.memory_space<semaphore_mem>>
      %dma_start3A = tpu.memref_slice %arg10[%run_scoped3A_128, %mul3A_127] : memref<16x1280xf32, #tpu.memory_space<vmem_shared>> -> memref<1x80xf32, #tpu.memory_space<vmem_shared>>
      %dma_start3A_142 = tpu.memref_squeeze %dma_start3A : memref<1x80xf32, #tpu.memory_space<vmem_shared>> -> memref<80xf32, #tpu.memory_space<vmem_shared>>
      %dma_start3A_143 = tpu.memref_slice %arg10[%run_scoped3A_128, %mul3A_127] : memref<16x1280xf32, #tpu.memory_space<vmem_shared>> -> memref<1x80xf32, #tpu.memory_space<vmem_shared>>
      %dma_start3A_144 = tpu.memref_squeeze %dma_start3A_143 : memref<1x80xf32, #tpu.memory_space<vmem_shared>> -> memref<80xf32, #tpu.memory_space<vmem_shared>>
      tpu.enqueue_dma source(%dma_start3A_144 : memref<80xf32, #tpu.memory_space<vmem_shared>>) target(%arg8 : memref<80xf32, #tpu.memory_space<vmem>>) target_semaphore(%run_scoped3A_141 : memref<!tpu.dma_semaphore, #tpu.memory_space<semaphore_mem>>)
      %dma_wait3A = tpu.memref_slice %arg10[%run_scoped3A_128, %mul3A_127] : memref<16x1280xf32, #tpu.memory_space<vmem_shared>> -> memref<1x80xf32, #tpu.memory_space<vmem_shared>>
      %dma_wait3A_145 = tpu.memref_squeeze %dma_wait3A : memref<1x80xf32, #tpu.memory_space<vmem_shared>> -> memref<80xf32, #tpu.memory_space<vmem_shared>>
      %dma_wait3A_146 = tpu.memref_slice %arg10[%run_scoped3A_128, %mul3A_127] : memref<16x1280xf32, #tpu.memory_space<vmem_shared>> -> memref<1x80xf32, #tpu.memory_space<vmem_shared>>
      %dma_wait3A_147 = tpu.memref_squeeze %dma_wait3A_146 : memref<1x80xf32, #tpu.memory_space<vmem_shared>> -> memref<80xf32, #tpu.memory_space<vmem_shared>>
      tpu.wait_dma2 semaphore(%run_scoped3A_141 : memref<!tpu.dma_semaphore, #tpu.memory_space<semaphore_mem>>) src(%dma_wait3A_147 : memref<80xf32, #tpu.memory_space<vmem_shared>>) dst(%arg8 : memref<80xf32, #tpu.memory_space<vmem>>)
      tpu.yield
    }) : () -> ()
    %scan3A_129 = arith.constant 0 : i32
    %scan3A_130 = arith.constant 1 : i32
    %scan3A_131 = arith.constant 15 : i32
    %scan3A_132 = arith.addi %scan3A_130, %scan3A_131 : i32
    %scan3A_133 = arith.constant 1 : i32
    %scan3A_134 = scf.for %scan3A_141 = %scan3A_130 to %scan3A_132 step %scan3A_133 iter_args(%scan3A_142 = %scan3A_129) -> (i32)  : i32 {
      %mul3A_143 = arith.constant 80 : i32
      %mul3A_144 = arith.muli %arg1, %mul3A_143 : i32
      "tpu.region"() ({
        %run_scoped3A_153 = tpu.sem_alloc : memref<!tpu.dma_semaphore, #tpu.memory_space<semaphore_mem>>
        %dma_start3A = tpu.memref_slice %arg10[%scan3A_141, %mul3A_144] : memref<16x1280xf32, #tpu.memory_space<vmem_shared>> -> memref<1x80xf32, #tpu.memory_space<vmem_shared>>
        %dma_start3A_154 = tpu.memref_squeeze %dma_start3A : memref<1x80xf32, #tpu.memory_space<vmem_shared>> -> memref<80xf32, #tpu.memory_space<vmem_shared>>
        %dma_start3A_155 = tpu.memref_slice %arg10[%scan3A_141, %mul3A_144] : memref<16x1280xf32, #tpu.memory_space<vmem_shared>> -> memref<1x80xf32, #tpu.memory_space<vmem_shared>>
        %dma_start3A_156 = tpu.memref_squeeze %dma_start3A_155 : memref<1x80xf32, #tpu.memory_space<vmem_shared>> -> memref<80xf32, #tpu.memory_space<vmem_shared>>
        tpu.enqueue_dma source(%dma_start3A_156 : memref<80xf32, #tpu.memory_space<vmem_shared>>) target(%arg9 : memref<80xf32, #tpu.memory_space<vmem>>) target_semaphore(%run_scoped3A_153 : memref<!tpu.dma_semaphore, #tpu.memory_space<semaphore_mem>>)
        %dma_wait3A = tpu.memref_slice %arg10[%scan3A_141, %mul3A_144] : memref<16x1280xf32, #tpu.memory_space<vmem_shared>> -> memref<1x80xf32, #tpu.memory_space<vmem_shared>>
        %dma_wait3A_157 = tpu.memref_squeeze %dma_wait3A : memref<1x80xf32, #tpu.memory_space<vmem_shared>> -> memref<80xf32, #tpu.memory_space<vmem_shared>>
        %dma_wait3A_158 = tpu.memref_slice %arg10[%scan3A_141, %mul3A_144] : memref<16x1280xf32, #tpu.memory_space<vmem_shared>> -> memref<1x80xf32, #tpu.memory_space<vmem_shared>>
        %dma_wait3A_159 = tpu.memref_squeeze %dma_wait3A_158 : memref<1x80xf32, #tpu.memory_space<vmem_shared>> -> memref<80xf32, #tpu.memory_space<vmem_shared>>
        tpu.wait_dma2 semaphore(%run_scoped3A_153 : memref<!tpu.dma_semaphore, #tpu.memory_space<semaphore_mem>>) src(%dma_wait3A_159 : memref<80xf32, #tpu.memory_space<vmem_shared>>) dst(%arg9 : memref<80xf32, #tpu.memory_space<vmem>>)
        tpu.yield
      }) : () -> ()
      %scan3A_145 = arith.constant 0 : i32
      %scan3A_146 = arith.constant 0 : i32
      %scan3A_147 = arith.constant 5 : i32
      %scan3A_148 = arith.addi %scan3A_146, %scan3A_147 : i32
      %scan3A_149 = arith.constant 1 : i32
      %scan3A_150 = scf.for %scan3A_153 = %scan3A_146 to %scan3A_148 step %scan3A_149 iter_args(%scan3A_154 = %scan3A_145) -> (i32)  : i32 {
        %mul3A_155 = arith.constant 16 : i32
        %mul3A_156 = arith.muli %scan3A_153, %mul3A_155 : i32
        %get3A = arith.index_cast %mul3A_156 : i32 to index
        %get3A_157 = tpu.vector_load %arg8[%get3A] {strides = array<i32>} : memref<80xf32, #tpu.memory_space<vmem>>, vector<16xf32>,
        %get3A_158 = arith.index_cast %mul3A_156 : i32 to index
        %get3A_159 = tpu.vector_load %arg9[%get3A_158] {strides = array<i32>} : memref<80xf32, #tpu.memory_space<vmem>>, vector<16xf32>,
        %add3A_160 = arith.addf %get3A_157, %get3A_159 : vector<16xf32>
        %swap3A = arith.index_cast %mul3A_156 : i32 to index
        %swap3A_161 = tpu.vector_load %arg8[%swap3A] {strides = array<i32>} : memref<80xf32, #tpu.memory_space<vmem>>, vector<16xf32>,
        tpu.vector_store %arg8[%swap3A], %add3A_160 {strides = array<i32>} : memref<80xf32, #tpu.memory_space<vmem>>, vector<16xf32>,
        %scan3A_162 = arith.constant 0 : i32
        scf.yield %scan3A_162 : i32
      }
      %scan3A_151 = arith.constant 5 : i32
      %scan3A_152 = arith.constant 0 : i32
      scf.yield %scan3A_152 : i32
    }
    %scan3A_135 = arith.constant 15 : i32
    %mul3A_136 = arith.constant 80 : i32
    %mul3A_137 = arith.muli %arg1, %mul3A_136 : i32
    %add3A_138 = arith.constant 8960 : i32
    %add3A_139 = arith.addi %add3A_138, %mul3A_137 : i32
    "tpu.region"() ({
      %run_scoped3A_141 = tpu.sem_alloc : memref<!tpu.dma_semaphore, #tpu.memory_space<semaphore_mem>>
      %dma_start3A = tpu.memref_slice %arg4[%arg0, %add3A_139] : memref<2x10240xf32, #tpu.memory_space<hbm>> -> memref<1x80xf32, #tpu.memory_space<hbm>>
      %dma_start3A_142 = tpu.memref_squeeze %dma_start3A : memref<1x80xf32, #tpu.memory_space<hbm>> -> memref<80xf32, #tpu.memory_space<hbm>>
      %dma_start3A_143 = tpu.memref_slice %arg4[%arg0, %add3A_139] : memref<2x10240xf32, #tpu.memory_space<hbm>> -> memref<1x80xf32, #tpu.memory_space<hbm>>
      %dma_start3A_144 = tpu.memref_squeeze %dma_start3A_143 : memref<1x80xf32, #tpu.memory_space<hbm>> -> memref<80xf32, #tpu.memory_space<hbm>>
      tpu.enqueue_dma source(%arg8 : memref<80xf32, #tpu.memory_space<vmem>>) target(%dma_start3A_144 : memref<80xf32, #tpu.memory_space<hbm>>) target_semaphore(%run_scoped3A_141 : memref<!tpu.dma_semaphore, #tpu.memory_space<semaphore_mem>>)
      %dma_wait3A = tpu.memref_slice %arg4[%arg0, %add3A_139] : memref<2x10240xf32, #tpu.memory_space<hbm>> -> memref<1x80xf32, #tpu.memory_space<hbm>>
      %dma_wait3A_145 = tpu.memref_squeeze %dma_wait3A : memref<1x80xf32, #tpu.memory_space<hbm>> -> memref<80xf32, #tpu.memory_space<hbm>>
      %dma_wait3A_146 = tpu.memref_slice %arg4[%arg0, %add3A_139] : memref<2x10240xf32, #tpu.memory_space<hbm>> -> memref<1x80xf32, #tpu.memory_space<hbm>>
      %dma_wait3A_147 = tpu.memref_squeeze %dma_wait3A_146 : memref<1x80xf32, #tpu.memory_space<hbm>> -> memref<80xf32, #tpu.memory_space<hbm>>
      tpu.wait_dma2 semaphore(%run_scoped3A_141 : memref<!tpu.dma_semaphore, #tpu.memory_space<semaphore_mem>>) src(%arg8 : memref<80xf32, #tpu.memory_space<vmem>>) dst(%dma_wait3A_147 : memref<80xf32, #tpu.memory_space<hbm>>)
      tpu.yield
    }) : () -> ()
    %barrier3A_140 = arith.constant 0 : index
    tpu.barrier barrier_id(%barrier3A_140)
    return
  }
}

#map = affine_map<(d0, d1) -> (0, 0)>
#map1 = affine_map<(d0, d1) -> (0, 0, 0)>
#map2 = affine_map<(d0, d1) -> (0, 0, 0, 0)>
module attributes {stable_mosaic.version = 14 : i64} {
  func.func @body(%arg0: i32, %arg1: i32, %arg2: memref<10240x64xbf16, #tpu.memory_space<hbm>>, %arg3: memref<32x80x128xi32, #tpu.memory_space<hbm>>, %arg4: memref<32x80x128xi32, #tpu.memory_space<hbm>>, %arg5: memref<32x80x128xf32, #tpu.memory_space<hbm>>, %arg6: memref<2x10240xf32, #tpu.memory_space<hbm>>, %arg7: memref<2x1x10240x64xf32, #tpu.memory_space<hbm>>, %arg8: memref<80x128xi32, #tpu.memory_space<vmem>>, %arg9: memref<80x128xi32, #tpu.memory_space<vmem>>, %arg10: memref<80x128xi32, #tpu.memory_space<vmem>>, %arg11: memref<80x128xf32, #tpu.memory_space<vmem>>, %arg12: memref<10240xf32, #tpu.memory_space<vmem>>, %arg13: memref<10240xf32, #tpu.memory_space<vmem>>, %arg14: memref<128x64xbf16, #tpu.memory_space<vmem>>, %arg15: memref<128x64xbf16, #tpu.memory_space<vmem>>, %arg16: memref<128x64xf32, #tpu.memory_space<vmem>>, %arg17: memref<10240x64xf32, #tpu.memory_space<vmem_shared>>, %arg18: memref<!tpu.dma_semaphore, #tpu.memory_space<semaphore_mem>>, %arg19: memref<!tpu.dma_semaphore, #tpu.memory_space<semaphore_mem>>, %arg20: memref<!tpu.dma_semaphore, #tpu.memory_space<semaphore_mem>>, %arg21: memref<!tpu.dma_semaphore, #tpu.memory_space<semaphore_mem>>) attributes {dimension_semantics = [#tpu.dimension_semantics<core_parallel>, #tpu.dimension_semantics<subcore_parallel>], iteration_bounds = array<i64: 2, 16>, scalar_prefetch = 0 : i64, scratch_operands = 14 : i64, tpu.core_type = #tpu.core_type<sc_vector_subcore>, window_params = [{transform_indices = #map}, {transform_indices = #map1}, {transform_indices = #map1}, {transform_indices = #map1}, {transform_indices = #map}, {transform_indices = #map2}]} {
    %mul3A = arith.constant 2 : i32
    %mul3A_0 = arith.muli %arg1, %mul3A : i32
    %add3A = arith.addi %mul3A_0, %arg0 : i32
    "tpu.region"() ({
      %run_scoped3A_63 = tpu.sem_alloc : memref<!tpu.dma_semaphore, #tpu.memory_space<semaphore_mem>>
      %dma_start3A_64 = arith.constant 0 : i32
      %dma_start3A_65 = arith.constant 0 : i32
      %dma_start3A_66 = tpu.memref_slice %arg3[%add3A, %dma_start3A_64, %dma_start3A_65] : memref<32x80x128xi32, #tpu.memory_space<hbm>> -> memref<1x80x128xi32, #tpu.memory_space<hbm>>
      %dma_start3A_67 = tpu.memref_squeeze %dma_start3A_66 : memref<1x80x128xi32, #tpu.memory_space<hbm>> -> memref<80x128xi32, #tpu.memory_space<hbm>>
      %dma_start3A_68 = arith.constant 0 : i32
      %dma_start3A_69 = arith.constant 0 : i32
      %dma_start3A_70 = tpu.memref_slice %arg3[%add3A, %dma_start3A_68, %dma_start3A_69] : memref<32x80x128xi32, #tpu.memory_space<hbm>> -> memref<1x80x128xi32, #tpu.memory_space<hbm>>
      %dma_start3A_71 = tpu.memref_squeeze %dma_start3A_70 : memref<1x80x128xi32, #tpu.memory_space<hbm>> -> memref<80x128xi32, #tpu.memory_space<hbm>>
      tpu.enqueue_dma source(%dma_start3A_71 : memref<80x128xi32, #tpu.memory_space<hbm>>) target(%arg8 : memref<80x128xi32, #tpu.memory_space<vmem>>) target_semaphore(%run_scoped3A_63 : memref<!tpu.dma_semaphore, #tpu.memory_space<semaphore_mem>>)
      %dma_wait3A = arith.constant 0 : i32
      %dma_wait3A_72 = arith.constant 0 : i32
      %dma_wait3A_73 = tpu.memref_slice %arg3[%add3A, %dma_wait3A, %dma_wait3A_72] : memref<32x80x128xi32, #tpu.memory_space<hbm>> -> memref<1x80x128xi32, #tpu.memory_space<hbm>>
      %dma_wait3A_74 = tpu.memref_squeeze %dma_wait3A_73 : memref<1x80x128xi32, #tpu.memory_space<hbm>> -> memref<80x128xi32, #tpu.memory_space<hbm>>
      %dma_wait3A_75 = arith.constant 0 : i32
      %dma_wait3A_76 = arith.constant 0 : i32
      %dma_wait3A_77 = tpu.memref_slice %arg3[%add3A, %dma_wait3A_75, %dma_wait3A_76] : memref<32x80x128xi32, #tpu.memory_space<hbm>> -> memref<1x80x128xi32, #tpu.memory_space<hbm>>
      %dma_wait3A_78 = tpu.memref_squeeze %dma_wait3A_77 : memref<1x80x128xi32, #tpu.memory_space<hbm>> -> memref<80x128xi32, #tpu.memory_space<hbm>>
      tpu.wait_dma2 semaphore(%run_scoped3A_63 : memref<!tpu.dma_semaphore, #tpu.memory_space<semaphore_mem>>) src(%dma_wait3A_78 : memref<80x128xi32, #tpu.memory_space<hbm>>) dst(%arg8 : memref<80x128xi32, #tpu.memory_space<vmem>>)
      tpu.yield
    }) : () -> ()
    "tpu.region"() ({
      %run_scoped3A_63 = tpu.sem_alloc : memref<!tpu.dma_semaphore, #tpu.memory_space<semaphore_mem>>
      %dma_start3A_64 = arith.constant 0 : i32
      %dma_start3A_65 = arith.constant 0 : i32
      %dma_start3A_66 = tpu.memref_slice %arg4[%add3A, %dma_start3A_64, %dma_start3A_65] : memref<32x80x128xi32, #tpu.memory_space<hbm>> -> memref<1x80x128xi32, #tpu.memory_space<hbm>>
      %dma_start3A_67 = tpu.memref_squeeze %dma_start3A_66 : memref<1x80x128xi32, #tpu.memory_space<hbm>> -> memref<80x128xi32, #tpu.memory_space<hbm>>
      %dma_start3A_68 = arith.constant 0 : i32
      %dma_start3A_69 = arith.constant 0 : i32
      %dma_start3A_70 = tpu.memref_slice %arg4[%add3A, %dma_start3A_68, %dma_start3A_69] : memref<32x80x128xi32, #tpu.memory_space<hbm>> -> memref<1x80x128xi32, #tpu.memory_space<hbm>>
      %dma_start3A_71 = tpu.memref_squeeze %dma_start3A_70 : memref<1x80x128xi32, #tpu.memory_space<hbm>> -> memref<80x128xi32, #tpu.memory_space<hbm>>
      tpu.enqueue_dma source(%dma_start3A_71 : memref<80x128xi32, #tpu.memory_space<hbm>>) target(%arg9 : memref<80x128xi32, #tpu.memory_space<vmem>>) target_semaphore(%run_scoped3A_63 : memref<!tpu.dma_semaphore, #tpu.memory_space<semaphore_mem>>)
      %dma_wait3A = arith.constant 0 : i32
      %dma_wait3A_72 = arith.constant 0 : i32
      %dma_wait3A_73 = tpu.memref_slice %arg4[%add3A, %dma_wait3A, %dma_wait3A_72] : memref<32x80x128xi32, #tpu.memory_space<hbm>> -> memref<1x80x128xi32, #tpu.memory_space<hbm>>
      %dma_wait3A_74 = tpu.memref_squeeze %dma_wait3A_73 : memref<1x80x128xi32, #tpu.memory_space<hbm>> -> memref<80x128xi32, #tpu.memory_space<hbm>>
      %dma_wait3A_75 = arith.constant 0 : i32
      %dma_wait3A_76 = arith.constant 0 : i32
      %dma_wait3A_77 = tpu.memref_slice %arg4[%add3A, %dma_wait3A_75, %dma_wait3A_76] : memref<32x80x128xi32, #tpu.memory_space<hbm>> -> memref<1x80x128xi32, #tpu.memory_space<hbm>>
      %dma_wait3A_78 = tpu.memref_squeeze %dma_wait3A_77 : memref<1x80x128xi32, #tpu.memory_space<hbm>> -> memref<80x128xi32, #tpu.memory_space<hbm>>
      tpu.wait_dma2 semaphore(%run_scoped3A_63 : memref<!tpu.dma_semaphore, #tpu.memory_space<semaphore_mem>>) src(%dma_wait3A_78 : memref<80x128xi32, #tpu.memory_space<hbm>>) dst(%arg9 : memref<80x128xi32, #tpu.memory_space<vmem>>)
      tpu.yield
    }) : () -> ()
    "tpu.region"() ({
      %run_scoped3A_63 = tpu.sem_alloc : memref<!tpu.dma_semaphore, #tpu.memory_space<semaphore_mem>>
      %dma_start3A_64 = arith.constant 0 : i32
      %dma_start3A_65 = arith.constant 0 : i32
      %dma_start3A_66 = tpu.memref_slice %arg5[%add3A, %dma_start3A_64, %dma_start3A_65] : memref<32x80x128xf32, #tpu.memory_space<hbm>> -> memref<1x80x128xf32, #tpu.memory_space<hbm>>
      %dma_start3A_67 = tpu.memref_squeeze %dma_start3A_66 : memref<1x80x128xf32, #tpu.memory_space<hbm>> -> memref<80x128xf32, #tpu.memory_space<hbm>>
      %dma_start3A_68 = arith.constant 0 : i32
      %dma_start3A_69 = arith.constant 0 : i32
      %dma_start3A_70 = tpu.memref_slice %arg5[%add3A, %dma_start3A_68, %dma_start3A_69] : memref<32x80x128xf32, #tpu.memory_space<hbm>> -> memref<1x80x128xf32, #tpu.memory_space<hbm>>
      %dma_start3A_71 = tpu.memref_squeeze %dma_start3A_70 : memref<1x80x128xf32, #tpu.memory_space<hbm>> -> memref<80x128xf32, #tpu.memory_space<hbm>>
      tpu.enqueue_dma source(%dma_start3A_71 : memref<80x128xf32, #tpu.memory_space<hbm>>) target(%arg11 : memref<80x128xf32, #tpu.memory_space<vmem>>) target_semaphore(%run_scoped3A_63 : memref<!tpu.dma_semaphore, #tpu.memory_space<semaphore_mem>>)
      %dma_wait3A = arith.constant 0 : i32
      %dma_wait3A_72 = arith.constant 0 : i32
      %dma_wait3A_73 = tpu.memref_slice %arg5[%add3A, %dma_wait3A, %dma_wait3A_72] : memref<32x80x128xf32, #tpu.memory_space<hbm>> -> memref<1x80x128xf32, #tpu.memory_space<hbm>>
      %dma_wait3A_74 = tpu.memref_squeeze %dma_wait3A_73 : memref<1x80x128xf32, #tpu.memory_space<hbm>> -> memref<80x128xf32, #tpu.memory_space<hbm>>
      %dma_wait3A_75 = arith.constant 0 : i32
      %dma_wait3A_76 = arith.constant 0 : i32
      %dma_wait3A_77 = tpu.memref_slice %arg5[%add3A, %dma_wait3A_75, %dma_wait3A_76] : memref<32x80x128xf32, #tpu.memory_space<hbm>> -> memref<1x80x128xf32, #tpu.memory_space<hbm>>
      %dma_wait3A_78 = tpu.memref_squeeze %dma_wait3A_77 : memref<1x80x128xf32, #tpu.memory_space<hbm>> -> memref<80x128xf32, #tpu.memory_space<hbm>>
      tpu.wait_dma2 semaphore(%run_scoped3A_63 : memref<!tpu.dma_semaphore, #tpu.memory_space<semaphore_mem>>) src(%dma_wait3A_78 : memref<80x128xf32, #tpu.memory_space<hbm>>) dst(%arg11 : memref<80x128xf32, #tpu.memory_space<vmem>>)
      tpu.yield
    }) : () -> ()
    %run_scoped3A = arith.constant 0 : i32
    "tpu.region"() ({
      %run_scoped3A_63 = tpu.sem_alloc : memref<!tpu.dma_semaphore, #tpu.memory_space<semaphore_mem>>
      %dma_start3A_64 = arith.constant 0 : i32
      %dma_start3A_65 = tpu.memref_slice %arg6[%run_scoped3A, %dma_start3A_64] : memref<2x10240xf32, #tpu.memory_space<hbm>> -> memref<1x10240xf32, #tpu.memory_space<hbm>>
      %dma_start3A_66 = tpu.memref_squeeze %dma_start3A_65 : memref<1x10240xf32, #tpu.memory_space<hbm>> -> memref<10240xf32, #tpu.memory_space<hbm>>
      %dma_start3A_67 = arith.constant 0 : i32
      %dma_start3A_68 = tpu.memref_slice %arg6[%run_scoped3A, %dma_start3A_67] : memref<2x10240xf32, #tpu.memory_space<hbm>> -> memref<1x10240xf32, #tpu.memory_space<hbm>>
      %dma_start3A_69 = tpu.memref_squeeze %dma_start3A_68 : memref<1x10240xf32, #tpu.memory_space<hbm>> -> memref<10240xf32, #tpu.memory_space<hbm>>
      tpu.enqueue_dma source(%dma_start3A_69 : memref<10240xf32, #tpu.memory_space<hbm>>) target(%arg12 : memref<10240xf32, #tpu.memory_space<vmem>>) target_semaphore(%run_scoped3A_63 : memref<!tpu.dma_semaphore, #tpu.memory_space<semaphore_mem>>)
      %dma_wait3A = arith.constant 0 : i32
      %dma_wait3A_70 = tpu.memref_slice %arg6[%run_scoped3A, %dma_wait3A] : memref<2x10240xf32, #tpu.memory_space<hbm>> -> memref<1x10240xf32, #tpu.memory_space<hbm>>
      %dma_wait3A_71 = tpu.memref_squeeze %dma_wait3A_70 : memref<1x10240xf32, #tpu.memory_space<hbm>> -> memref<10240xf32, #tpu.memory_space<hbm>>
      %dma_wait3A_72 = arith.constant 0 : i32
      %dma_wait3A_73 = tpu.memref_slice %arg6[%run_scoped3A, %dma_wait3A_72] : memref<2x10240xf32, #tpu.memory_space<hbm>> -> memref<1x10240xf32, #tpu.memory_space<hbm>>
      %dma_wait3A_74 = tpu.memref_squeeze %dma_wait3A_73 : memref<1x10240xf32, #tpu.memory_space<hbm>> -> memref<10240xf32, #tpu.memory_space<hbm>>
      tpu.wait_dma2 semaphore(%run_scoped3A_63 : memref<!tpu.dma_semaphore, #tpu.memory_space<semaphore_mem>>) src(%dma_wait3A_74 : memref<10240xf32, #tpu.memory_space<hbm>>) dst(%arg12 : memref<10240xf32, #tpu.memory_space<vmem>>)
      tpu.yield
    }) : () -> ()
    %run_scoped3A_1 = arith.constant 1 : i32
    "tpu.region"() ({
      %run_scoped3A_63 = tpu.sem_alloc : memref<!tpu.dma_semaphore, #tpu.memory_space<semaphore_mem>>
      %dma_start3A_64 = arith.constant 0 : i32
      %dma_start3A_65 = tpu.memref_slice %arg6[%run_scoped3A_1, %dma_start3A_64] : memref<2x10240xf32, #tpu.memory_space<hbm>> -> memref<1x10240xf32, #tpu.memory_space<hbm>>
      %dma_start3A_66 = tpu.memref_squeeze %dma_start3A_65 : memref<1x10240xf32, #tpu.memory_space<hbm>> -> memref<10240xf32, #tpu.memory_space<hbm>>
      %dma_start3A_67 = arith.constant 0 : i32
      %dma_start3A_68 = tpu.memref_slice %arg6[%run_scoped3A_1, %dma_start3A_67] : memref<2x10240xf32, #tpu.memory_space<hbm>> -> memref<1x10240xf32, #tpu.memory_space<hbm>>
      %dma_start3A_69 = tpu.memref_squeeze %dma_start3A_68 : memref<1x10240xf32, #tpu.memory_space<hbm>> -> memref<10240xf32, #tpu.memory_space<hbm>>
      tpu.enqueue_dma source(%dma_start3A_69 : memref<10240xf32, #tpu.memory_space<hbm>>) target(%arg13 : memref<10240xf32, #tpu.memory_space<vmem>>) target_semaphore(%run_scoped3A_63 : memref<!tpu.dma_semaphore, #tpu.memory_space<semaphore_mem>>)
      %dma_wait3A = arith.constant 0 : i32
      %dma_wait3A_70 = tpu.memref_slice %arg6[%run_scoped3A_1, %dma_wait3A] : memref<2x10240xf32, #tpu.memory_space<hbm>> -> memref<1x10240xf32, #tpu.memory_space<hbm>>
      %dma_wait3A_71 = tpu.memref_squeeze %dma_wait3A_70 : memref<1x10240xf32, #tpu.memory_space<hbm>> -> memref<10240xf32, #tpu.memory_space<hbm>>
      %dma_wait3A_72 = arith.constant 0 : i32
      %dma_wait3A_73 = tpu.memref_slice %arg6[%run_scoped3A_1, %dma_wait3A_72] : memref<2x10240xf32, #tpu.memory_space<hbm>> -> memref<1x10240xf32, #tpu.memory_space<hbm>>
      %dma_wait3A_74 = tpu.memref_squeeze %dma_wait3A_73 : memref<1x10240xf32, #tpu.memory_space<hbm>> -> memref<10240xf32, #tpu.memory_space<hbm>>
      tpu.wait_dma2 semaphore(%run_scoped3A_63 : memref<!tpu.dma_semaphore, #tpu.memory_space<semaphore_mem>>) src(%dma_wait3A_74 : memref<10240xf32, #tpu.memory_space<hbm>>) dst(%arg13 : memref<10240xf32, #tpu.memory_space<vmem>>)
      tpu.yield
    }) : () -> ()
    %scan3A = arith.constant 0 : i32
    %scan3A_2 = arith.constant 0 : i32
    %scan3A_3 = arith.constant 640 : i32
    %scan3A_4 = arith.addi %scan3A_2, %scan3A_3 : i32
    %scan3A_5 = arith.constant 1 : i32
    %scan3A_6 = scf.for %scan3A_63 = %scan3A_2 to %scan3A_4 step %scan3A_5 iter_args(%scan3A_64 = %scan3A) -> (i32)  : i32 {
      %mul3A_65 = arith.constant 16 : i32
      %mul3A_66 = arith.muli %scan3A_63, %mul3A_65 : i32
      %get3A = arith.index_cast %mul3A_66 : i32 to index
      %get3A_67 = tpu.vector_load %arg12[%get3A] {strides = array<i32>} : memref<10240xf32, #tpu.memory_space<vmem>>, vector<16xf32>,
      %get3A_68 = arith.index_cast %mul3A_66 : i32 to index
      %get3A_69 = tpu.vector_load %arg13[%get3A_68] {strides = array<i32>} : memref<10240xf32, #tpu.memory_space<vmem>>, vector<16xf32>,
      %add3A_70 = arith.addf %get3A_67, %get3A_69 : vector<16xf32>
      %add3A_71 = arith.constant 1.000000e+00 : f32
      %add3A_72 = vector.broadcast %add3A_71 : f32 to vector<16xf32>
      %add3A_73 = arith.addf %add3A_70, %add3A_72 : vector<16xf32>
      %bitcast3A = vector.bitcast %add3A_73 : vector<16xf32> to vector<16xi32>
      %shift_right_arithmetic3A = arith.constant 1 : i32
      %shift_right_arithmetic3A_74 = vector.broadcast %shift_right_arithmetic3A : i32 to vector<16xi32>
      %shift_right_arithmetic3A_75 = arith.shrsi %bitcast3A, %shift_right_arithmetic3A_74 : vector<16xi32>
      %sub3A = arith.constant 1597463007 : i32
      %sub3A_76 = vector.broadcast %sub3A : i32 to vector<16xi32>
      %sub3A_77 = arith.subi %sub3A_76, %shift_right_arithmetic3A_75 : vector<16xi32>
      %bitcast3A_78 = vector.bitcast %sub3A_77 : vector<16xi32> to vector<16xf32>
      %mul3A_79 = arith.constant 5.000000e-01 : f32
      %mul3A_80 = vector.broadcast %mul3A_79 : f32 to vector<16xf32>
      %mul3A_81 = arith.mulf %mul3A_80, %add3A_73 : vector<16xf32>
      %mul3A_82 = arith.mulf %mul3A_81, %bitcast3A_78 : vector<16xf32>
      %mul3A_83 = arith.mulf %mul3A_82, %bitcast3A_78 : vector<16xf32>
      %sub3A_84 = arith.constant 1.500000e+00 : f32
      %sub3A_85 = vector.broadcast %sub3A_84 : f32 to vector<16xf32>
      %sub3A_86 = arith.subf %sub3A_85, %mul3A_83 : vector<16xf32>
      %mul3A_87 = arith.mulf %bitcast3A_78, %sub3A_86 : vector<16xf32>
      %mul3A_88 = arith.mulf %mul3A_81, %mul3A_87 : vector<16xf32>
      %mul3A_89 = arith.mulf %mul3A_88, %mul3A_87 : vector<16xf32>
      %sub3A_90 = arith.constant 1.500000e+00 : f32
      %sub3A_91 = vector.broadcast %sub3A_90 : f32 to vector<16xf32>
      %sub3A_92 = arith.subf %sub3A_91, %mul3A_89 : vector<16xf32>
      %mul3A_93 = arith.mulf %mul3A_87, %sub3A_92 : vector<16xf32>
      %mul3A_94 = arith.mulf %mul3A_81, %mul3A_93 : vector<16xf32>
      %mul3A_95 = arith.mulf %mul3A_94, %mul3A_93 : vector<16xf32>
      %sub3A_96 = arith.constant 1.500000e+00 : f32
      %sub3A_97 = vector.broadcast %sub3A_96 : f32 to vector<16xf32>
      %sub3A_98 = arith.subf %sub3A_97, %mul3A_95 : vector<16xf32>
      %mul3A_99 = arith.mulf %mul3A_93, %sub3A_98 : vector<16xf32>
      %swap3A = arith.index_cast %mul3A_66 : i32 to index
      %swap3A_100 = tpu.vector_load %arg12[%swap3A] {strides = array<i32>} : memref<10240xf32, #tpu.memory_space<vmem>>, vector<16xf32>,
      tpu.vector_store %arg12[%swap3A], %mul3A_99 {strides = array<i32>} : memref<10240xf32, #tpu.memory_space<vmem>>, vector<16xf32>,
      %scan3A_101 = arith.constant 0 : i32
      scf.yield %scan3A_101 : i32
    }
    %scan3A_7 = arith.constant 640 : i32
    %scan3A_8 = arith.constant 0 : i32
    %scan3A_9 = arith.constant 0 : i32
    %scan3A_10 = arith.constant 80 : i32
    %scan3A_11 = arith.addi %scan3A_9, %scan3A_10 : i32
    %scan3A_12 = arith.constant 1 : i32
    %scan3A_13 = scf.for %scan3A_63 = %scan3A_9 to %scan3A_11 step %scan3A_12 iter_args(%scan3A_64 = %scan3A_8) -> (i32)  : i32 {
      %get3A = arith.index_cast %scan3A_63 : i32 to index
      %get3A_65 = arith.constant 0 : index
      %get3A_66 = tpu.vector_load %arg8[%get3A, %get3A_65] {strides = array<i32>} : memref<80x128xi32, #tpu.memory_space<vmem>>, vector<16xi32>,
      %gather3A = tpu.vector_load_idx %arg12[%get3A_66] : memref<10240xf32, #tpu.memory_space<vmem>>[vector<16xi32>], vector<16xf32>,
      %get3A_67 = arith.index_cast %scan3A_63 : i32 to index
      %get3A_68 = arith.constant 0 : index
      %get3A_69 = tpu.vector_load %arg9[%get3A_67, %get3A_68] {strides = array<i32>} : memref<80x128xi32, #tpu.memory_space<vmem>>, vector<16xi32>,
      %gather3A_70 = tpu.vector_load_idx %arg12[%get3A_69] : memref<10240xf32, #tpu.memory_space<vmem>>[vector<16xi32>], vector<16xf32>,
      %get3A_71 = arith.index_cast %scan3A_63 : i32 to index
      %get3A_72 = arith.constant 0 : index
      %get3A_73 = tpu.vector_load %arg11[%get3A_71, %get3A_72] {strides = array<i32>} : memref<80x128xf32, #tpu.memory_space<vmem>>, vector<16xf32>,
      %mul3A_74 = arith.mulf %gather3A, %get3A_73 : vector<16xf32>
      %mul3A_75 = arith.mulf %mul3A_74, %gather3A_70 : vector<16xf32>
      %swap3A = arith.index_cast %scan3A_63 : i32 to index
      %swap3A_76 = arith.constant 0 : index
      %swap3A_77 = tpu.vector_load %arg11[%swap3A, %swap3A_76] {strides = array<i32>} : memref<80x128xf32, #tpu.memory_space<vmem>>, vector<16xf32>,
      tpu.vector_store %arg11[%swap3A, %swap3A_76], %mul3A_75 {strides = array<i32>} : memref<80x128xf32, #tpu.memory_space<vmem>>, vector<16xf32>,
      %get3A_78 = arith.index_cast %scan3A_63 : i32 to index
      %get3A_79 = arith.constant 16 : index
      %get3A_80 = tpu.vector_load %arg8[%get3A_78, %get3A_79] {strides = array<i32>} : memref<80x128xi32, #tpu.memory_space<vmem>>, vector<16xi32>,
      %gather3A_81 = tpu.vector_load_idx %arg12[%get3A_80] : memref<10240xf32, #tpu.memory_space<vmem>>[vector<16xi32>], vector<16xf32>,
      %get3A_82 = arith.index_cast %scan3A_63 : i32 to index
      %get3A_83 = arith.constant 16 : index
      %get3A_84 = tpu.vector_load %arg9[%get3A_82, %get3A_83] {strides = array<i32>} : memref<80x128xi32, #tpu.memory_space<vmem>>, vector<16xi32>,
      %gather3A_85 = tpu.vector_load_idx %arg12[%get3A_84] : memref<10240xf32, #tpu.memory_space<vmem>>[vector<16xi32>], vector<16xf32>,
      %get3A_86 = arith.index_cast %scan3A_63 : i32 to index
      %get3A_87 = arith.constant 16 : index
      %get3A_88 = tpu.vector_load %arg11[%get3A_86, %get3A_87] {strides = array<i32>} : memref<80x128xf32, #tpu.memory_space<vmem>>, vector<16xf32>,
      %mul3A_89 = arith.mulf %gather3A_81, %get3A_88 : vector<16xf32>
      %mul3A_90 = arith.mulf %mul3A_89, %gather3A_85 : vector<16xf32>
      %swap3A_91 = arith.index_cast %scan3A_63 : i32 to index
      %swap3A_92 = arith.constant 16 : index
      %swap3A_93 = tpu.vector_load %arg11[%swap3A_91, %swap3A_92] {strides = array<i32>} : memref<80x128xf32, #tpu.memory_space<vmem>>, vector<16xf32>,
      tpu.vector_store %arg11[%swap3A_91, %swap3A_92], %mul3A_90 {strides = array<i32>} : memref<80x128xf32, #tpu.memory_space<vmem>>, vector<16xf32>,
      %get3A_94 = arith.index_cast %scan3A_63 : i32 to index
      %get3A_95 = arith.constant 32 : index
      %get3A_96 = tpu.vector_load %arg8[%get3A_94, %get3A_95] {strides = array<i32>} : memref<80x128xi32, #tpu.memory_space<vmem>>, vector<16xi32>,
      %gather3A_97 = tpu.vector_load_idx %arg12[%get3A_96] : memref<10240xf32, #tpu.memory_space<vmem>>[vector<16xi32>], vector<16xf32>,
      %get3A_98 = arith.index_cast %scan3A_63 : i32 to index
      %get3A_99 = arith.constant 32 : index
      %get3A_100 = tpu.vector_load %arg9[%get3A_98, %get3A_99] {strides = array<i32>} : memref<80x128xi32, #tpu.memory_space<vmem>>, vector<16xi32>,
      %gather3A_101 = tpu.vector_load_idx %arg12[%get3A_100] : memref<10240xf32, #tpu.memory_space<vmem>>[vector<16xi32>], vector<16xf32>,
      %get3A_102 = arith.index_cast %scan3A_63 : i32 to index
      %get3A_103 = arith.constant 32 : index
      %get3A_104 = tpu.vector_load %arg11[%get3A_102, %get3A_103] {strides = array<i32>} : memref<80x128xf32, #tpu.memory_space<vmem>>, vector<16xf32>,
      %mul3A_105 = arith.mulf %gather3A_97, %get3A_104 : vector<16xf32>
      %mul3A_106 = arith.mulf %mul3A_105, %gather3A_101 : vector<16xf32>
      %swap3A_107 = arith.index_cast %scan3A_63 : i32 to index
      %swap3A_108 = arith.constant 32 : index
      %swap3A_109 = tpu.vector_load %arg11[%swap3A_107, %swap3A_108] {strides = array<i32>} : memref<80x128xf32, #tpu.memory_space<vmem>>, vector<16xf32>,
      tpu.vector_store %arg11[%swap3A_107, %swap3A_108], %mul3A_106 {strides = array<i32>} : memref<80x128xf32, #tpu.memory_space<vmem>>, vector<16xf32>,
      %get3A_110 = arith.index_cast %scan3A_63 : i32 to index
      %get3A_111 = arith.constant 48 : index
      %get3A_112 = tpu.vector_load %arg8[%get3A_110, %get3A_111] {strides = array<i32>} : memref<80x128xi32, #tpu.memory_space<vmem>>, vector<16xi32>,
      %gather3A_113 = tpu.vector_load_idx %arg12[%get3A_112] : memref<10240xf32, #tpu.memory_space<vmem>>[vector<16xi32>], vector<16xf32>,
      %get3A_114 = arith.index_cast %scan3A_63 : i32 to index
      %get3A_115 = arith.constant 48 : index
      %get3A_116 = tpu.vector_load %arg9[%get3A_114, %get3A_115] {strides = array<i32>} : memref<80x128xi32, #tpu.memory_space<vmem>>, vector<16xi32>,
      %gather3A_117 = tpu.vector_load_idx %arg12[%get3A_116] : memref<10240xf32, #tpu.memory_space<vmem>>[vector<16xi32>], vector<16xf32>,
      %get3A_118 = arith.index_cast %scan3A_63 : i32 to index
      %get3A_119 = arith.constant 48 : index
      %get3A_120 = tpu.vector_load %arg11[%get3A_118, %get3A_119] {strides = array<i32>} : memref<80x128xf32, #tpu.memory_space<vmem>>, vector<16xf32>,
      %mul3A_121 = arith.mulf %gather3A_113, %get3A_120 : vector<16xf32>
      %mul3A_122 = arith.mulf %mul3A_121, %gather3A_117 : vector<16xf32>
      %swap3A_123 = arith.index_cast %scan3A_63 : i32 to index
      %swap3A_124 = arith.constant 48 : index
      %swap3A_125 = tpu.vector_load %arg11[%swap3A_123, %swap3A_124] {strides = array<i32>} : memref<80x128xf32, #tpu.memory_space<vmem>>, vector<16xf32>,
      tpu.vector_store %arg11[%swap3A_123, %swap3A_124], %mul3A_122 {strides = array<i32>} : memref<80x128xf32, #tpu.memory_space<vmem>>, vector<16xf32>,
      %get3A_126 = arith.index_cast %scan3A_63 : i32 to index
      %get3A_127 = arith.constant 64 : index
      %get3A_128 = tpu.vector_load %arg8[%get3A_126, %get3A_127] {strides = array<i32>} : memref<80x128xi32, #tpu.memory_space<vmem>>, vector<16xi32>,
      %gather3A_129 = tpu.vector_load_idx %arg12[%get3A_128] : memref<10240xf32, #tpu.memory_space<vmem>>[vector<16xi32>], vector<16xf32>,
      %get3A_130 = arith.index_cast %scan3A_63 : i32 to index
      %get3A_131 = arith.constant 64 : index
      %get3A_132 = tpu.vector_load %arg9[%get3A_130, %get3A_131] {strides = array<i32>} : memref<80x128xi32, #tpu.memory_space<vmem>>, vector<16xi32>,
      %gather3A_133 = tpu.vector_load_idx %arg12[%get3A_132] : memref<10240xf32, #tpu.memory_space<vmem>>[vector<16xi32>], vector<16xf32>,
      %get3A_134 = arith.index_cast %scan3A_63 : i32 to index
      %get3A_135 = arith.constant 64 : index
      %get3A_136 = tpu.vector_load %arg11[%get3A_134, %get3A_135] {strides = array<i32>} : memref<80x128xf32, #tpu.memory_space<vmem>>, vector<16xf32>,
      %mul3A_137 = arith.mulf %gather3A_129, %get3A_136 : vector<16xf32>
      %mul3A_138 = arith.mulf %mul3A_137, %gather3A_133 : vector<16xf32>
      %swap3A_139 = arith.index_cast %scan3A_63 : i32 to index
      %swap3A_140 = arith.constant 64 : index
      %swap3A_141 = tpu.vector_load %arg11[%swap3A_139, %swap3A_140] {strides = array<i32>} : memref<80x128xf32, #tpu.memory_space<vmem>>, vector<16xf32>,
      tpu.vector_store %arg11[%swap3A_139, %swap3A_140], %mul3A_138 {strides = array<i32>} : memref<80x128xf32, #tpu.memory_space<vmem>>, vector<16xf32>,
      %get3A_142 = arith.index_cast %scan3A_63 : i32 to index
      %get3A_143 = arith.constant 80 : index
      %get3A_144 = tpu.vector_load %arg8[%get3A_142, %get3A_143] {strides = array<i32>} : memref<80x128xi32, #tpu.memory_space<vmem>>, vector<16xi32>,
      %gather3A_145 = tpu.vector_load_idx %arg12[%get3A_144] : memref<10240xf32, #tpu.memory_space<vmem>>[vector<16xi32>], vector<16xf32>,
      %get3A_146 = arith.index_cast %scan3A_63 : i32 to index
      %get3A_147 = arith.constant 80 : index
      %get3A_148 = tpu.vector_load %arg9[%get3A_146, %get3A_147] {strides = array<i32>} : memref<80x128xi32, #tpu.memory_space<vmem>>, vector<16xi32>,
      %gather3A_149 = tpu.vector_load_idx %arg12[%get3A_148] : memref<10240xf32, #tpu.memory_space<vmem>>[vector<16xi32>], vector<16xf32>,
      %get3A_150 = arith.index_cast %scan3A_63 : i32 to index
      %get3A_151 = arith.constant 80 : index
      %get3A_152 = tpu.vector_load %arg11[%get3A_150, %get3A_151] {strides = array<i32>} : memref<80x128xf32, #tpu.memory_space<vmem>>, vector<16xf32>,
      %mul3A_153 = arith.mulf %gather3A_145, %get3A_152 : vector<16xf32>
      %mul3A_154 = arith.mulf %mul3A_153, %gather3A_149 : vector<16xf32>
      %swap3A_155 = arith.index_cast %scan3A_63 : i32 to index
      %swap3A_156 = arith.constant 80 : index
      %swap3A_157 = tpu.vector_load %arg11[%swap3A_155, %swap3A_156] {strides = array<i32>} : memref<80x128xf32, #tpu.memory_space<vmem>>, vector<16xf32>,
      tpu.vector_store %arg11[%swap3A_155, %swap3A_156], %mul3A_154 {strides = array<i32>} : memref<80x128xf32, #tpu.memory_space<vmem>>, vector<16xf32>,
      %get3A_158 = arith.index_cast %scan3A_63 : i32 to index
      %get3A_159 = arith.constant 96 : index
      %get3A_160 = tpu.vector_load %arg8[%get3A_158, %get3A_159] {strides = array<i32>} : memref<80x128xi32, #tpu.memory_space<vmem>>, vector<16xi32>,
      %gather3A_161 = tpu.vector_load_idx %arg12[%get3A_160] : memref<10240xf32, #tpu.memory_space<vmem>>[vector<16xi32>], vector<16xf32>,
      %get3A_162 = arith.index_cast %scan3A_63 : i32 to index
      %get3A_163 = arith.constant 96 : index
      %get3A_164 = tpu.vector_load %arg9[%get3A_162, %get3A_163] {strides = array<i32>} : memref<80x128xi32, #tpu.memory_space<vmem>>, vector<16xi32>,
      %gather3A_165 = tpu.vector_load_idx %arg12[%get3A_164] : memref<10240xf32, #tpu.memory_space<vmem>>[vector<16xi32>], vector<16xf32>,
      %get3A_166 = arith.index_cast %scan3A_63 : i32 to index
      %get3A_167 = arith.constant 96 : index
      %get3A_168 = tpu.vector_load %arg11[%get3A_166, %get3A_167] {strides = array<i32>} : memref<80x128xf32, #tpu.memory_space<vmem>>, vector<16xf32>,
      %mul3A_169 = arith.mulf %gather3A_161, %get3A_168 : vector<16xf32>
      %mul3A_170 = arith.mulf %mul3A_169, %gather3A_165 : vector<16xf32>
      %swap3A_171 = arith.index_cast %scan3A_63 : i32 to index
      %swap3A_172 = arith.constant 96 : index
      %swap3A_173 = tpu.vector_load %arg11[%swap3A_171, %swap3A_172] {strides = array<i32>} : memref<80x128xf32, #tpu.memory_space<vmem>>, vector<16xf32>,
      tpu.vector_store %arg11[%swap3A_171, %swap3A_172], %mul3A_170 {strides = array<i32>} : memref<80x128xf32, #tpu.memory_space<vmem>>, vector<16xf32>,
      %get3A_174 = arith.index_cast %scan3A_63 : i32 to index
      %get3A_175 = arith.constant 112 : index
      %get3A_176 = tpu.vector_load %arg8[%get3A_174, %get3A_175] {strides = array<i32>} : memref<80x128xi32, #tpu.memory_space<vmem>>, vector<16xi32>,
      %gather3A_177 = tpu.vector_load_idx %arg12[%get3A_176] : memref<10240xf32, #tpu.memory_space<vmem>>[vector<16xi32>], vector<16xf32>,
      %get3A_178 = arith.index_cast %scan3A_63 : i32 to index
      %get3A_179 = arith.constant 112 : index
      %get3A_180 = tpu.vector_load %arg9[%get3A_178, %get3A_179] {strides = array<i32>} : memref<80x128xi32, #tpu.memory_space<vmem>>, vector<16xi32>,
      %gather3A_181 = tpu.vector_load_idx %arg12[%get3A_180] : memref<10240xf32, #tpu.memory_space<vmem>>[vector<16xi32>], vector<16xf32>,
      %get3A_182 = arith.index_cast %scan3A_63 : i32 to index
      %get3A_183 = arith.constant 112 : index
      %get3A_184 = tpu.vector_load %arg11[%get3A_182, %get3A_183] {strides = array<i32>} : memref<80x128xf32, #tpu.memory_space<vmem>>, vector<16xf32>,
      %mul3A_185 = arith.mulf %gather3A_177, %get3A_184 : vector<16xf32>
      %mul3A_186 = arith.mulf %mul3A_185, %gather3A_181 : vector<16xf32>
      %swap3A_187 = arith.index_cast %scan3A_63 : i32 to index
      %swap3A_188 = arith.constant 112 : index
      %swap3A_189 = tpu.vector_load %arg11[%swap3A_187, %swap3A_188] {strides = array<i32>} : memref<80x128xf32, #tpu.memory_space<vmem>>, vector<16xf32>,
      tpu.vector_store %arg11[%swap3A_187, %swap3A_188], %mul3A_186 {strides = array<i32>} : memref<80x128xf32, #tpu.memory_space<vmem>>, vector<16xf32>,
      %scan3A_190 = arith.constant 0 : i32
      scf.yield %scan3A_190 : i32
    }
    %scan3A_14 = arith.constant 80 : i32
    %broadcast_in_dim3A = arith.constant 0.000000e+00 : f32
    %broadcast_in_dim3A_15 = vector.broadcast %broadcast_in_dim3A : f32 to vector<16xf32>
    %mul3A_16 = arith.constant 640 : i32
    %mul3A_17 = arith.muli %arg1, %mul3A_16 : i32
    %scan3A_18 = arith.constant 0 : i32
    %scan3A_19 = arith.constant 0 : i32
    %scan3A_20 = arith.constant 128 : i32
    %scan3A_21 = arith.addi %scan3A_19, %scan3A_20 : i32
    %scan3A_22 = arith.constant 1 : i32
    %scan3A_23 = scf.for %scan3A_63 = %scan3A_19 to %scan3A_21 step %scan3A_22 iter_args(%scan3A_64 = %scan3A_18) -> (i32)  : i32 {
      %swap3A = arith.index_cast %scan3A_63 : i32 to index
      %swap3A_65 = arith.constant 0 : index
      %swap3A_66 = tpu.vector_load %arg16[%swap3A, %swap3A_65] {strides = array<i32>} : memref<128x64xf32, #tpu.memory_space<vmem>>, vector<16xf32>,
      tpu.vector_store %arg16[%swap3A, %swap3A_65], %broadcast_in_dim3A_15 {strides = array<i32>} : memref<128x64xf32, #tpu.memory_space<vmem>>, vector<16xf32>,
      %swap3A_67 = arith.index_cast %scan3A_63 : i32 to index
      %swap3A_68 = arith.constant 16 : index
      %swap3A_69 = tpu.vector_load %arg16[%swap3A_67, %swap3A_68] {strides = array<i32>} : memref<128x64xf32, #tpu.memory_space<vmem>>, vector<16xf32>,
      tpu.vector_store %arg16[%swap3A_67, %swap3A_68], %broadcast_in_dim3A_15 {strides = array<i32>} : memref<128x64xf32, #tpu.memory_space<vmem>>, vector<16xf32>,
      %swap3A_70 = arith.index_cast %scan3A_63 : i32 to index
      %swap3A_71 = arith.constant 32 : index
      %swap3A_72 = tpu.vector_load %arg16[%swap3A_70, %swap3A_71] {strides = array<i32>} : memref<128x64xf32, #tpu.memory_space<vmem>>, vector<16xf32>,
      tpu.vector_store %arg16[%swap3A_70, %swap3A_71], %broadcast_in_dim3A_15 {strides = array<i32>} : memref<128x64xf32, #tpu.memory_space<vmem>>, vector<16xf32>,
      %swap3A_73 = arith.index_cast %scan3A_63 : i32 to index
      %swap3A_74 = arith.constant 48 : index
      %swap3A_75 = tpu.vector_load %arg16[%swap3A_73, %swap3A_74] {strides = array<i32>} : memref<128x64xf32, #tpu.memory_space<vmem>>, vector<16xf32>,
      tpu.vector_store %arg16[%swap3A_73, %swap3A_74], %broadcast_in_dim3A_15 {strides = array<i32>} : memref<128x64xf32, #tpu.memory_space<vmem>>, vector<16xf32>,
      %scan3A_76 = arith.constant 0 : i32
      scf.yield %scan3A_76 : i32
    }
    %scan3A_24 = arith.constant 128 : i32
    %add3A_25 = arith.constant 0 : i32
    %add3A_26 = arith.addi %mul3A_17, %add3A_25 : i32
    "tpu.region"() ({
      %run_scoped3A_63 = tpu.sem_alloc : memref<!tpu.dma_semaphore, #tpu.memory_space<semaphore_mem>>
      %dma_start3A_64 = arith.constant 0 : i32
      %dma_start3A_65 = tpu.memref_slice %arg17[%add3A_26, %dma_start3A_64] : memref<10240x64xf32, #tpu.memory_space<vmem_shared>> -> memref<128x64xf32, #tpu.memory_space<vmem_shared>>
      %dma_start3A_66 = arith.constant 0 : i32
      %dma_start3A_67 = tpu.memref_slice %arg17[%add3A_26, %dma_start3A_66] : memref<10240x64xf32, #tpu.memory_space<vmem_shared>> -> memref<128x64xf32, #tpu.memory_space<vmem_shared>>
      tpu.enqueue_dma source(%arg16 : memref<128x64xf32, #tpu.memory_space<vmem>>) target(%dma_start3A_67 : memref<128x64xf32, #tpu.memory_space<vmem_shared>>) target_semaphore(%run_scoped3A_63 : memref<!tpu.dma_semaphore, #tpu.memory_space<semaphore_mem>>)
      %dma_wait3A = arith.constant 0 : i32
      %dma_wait3A_68 = tpu.memref_slice %arg17[%add3A_26, %dma_wait3A] : memref<10240x64xf32, #tpu.memory_space<vmem_shared>> -> memref<128x64xf32, #tpu.memory_space<vmem_shared>>
      %dma_wait3A_69 = arith.constant 0 : i32
      %dma_wait3A_70 = tpu.memref_slice %arg17[%add3A_26, %dma_wait3A_69] : memref<10240x64xf32, #tpu.memory_space<vmem_shared>> -> memref<128x64xf32, #tpu.memory_space<vmem_shared>>
      tpu.wait_dma2 semaphore(%run_scoped3A_63 : memref<!tpu.dma_semaphore, #tpu.memory_space<semaphore_mem>>) src(%arg16 : memref<128x64xf32, #tpu.memory_space<vmem>>) dst(%dma_wait3A_70 : memref<128x64xf32, #tpu.memory_space<vmem_shared>>)
      tpu.yield
    }) : () -> ()
    %add3A_27 = arith.constant 128 : i32
    %add3A_28 = arith.addi %mul3A_17, %add3A_27 : i32
    "tpu.region"() ({
      %run_scoped3A_63 = tpu.sem_alloc : memref<!tpu.dma_semaphore, #tpu.memory_space<semaphore_mem>>
      %dma_start3A_64 = arith.constant 0 : i32
      %dma_start3A_65 = tpu.memref_slice %arg17[%add3A_28, %dma_start3A_64] : memref<10240x64xf32, #tpu.memory_space<vmem_shared>> -> memref<128x64xf32, #tpu.memory_space<vmem_shared>>
      %dma_start3A_66 = arith.constant 0 : i32
      %dma_start3A_67 = tpu.memref_slice %arg17[%add3A_28, %dma_start3A_66] : memref<10240x64xf32, #tpu.memory_space<vmem_shared>> -> memref<128x64xf32, #tpu.memory_space<vmem_shared>>
      tpu.enqueue_dma source(%arg16 : memref<128x64xf32, #tpu.memory_space<vmem>>) target(%dma_start3A_67 : memref<128x64xf32, #tpu.memory_space<vmem_shared>>) target_semaphore(%run_scoped3A_63 : memref<!tpu.dma_semaphore, #tpu.memory_space<semaphore_mem>>)
      %dma_wait3A = arith.constant 0 : i32
      %dma_wait3A_68 = tpu.memref_slice %arg17[%add3A_28, %dma_wait3A] : memref<10240x64xf32, #tpu.memory_space<vmem_shared>> -> memref<128x64xf32, #tpu.memory_space<vmem_shared>>
      %dma_wait3A_69 = arith.constant 0 : i32
      %dma_wait3A_70 = tpu.memref_slice %arg17[%add3A_28, %dma_wait3A_69] : memref<10240x64xf32, #tpu.memory_space<vmem_shared>> -> memref<128x64xf32, #tpu.memory_space<vmem_shared>>
      tpu.wait_dma2 semaphore(%run_scoped3A_63 : memref<!tpu.dma_semaphore, #tpu.memory_space<semaphore_mem>>) src(%arg16 : memref<128x64xf32, #tpu.memory_space<vmem>>) dst(%dma_wait3A_70 : memref<128x64xf32, #tpu.memory_space<vmem_shared>>)
      tpu.yield
    }) : () -> ()
    %add3A_29 = arith.constant 256 : i32
    %add3A_30 = arith.addi %mul3A_17, %add3A_29 : i32
    "tpu.region"() ({
      %run_scoped3A_63 = tpu.sem_alloc : memref<!tpu.dma_semaphore, #tpu.memory_space<semaphore_mem>>
      %dma_start3A_64 = arith.constant 0 : i32
      %dma_start3A_65 = tpu.memref_slice %arg17[%add3A_30, %dma_start3A_64] : memref<10240x64xf32, #tpu.memory_space<vmem_shared>> -> memref<128x64xf32, #tpu.memory_space<vmem_shared>>
      %dma_start3A_66 = arith.constant 0 : i32
      %dma_start3A_67 = tpu.memref_slice %arg17[%add3A_30, %dma_start3A_66] : memref<10240x64xf32, #tpu.memory_space<vmem_shared>> -> memref<128x64xf32, #tpu.memory_space<vmem_shared>>
      tpu.enqueue_dma source(%arg16 : memref<128x64xf32, #tpu.memory_space<vmem>>) target(%dma_start3A_67 : memref<128x64xf32, #tpu.memory_space<vmem_shared>>) target_semaphore(%run_scoped3A_63 : memref<!tpu.dma_semaphore, #tpu.memory_space<semaphore_mem>>)
      %dma_wait3A = arith.constant 0 : i32
      %dma_wait3A_68 = tpu.memref_slice %arg17[%add3A_30, %dma_wait3A] : memref<10240x64xf32, #tpu.memory_space<vmem_shared>> -> memref<128x64xf32, #tpu.memory_space<vmem_shared>>
      %dma_wait3A_69 = arith.constant 0 : i32
      %dma_wait3A_70 = tpu.memref_slice %arg17[%add3A_30, %dma_wait3A_69] : memref<10240x64xf32, #tpu.memory_space<vmem_shared>> -> memref<128x64xf32, #tpu.memory_space<vmem_shared>>
      tpu.wait_dma2 semaphore(%run_scoped3A_63 : memref<!tpu.dma_semaphore, #tpu.memory_space<semaphore_mem>>) src(%arg16 : memref<128x64xf32, #tpu.memory_space<vmem>>) dst(%dma_wait3A_70 : memref<128x64xf32, #tpu.memory_space<vmem_shared>>)
      tpu.yield
    }) : () -> ()
    %add3A_31 = arith.constant 384 : i32
    %add3A_32 = arith.addi %mul3A_17, %add3A_31 : i32
    "tpu.region"() ({
      %run_scoped3A_63 = tpu.sem_alloc : memref<!tpu.dma_semaphore, #tpu.memory_space<semaphore_mem>>
      %dma_start3A_64 = arith.constant 0 : i32
      %dma_start3A_65 = tpu.memref_slice %arg17[%add3A_32, %dma_start3A_64] : memref<10240x64xf32, #tpu.memory_space<vmem_shared>> -> memref<128x64xf32, #tpu.memory_space<vmem_shared>>
      %dma_start3A_66 = arith.constant 0 : i32
      %dma_start3A_67 = tpu.memref_slice %arg17[%add3A_32, %dma_start3A_66] : memref<10240x64xf32, #tpu.memory_space<vmem_shared>> -> memref<128x64xf32, #tpu.memory_space<vmem_shared>>
      tpu.enqueue_dma source(%arg16 : memref<128x64xf32, #tpu.memory_space<vmem>>) target(%dma_start3A_67 : memref<128x64xf32, #tpu.memory_space<vmem_shared>>) target_semaphore(%run_scoped3A_63 : memref<!tpu.dma_semaphore, #tpu.memory_space<semaphore_mem>>)
      %dma_wait3A = arith.constant 0 : i32
      %dma_wait3A_68 = tpu.memref_slice %arg17[%add3A_32, %dma_wait3A] : memref<10240x64xf32, #tpu.memory_space<vmem_shared>> -> memref<128x64xf32, #tpu.memory_space<vmem_shared>>
      %dma_wait3A_69 = arith.constant 0 : i32
      %dma_wait3A_70 = tpu.memref_slice %arg17[%add3A_32, %dma_wait3A_69] : memref<10240x64xf32, #tpu.memory_space<vmem_shared>> -> memref<128x64xf32, #tpu.memory_space<vmem_shared>>
      tpu.wait_dma2 semaphore(%run_scoped3A_63 : memref<!tpu.dma_semaphore, #tpu.memory_space<semaphore_mem>>) src(%arg16 : memref<128x64xf32, #tpu.memory_space<vmem>>) dst(%dma_wait3A_70 : memref<128x64xf32, #tpu.memory_space<vmem_shared>>)
      tpu.yield
    }) : () -> ()
    %add3A_33 = arith.constant 512 : i32
    %add3A_34 = arith.addi %mul3A_17, %add3A_33 : i32
    "tpu.region"() ({
      %run_scoped3A_63 = tpu.sem_alloc : memref<!tpu.dma_semaphore, #tpu.memory_space<semaphore_mem>>
      %dma_start3A_64 = arith.constant 0 : i32
      %dma_start3A_65 = tpu.memref_slice %arg17[%add3A_34, %dma_start3A_64] : memref<10240x64xf32, #tpu.memory_space<vmem_shared>> -> memref<128x64xf32, #tpu.memory_space<vmem_shared>>
      %dma_start3A_66 = arith.constant 0 : i32
      %dma_start3A_67 = tpu.memref_slice %arg17[%add3A_34, %dma_start3A_66] : memref<10240x64xf32, #tpu.memory_space<vmem_shared>> -> memref<128x64xf32, #tpu.memory_space<vmem_shared>>
      tpu.enqueue_dma source(%arg16 : memref<128x64xf32, #tpu.memory_space<vmem>>) target(%dma_start3A_67 : memref<128x64xf32, #tpu.memory_space<vmem_shared>>) target_semaphore(%run_scoped3A_63 : memref<!tpu.dma_semaphore, #tpu.memory_space<semaphore_mem>>)
      %dma_wait3A = arith.constant 0 : i32
      %dma_wait3A_68 = tpu.memref_slice %arg17[%add3A_34, %dma_wait3A] : memref<10240x64xf32, #tpu.memory_space<vmem_shared>> -> memref<128x64xf32, #tpu.memory_space<vmem_shared>>
      %dma_wait3A_69 = arith.constant 0 : i32
      %dma_wait3A_70 = tpu.memref_slice %arg17[%add3A_34, %dma_wait3A_69] : memref<10240x64xf32, #tpu.memory_space<vmem_shared>> -> memref<128x64xf32, #tpu.memory_space<vmem_shared>>
      tpu.wait_dma2 semaphore(%run_scoped3A_63 : memref<!tpu.dma_semaphore, #tpu.memory_space<semaphore_mem>>) src(%arg16 : memref<128x64xf32, #tpu.memory_space<vmem>>) dst(%dma_wait3A_70 : memref<128x64xf32, #tpu.memory_space<vmem_shared>>)
      tpu.yield
    }) : () -> ()
    %barrier3A = arith.constant 0 : index
    tpu.barrier barrier_id(%barrier3A)
    %dma_start3A = arith.constant 0 : i32
    %dma_start3A_35 = arith.constant 0 : i32
    %dma_start3A_36 = arith.constant 0 : i32
    %dma_start3A_37 = tpu.memref_slice %arg14[%dma_start3A_35, %dma_start3A_36] : memref<128x64xbf16, #tpu.memory_space<vmem>> -> memref<64x64xbf16, #tpu.memory_space<vmem>>
    %dma_start3A_38 = arith.constant 0 : i32
    %dma_start3A_39 = tpu.memref_slice %arg8[%dma_start3A, %dma_start3A_38] : memref<80x128xi32, #tpu.memory_space<vmem>> -> memref<1x64xi32, #tpu.memory_space<vmem>>
    %dma_start3A_40 = tpu.memref_squeeze %dma_start3A_39 : memref<1x64xi32, #tpu.memory_space<vmem>> -> memref<64xi32, #tpu.memory_space<vmem>>
    %dma_start3A_41 = arith.constant 0 : i32
    %dma_start3A_42 = arith.constant 0 : i32
    %dma_start3A_43 = tpu.memref_slice %arg2[%dma_start3A_41, %dma_start3A_42] : memref<10240x64xbf16, #tpu.memory_space<hbm>> -> memref<10240x64xbf16, #tpu.memory_space<hbm>>
    tpu.enqueue_indirect_dma source(%dma_start3A_43 : memref<10240x64xbf16, #tpu.memory_space<hbm>>) target(%dma_start3A_37 : memref<64x64xbf16, #tpu.memory_space<vmem>>) offsets(%dma_start3A_40 : memref<64xi32, #tpu.memory_space<vmem>>) semaphore(%arg18 : memref<!tpu.dma_semaphore, #tpu.memory_space<semaphore_mem>>)
    %dma_start3A_44 = arith.constant 0 : i32
    %dma_start3A_45 = arith.constant 64 : i32
    %dma_start3A_46 = arith.constant 0 : i32
    %dma_start3A_47 = tpu.memref_slice %arg14[%dma_start3A_45, %dma_start3A_46] : memref<128x64xbf16, #tpu.memory_space<vmem>> -> memref<64x64xbf16, #tpu.memory_space<vmem>>
    %dma_start3A_48 = arith.constant 64 : i32
    %dma_start3A_49 = tpu.memref_slice %arg8[%dma_start3A_44, %dma_start3A_48] : memref<80x128xi32, #tpu.memory_space<vmem>> -> memref<1x64xi32, #tpu.memory_space<vmem>>
    %dma_start3A_50 = tpu.memref_squeeze %dma_start3A_49 : memref<1x64xi32, #tpu.memory_space<vmem>> -> memref<64xi32, #tpu.memory_space<vmem>>
    %dma_start3A_51 = arith.constant 0 : i32
    %dma_start3A_52 = arith.constant 0 : i32
    %dma_start3A_53 = tpu.memref_slice %arg2[%dma_start3A_51, %dma_start3A_52] : memref<10240x64xbf16, #tpu.memory_space<hbm>> -> memref<10240x64xbf16, #tpu.memory_space<hbm>>
    tpu.enqueue_indirect_dma source(%dma_start3A_53 : memref<10240x64xbf16, #tpu.memory_space<hbm>>) target(%dma_start3A_47 : memref<64x64xbf16, #tpu.memory_space<vmem>>) offsets(%dma_start3A_50 : memref<64xi32, #tpu.memory_space<vmem>>) semaphore(%arg20 : memref<!tpu.dma_semaphore, #tpu.memory_space<semaphore_mem>>)
    %scan3A_54 = arith.constant 0 : i32
    %scan3A_55 = arith.constant 0 : i32
    %scan3A_56 = arith.constant 40 : i32
    %scan3A_57 = arith.addi %scan3A_55, %scan3A_56 : i32
    %scan3A_58 = arith.constant 1 : i32
    %scan3A_59 = scf.for %scan3A_63 = %scan3A_55 to %scan3A_57 step %scan3A_58 iter_args(%scan3A_64 = %scan3A_54) -> (i32)  : i32 {
      %mul3A_65 = arith.constant 2 : i32
      %mul3A_66 = arith.muli %scan3A_63, %mul3A_65 : i32
      %add3A_67 = arith.constant 0 : i32
      %add3A_68 = arith.addi %mul3A_66, %add3A_67 : i32
      %add3A_69 = arith.constant 1 : i32
      %add3A_70 = arith.addi %add3A_68, %add3A_69 : i32
      %lt3A = arith.constant 80 : i32
      %lt3A_71 = arith.cmpi slt, %add3A_70, %lt3A : i32
      %convert_element_type3A = arith.extui %lt3A_71 : i1 to i32
      %cond3A = arith.constant 0 : i32
      %cond3A_72 = arith.cmpi ne, %convert_element_type3A, %cond3A : i32
      scf.if %cond3A_72 {
        %add3A_134 = arith.constant 1 : i32
        %add3A_135 = arith.addi %add3A_68, %add3A_134 : i32
        %dma_start3A_136 = arith.constant 0 : i32
        %dma_start3A_137 = arith.constant 0 : i32
        %dma_start3A_138 = tpu.memref_slice %arg15[%dma_start3A_136, %dma_start3A_137] : memref<128x64xbf16, #tpu.memory_space<vmem>> -> memref<64x64xbf16, #tpu.memory_space<vmem>>
        %dma_start3A_139 = arith.constant 0 : i32
        %dma_start3A_140 = tpu.memref_slice %arg8[%add3A_135, %dma_start3A_139] : memref<80x128xi32, #tpu.memory_space<vmem>> -> memref<1x64xi32, #tpu.memory_space<vmem>>
        %dma_start3A_141 = tpu.memref_squeeze %dma_start3A_140 : memref<1x64xi32, #tpu.memory_space<vmem>> -> memref<64xi32, #tpu.memory_space<vmem>>
        %dma_start3A_142 = arith.constant 0 : i32
        %dma_start3A_143 = arith.constant 0 : i32
        %dma_start3A_144 = tpu.memref_slice %arg2[%dma_start3A_142, %dma_start3A_143] : memref<10240x64xbf16, #tpu.memory_space<hbm>> -> memref<10240x64xbf16, #tpu.memory_space<hbm>>
        tpu.enqueue_indirect_dma source(%dma_start3A_144 : memref<10240x64xbf16, #tpu.memory_space<hbm>>) target(%dma_start3A_138 : memref<64x64xbf16, #tpu.memory_space<vmem>>) offsets(%dma_start3A_141 : memref<64xi32, #tpu.memory_space<vmem>>) semaphore(%arg19 : memref<!tpu.dma_semaphore, #tpu.memory_space<semaphore_mem>>)
        %add3A_145 = arith.constant 1 : i32
        %add3A_146 = arith.addi %add3A_68, %add3A_145 : i32
        %dma_start3A_147 = arith.constant 64 : i32
        %dma_start3A_148 = arith.constant 0 : i32
        %dma_start3A_149 = tpu.memref_slice %arg15[%dma_start3A_147, %dma_start3A_148] : memref<128x64xbf16, #tpu.memory_space<vmem>> -> memref<64x64xbf16, #tpu.memory_space<vmem>>
        %dma_start3A_150 = arith.constant 64 : i32
        %dma_start3A_151 = tpu.memref_slice %arg8[%add3A_146, %dma_start3A_150] : memref<80x128xi32, #tpu.memory_space<vmem>> -> memref<1x64xi32, #tpu.memory_space<vmem>>
        %dma_start3A_152 = tpu.memref_squeeze %dma_start3A_151 : memref<1x64xi32, #tpu.memory_space<vmem>> -> memref<64xi32, #tpu.memory_space<vmem>>
        %dma_start3A_153 = arith.constant 0 : i32
        %dma_start3A_154 = arith.constant 0 : i32
        %dma_start3A_155 = tpu.memref_slice %arg2[%dma_start3A_153, %dma_start3A_154] : memref<10240x64xbf16, #tpu.memory_space<hbm>> -> memref<10240x64xbf16, #tpu.memory_space<hbm>>
        tpu.enqueue_indirect_dma source(%dma_start3A_155 : memref<10240x64xbf16, #tpu.memory_space<hbm>>) target(%dma_start3A_149 : memref<64x64xbf16, #tpu.memory_space<vmem>>) offsets(%dma_start3A_152 : memref<64xi32, #tpu.memory_space<vmem>>) semaphore(%arg21 : memref<!tpu.dma_semaphore, #tpu.memory_space<semaphore_mem>>)
      } else {
      }
      %dma_wait3A = arith.constant 0 : i32
      %dma_wait3A_73 = arith.constant 0 : i32
      %dma_wait3A_74 = tpu.memref_slice %arg14[%dma_wait3A, %dma_wait3A_73] : memref<128x64xbf16, #tpu.memory_space<vmem>> -> memref<64x64xbf16, #tpu.memory_space<vmem>>
      %dma_wait3A_75 = arith.constant 0 : i32
      %dma_wait3A_76 = tpu.memref_slice %arg8[%add3A_68, %dma_wait3A_75] : memref<80x128xi32, #tpu.memory_space<vmem>> -> memref<1x64xi32, #tpu.memory_space<vmem>>
      %dma_wait3A_77 = tpu.memref_squeeze %dma_wait3A_76 : memref<1x64xi32, #tpu.memory_space<vmem>> -> memref<64xi32, #tpu.memory_space<vmem>>
      %dma_wait3A_78 = arith.constant 0 : i32
      %dma_wait3A_79 = arith.constant 0 : i32
      %dma_wait3A_80 = tpu.memref_slice %arg2[%dma_wait3A_78, %dma_wait3A_79] : memref<10240x64xbf16, #tpu.memory_space<hbm>> -> memref<10240x64xbf16, #tpu.memory_space<hbm>>
      tpu.wait_indirect_dma semaphore(%arg18 : memref<!tpu.dma_semaphore, #tpu.memory_space<semaphore_mem>>) src(%dma_wait3A_80 : memref<10240x64xbf16, #tpu.memory_space<hbm>>) dst(%dma_wait3A_74 : memref<64x64xbf16, #tpu.memory_space<vmem>>)
      %dma_wait3A_81 = arith.constant 64 : i32
      %dma_wait3A_82 = arith.constant 0 : i32
      %dma_wait3A_83 = tpu.memref_slice %arg14[%dma_wait3A_81, %dma_wait3A_82] : memref<128x64xbf16, #tpu.memory_space<vmem>> -> memref<64x64xbf16, #tpu.memory_space<vmem>>
      %dma_wait3A_84 = arith.constant 64 : i32
      %dma_wait3A_85 = tpu.memref_slice %arg8[%add3A_68, %dma_wait3A_84] : memref<80x128xi32, #tpu.memory_space<vmem>> -> memref<1x64xi32, #tpu.memory_space<vmem>>
      %dma_wait3A_86 = tpu.memref_squeeze %dma_wait3A_85 : memref<1x64xi32, #tpu.memory_space<vmem>> -> memref<64xi32, #tpu.memory_space<vmem>>
      %dma_wait3A_87 = arith.constant 0 : i32
      %dma_wait3A_88 = arith.constant 0 : i32
      %dma_wait3A_89 = tpu.memref_slice %arg2[%dma_wait3A_87, %dma_wait3A_88] : memref<10240x64xbf16, #tpu.memory_space<hbm>> -> memref<10240x64xbf16, #tpu.memory_space<hbm>>
      tpu.wait_indirect_dma semaphore(%arg20 : memref<!tpu.dma_semaphore, #tpu.memory_space<semaphore_mem>>) src(%dma_wait3A_89 : memref<10240x64xbf16, #tpu.memory_space<hbm>>) dst(%dma_wait3A_83 : memref<64x64xbf16, #tpu.memory_space<vmem>>)
      %scan3A_90 = arith.constant 0 : i32
      %scan3A_91 = arith.constant 0 : i32
      %scan3A_92 = arith.constant 128 : i32
      %scan3A_93 = arith.addi %scan3A_91, %scan3A_92 : i32
      %scan3A_94 = arith.constant 1 : i32
      %scan3A_95 = scf.for %scan3A_134 = %scan3A_91 to %scan3A_93 step %scan3A_94 iter_args(%scan3A_135 = %scan3A_90) -> (i32)  : i32 {
        %broadcast_in_dim3A_136 = arith.constant 0 : i32
        %broadcast_in_dim3A_137 = vector.broadcast %broadcast_in_dim3A_136 : i32 to vector<16xi32>
        %add3A_138 = vector.broadcast %scan3A_134 : i32 to vector<16xi32>
        %add3A_139 = arith.addi %broadcast_in_dim3A_137, %add3A_138 : vector<16xi32>
        %gather3A = arith.constant 0 : i32
        %gather3A_140 = tpu.memref_slice %arg11[%add3A_68, %gather3A] : memref<80x128xf32, #tpu.memory_space<vmem>> -> memref<1x128xf32, #tpu.memory_space<vmem>>
        %gather3A_141 = tpu.memref_squeeze %gather3A_140 : memref<1x128xf32, #tpu.memory_space<vmem>> -> memref<128xf32, #tpu.memory_space<vmem>>
        %gather3A_142 = tpu.vector_load_idx %gather3A_141[%add3A_139] : memref<128xf32, #tpu.memory_space<vmem>>[vector<16xi32>], vector<16xf32>,
        %get3A = arith.index_cast %scan3A_134 : i32 to index
        %get3A_143 = arith.constant 0 : index
        %get3A_144 = tpu.vector_load %arg14[%get3A, %get3A_143] {strides = array<i32>} : memref<128x64xbf16, #tpu.memory_space<vmem>>, vector<32xbf16>,
        %bitcast3A = vector.bitcast %get3A_144 : vector<32xbf16> to vector<16xi32>
        %shift_left3A = arith.constant 16 : i32
        %shift_left3A_145 = vector.broadcast %shift_left3A : i32 to vector<16xi32>
        %shift_left3A_146 = arith.shli %bitcast3A, %shift_left3A_145 : vector<16xi32>
        %bitcast3A_147 = vector.bitcast %shift_left3A_146 : vector<16xi32> to vector<16xf32>
        %and3A = arith.constant -65536 : i32
        %and3A_148 = vector.broadcast %and3A : i32 to vector<16xi32>
        %and3A_149 = arith.andi %bitcast3A, %and3A_148 : vector<16xi32>
        %bitcast3A_150 = vector.bitcast %and3A_149 : vector<16xi32> to vector<16xf32>
        %mul3A_151 = arith.mulf %bitcast3A_147, %gather3A_142 : vector<16xf32>
        %swap3A = arith.index_cast %scan3A_134 : i32 to index
        %swap3A_152 = arith.constant 0 : index
        %swap3A_153 = tpu.vector_load %arg16[%swap3A, %swap3A_152] {strides = array<i32>} : memref<128x64xf32, #tpu.memory_space<vmem>>, vector<16xf32>,
        tpu.vector_store %arg16[%swap3A, %swap3A_152], %mul3A_151 {strides = array<i32>} : memref<128x64xf32, #tpu.memory_space<vmem>>, vector<16xf32>,
        %mul3A_154 = arith.mulf %bitcast3A_150, %gather3A_142 : vector<16xf32>
        %swap3A_155 = arith.index_cast %scan3A_134 : i32 to index
        %swap3A_156 = arith.constant 16 : index
        %swap3A_157 = tpu.vector_load %arg16[%swap3A_155, %swap3A_156] {strides = array<i32>} : memref<128x64xf32, #tpu.memory_space<vmem>>, vector<16xf32>,
        tpu.vector_store %arg16[%swap3A_155, %swap3A_156], %mul3A_154 {strides = array<i32>} : memref<128x64xf32, #tpu.memory_space<vmem>>, vector<16xf32>,
        %get3A_158 = arith.index_cast %scan3A_134 : i32 to index
        %get3A_159 = arith.constant 32 : index
        %get3A_160 = tpu.vector_load %arg14[%get3A_158, %get3A_159] {strides = array<i32>} : memref<128x64xbf16, #tpu.memory_space<vmem>>, vector<32xbf16>,
        %bitcast3A_161 = vector.bitcast %get3A_160 : vector<32xbf16> to vector<16xi32>
        %shift_left3A_162 = arith.constant 16 : i32
        %shift_left3A_163 = vector.broadcast %shift_left3A_162 : i32 to vector<16xi32>
        %shift_left3A_164 = arith.shli %bitcast3A_161, %shift_left3A_163 : vector<16xi32>
        %bitcast3A_165 = vector.bitcast %shift_left3A_164 : vector<16xi32> to vector<16xf32>
        %and3A_166 = arith.constant -65536 : i32
        %and3A_167 = vector.broadcast %and3A_166 : i32 to vector<16xi32>
        %and3A_168 = arith.andi %bitcast3A_161, %and3A_167 : vector<16xi32>
        %bitcast3A_169 = vector.bitcast %and3A_168 : vector<16xi32> to vector<16xf32>
        %mul3A_170 = arith.mulf %bitcast3A_165, %gather3A_142 : vector<16xf32>
        %swap3A_171 = arith.index_cast %scan3A_134 : i32 to index
        %swap3A_172 = arith.constant 32 : index
        %swap3A_173 = tpu.vector_load %arg16[%swap3A_171, %swap3A_172] {strides = array<i32>} : memref<128x64xf32, #tpu.memory_space<vmem>>, vector<16xf32>,
        tpu.vector_store %arg16[%swap3A_171, %swap3A_172], %mul3A_170 {strides = array<i32>} : memref<128x64xf32, #tpu.memory_space<vmem>>, vector<16xf32>,
        %mul3A_174 = arith.mulf %bitcast3A_169, %gather3A_142 : vector<16xf32>
        %swap3A_175 = arith.index_cast %scan3A_134 : i32 to index
        %swap3A_176 = arith.constant 48 : index
        %swap3A_177 = tpu.vector_load %arg16[%swap3A_175, %swap3A_176] {strides = array<i32>} : memref<128x64xf32, #tpu.memory_space<vmem>>, vector<16xf32>,
        tpu.vector_store %arg16[%swap3A_175, %swap3A_176], %mul3A_174 {strides = array<i32>} : memref<128x64xf32, #tpu.memory_space<vmem>>, vector<16xf32>,
        %scan3A_178 = arith.constant 0 : i32
        scf.yield %scan3A_178 : i32
      }
      %scan3A_96 = arith.constant 128 : i32
      "tpu.region"() ({
        %run_scoped3A_134 = tpu.sem_alloc : memref<!tpu.dma_semaphore, #tpu.memory_space<semaphore_mem>>
        %dma_start3A_135 = arith.constant 0 : i32
        %dma_start3A_136 = tpu.memref_slice %arg9[%add3A_68, %dma_start3A_135] : memref<80x128xi32, #tpu.memory_space<vmem>> -> memref<1x128xi32, #tpu.memory_space<vmem>>
        %dma_start3A_137 = tpu.memref_squeeze %dma_start3A_136 : memref<1x128xi32, #tpu.memory_space<vmem>> -> memref<128xi32, #tpu.memory_space<vmem>>
        %dma_start3A_138 = arith.constant 0 : i32
        %dma_start3A_139 = arith.constant 0 : i32
        %dma_start3A_140 = tpu.memref_slice %arg17[%dma_start3A_138, %dma_start3A_139] : memref<10240x64xf32, #tpu.memory_space<vmem_shared>> -> memref<10240x64xf32, #tpu.memory_space<vmem_shared>>
        tpu.enqueue_indirect_dma source(%arg16 : memref<128x64xf32, #tpu.memory_space<vmem>>) target(%dma_start3A_140 : memref<10240x64xf32, #tpu.memory_space<vmem_shared>>) offsets(%dma_start3A_137 : memref<128xi32, #tpu.memory_space<vmem>>) semaphore(%run_scoped3A_134 : memref<!tpu.dma_semaphore, #tpu.memory_space<semaphore_mem>>) {add = true}
        %dma_wait3A_141 = arith.constant 0 : i32
        %dma_wait3A_142 = tpu.memref_slice %arg9[%add3A_68, %dma_wait3A_141] : memref<80x128xi32, #tpu.memory_space<vmem>> -> memref<1x128xi32, #tpu.memory_space<vmem>>
        %dma_wait3A_143 = tpu.memref_squeeze %dma_wait3A_142 : memref<1x128xi32, #tpu.memory_space<vmem>> -> memref<128xi32, #tpu.memory_space<vmem>>
        %dma_wait3A_144 = arith.constant 0 : i32
        %dma_wait3A_145 = arith.constant 0 : i32
        %dma_wait3A_146 = tpu.memref_slice %arg17[%dma_wait3A_144, %dma_wait3A_145] : memref<10240x64xf32, #tpu.memory_space<vmem_shared>> -> memref<10240x64xf32, #tpu.memory_space<vmem_shared>>
        tpu.wait_indirect_dma semaphore(%run_scoped3A_134 : memref<!tpu.dma_semaphore, #tpu.memory_space<semaphore_mem>>) src(%arg16 : memref<128x64xf32, #tpu.memory_space<vmem>>) dst(%dma_wait3A_146 : memref<10240x64xf32, #tpu.memory_space<vmem_shared>>)
        tpu.yield
      }) : () -> ()
      %mul3A_97 = arith.constant 2 : i32
      %mul3A_98 = arith.muli %scan3A_63, %mul3A_97 : i32
      %add3A_99 = arith.constant 1 : i32
      %add3A_100 = arith.addi %mul3A_98, %add3A_99 : i32
      %add3A_101 = arith.constant 1 : i32
      %add3A_102 = arith.addi %add3A_100, %add3A_101 : i32
      %lt3A_103 = arith.constant 80 : i32
      %lt3A_104 = arith.cmpi slt, %add3A_102, %lt3A_103 : i32
      %convert_element_type3A_105 = arith.extui %lt3A_104 : i1 to i32
      %cond3A_106 = arith.constant 0 : i32
      %cond3A_107 = arith.cmpi ne, %convert_element_type3A_105, %cond3A_106 : i32
      scf.if %cond3A_107 {
        %add3A_134 = arith.constant 1 : i32
        %add3A_135 = arith.addi %add3A_100, %add3A_134 : i32
        %dma_start3A_136 = arith.constant 0 : i32
        %dma_start3A_137 = arith.constant 0 : i32
        %dma_start3A_138 = tpu.memref_slice %arg14[%dma_start3A_136, %dma_start3A_137] : memref<128x64xbf16, #tpu.memory_space<vmem>> -> memref<64x64xbf16, #tpu.memory_space<vmem>>
        %dma_start3A_139 = arith.constant 0 : i32
        %dma_start3A_140 = tpu.memref_slice %arg8[%add3A_135, %dma_start3A_139] : memref<80x128xi32, #tpu.memory_space<vmem>> -> memref<1x64xi32, #tpu.memory_space<vmem>>
        %dma_start3A_141 = tpu.memref_squeeze %dma_start3A_140 : memref<1x64xi32, #tpu.memory_space<vmem>> -> memref<64xi32, #tpu.memory_space<vmem>>
        %dma_start3A_142 = arith.constant 0 : i32
        %dma_start3A_143 = arith.constant 0 : i32
        %dma_start3A_144 = tpu.memref_slice %arg2[%dma_start3A_142, %dma_start3A_143] : memref<10240x64xbf16, #tpu.memory_space<hbm>> -> memref<10240x64xbf16, #tpu.memory_space<hbm>>
        tpu.enqueue_indirect_dma source(%dma_start3A_144 : memref<10240x64xbf16, #tpu.memory_space<hbm>>) target(%dma_start3A_138 : memref<64x64xbf16, #tpu.memory_space<vmem>>) offsets(%dma_start3A_141 : memref<64xi32, #tpu.memory_space<vmem>>) semaphore(%arg18 : memref<!tpu.dma_semaphore, #tpu.memory_space<semaphore_mem>>)
        %add3A_145 = arith.constant 1 : i32
        %add3A_146 = arith.addi %add3A_100, %add3A_145 : i32
        %dma_start3A_147 = arith.constant 64 : i32
        %dma_start3A_148 = arith.constant 0 : i32
        %dma_start3A_149 = tpu.memref_slice %arg14[%dma_start3A_147, %dma_start3A_148] : memref<128x64xbf16, #tpu.memory_space<vmem>> -> memref<64x64xbf16, #tpu.memory_space<vmem>>
        %dma_start3A_150 = arith.constant 64 : i32
        %dma_start3A_151 = tpu.memref_slice %arg8[%add3A_146, %dma_start3A_150] : memref<80x128xi32, #tpu.memory_space<vmem>> -> memref<1x64xi32, #tpu.memory_space<vmem>>
        %dma_start3A_152 = tpu.memref_squeeze %dma_start3A_151 : memref<1x64xi32, #tpu.memory_space<vmem>> -> memref<64xi32, #tpu.memory_space<vmem>>
        %dma_start3A_153 = arith.constant 0 : i32
        %dma_start3A_154 = arith.constant 0 : i32
        %dma_start3A_155 = tpu.memref_slice %arg2[%dma_start3A_153, %dma_start3A_154] : memref<10240x64xbf16, #tpu.memory_space<hbm>> -> memref<10240x64xbf16, #tpu.memory_space<hbm>>
        tpu.enqueue_indirect_dma source(%dma_start3A_155 : memref<10240x64xbf16, #tpu.memory_space<hbm>>) target(%dma_start3A_149 : memref<64x64xbf16, #tpu.memory_space<vmem>>) offsets(%dma_start3A_152 : memref<64xi32, #tpu.memory_space<vmem>>) semaphore(%arg20 : memref<!tpu.dma_semaphore, #tpu.memory_space<semaphore_mem>>)
      } else {
      }
      %dma_wait3A_108 = arith.constant 0 : i32
      %dma_wait3A_109 = arith.constant 0 : i32
      %dma_wait3A_110 = tpu.memref_slice %arg15[%dma_wait3A_108, %dma_wait3A_109] : memref<128x64xbf16, #tpu.memory_space<vmem>> -> memref<64x64xbf16, #tpu.memory_space<vmem>>
      %dma_wait3A_111 = arith.constant 0 : i32
      %dma_wait3A_112 = tpu.memref_slice %arg8[%add3A_100, %dma_wait3A_111] : memref<80x128xi32, #tpu.memory_space<vmem>> -> memref<1x64xi32, #tpu.memory_space<vmem>>
      %dma_wait3A_113 = tpu.memref_squeeze %dma_wait3A_112 : memref<1x64xi32, #tpu.memory_space<vmem>> -> memref<64xi32, #tpu.memory_space<vmem>>
      %dma_wait3A_114 = arith.constant 0 : i32
      %dma_wait3A_115 = arith.constant 0 : i32
      %dma_wait3A_116 = tpu.memref_slice %arg2[%dma_wait3A_114, %dma_wait3A_115] : memref<10240x64xbf16, #tpu.memory_space<hbm>> -> memref<10240x64xbf16, #tpu.memory_space<hbm>>
      tpu.wait_indirect_dma semaphore(%arg19 : memref<!tpu.dma_semaphore, #tpu.memory_space<semaphore_mem>>) src(%dma_wait3A_116 : memref<10240x64xbf16, #tpu.memory_space<hbm>>) dst(%dma_wait3A_110 : memref<64x64xbf16, #tpu.memory_space<vmem>>)
      %dma_wait3A_117 = arith.constant 64 : i32
      %dma_wait3A_118 = arith.constant 0 : i32
      %dma_wait3A_119 = tpu.memref_slice %arg15[%dma_wait3A_117, %dma_wait3A_118] : memref<128x64xbf16, #tpu.memory_space<vmem>> -> memref<64x64xbf16, #tpu.memory_space<vmem>>
      %dma_wait3A_120 = arith.constant 64 : i32
      %dma_wait3A_121 = tpu.memref_slice %arg8[%add3A_100, %dma_wait3A_120] : memref<80x128xi32, #tpu.memory_space<vmem>> -> memref<1x64xi32, #tpu.memory_space<vmem>>
      %dma_wait3A_122 = tpu.memref_squeeze %dma_wait3A_121 : memref<1x64xi32, #tpu.memory_space<vmem>> -> memref<64xi32, #tpu.memory_space<vmem>>
      %dma_wait3A_123 = arith.constant 0 : i32
      %dma_wait3A_124 = arith.constant 0 : i32
      %dma_wait3A_125 = tpu.memref_slice %arg2[%dma_wait3A_123, %dma_wait3A_124] : memref<10240x64xbf16, #tpu.memory_space<hbm>> -> memref<10240x64xbf16, #tpu.memory_space<hbm>>
      tpu.wait_indirect_dma semaphore(%arg21 : memref<!tpu.dma_semaphore, #tpu.memory_space<semaphore_mem>>) src(%dma_wait3A_125 : memref<10240x64xbf16, #tpu.memory_space<hbm>>) dst(%dma_wait3A_119 : memref<64x64xbf16, #tpu.memory_space<vmem>>)
      %scan3A_126 = arith.constant 0 : i32
      %scan3A_127 = arith.constant 0 : i32
      %scan3A_128 = arith.constant 128 : i32
      %scan3A_129 = arith.addi %scan3A_127, %scan3A_128 : i32
      %scan3A_130 = arith.constant 1 : i32
      %scan3A_131 = scf.for %scan3A_134 = %scan3A_127 to %scan3A_129 step %scan3A_130 iter_args(%scan3A_135 = %scan3A_126) -> (i32)  : i32 {
        %broadcast_in_dim3A_136 = arith.constant 0 : i32
        %broadcast_in_dim3A_137 = vector.broadcast %broadcast_in_dim3A_136 : i32 to vector<16xi32>
        %add3A_138 = vector.broadcast %scan3A_134 : i32 to vector<16xi32>
        %add3A_139 = arith.addi %broadcast_in_dim3A_137, %add3A_138 : vector<16xi32>
        %gather3A = arith.constant 0 : i32
        %gather3A_140 = tpu.memref_slice %arg11[%add3A_100, %gather3A] : memref<80x128xf32, #tpu.memory_space<vmem>> -> memref<1x128xf32, #tpu.memory_space<vmem>>
        %gather3A_141 = tpu.memref_squeeze %gather3A_140 : memref<1x128xf32, #tpu.memory_space<vmem>> -> memref<128xf32, #tpu.memory_space<vmem>>
        %gather3A_142 = tpu.vector_load_idx %gather3A_141[%add3A_139] : memref<128xf32, #tpu.memory_space<vmem>>[vector<16xi32>], vector<16xf32>,
        %get3A = arith.index_cast %scan3A_134 : i32 to index
        %get3A_143 = arith.constant 0 : index
        %get3A_144 = tpu.vector_load %arg15[%get3A, %get3A_143] {strides = array<i32>} : memref<128x64xbf16, #tpu.memory_space<vmem>>, vector<32xbf16>,
        %bitcast3A = vector.bitcast %get3A_144 : vector<32xbf16> to vector<16xi32>
        %shift_left3A = arith.constant 16 : i32
        %shift_left3A_145 = vector.broadcast %shift_left3A : i32 to vector<16xi32>
        %shift_left3A_146 = arith.shli %bitcast3A, %shift_left3A_145 : vector<16xi32>
        %bitcast3A_147 = vector.bitcast %shift_left3A_146 : vector<16xi32> to vector<16xf32>
        %and3A = arith.constant -65536 : i32
        %and3A_148 = vector.broadcast %and3A : i32 to vector<16xi32>
        %and3A_149 = arith.andi %bitcast3A, %and3A_148 : vector<16xi32>
        %bitcast3A_150 = vector.bitcast %and3A_149 : vector<16xi32> to vector<16xf32>
        %mul3A_151 = arith.mulf %bitcast3A_147, %gather3A_142 : vector<16xf32>
        %swap3A = arith.index_cast %scan3A_134 : i32 to index
        %swap3A_152 = arith.constant 0 : index
        %swap3A_153 = tpu.vector_load %arg16[%swap3A, %swap3A_152] {strides = array<i32>} : memref<128x64xf32, #tpu.memory_space<vmem>>, vector<16xf32>,
        tpu.vector_store %arg16[%swap3A, %swap3A_152], %mul3A_151 {strides = array<i32>} : memref<128x64xf32, #tpu.memory_space<vmem>>, vector<16xf32>,
        %mul3A_154 = arith.mulf %bitcast3A_150, %gather3A_142 : vector<16xf32>
        %swap3A_155 = arith.index_cast %scan3A_134 : i32 to index
        %swap3A_156 = arith.constant 16 : index
        %swap3A_157 = tpu.vector_load %arg16[%swap3A_155, %swap3A_156] {strides = array<i32>} : memref<128x64xf32, #tpu.memory_space<vmem>>, vector<16xf32>,
        tpu.vector_store %arg16[%swap3A_155, %swap3A_156], %mul3A_154 {strides = array<i32>} : memref<128x64xf32, #tpu.memory_space<vmem>>, vector<16xf32>,
        %get3A_158 = arith.index_cast %scan3A_134 : i32 to index
        %get3A_159 = arith.constant 32 : index
        %get3A_160 = tpu.vector_load %arg15[%get3A_158, %get3A_159] {strides = array<i32>} : memref<128x64xbf16, #tpu.memory_space<vmem>>, vector<32xbf16>,
        %bitcast3A_161 = vector.bitcast %get3A_160 : vector<32xbf16> to vector<16xi32>
        %shift_left3A_162 = arith.constant 16 : i32
        %shift_left3A_163 = vector.broadcast %shift_left3A_162 : i32 to vector<16xi32>
        %shift_left3A_164 = arith.shli %bitcast3A_161, %shift_left3A_163 : vector<16xi32>
        %bitcast3A_165 = vector.bitcast %shift_left3A_164 : vector<16xi32> to vector<16xf32>
        %and3A_166 = arith.constant -65536 : i32
        %and3A_167 = vector.broadcast %and3A_166 : i32 to vector<16xi32>
        %and3A_168 = arith.andi %bitcast3A_161, %and3A_167 : vector<16xi32>
        %bitcast3A_169 = vector.bitcast %and3A_168 : vector<16xi32> to vector<16xf32>
        %mul3A_170 = arith.mulf %bitcast3A_165, %gather3A_142 : vector<16xf32>
        %swap3A_171 = arith.index_cast %scan3A_134 : i32 to index
        %swap3A_172 = arith.constant 32 : index
        %swap3A_173 = tpu.vector_load %arg16[%swap3A_171, %swap3A_172] {strides = array<i32>} : memref<128x64xf32, #tpu.memory_space<vmem>>, vector<16xf32>,
        tpu.vector_store %arg16[%swap3A_171, %swap3A_172], %mul3A_170 {strides = array<i32>} : memref<128x64xf32, #tpu.memory_space<vmem>>, vector<16xf32>,
        %mul3A_174 = arith.mulf %bitcast3A_169, %gather3A_142 : vector<16xf32>
        %swap3A_175 = arith.index_cast %scan3A_134 : i32 to index
        %swap3A_176 = arith.constant 48 : index
        %swap3A_177 = tpu.vector_load %arg16[%swap3A_175, %swap3A_176] {strides = array<i32>} : memref<128x64xf32, #tpu.memory_space<vmem>>, vector<16xf32>,
        tpu.vector_store %arg16[%swap3A_175, %swap3A_176], %mul3A_174 {strides = array<i32>} : memref<128x64xf32, #tpu.memory_space<vmem>>, vector<16xf32>,
        %scan3A_178 = arith.constant 0 : i32
        scf.yield %scan3A_178 : i32
      }
      %scan3A_132 = arith.constant 128 : i32
      "tpu.region"() ({
        %run_scoped3A_134 = tpu.sem_alloc : memref<!tpu.dma_semaphore, #tpu.memory_space<semaphore_mem>>
        %dma_start3A_135 = arith.constant 0 : i32
        %dma_start3A_136 = tpu.memref_slice %arg9[%add3A_100, %dma_start3A_135] : memref<80x128xi32, #tpu.memory_space<vmem>> -> memref<1x128xi32, #tpu.memory_space<vmem>>
        %dma_start3A_137 = tpu.memref_squeeze %dma_start3A_136 : memref<1x128xi32, #tpu.memory_space<vmem>> -> memref<128xi32, #tpu.memory_space<vmem>>
        %dma_start3A_138 = arith.constant 0 : i32
        %dma_start3A_139 = arith.constant 0 : i32
        %dma_start3A_140 = tpu.memref_slice %arg17[%dma_start3A_138, %dma_start3A_139] : memref<10240x64xf32, #tpu.memory_space<vmem_shared>> -> memref<10240x64xf32, #tpu.memory_space<vmem_shared>>
        tpu.enqueue_indirect_dma source(%arg16 : memref<128x64xf32, #tpu.memory_space<vmem>>) target(%dma_start3A_140 : memref<10240x64xf32, #tpu.memory_space<vmem_shared>>) offsets(%dma_start3A_137 : memref<128xi32, #tpu.memory_space<vmem>>) semaphore(%run_scoped3A_134 : memref<!tpu.dma_semaphore, #tpu.memory_space<semaphore_mem>>) {add = true}
        %dma_wait3A_141 = arith.constant 0 : i32
        %dma_wait3A_142 = tpu.memref_slice %arg9[%add3A_100, %dma_wait3A_141] : memref<80x128xi32, #tpu.memory_space<vmem>> -> memref<1x128xi32, #tpu.memory_space<vmem>>
        %dma_wait3A_143 = tpu.memref_squeeze %dma_wait3A_142 : memref<1x128xi32, #tpu.memory_space<vmem>> -> memref<128xi32, #tpu.memory_space<vmem>>
        %dma_wait3A_144 = arith.constant 0 : i32
        %dma_wait3A_145 = arith.constant 0 : i32
        %dma_wait3A_146 = tpu.memref_slice %arg17[%dma_wait3A_144, %dma_wait3A_145] : memref<10240x64xf32, #tpu.memory_space<vmem_shared>> -> memref<10240x64xf32, #tpu.memory_space<vmem_shared>>
        tpu.wait_indirect_dma semaphore(%run_scoped3A_134 : memref<!tpu.dma_semaphore, #tpu.memory_space<semaphore_mem>>) src(%arg16 : memref<128x64xf32, #tpu.memory_space<vmem>>) dst(%dma_wait3A_146 : memref<10240x64xf32, #tpu.memory_space<vmem_shared>>)
        tpu.yield
      }) : () -> ()
      %scan3A_133 = arith.constant 0 : i32
      scf.yield %scan3A_133 : i32
    }
    %scan3A_60 = arith.constant 40 : i32
    %barrier3A_61 = arith.constant 0 : index
    tpu.barrier barrier_id(%barrier3A_61)
    %run_scoped3A_62 = arith.constant 0 : i32
    "tpu.region"() ({
      %run_scoped3A_63 = tpu.sem_alloc : memref<!tpu.dma_semaphore, #tpu.memory_space<semaphore_mem>>
      %dma_start3A_64 = arith.constant 0 : i32
      %dma_start3A_65 = tpu.memref_slice %arg7[%arg0, %run_scoped3A_62, %mul3A_17, %dma_start3A_64] : memref<2x1x10240x64xf32, #tpu.memory_space<hbm>> -> memref<1x1x640x64xf32, #tpu.memory_space<hbm>>
      %dma_start3A_66 = tpu.memref_squeeze %dma_start3A_65 : memref<1x1x640x64xf32, #tpu.memory_space<hbm>> -> memref<640x64xf32, #tpu.memory_space<hbm>>
      %dma_start3A_67 = arith.constant 0 : i32
      %dma_start3A_68 = tpu.memref_slice %arg17[%mul3A_17, %dma_start3A_67] : memref<10240x64xf32, #tpu.memory_space<vmem_shared>> -> memref<640x64xf32, #tpu.memory_space<vmem_shared>>
      tpu.enqueue_dma source(%dma_start3A_68 : memref<640x64xf32, #tpu.memory_space<vmem_shared>>) target(%dma_start3A_66 : memref<640x64xf32, #tpu.memory_space<hbm>>) target_semaphore(%run_scoped3A_63 : memref<!tpu.dma_semaphore, #tpu.memory_space<semaphore_mem>>)
      %dma_wait3A = arith.constant 0 : i32
      %dma_wait3A_69 = tpu.memref_slice %arg7[%arg0, %run_scoped3A_62, %mul3A_17, %dma_wait3A] : memref<2x1x10240x64xf32, #tpu.memory_space<hbm>> -> memref<1x1x640x64xf32, #tpu.memory_space<hbm>>
      %dma_wait3A_70 = tpu.memref_squeeze %dma_wait3A_69 : memref<1x1x640x64xf32, #tpu.memory_space<hbm>> -> memref<640x64xf32, #tpu.memory_space<hbm>>
      %dma_wait3A_71 = arith.constant 0 : i32
      %dma_wait3A_72 = tpu.memref_slice %arg17[%mul3A_17, %dma_wait3A_71] : memref<10240x64xf32, #tpu.memory_space<vmem_shared>> -> memref<640x64xf32, #tpu.memory_space<vmem_shared>>
      tpu.wait_dma2 semaphore(%run_scoped3A_63 : memref<!tpu.dma_semaphore, #tpu.memory_space<semaphore_mem>>) src(%dma_wait3A_72 : memref<640x64xf32, #tpu.memory_space<vmem_shared>>) dst(%dma_wait3A_70 : memref<640x64xf32, #tpu.memory_space<hbm>>)
      tpu.yield
    }) : () -> ()
    return
  }
}

#map = affine_map<(d0, d1) -> (0, 0)>
#map1 = affine_map<(d0, d1) -> (0, 0, 0)>
#map2 = affine_map<(d0, d1) -> (0, 0, 0, 0)>
module attributes {stable_mosaic.version = 14 : i64} {
  func.func @body(%arg0: i32, %arg1: i32, %arg2: memref<20480x64xbf16, #tpu.memory_space<hbm>>, %arg3: memref<32x80x128xi32, #tpu.memory_space<hbm>>, %arg4: memref<32x80x128xi32, #tpu.memory_space<hbm>>, %arg5: memref<32x80x128xf32, #tpu.memory_space<hbm>>, %arg6: memref<2x10240xf32, #tpu.memory_space<hbm>>, %arg7: memref<2x2x10240x64xf32, #tpu.memory_space<hbm>>, %arg8: memref<80x128xi32, #tpu.memory_space<vmem>>, %arg9: memref<80x128xi32, #tpu.memory_space<vmem>>, %arg10: memref<80x128xi32, #tpu.memory_space<vmem>>, %arg11: memref<80x128xf32, #tpu.memory_space<vmem>>, %arg12: memref<10240xf32, #tpu.memory_space<vmem>>, %arg13: memref<10240xf32, #tpu.memory_space<vmem>>, %arg14: memref<128x64xbf16, #tpu.memory_space<vmem>>, %arg15: memref<128x64xbf16, #tpu.memory_space<vmem>>, %arg16: memref<128x64xf32, #tpu.memory_space<vmem>>, %arg17: memref<10240x64xf32, #tpu.memory_space<vmem_shared>>, %arg18: memref<!tpu.dma_semaphore, #tpu.memory_space<semaphore_mem>>, %arg19: memref<!tpu.dma_semaphore, #tpu.memory_space<semaphore_mem>>, %arg20: memref<!tpu.dma_semaphore, #tpu.memory_space<semaphore_mem>>, %arg21: memref<!tpu.dma_semaphore, #tpu.memory_space<semaphore_mem>>) attributes {dimension_semantics = [#tpu.dimension_semantics<core_parallel>, #tpu.dimension_semantics<subcore_parallel>], iteration_bounds = array<i64: 2, 16>, scalar_prefetch = 0 : i64, scratch_operands = 14 : i64, tpu.core_type = #tpu.core_type<sc_vector_subcore>, window_params = [{transform_indices = #map}, {transform_indices = #map1}, {transform_indices = #map1}, {transform_indices = #map1}, {transform_indices = #map}, {transform_indices = #map2}]} {
    %mul3A = arith.constant 2 : i32
    %mul3A_0 = arith.muli %arg1, %mul3A : i32
    %add3A = arith.addi %mul3A_0, %arg0 : i32
    "tpu.region"() ({
      %run_scoped3A_125 = tpu.sem_alloc : memref<!tpu.dma_semaphore, #tpu.memory_space<semaphore_mem>>
      %dma_start3A_126 = arith.constant 0 : i32
      %dma_start3A_127 = arith.constant 0 : i32
      %dma_start3A_128 = tpu.memref_slice %arg3[%add3A, %dma_start3A_126, %dma_start3A_127] : memref<32x80x128xi32, #tpu.memory_space<hbm>> -> memref<1x80x128xi32, #tpu.memory_space<hbm>>
      %dma_start3A_129 = tpu.memref_squeeze %dma_start3A_128 : memref<1x80x128xi32, #tpu.memory_space<hbm>> -> memref<80x128xi32, #tpu.memory_space<hbm>>
      %dma_start3A_130 = arith.constant 0 : i32
      %dma_start3A_131 = arith.constant 0 : i32
      %dma_start3A_132 = tpu.memref_slice %arg3[%add3A, %dma_start3A_130, %dma_start3A_131] : memref<32x80x128xi32, #tpu.memory_space<hbm>> -> memref<1x80x128xi32, #tpu.memory_space<hbm>>
      %dma_start3A_133 = tpu.memref_squeeze %dma_start3A_132 : memref<1x80x128xi32, #tpu.memory_space<hbm>> -> memref<80x128xi32, #tpu.memory_space<hbm>>
      tpu.enqueue_dma source(%dma_start3A_133 : memref<80x128xi32, #tpu.memory_space<hbm>>) target(%arg8 : memref<80x128xi32, #tpu.memory_space<vmem>>) target_semaphore(%run_scoped3A_125 : memref<!tpu.dma_semaphore, #tpu.memory_space<semaphore_mem>>)
      %dma_wait3A = arith.constant 0 : i32
      %dma_wait3A_134 = arith.constant 0 : i32
      %dma_wait3A_135 = tpu.memref_slice %arg3[%add3A, %dma_wait3A, %dma_wait3A_134] : memref<32x80x128xi32, #tpu.memory_space<hbm>> -> memref<1x80x128xi32, #tpu.memory_space<hbm>>
      %dma_wait3A_136 = tpu.memref_squeeze %dma_wait3A_135 : memref<1x80x128xi32, #tpu.memory_space<hbm>> -> memref<80x128xi32, #tpu.memory_space<hbm>>
      %dma_wait3A_137 = arith.constant 0 : i32
      %dma_wait3A_138 = arith.constant 0 : i32
      %dma_wait3A_139 = tpu.memref_slice %arg3[%add3A, %dma_wait3A_137, %dma_wait3A_138] : memref<32x80x128xi32, #tpu.memory_space<hbm>> -> memref<1x80x128xi32, #tpu.memory_space<hbm>>
      %dma_wait3A_140 = tpu.memref_squeeze %dma_wait3A_139 : memref<1x80x128xi32, #tpu.memory_space<hbm>> -> memref<80x128xi32, #tpu.memory_space<hbm>>
      tpu.wait_dma2 semaphore(%run_scoped3A_125 : memref<!tpu.dma_semaphore, #tpu.memory_space<semaphore_mem>>) src(%dma_wait3A_140 : memref<80x128xi32, #tpu.memory_space<hbm>>) dst(%arg8 : memref<80x128xi32, #tpu.memory_space<vmem>>)
      tpu.yield
    }) : () -> ()
    "tpu.region"() ({
      %run_scoped3A_125 = tpu.sem_alloc : memref<!tpu.dma_semaphore, #tpu.memory_space<semaphore_mem>>
      %dma_start3A_126 = arith.constant 0 : i32
      %dma_start3A_127 = arith.constant 0 : i32
      %dma_start3A_128 = tpu.memref_slice %arg4[%add3A, %dma_start3A_126, %dma_start3A_127] : memref<32x80x128xi32, #tpu.memory_space<hbm>> -> memref<1x80x128xi32, #tpu.memory_space<hbm>>
      %dma_start3A_129 = tpu.memref_squeeze %dma_start3A_128 : memref<1x80x128xi32, #tpu.memory_space<hbm>> -> memref<80x128xi32, #tpu.memory_space<hbm>>
      %dma_start3A_130 = arith.constant 0 : i32
      %dma_start3A_131 = arith.constant 0 : i32
      %dma_start3A_132 = tpu.memref_slice %arg4[%add3A, %dma_start3A_130, %dma_start3A_131] : memref<32x80x128xi32, #tpu.memory_space<hbm>> -> memref<1x80x128xi32, #tpu.memory_space<hbm>>
      %dma_start3A_133 = tpu.memref_squeeze %dma_start3A_132 : memref<1x80x128xi32, #tpu.memory_space<hbm>> -> memref<80x128xi32, #tpu.memory_space<hbm>>
      tpu.enqueue_dma source(%dma_start3A_133 : memref<80x128xi32, #tpu.memory_space<hbm>>) target(%arg9 : memref<80x128xi32, #tpu.memory_space<vmem>>) target_semaphore(%run_scoped3A_125 : memref<!tpu.dma_semaphore, #tpu.memory_space<semaphore_mem>>)
      %dma_wait3A = arith.constant 0 : i32
      %dma_wait3A_134 = arith.constant 0 : i32
      %dma_wait3A_135 = tpu.memref_slice %arg4[%add3A, %dma_wait3A, %dma_wait3A_134] : memref<32x80x128xi32, #tpu.memory_space<hbm>> -> memref<1x80x128xi32, #tpu.memory_space<hbm>>
      %dma_wait3A_136 = tpu.memref_squeeze %dma_wait3A_135 : memref<1x80x128xi32, #tpu.memory_space<hbm>> -> memref<80x128xi32, #tpu.memory_space<hbm>>
      %dma_wait3A_137 = arith.constant 0 : i32
      %dma_wait3A_138 = arith.constant 0 : i32
      %dma_wait3A_139 = tpu.memref_slice %arg4[%add3A, %dma_wait3A_137, %dma_wait3A_138] : memref<32x80x128xi32, #tpu.memory_space<hbm>> -> memref<1x80x128xi32, #tpu.memory_space<hbm>>
      %dma_wait3A_140 = tpu.memref_squeeze %dma_wait3A_139 : memref<1x80x128xi32, #tpu.memory_space<hbm>> -> memref<80x128xi32, #tpu.memory_space<hbm>>
      tpu.wait_dma2 semaphore(%run_scoped3A_125 : memref<!tpu.dma_semaphore, #tpu.memory_space<semaphore_mem>>) src(%dma_wait3A_140 : memref<80x128xi32, #tpu.memory_space<hbm>>) dst(%arg9 : memref<80x128xi32, #tpu.memory_space<vmem>>)
      tpu.yield
    }) : () -> ()
    "tpu.region"() ({
      %run_scoped3A_125 = tpu.sem_alloc : memref<!tpu.dma_semaphore, #tpu.memory_space<semaphore_mem>>
      %dma_start3A_126 = arith.constant 0 : i32
      %dma_start3A_127 = arith.constant 0 : i32
      %dma_start3A_128 = tpu.memref_slice %arg5[%add3A, %dma_start3A_126, %dma_start3A_127] : memref<32x80x128xf32, #tpu.memory_space<hbm>> -> memref<1x80x128xf32, #tpu.memory_space<hbm>>
      %dma_start3A_129 = tpu.memref_squeeze %dma_start3A_128 : memref<1x80x128xf32, #tpu.memory_space<hbm>> -> memref<80x128xf32, #tpu.memory_space<hbm>>
      %dma_start3A_130 = arith.constant 0 : i32
      %dma_start3A_131 = arith.constant 0 : i32
      %dma_start3A_132 = tpu.memref_slice %arg5[%add3A, %dma_start3A_130, %dma_start3A_131] : memref<32x80x128xf32, #tpu.memory_space<hbm>> -> memref<1x80x128xf32, #tpu.memory_space<hbm>>
      %dma_start3A_133 = tpu.memref_squeeze %dma_start3A_132 : memref<1x80x128xf32, #tpu.memory_space<hbm>> -> memref<80x128xf32, #tpu.memory_space<hbm>>
      tpu.enqueue_dma source(%dma_start3A_133 : memref<80x128xf32, #tpu.memory_space<hbm>>) target(%arg11 : memref<80x128xf32, #tpu.memory_space<vmem>>) target_semaphore(%run_scoped3A_125 : memref<!tpu.dma_semaphore, #tpu.memory_space<semaphore_mem>>)
      %dma_wait3A = arith.constant 0 : i32
      %dma_wait3A_134 = arith.constant 0 : i32
      %dma_wait3A_135 = tpu.memref_slice %arg5[%add3A, %dma_wait3A, %dma_wait3A_134] : memref<32x80x128xf32, #tpu.memory_space<hbm>> -> memref<1x80x128xf32, #tpu.memory_space<hbm>>
      %dma_wait3A_136 = tpu.memref_squeeze %dma_wait3A_135 : memref<1x80x128xf32, #tpu.memory_space<hbm>> -> memref<80x128xf32, #tpu.memory_space<hbm>>
      %dma_wait3A_137 = arith.constant 0 : i32
      %dma_wait3A_138 = arith.constant 0 : i32
      %dma_wait3A_139 = tpu.memref_slice %arg5[%add3A, %dma_wait3A_137, %dma_wait3A_138] : memref<32x80x128xf32, #tpu.memory_space<hbm>> -> memref<1x80x128xf32, #tpu.memory_space<hbm>>
      %dma_wait3A_140 = tpu.memref_squeeze %dma_wait3A_139 : memref<1x80x128xf32, #tpu.memory_space<hbm>> -> memref<80x128xf32, #tpu.memory_space<hbm>>
      tpu.wait_dma2 semaphore(%run_scoped3A_125 : memref<!tpu.dma_semaphore, #tpu.memory_space<semaphore_mem>>) src(%dma_wait3A_140 : memref<80x128xf32, #tpu.memory_space<hbm>>) dst(%arg11 : memref<80x128xf32, #tpu.memory_space<vmem>>)
      tpu.yield
    }) : () -> ()
    %run_scoped3A = arith.constant 0 : i32
    "tpu.region"() ({
      %run_scoped3A_125 = tpu.sem_alloc : memref<!tpu.dma_semaphore, #tpu.memory_space<semaphore_mem>>
      %dma_start3A_126 = arith.constant 0 : i32
      %dma_start3A_127 = tpu.memref_slice %arg6[%run_scoped3A, %dma_start3A_126] : memref<2x10240xf32, #tpu.memory_space<hbm>> -> memref<1x10240xf32, #tpu.memory_space<hbm>>
      %dma_start3A_128 = tpu.memref_squeeze %dma_start3A_127 : memref<1x10240xf32, #tpu.memory_space<hbm>> -> memref<10240xf32, #tpu.memory_space<hbm>>
      %dma_start3A_129 = arith.constant 0 : i32
      %dma_start3A_130 = tpu.memref_slice %arg6[%run_scoped3A, %dma_start3A_129] : memref<2x10240xf32, #tpu.memory_space<hbm>> -> memref<1x10240xf32, #tpu.memory_space<hbm>>
      %dma_start3A_131 = tpu.memref_squeeze %dma_start3A_130 : memref<1x10240xf32, #tpu.memory_space<hbm>> -> memref<10240xf32, #tpu.memory_space<hbm>>
      tpu.enqueue_dma source(%dma_start3A_131 : memref<10240xf32, #tpu.memory_space<hbm>>) target(%arg12 : memref<10240xf32, #tpu.memory_space<vmem>>) target_semaphore(%run_scoped3A_125 : memref<!tpu.dma_semaphore, #tpu.memory_space<semaphore_mem>>)
      %dma_wait3A = arith.constant 0 : i32
      %dma_wait3A_132 = tpu.memref_slice %arg6[%run_scoped3A, %dma_wait3A] : memref<2x10240xf32, #tpu.memory_space<hbm>> -> memref<1x10240xf32, #tpu.memory_space<hbm>>
      %dma_wait3A_133 = tpu.memref_squeeze %dma_wait3A_132 : memref<1x10240xf32, #tpu.memory_space<hbm>> -> memref<10240xf32, #tpu.memory_space<hbm>>
      %dma_wait3A_134 = arith.constant 0 : i32
      %dma_wait3A_135 = tpu.memref_slice %arg6[%run_scoped3A, %dma_wait3A_134] : memref<2x10240xf32, #tpu.memory_space<hbm>> -> memref<1x10240xf32, #tpu.memory_space<hbm>>
      %dma_wait3A_136 = tpu.memref_squeeze %dma_wait3A_135 : memref<1x10240xf32, #tpu.memory_space<hbm>> -> memref<10240xf32, #tpu.memory_space<hbm>>
      tpu.wait_dma2 semaphore(%run_scoped3A_125 : memref<!tpu.dma_semaphore, #tpu.memory_space<semaphore_mem>>) src(%dma_wait3A_136 : memref<10240xf32, #tpu.memory_space<hbm>>) dst(%arg12 : memref<10240xf32, #tpu.memory_space<vmem>>)
      tpu.yield
    }) : () -> ()
    %run_scoped3A_1 = arith.constant 1 : i32
    "tpu.region"() ({
      %run_scoped3A_125 = tpu.sem_alloc : memref<!tpu.dma_semaphore, #tpu.memory_space<semaphore_mem>>
      %dma_start3A_126 = arith.constant 0 : i32
      %dma_start3A_127 = tpu.memref_slice %arg6[%run_scoped3A_1, %dma_start3A_126] : memref<2x10240xf32, #tpu.memory_space<hbm>> -> memref<1x10240xf32, #tpu.memory_space<hbm>>
      %dma_start3A_128 = tpu.memref_squeeze %dma_start3A_127 : memref<1x10240xf32, #tpu.memory_space<hbm>> -> memref<10240xf32, #tpu.memory_space<hbm>>
      %dma_start3A_129 = arith.constant 0 : i32
      %dma_start3A_130 = tpu.memref_slice %arg6[%run_scoped3A_1, %dma_start3A_129] : memref<2x10240xf32, #tpu.memory_space<hbm>> -> memref<1x10240xf32, #tpu.memory_space<hbm>>
      %dma_start3A_131 = tpu.memref_squeeze %dma_start3A_130 : memref<1x10240xf32, #tpu.memory_space<hbm>> -> memref<10240xf32, #tpu.memory_space<hbm>>
      tpu.enqueue_dma source(%dma_start3A_131 : memref<10240xf32, #tpu.memory_space<hbm>>) target(%arg13 : memref<10240xf32, #tpu.memory_space<vmem>>) target_semaphore(%run_scoped3A_125 : memref<!tpu.dma_semaphore, #tpu.memory_space<semaphore_mem>>)
      %dma_wait3A = arith.constant 0 : i32
      %dma_wait3A_132 = tpu.memref_slice %arg6[%run_scoped3A_1, %dma_wait3A] : memref<2x10240xf32, #tpu.memory_space<hbm>> -> memref<1x10240xf32, #tpu.memory_space<hbm>>
      %dma_wait3A_133 = tpu.memref_squeeze %dma_wait3A_132 : memref<1x10240xf32, #tpu.memory_space<hbm>> -> memref<10240xf32, #tpu.memory_space<hbm>>
      %dma_wait3A_134 = arith.constant 0 : i32
      %dma_wait3A_135 = tpu.memref_slice %arg6[%run_scoped3A_1, %dma_wait3A_134] : memref<2x10240xf32, #tpu.memory_space<hbm>> -> memref<1x10240xf32, #tpu.memory_space<hbm>>
      %dma_wait3A_136 = tpu.memref_squeeze %dma_wait3A_135 : memref<1x10240xf32, #tpu.memory_space<hbm>> -> memref<10240xf32, #tpu.memory_space<hbm>>
      tpu.wait_dma2 semaphore(%run_scoped3A_125 : memref<!tpu.dma_semaphore, #tpu.memory_space<semaphore_mem>>) src(%dma_wait3A_136 : memref<10240xf32, #tpu.memory_space<hbm>>) dst(%arg13 : memref<10240xf32, #tpu.memory_space<vmem>>)
      tpu.yield
    }) : () -> ()
    %scan3A = arith.constant 0 : i32
    %scan3A_2 = arith.constant 0 : i32
    %scan3A_3 = arith.constant 640 : i32
    %scan3A_4 = arith.addi %scan3A_2, %scan3A_3 : i32
    %scan3A_5 = arith.constant 1 : i32
    %scan3A_6 = scf.for %scan3A_125 = %scan3A_2 to %scan3A_4 step %scan3A_5 iter_args(%scan3A_126 = %scan3A) -> (i32)  : i32 {
      %mul3A_127 = arith.constant 16 : i32
      %mul3A_128 = arith.muli %scan3A_125, %mul3A_127 : i32
      %get3A = arith.index_cast %mul3A_128 : i32 to index
      %get3A_129 = tpu.vector_load %arg12[%get3A] {strides = array<i32>} : memref<10240xf32, #tpu.memory_space<vmem>>, vector<16xf32>,
      %get3A_130 = arith.index_cast %mul3A_128 : i32 to index
      %get3A_131 = tpu.vector_load %arg13[%get3A_130] {strides = array<i32>} : memref<10240xf32, #tpu.memory_space<vmem>>, vector<16xf32>,
      %add3A_132 = arith.addf %get3A_129, %get3A_131 : vector<16xf32>
      %add3A_133 = arith.constant 1.000000e+00 : f32
      %add3A_134 = vector.broadcast %add3A_133 : f32 to vector<16xf32>
      %add3A_135 = arith.addf %add3A_132, %add3A_134 : vector<16xf32>
      %bitcast3A = vector.bitcast %add3A_135 : vector<16xf32> to vector<16xi32>
      %shift_right_arithmetic3A = arith.constant 1 : i32
      %shift_right_arithmetic3A_136 = vector.broadcast %shift_right_arithmetic3A : i32 to vector<16xi32>
      %shift_right_arithmetic3A_137 = arith.shrsi %bitcast3A, %shift_right_arithmetic3A_136 : vector<16xi32>
      %sub3A = arith.constant 1597463007 : i32
      %sub3A_138 = vector.broadcast %sub3A : i32 to vector<16xi32>
      %sub3A_139 = arith.subi %sub3A_138, %shift_right_arithmetic3A_137 : vector<16xi32>
      %bitcast3A_140 = vector.bitcast %sub3A_139 : vector<16xi32> to vector<16xf32>
      %mul3A_141 = arith.constant 5.000000e-01 : f32
      %mul3A_142 = vector.broadcast %mul3A_141 : f32 to vector<16xf32>
      %mul3A_143 = arith.mulf %mul3A_142, %add3A_135 : vector<16xf32>
      %mul3A_144 = arith.mulf %mul3A_143, %bitcast3A_140 : vector<16xf32>
      %mul3A_145 = arith.mulf %mul3A_144, %bitcast3A_140 : vector<16xf32>
      %sub3A_146 = arith.constant 1.500000e+00 : f32
      %sub3A_147 = vector.broadcast %sub3A_146 : f32 to vector<16xf32>
      %sub3A_148 = arith.subf %sub3A_147, %mul3A_145 : vector<16xf32>
      %mul3A_149 = arith.mulf %bitcast3A_140, %sub3A_148 : vector<16xf32>
      %mul3A_150 = arith.mulf %mul3A_143, %mul3A_149 : vector<16xf32>
      %mul3A_151 = arith.mulf %mul3A_150, %mul3A_149 : vector<16xf32>
      %sub3A_152 = arith.constant 1.500000e+00 : f32
      %sub3A_153 = vector.broadcast %sub3A_152 : f32 to vector<16xf32>
      %sub3A_154 = arith.subf %sub3A_153, %mul3A_151 : vector<16xf32>
      %mul3A_155 = arith.mulf %mul3A_149, %sub3A_154 : vector<16xf32>
      %mul3A_156 = arith.mulf %mul3A_143, %mul3A_155 : vector<16xf32>
      %mul3A_157 = arith.mulf %mul3A_156, %mul3A_155 : vector<16xf32>
      %sub3A_158 = arith.constant 1.500000e+00 : f32
      %sub3A_159 = vector.broadcast %sub3A_158 : f32 to vector<16xf32>
      %sub3A_160 = arith.subf %sub3A_159, %mul3A_157 : vector<16xf32>
      %mul3A_161 = arith.mulf %mul3A_155, %sub3A_160 : vector<16xf32>
      %swap3A = arith.index_cast %mul3A_128 : i32 to index
      %swap3A_162 = tpu.vector_load %arg12[%swap3A] {strides = array<i32>} : memref<10240xf32, #tpu.memory_space<vmem>>, vector<16xf32>,
      tpu.vector_store %arg12[%swap3A], %mul3A_161 {strides = array<i32>} : memref<10240xf32, #tpu.memory_space<vmem>>, vector<16xf32>,
      %scan3A_163 = arith.constant 0 : i32
      scf.yield %scan3A_163 : i32
    }
    %scan3A_7 = arith.constant 640 : i32
    %scan3A_8 = arith.constant 0 : i32
    %scan3A_9 = arith.constant 0 : i32
    %scan3A_10 = arith.constant 80 : i32
    %scan3A_11 = arith.addi %scan3A_9, %scan3A_10 : i32
    %scan3A_12 = arith.constant 1 : i32
    %scan3A_13 = scf.for %scan3A_125 = %scan3A_9 to %scan3A_11 step %scan3A_12 iter_args(%scan3A_126 = %scan3A_8) -> (i32)  : i32 {
      %get3A = arith.index_cast %scan3A_125 : i32 to index
      %get3A_127 = arith.constant 0 : index
      %get3A_128 = tpu.vector_load %arg8[%get3A, %get3A_127] {strides = array<i32>} : memref<80x128xi32, #tpu.memory_space<vmem>>, vector<16xi32>,
      %gather3A = tpu.vector_load_idx %arg12[%get3A_128] : memref<10240xf32, #tpu.memory_space<vmem>>[vector<16xi32>], vector<16xf32>,
      %get3A_129 = arith.index_cast %scan3A_125 : i32 to index
      %get3A_130 = arith.constant 0 : index
      %get3A_131 = tpu.vector_load %arg9[%get3A_129, %get3A_130] {strides = array<i32>} : memref<80x128xi32, #tpu.memory_space<vmem>>, vector<16xi32>,
      %gather3A_132 = tpu.vector_load_idx %arg12[%get3A_131] : memref<10240xf32, #tpu.memory_space<vmem>>[vector<16xi32>], vector<16xf32>,
      %get3A_133 = arith.index_cast %scan3A_125 : i32 to index
      %get3A_134 = arith.constant 0 : index
      %get3A_135 = tpu.vector_load %arg11[%get3A_133, %get3A_134] {strides = array<i32>} : memref<80x128xf32, #tpu.memory_space<vmem>>, vector<16xf32>,
      %mul3A_136 = arith.mulf %gather3A, %get3A_135 : vector<16xf32>
      %mul3A_137 = arith.mulf %mul3A_136, %gather3A_132 : vector<16xf32>
      %swap3A = arith.index_cast %scan3A_125 : i32 to index
      %swap3A_138 = arith.constant 0 : index
      %swap3A_139 = tpu.vector_load %arg11[%swap3A, %swap3A_138] {strides = array<i32>} : memref<80x128xf32, #tpu.memory_space<vmem>>, vector<16xf32>,
      tpu.vector_store %arg11[%swap3A, %swap3A_138], %mul3A_137 {strides = array<i32>} : memref<80x128xf32, #tpu.memory_space<vmem>>, vector<16xf32>,
      %get3A_140 = arith.index_cast %scan3A_125 : i32 to index
      %get3A_141 = arith.constant 16 : index
      %get3A_142 = tpu.vector_load %arg8[%get3A_140, %get3A_141] {strides = array<i32>} : memref<80x128xi32, #tpu.memory_space<vmem>>, vector<16xi32>,
      %gather3A_143 = tpu.vector_load_idx %arg12[%get3A_142] : memref<10240xf32, #tpu.memory_space<vmem>>[vector<16xi32>], vector<16xf32>,
      %get3A_144 = arith.index_cast %scan3A_125 : i32 to index
      %get3A_145 = arith.constant 16 : index
      %get3A_146 = tpu.vector_load %arg9[%get3A_144, %get3A_145] {strides = array<i32>} : memref<80x128xi32, #tpu.memory_space<vmem>>, vector<16xi32>,
      %gather3A_147 = tpu.vector_load_idx %arg12[%get3A_146] : memref<10240xf32, #tpu.memory_space<vmem>>[vector<16xi32>], vector<16xf32>,
      %get3A_148 = arith.index_cast %scan3A_125 : i32 to index
      %get3A_149 = arith.constant 16 : index
      %get3A_150 = tpu.vector_load %arg11[%get3A_148, %get3A_149] {strides = array<i32>} : memref<80x128xf32, #tpu.memory_space<vmem>>, vector<16xf32>,
      %mul3A_151 = arith.mulf %gather3A_143, %get3A_150 : vector<16xf32>
      %mul3A_152 = arith.mulf %mul3A_151, %gather3A_147 : vector<16xf32>
      %swap3A_153 = arith.index_cast %scan3A_125 : i32 to index
      %swap3A_154 = arith.constant 16 : index
      %swap3A_155 = tpu.vector_load %arg11[%swap3A_153, %swap3A_154] {strides = array<i32>} : memref<80x128xf32, #tpu.memory_space<vmem>>, vector<16xf32>,
      tpu.vector_store %arg11[%swap3A_153, %swap3A_154], %mul3A_152 {strides = array<i32>} : memref<80x128xf32, #tpu.memory_space<vmem>>, vector<16xf32>,
      %get3A_156 = arith.index_cast %scan3A_125 : i32 to index
      %get3A_157 = arith.constant 32 : index
      %get3A_158 = tpu.vector_load %arg8[%get3A_156, %get3A_157] {strides = array<i32>} : memref<80x128xi32, #tpu.memory_space<vmem>>, vector<16xi32>,
      %gather3A_159 = tpu.vector_load_idx %arg12[%get3A_158] : memref<10240xf32, #tpu.memory_space<vmem>>[vector<16xi32>], vector<16xf32>,
      %get3A_160 = arith.index_cast %scan3A_125 : i32 to index
      %get3A_161 = arith.constant 32 : index
      %get3A_162 = tpu.vector_load %arg9[%get3A_160, %get3A_161] {strides = array<i32>} : memref<80x128xi32, #tpu.memory_space<vmem>>, vector<16xi32>,
      %gather3A_163 = tpu.vector_load_idx %arg12[%get3A_162] : memref<10240xf32, #tpu.memory_space<vmem>>[vector<16xi32>], vector<16xf32>,
      %get3A_164 = arith.index_cast %scan3A_125 : i32 to index
      %get3A_165 = arith.constant 32 : index
      %get3A_166 = tpu.vector_load %arg11[%get3A_164, %get3A_165] {strides = array<i32>} : memref<80x128xf32, #tpu.memory_space<vmem>>, vector<16xf32>,
      %mul3A_167 = arith.mulf %gather3A_159, %get3A_166 : vector<16xf32>
      %mul3A_168 = arith.mulf %mul3A_167, %gather3A_163 : vector<16xf32>
      %swap3A_169 = arith.index_cast %scan3A_125 : i32 to index
      %swap3A_170 = arith.constant 32 : index
      %swap3A_171 = tpu.vector_load %arg11[%swap3A_169, %swap3A_170] {strides = array<i32>} : memref<80x128xf32, #tpu.memory_space<vmem>>, vector<16xf32>,
      tpu.vector_store %arg11[%swap3A_169, %swap3A_170], %mul3A_168 {strides = array<i32>} : memref<80x128xf32, #tpu.memory_space<vmem>>, vector<16xf32>,
      %get3A_172 = arith.index_cast %scan3A_125 : i32 to index
      %get3A_173 = arith.constant 48 : index
      %get3A_174 = tpu.vector_load %arg8[%get3A_172, %get3A_173] {strides = array<i32>} : memref<80x128xi32, #tpu.memory_space<vmem>>, vector<16xi32>,
      %gather3A_175 = tpu.vector_load_idx %arg12[%get3A_174] : memref<10240xf32, #tpu.memory_space<vmem>>[vector<16xi32>], vector<16xf32>,
      %get3A_176 = arith.index_cast %scan3A_125 : i32 to index
      %get3A_177 = arith.constant 48 : index
      %get3A_178 = tpu.vector_load %arg9[%get3A_176, %get3A_177] {strides = array<i32>} : memref<80x128xi32, #tpu.memory_space<vmem>>, vector<16xi32>,
      %gather3A_179 = tpu.vector_load_idx %arg12[%get3A_178] : memref<10240xf32, #tpu.memory_space<vmem>>[vector<16xi32>], vector<16xf32>,
      %get3A_180 = arith.index_cast %scan3A_125 : i32 to index
      %get3A_181 = arith.constant 48 : index
      %get3A_182 = tpu.vector_load %arg11[%get3A_180, %get3A_181] {strides = array<i32>} : memref<80x128xf32, #tpu.memory_space<vmem>>, vector<16xf32>,
      %mul3A_183 = arith.mulf %gather3A_175, %get3A_182 : vector<16xf32>
      %mul3A_184 = arith.mulf %mul3A_183, %gather3A_179 : vector<16xf32>
      %swap3A_185 = arith.index_cast %scan3A_125 : i32 to index
      %swap3A_186 = arith.constant 48 : index
      %swap3A_187 = tpu.vector_load %arg11[%swap3A_185, %swap3A_186] {strides = array<i32>} : memref<80x128xf32, #tpu.memory_space<vmem>>, vector<16xf32>,
      tpu.vector_store %arg11[%swap3A_185, %swap3A_186], %mul3A_184 {strides = array<i32>} : memref<80x128xf32, #tpu.memory_space<vmem>>, vector<16xf32>,
      %get3A_188 = arith.index_cast %scan3A_125 : i32 to index
      %get3A_189 = arith.constant 64 : index
      %get3A_190 = tpu.vector_load %arg8[%get3A_188, %get3A_189] {strides = array<i32>} : memref<80x128xi32, #tpu.memory_space<vmem>>, vector<16xi32>,
      %gather3A_191 = tpu.vector_load_idx %arg12[%get3A_190] : memref<10240xf32, #tpu.memory_space<vmem>>[vector<16xi32>], vector<16xf32>,
      %get3A_192 = arith.index_cast %scan3A_125 : i32 to index
      %get3A_193 = arith.constant 64 : index
      %get3A_194 = tpu.vector_load %arg9[%get3A_192, %get3A_193] {strides = array<i32>} : memref<80x128xi32, #tpu.memory_space<vmem>>, vector<16xi32>,
      %gather3A_195 = tpu.vector_load_idx %arg12[%get3A_194] : memref<10240xf32, #tpu.memory_space<vmem>>[vector<16xi32>], vector<16xf32>,
      %get3A_196 = arith.index_cast %scan3A_125 : i32 to index
      %get3A_197 = arith.constant 64 : index
      %get3A_198 = tpu.vector_load %arg11[%get3A_196, %get3A_197] {strides = array<i32>} : memref<80x128xf32, #tpu.memory_space<vmem>>, vector<16xf32>,
      %mul3A_199 = arith.mulf %gather3A_191, %get3A_198 : vector<16xf32>
      %mul3A_200 = arith.mulf %mul3A_199, %gather3A_195 : vector<16xf32>
      %swap3A_201 = arith.index_cast %scan3A_125 : i32 to index
      %swap3A_202 = arith.constant 64 : index
      %swap3A_203 = tpu.vector_load %arg11[%swap3A_201, %swap3A_202] {strides = array<i32>} : memref<80x128xf32, #tpu.memory_space<vmem>>, vector<16xf32>,
      tpu.vector_store %arg11[%swap3A_201, %swap3A_202], %mul3A_200 {strides = array<i32>} : memref<80x128xf32, #tpu.memory_space<vmem>>, vector<16xf32>,
      %get3A_204 = arith.index_cast %scan3A_125 : i32 to index
      %get3A_205 = arith.constant 80 : index
      %get3A_206 = tpu.vector_load %arg8[%get3A_204, %get3A_205] {strides = array<i32>} : memref<80x128xi32, #tpu.memory_space<vmem>>, vector<16xi32>,
      %gather3A_207 = tpu.vector_load_idx %arg12[%get3A_206] : memref<10240xf32, #tpu.memory_space<vmem>>[vector<16xi32>], vector<16xf32>,
      %get3A_208 = arith.index_cast %scan3A_125 : i32 to index
      %get3A_209 = arith.constant 80 : index
      %get3A_210 = tpu.vector_load %arg9[%get3A_208, %get3A_209] {strides = array<i32>} : memref<80x128xi32, #tpu.memory_space<vmem>>, vector<16xi32>,
      %gather3A_211 = tpu.vector_load_idx %arg12[%get3A_210] : memref<10240xf32, #tpu.memory_space<vmem>>[vector<16xi32>], vector<16xf32>,
      %get3A_212 = arith.index_cast %scan3A_125 : i32 to index
      %get3A_213 = arith.constant 80 : index
      %get3A_214 = tpu.vector_load %arg11[%get3A_212, %get3A_213] {strides = array<i32>} : memref<80x128xf32, #tpu.memory_space<vmem>>, vector<16xf32>,
      %mul3A_215 = arith.mulf %gather3A_207, %get3A_214 : vector<16xf32>
      %mul3A_216 = arith.mulf %mul3A_215, %gather3A_211 : vector<16xf32>
      %swap3A_217 = arith.index_cast %scan3A_125 : i32 to index
      %swap3A_218 = arith.constant 80 : index
      %swap3A_219 = tpu.vector_load %arg11[%swap3A_217, %swap3A_218] {strides = array<i32>} : memref<80x128xf32, #tpu.memory_space<vmem>>, vector<16xf32>,
      tpu.vector_store %arg11[%swap3A_217, %swap3A_218], %mul3A_216 {strides = array<i32>} : memref<80x128xf32, #tpu.memory_space<vmem>>, vector<16xf32>,
      %get3A_220 = arith.index_cast %scan3A_125 : i32 to index
      %get3A_221 = arith.constant 96 : index
      %get3A_222 = tpu.vector_load %arg8[%get3A_220, %get3A_221] {strides = array<i32>} : memref<80x128xi32, #tpu.memory_space<vmem>>, vector<16xi32>,
      %gather3A_223 = tpu.vector_load_idx %arg12[%get3A_222] : memref<10240xf32, #tpu.memory_space<vmem>>[vector<16xi32>], vector<16xf32>,
      %get3A_224 = arith.index_cast %scan3A_125 : i32 to index
      %get3A_225 = arith.constant 96 : index
      %get3A_226 = tpu.vector_load %arg9[%get3A_224, %get3A_225] {strides = array<i32>} : memref<80x128xi32, #tpu.memory_space<vmem>>, vector<16xi32>,
      %gather3A_227 = tpu.vector_load_idx %arg12[%get3A_226] : memref<10240xf32, #tpu.memory_space<vmem>>[vector<16xi32>], vector<16xf32>,
      %get3A_228 = arith.index_cast %scan3A_125 : i32 to index
      %get3A_229 = arith.constant 96 : index
      %get3A_230 = tpu.vector_load %arg11[%get3A_228, %get3A_229] {strides = array<i32>} : memref<80x128xf32, #tpu.memory_space<vmem>>, vector<16xf32>,
      %mul3A_231 = arith.mulf %gather3A_223, %get3A_230 : vector<16xf32>
      %mul3A_232 = arith.mulf %mul3A_231, %gather3A_227 : vector<16xf32>
      %swap3A_233 = arith.index_cast %scan3A_125 : i32 to index
      %swap3A_234 = arith.constant 96 : index
      %swap3A_235 = tpu.vector_load %arg11[%swap3A_233, %swap3A_234] {strides = array<i32>} : memref<80x128xf32, #tpu.memory_space<vmem>>, vector<16xf32>,
      tpu.vector_store %arg11[%swap3A_233, %swap3A_234], %mul3A_232 {strides = array<i32>} : memref<80x128xf32, #tpu.memory_space<vmem>>, vector<16xf32>,
      %get3A_236 = arith.index_cast %scan3A_125 : i32 to index
      %get3A_237 = arith.constant 112 : index
      %get3A_238 = tpu.vector_load %arg8[%get3A_236, %get3A_237] {strides = array<i32>} : memref<80x128xi32, #tpu.memory_space<vmem>>, vector<16xi32>,
      %gather3A_239 = tpu.vector_load_idx %arg12[%get3A_238] : memref<10240xf32, #tpu.memory_space<vmem>>[vector<16xi32>], vector<16xf32>,
      %get3A_240 = arith.index_cast %scan3A_125 : i32 to index
      %get3A_241 = arith.constant 112 : index
      %get3A_242 = tpu.vector_load %arg9[%get3A_240, %get3A_241] {strides = array<i32>} : memref<80x128xi32, #tpu.memory_space<vmem>>, vector<16xi32>,
      %gather3A_243 = tpu.vector_load_idx %arg12[%get3A_242] : memref<10240xf32, #tpu.memory_space<vmem>>[vector<16xi32>], vector<16xf32>,
      %get3A_244 = arith.index_cast %scan3A_125 : i32 to index
      %get3A_245 = arith.constant 112 : index
      %get3A_246 = tpu.vector_load %arg11[%get3A_244, %get3A_245] {strides = array<i32>} : memref<80x128xf32, #tpu.memory_space<vmem>>, vector<16xf32>,
      %mul3A_247 = arith.mulf %gather3A_239, %get3A_246 : vector<16xf32>
      %mul3A_248 = arith.mulf %mul3A_247, %gather3A_243 : vector<16xf32>
      %swap3A_249 = arith.index_cast %scan3A_125 : i32 to index
      %swap3A_250 = arith.constant 112 : index
      %swap3A_251 = tpu.vector_load %arg11[%swap3A_249, %swap3A_250] {strides = array<i32>} : memref<80x128xf32, #tpu.memory_space<vmem>>, vector<16xf32>,
      tpu.vector_store %arg11[%swap3A_249, %swap3A_250], %mul3A_248 {strides = array<i32>} : memref<80x128xf32, #tpu.memory_space<vmem>>, vector<16xf32>,
      %scan3A_252 = arith.constant 0 : i32
      scf.yield %scan3A_252 : i32
    }
    %scan3A_14 = arith.constant 80 : i32
    %broadcast_in_dim3A = arith.constant 0.000000e+00 : f32
    %broadcast_in_dim3A_15 = vector.broadcast %broadcast_in_dim3A : f32 to vector<16xf32>
    %mul3A_16 = arith.constant 640 : i32
    %mul3A_17 = arith.muli %arg1, %mul3A_16 : i32
    %scan3A_18 = arith.constant 0 : i32
    %scan3A_19 = arith.constant 0 : i32
    %scan3A_20 = arith.constant 80 : i32
    %scan3A_21 = arith.addi %scan3A_19, %scan3A_20 : i32
    %scan3A_22 = arith.constant 1 : i32
    %scan3A_23 = scf.for %scan3A_125 = %scan3A_19 to %scan3A_21 step %scan3A_22 iter_args(%scan3A_126 = %scan3A_18) -> (i32)  : i32 {
      %get3A = arith.index_cast %scan3A_125 : i32 to index
      %get3A_127 = arith.constant 0 : index
      %get3A_128 = tpu.vector_load %arg8[%get3A, %get3A_127] {strides = array<i32>} : memref<80x128xi32, #tpu.memory_space<vmem>>, vector<16xi32>,
      %mul3A_129 = arith.constant 2 : i32
      %mul3A_130 = vector.broadcast %mul3A_129 : i32 to vector<16xi32>
      %mul3A_131 = arith.muli %get3A_128, %mul3A_130 : vector<16xi32>
      %add3A_132 = arith.constant 0 : i32
      %add3A_133 = vector.broadcast %add3A_132 : i32 to vector<16xi32>
      %add3A_134 = arith.addi %mul3A_131, %add3A_133 : vector<16xi32>
      %swap3A = arith.index_cast %scan3A_125 : i32 to index
      %swap3A_135 = arith.constant 0 : index
      %swap3A_136 = tpu.vector_load %arg10[%swap3A, %swap3A_135] {strides = array<i32>} : memref<80x128xi32, #tpu.memory_space<vmem>>, vector<16xi32>,
      tpu.vector_store %arg10[%swap3A, %swap3A_135], %add3A_134 {strides = array<i32>} : memref<80x128xi32, #tpu.memory_space<vmem>>, vector<16xi32>,
      %get3A_137 = arith.index_cast %scan3A_125 : i32 to index
      %get3A_138 = arith.constant 16 : index
      %get3A_139 = tpu.vector_load %arg8[%get3A_137, %get3A_138] {strides = array<i32>} : memref<80x128xi32, #tpu.memory_space<vmem>>, vector<16xi32>,
      %mul3A_140 = arith.constant 2 : i32
      %mul3A_141 = vector.broadcast %mul3A_140 : i32 to vector<16xi32>
      %mul3A_142 = arith.muli %get3A_139, %mul3A_141 : vector<16xi32>
      %add3A_143 = arith.constant 0 : i32
      %add3A_144 = vector.broadcast %add3A_143 : i32 to vector<16xi32>
      %add3A_145 = arith.addi %mul3A_142, %add3A_144 : vector<16xi32>
      %swap3A_146 = arith.index_cast %scan3A_125 : i32 to index
      %swap3A_147 = arith.constant 16 : index
      %swap3A_148 = tpu.vector_load %arg10[%swap3A_146, %swap3A_147] {strides = array<i32>} : memref<80x128xi32, #tpu.memory_space<vmem>>, vector<16xi32>,
      tpu.vector_store %arg10[%swap3A_146, %swap3A_147], %add3A_145 {strides = array<i32>} : memref<80x128xi32, #tpu.memory_space<vmem>>, vector<16xi32>,
      %get3A_149 = arith.index_cast %scan3A_125 : i32 to index
      %get3A_150 = arith.constant 32 : index
      %get3A_151 = tpu.vector_load %arg8[%get3A_149, %get3A_150] {strides = array<i32>} : memref<80x128xi32, #tpu.memory_space<vmem>>, vector<16xi32>,
      %mul3A_152 = arith.constant 2 : i32
      %mul3A_153 = vector.broadcast %mul3A_152 : i32 to vector<16xi32>
      %mul3A_154 = arith.muli %get3A_151, %mul3A_153 : vector<16xi32>
      %add3A_155 = arith.constant 0 : i32
      %add3A_156 = vector.broadcast %add3A_155 : i32 to vector<16xi32>
      %add3A_157 = arith.addi %mul3A_154, %add3A_156 : vector<16xi32>
      %swap3A_158 = arith.index_cast %scan3A_125 : i32 to index
      %swap3A_159 = arith.constant 32 : index
      %swap3A_160 = tpu.vector_load %arg10[%swap3A_158, %swap3A_159] {strides = array<i32>} : memref<80x128xi32, #tpu.memory_space<vmem>>, vector<16xi32>,
      tpu.vector_store %arg10[%swap3A_158, %swap3A_159], %add3A_157 {strides = array<i32>} : memref<80x128xi32, #tpu.memory_space<vmem>>, vector<16xi32>,
      %get3A_161 = arith.index_cast %scan3A_125 : i32 to index
      %get3A_162 = arith.constant 48 : index
      %get3A_163 = tpu.vector_load %arg8[%get3A_161, %get3A_162] {strides = array<i32>} : memref<80x128xi32, #tpu.memory_space<vmem>>, vector<16xi32>,
      %mul3A_164 = arith.constant 2 : i32
      %mul3A_165 = vector.broadcast %mul3A_164 : i32 to vector<16xi32>
      %mul3A_166 = arith.muli %get3A_163, %mul3A_165 : vector<16xi32>
      %add3A_167 = arith.constant 0 : i32
      %add3A_168 = vector.broadcast %add3A_167 : i32 to vector<16xi32>
      %add3A_169 = arith.addi %mul3A_166, %add3A_168 : vector<16xi32>
      %swap3A_170 = arith.index_cast %scan3A_125 : i32 to index
      %swap3A_171 = arith.constant 48 : index
      %swap3A_172 = tpu.vector_load %arg10[%swap3A_170, %swap3A_171] {strides = array<i32>} : memref<80x128xi32, #tpu.memory_space<vmem>>, vector<16xi32>,
      tpu.vector_store %arg10[%swap3A_170, %swap3A_171], %add3A_169 {strides = array<i32>} : memref<80x128xi32, #tpu.memory_space<vmem>>, vector<16xi32>,
      %get3A_173 = arith.index_cast %scan3A_125 : i32 to index
      %get3A_174 = arith.constant 64 : index
      %get3A_175 = tpu.vector_load %arg8[%get3A_173, %get3A_174] {strides = array<i32>} : memref<80x128xi32, #tpu.memory_space<vmem>>, vector<16xi32>,
      %mul3A_176 = arith.constant 2 : i32
      %mul3A_177 = vector.broadcast %mul3A_176 : i32 to vector<16xi32>
      %mul3A_178 = arith.muli %get3A_175, %mul3A_177 : vector<16xi32>
      %add3A_179 = arith.constant 0 : i32
      %add3A_180 = vector.broadcast %add3A_179 : i32 to vector<16xi32>
      %add3A_181 = arith.addi %mul3A_178, %add3A_180 : vector<16xi32>
      %swap3A_182 = arith.index_cast %scan3A_125 : i32 to index
      %swap3A_183 = arith.constant 64 : index
      %swap3A_184 = tpu.vector_load %arg10[%swap3A_182, %swap3A_183] {strides = array<i32>} : memref<80x128xi32, #tpu.memory_space<vmem>>, vector<16xi32>,
      tpu.vector_store %arg10[%swap3A_182, %swap3A_183], %add3A_181 {strides = array<i32>} : memref<80x128xi32, #tpu.memory_space<vmem>>, vector<16xi32>,
      %get3A_185 = arith.index_cast %scan3A_125 : i32 to index
      %get3A_186 = arith.constant 80 : index
      %get3A_187 = tpu.vector_load %arg8[%get3A_185, %get3A_186] {strides = array<i32>} : memref<80x128xi32, #tpu.memory_space<vmem>>, vector<16xi32>,
      %mul3A_188 = arith.constant 2 : i32
      %mul3A_189 = vector.broadcast %mul3A_188 : i32 to vector<16xi32>
      %mul3A_190 = arith.muli %get3A_187, %mul3A_189 : vector<16xi32>
      %add3A_191 = arith.constant 0 : i32
      %add3A_192 = vector.broadcast %add3A_191 : i32 to vector<16xi32>
      %add3A_193 = arith.addi %mul3A_190, %add3A_192 : vector<16xi32>
      %swap3A_194 = arith.index_cast %scan3A_125 : i32 to index
      %swap3A_195 = arith.constant 80 : index
      %swap3A_196 = tpu.vector_load %arg10[%swap3A_194, %swap3A_195] {strides = array<i32>} : memref<80x128xi32, #tpu.memory_space<vmem>>, vector<16xi32>,
      tpu.vector_store %arg10[%swap3A_194, %swap3A_195], %add3A_193 {strides = array<i32>} : memref<80x128xi32, #tpu.memory_space<vmem>>, vector<16xi32>,
      %get3A_197 = arith.index_cast %scan3A_125 : i32 to index
      %get3A_198 = arith.constant 96 : index
      %get3A_199 = tpu.vector_load %arg8[%get3A_197, %get3A_198] {strides = array<i32>} : memref<80x128xi32, #tpu.memory_space<vmem>>, vector<16xi32>,
      %mul3A_200 = arith.constant 2 : i32
      %mul3A_201 = vector.broadcast %mul3A_200 : i32 to vector<16xi32>
      %mul3A_202 = arith.muli %get3A_199, %mul3A_201 : vector<16xi32>
      %add3A_203 = arith.constant 0 : i32
      %add3A_204 = vector.broadcast %add3A_203 : i32 to vector<16xi32>
      %add3A_205 = arith.addi %mul3A_202, %add3A_204 : vector<16xi32>
      %swap3A_206 = arith.index_cast %scan3A_125 : i32 to index
      %swap3A_207 = arith.constant 96 : index
      %swap3A_208 = tpu.vector_load %arg10[%swap3A_206, %swap3A_207] {strides = array<i32>} : memref<80x128xi32, #tpu.memory_space<vmem>>, vector<16xi32>,
      tpu.vector_store %arg10[%swap3A_206, %swap3A_207], %add3A_205 {strides = array<i32>} : memref<80x128xi32, #tpu.memory_space<vmem>>, vector<16xi32>,
      %get3A_209 = arith.index_cast %scan3A_125 : i32 to index
      %get3A_210 = arith.constant 112 : index
      %get3A_211 = tpu.vector_load %arg8[%get3A_209, %get3A_210] {strides = array<i32>} : memref<80x128xi32, #tpu.memory_space<vmem>>, vector<16xi32>,
      %mul3A_212 = arith.constant 2 : i32
      %mul3A_213 = vector.broadcast %mul3A_212 : i32 to vector<16xi32>
      %mul3A_214 = arith.muli %get3A_211, %mul3A_213 : vector<16xi32>
      %add3A_215 = arith.constant 0 : i32
      %add3A_216 = vector.broadcast %add3A_215 : i32 to vector<16xi32>
      %add3A_217 = arith.addi %mul3A_214, %add3A_216 : vector<16xi32>
      %swap3A_218 = arith.index_cast %scan3A_125 : i32 to index
      %swap3A_219 = arith.constant 112 : index
      %swap3A_220 = tpu.vector_load %arg10[%swap3A_218, %swap3A_219] {strides = array<i32>} : memref<80x128xi32, #tpu.memory_space<vmem>>, vector<16xi32>,
      tpu.vector_store %arg10[%swap3A_218, %swap3A_219], %add3A_217 {strides = array<i32>} : memref<80x128xi32, #tpu.memory_space<vmem>>, vector<16xi32>,
      %scan3A_221 = arith.constant 0 : i32
      scf.yield %scan3A_221 : i32
    }
    %scan3A_24 = arith.constant 80 : i32
    %scan3A_25 = arith.constant 0 : i32
    %scan3A_26 = arith.constant 0 : i32
    %scan3A_27 = arith.constant 128 : i32
    %scan3A_28 = arith.addi %scan3A_26, %scan3A_27 : i32
    %scan3A_29 = arith.constant 1 : i32
    %scan3A_30 = scf.for %scan3A_125 = %scan3A_26 to %scan3A_28 step %scan3A_29 iter_args(%scan3A_126 = %scan3A_25) -> (i32)  : i32 {
      %swap3A = arith.index_cast %scan3A_125 : i32 to index
      %swap3A_127 = arith.constant 0 : index
      %swap3A_128 = tpu.vector_load %arg16[%swap3A, %swap3A_127] {strides = array<i32>} : memref<128x64xf32, #tpu.memory_space<vmem>>, vector<16xf32>,
      tpu.vector_store %arg16[%swap3A, %swap3A_127], %broadcast_in_dim3A_15 {strides = array<i32>} : memref<128x64xf32, #tpu.memory_space<vmem>>, vector<16xf32>,
      %swap3A_129 = arith.index_cast %scan3A_125 : i32 to index
      %swap3A_130 = arith.constant 16 : index
      %swap3A_131 = tpu.vector_load %arg16[%swap3A_129, %swap3A_130] {strides = array<i32>} : memref<128x64xf32, #tpu.memory_space<vmem>>, vector<16xf32>,
      tpu.vector_store %arg16[%swap3A_129, %swap3A_130], %broadcast_in_dim3A_15 {strides = array<i32>} : memref<128x64xf32, #tpu.memory_space<vmem>>, vector<16xf32>,
      %swap3A_132 = arith.index_cast %scan3A_125 : i32 to index
      %swap3A_133 = arith.constant 32 : index
      %swap3A_134 = tpu.vector_load %arg16[%swap3A_132, %swap3A_133] {strides = array<i32>} : memref<128x64xf32, #tpu.memory_space<vmem>>, vector<16xf32>,
      tpu.vector_store %arg16[%swap3A_132, %swap3A_133], %broadcast_in_dim3A_15 {strides = array<i32>} : memref<128x64xf32, #tpu.memory_space<vmem>>, vector<16xf32>,
      %swap3A_135 = arith.index_cast %scan3A_125 : i32 to index
      %swap3A_136 = arith.constant 48 : index
      %swap3A_137 = tpu.vector_load %arg16[%swap3A_135, %swap3A_136] {strides = array<i32>} : memref<128x64xf32, #tpu.memory_space<vmem>>, vector<16xf32>,
      tpu.vector_store %arg16[%swap3A_135, %swap3A_136], %broadcast_in_dim3A_15 {strides = array<i32>} : memref<128x64xf32, #tpu.memory_space<vmem>>, vector<16xf32>,
      %scan3A_138 = arith.constant 0 : i32
      scf.yield %scan3A_138 : i32
    }
    %scan3A_31 = arith.constant 128 : i32
    %add3A_32 = arith.constant 0 : i32
    %add3A_33 = arith.addi %mul3A_17, %add3A_32 : i32
    "tpu.region"() ({
      %run_scoped3A_125 = tpu.sem_alloc : memref<!tpu.dma_semaphore, #tpu.memory_space<semaphore_mem>>
      %dma_start3A_126 = arith.constant 0 : i32
      %dma_start3A_127 = tpu.memref_slice %arg17[%add3A_33, %dma_start3A_126] : memref<10240x64xf32, #tpu.memory_space<vmem_shared>> -> memref<128x64xf32, #tpu.memory_space<vmem_shared>>
      %dma_start3A_128 = arith.constant 0 : i32
      %dma_start3A_129 = tpu.memref_slice %arg17[%add3A_33, %dma_start3A_128] : memref<10240x64xf32, #tpu.memory_space<vmem_shared>> -> memref<128x64xf32, #tpu.memory_space<vmem_shared>>
      tpu.enqueue_dma source(%arg16 : memref<128x64xf32, #tpu.memory_space<vmem>>) target(%dma_start3A_129 : memref<128x64xf32, #tpu.memory_space<vmem_shared>>) target_semaphore(%run_scoped3A_125 : memref<!tpu.dma_semaphore, #tpu.memory_space<semaphore_mem>>)
      %dma_wait3A = arith.constant 0 : i32
      %dma_wait3A_130 = tpu.memref_slice %arg17[%add3A_33, %dma_wait3A] : memref<10240x64xf32, #tpu.memory_space<vmem_shared>> -> memref<128x64xf32, #tpu.memory_space<vmem_shared>>
      %dma_wait3A_131 = arith.constant 0 : i32
      %dma_wait3A_132 = tpu.memref_slice %arg17[%add3A_33, %dma_wait3A_131] : memref<10240x64xf32, #tpu.memory_space<vmem_shared>> -> memref<128x64xf32, #tpu.memory_space<vmem_shared>>
      tpu.wait_dma2 semaphore(%run_scoped3A_125 : memref<!tpu.dma_semaphore, #tpu.memory_space<semaphore_mem>>) src(%arg16 : memref<128x64xf32, #tpu.memory_space<vmem>>) dst(%dma_wait3A_132 : memref<128x64xf32, #tpu.memory_space<vmem_shared>>)
      tpu.yield
    }) : () -> ()
    %add3A_34 = arith.constant 128 : i32
    %add3A_35 = arith.addi %mul3A_17, %add3A_34 : i32
    "tpu.region"() ({
      %run_scoped3A_125 = tpu.sem_alloc : memref<!tpu.dma_semaphore, #tpu.memory_space<semaphore_mem>>
      %dma_start3A_126 = arith.constant 0 : i32
      %dma_start3A_127 = tpu.memref_slice %arg17[%add3A_35, %dma_start3A_126] : memref<10240x64xf32, #tpu.memory_space<vmem_shared>> -> memref<128x64xf32, #tpu.memory_space<vmem_shared>>
      %dma_start3A_128 = arith.constant 0 : i32
      %dma_start3A_129 = tpu.memref_slice %arg17[%add3A_35, %dma_start3A_128] : memref<10240x64xf32, #tpu.memory_space<vmem_shared>> -> memref<128x64xf32, #tpu.memory_space<vmem_shared>>
      tpu.enqueue_dma source(%arg16 : memref<128x64xf32, #tpu.memory_space<vmem>>) target(%dma_start3A_129 : memref<128x64xf32, #tpu.memory_space<vmem_shared>>) target_semaphore(%run_scoped3A_125 : memref<!tpu.dma_semaphore, #tpu.memory_space<semaphore_mem>>)
      %dma_wait3A = arith.constant 0 : i32
      %dma_wait3A_130 = tpu.memref_slice %arg17[%add3A_35, %dma_wait3A] : memref<10240x64xf32, #tpu.memory_space<vmem_shared>> -> memref<128x64xf32, #tpu.memory_space<vmem_shared>>
      %dma_wait3A_131 = arith.constant 0 : i32
      %dma_wait3A_132 = tpu.memref_slice %arg17[%add3A_35, %dma_wait3A_131] : memref<10240x64xf32, #tpu.memory_space<vmem_shared>> -> memref<128x64xf32, #tpu.memory_space<vmem_shared>>
      tpu.wait_dma2 semaphore(%run_scoped3A_125 : memref<!tpu.dma_semaphore, #tpu.memory_space<semaphore_mem>>) src(%arg16 : memref<128x64xf32, #tpu.memory_space<vmem>>) dst(%dma_wait3A_132 : memref<128x64xf32, #tpu.memory_space<vmem_shared>>)
      tpu.yield
    }) : () -> ()
    %add3A_36 = arith.constant 256 : i32
    %add3A_37 = arith.addi %mul3A_17, %add3A_36 : i32
    "tpu.region"() ({
      %run_scoped3A_125 = tpu.sem_alloc : memref<!tpu.dma_semaphore, #tpu.memory_space<semaphore_mem>>
      %dma_start3A_126 = arith.constant 0 : i32
      %dma_start3A_127 = tpu.memref_slice %arg17[%add3A_37, %dma_start3A_126] : memref<10240x64xf32, #tpu.memory_space<vmem_shared>> -> memref<128x64xf32, #tpu.memory_space<vmem_shared>>
      %dma_start3A_128 = arith.constant 0 : i32
      %dma_start3A_129 = tpu.memref_slice %arg17[%add3A_37, %dma_start3A_128] : memref<10240x64xf32, #tpu.memory_space<vmem_shared>> -> memref<128x64xf32, #tpu.memory_space<vmem_shared>>
      tpu.enqueue_dma source(%arg16 : memref<128x64xf32, #tpu.memory_space<vmem>>) target(%dma_start3A_129 : memref<128x64xf32, #tpu.memory_space<vmem_shared>>) target_semaphore(%run_scoped3A_125 : memref<!tpu.dma_semaphore, #tpu.memory_space<semaphore_mem>>)
      %dma_wait3A = arith.constant 0 : i32
      %dma_wait3A_130 = tpu.memref_slice %arg17[%add3A_37, %dma_wait3A] : memref<10240x64xf32, #tpu.memory_space<vmem_shared>> -> memref<128x64xf32, #tpu.memory_space<vmem_shared>>
      %dma_wait3A_131 = arith.constant 0 : i32
      %dma_wait3A_132 = tpu.memref_slice %arg17[%add3A_37, %dma_wait3A_131] : memref<10240x64xf32, #tpu.memory_space<vmem_shared>> -> memref<128x64xf32, #tpu.memory_space<vmem_shared>>
      tpu.wait_dma2 semaphore(%run_scoped3A_125 : memref<!tpu.dma_semaphore, #tpu.memory_space<semaphore_mem>>) src(%arg16 : memref<128x64xf32, #tpu.memory_space<vmem>>) dst(%dma_wait3A_132 : memref<128x64xf32, #tpu.memory_space<vmem_shared>>)
      tpu.yield
    }) : () -> ()
    %add3A_38 = arith.constant 384 : i32
    %add3A_39 = arith.addi %mul3A_17, %add3A_38 : i32
    "tpu.region"() ({
      %run_scoped3A_125 = tpu.sem_alloc : memref<!tpu.dma_semaphore, #tpu.memory_space<semaphore_mem>>
      %dma_start3A_126 = arith.constant 0 : i32
      %dma_start3A_127 = tpu.memref_slice %arg17[%add3A_39, %dma_start3A_126] : memref<10240x64xf32, #tpu.memory_space<vmem_shared>> -> memref<128x64xf32, #tpu.memory_space<vmem_shared>>
      %dma_start3A_128 = arith.constant 0 : i32
      %dma_start3A_129 = tpu.memref_slice %arg17[%add3A_39, %dma_start3A_128] : memref<10240x64xf32, #tpu.memory_space<vmem_shared>> -> memref<128x64xf32, #tpu.memory_space<vmem_shared>>
      tpu.enqueue_dma source(%arg16 : memref<128x64xf32, #tpu.memory_space<vmem>>) target(%dma_start3A_129 : memref<128x64xf32, #tpu.memory_space<vmem_shared>>) target_semaphore(%run_scoped3A_125 : memref<!tpu.dma_semaphore, #tpu.memory_space<semaphore_mem>>)
      %dma_wait3A = arith.constant 0 : i32
      %dma_wait3A_130 = tpu.memref_slice %arg17[%add3A_39, %dma_wait3A] : memref<10240x64xf32, #tpu.memory_space<vmem_shared>> -> memref<128x64xf32, #tpu.memory_space<vmem_shared>>
      %dma_wait3A_131 = arith.constant 0 : i32
      %dma_wait3A_132 = tpu.memref_slice %arg17[%add3A_39, %dma_wait3A_131] : memref<10240x64xf32, #tpu.memory_space<vmem_shared>> -> memref<128x64xf32, #tpu.memory_space<vmem_shared>>
      tpu.wait_dma2 semaphore(%run_scoped3A_125 : memref<!tpu.dma_semaphore, #tpu.memory_space<semaphore_mem>>) src(%arg16 : memref<128x64xf32, #tpu.memory_space<vmem>>) dst(%dma_wait3A_132 : memref<128x64xf32, #tpu.memory_space<vmem_shared>>)
      tpu.yield
    }) : () -> ()
    %add3A_40 = arith.constant 512 : i32
    %add3A_41 = arith.addi %mul3A_17, %add3A_40 : i32
    "tpu.region"() ({
      %run_scoped3A_125 = tpu.sem_alloc : memref<!tpu.dma_semaphore, #tpu.memory_space<semaphore_mem>>
      %dma_start3A_126 = arith.constant 0 : i32
      %dma_start3A_127 = tpu.memref_slice %arg17[%add3A_41, %dma_start3A_126] : memref<10240x64xf32, #tpu.memory_space<vmem_shared>> -> memref<128x64xf32, #tpu.memory_space<vmem_shared>>
      %dma_start3A_128 = arith.constant 0 : i32
      %dma_start3A_129 = tpu.memref_slice %arg17[%add3A_41, %dma_start3A_128] : memref<10240x64xf32, #tpu.memory_space<vmem_shared>> -> memref<128x64xf32, #tpu.memory_space<vmem_shared>>
      tpu.enqueue_dma source(%arg16 : memref<128x64xf32, #tpu.memory_space<vmem>>) target(%dma_start3A_129 : memref<128x64xf32, #tpu.memory_space<vmem_shared>>) target_semaphore(%run_scoped3A_125 : memref<!tpu.dma_semaphore, #tpu.memory_space<semaphore_mem>>)
      %dma_wait3A = arith.constant 0 : i32
      %dma_wait3A_130 = tpu.memref_slice %arg17[%add3A_41, %dma_wait3A] : memref<10240x64xf32, #tpu.memory_space<vmem_shared>> -> memref<128x64xf32, #tpu.memory_space<vmem_shared>>
      %dma_wait3A_131 = arith.constant 0 : i32
      %dma_wait3A_132 = tpu.memref_slice %arg17[%add3A_41, %dma_wait3A_131] : memref<10240x64xf32, #tpu.memory_space<vmem_shared>> -> memref<128x64xf32, #tpu.memory_space<vmem_shared>>
      tpu.wait_dma2 semaphore(%run_scoped3A_125 : memref<!tpu.dma_semaphore, #tpu.memory_space<semaphore_mem>>) src(%arg16 : memref<128x64xf32, #tpu.memory_space<vmem>>) dst(%dma_wait3A_132 : memref<128x64xf32, #tpu.memory_space<vmem_shared>>)
      tpu.yield
    }) : () -> ()
    %barrier3A = arith.constant 0 : index
    tpu.barrier barrier_id(%barrier3A)
    %dma_start3A = arith.constant 0 : i32
    %dma_start3A_42 = arith.constant 0 : i32
    %dma_start3A_43 = arith.constant 0 : i32
    %dma_start3A_44 = tpu.memref_slice %arg14[%dma_start3A_42, %dma_start3A_43] : memref<128x64xbf16, #tpu.memory_space<vmem>> -> memref<64x64xbf16, #tpu.memory_space<vmem>>
    %dma_start3A_45 = arith.constant 0 : i32
    %dma_start3A_46 = tpu.memref_slice %arg10[%dma_start3A, %dma_start3A_45] : memref<80x128xi32, #tpu.memory_space<vmem>> -> memref<1x64xi32, #tpu.memory_space<vmem>>
    %dma_start3A_47 = tpu.memref_squeeze %dma_start3A_46 : memref<1x64xi32, #tpu.memory_space<vmem>> -> memref<64xi32, #tpu.memory_space<vmem>>
    %dma_start3A_48 = arith.constant 0 : i32
    %dma_start3A_49 = arith.constant 0 : i32
    %dma_start3A_50 = tpu.memref_slice %arg2[%dma_start3A_48, %dma_start3A_49] : memref<20480x64xbf16, #tpu.memory_space<hbm>> -> memref<20480x64xbf16, #tpu.memory_space<hbm>>
    tpu.enqueue_indirect_dma source(%dma_start3A_50 : memref<20480x64xbf16, #tpu.memory_space<hbm>>) target(%dma_start3A_44 : memref<64x64xbf16, #tpu.memory_space<vmem>>) offsets(%dma_start3A_47 : memref<64xi32, #tpu.memory_space<vmem>>) semaphore(%arg18 : memref<!tpu.dma_semaphore, #tpu.memory_space<semaphore_mem>>)
    %dma_start3A_51 = arith.constant 0 : i32
    %dma_start3A_52 = arith.constant 64 : i32
    %dma_start3A_53 = arith.constant 0 : i32
    %dma_start3A_54 = tpu.memref_slice %arg14[%dma_start3A_52, %dma_start3A_53] : memref<128x64xbf16, #tpu.memory_space<vmem>> -> memref<64x64xbf16, #tpu.memory_space<vmem>>
    %dma_start3A_55 = arith.constant 64 : i32
    %dma_start3A_56 = tpu.memref_slice %arg10[%dma_start3A_51, %dma_start3A_55] : memref<80x128xi32, #tpu.memory_space<vmem>> -> memref<1x64xi32, #tpu.memory_space<vmem>>
    %dma_start3A_57 = tpu.memref_squeeze %dma_start3A_56 : memref<1x64xi32, #tpu.memory_space<vmem>> -> memref<64xi32, #tpu.memory_space<vmem>>
    %dma_start3A_58 = arith.constant 0 : i32
    %dma_start3A_59 = arith.constant 0 : i32
    %dma_start3A_60 = tpu.memref_slice %arg2[%dma_start3A_58, %dma_start3A_59] : memref<20480x64xbf16, #tpu.memory_space<hbm>> -> memref<20480x64xbf16, #tpu.memory_space<hbm>>
    tpu.enqueue_indirect_dma source(%dma_start3A_60 : memref<20480x64xbf16, #tpu.memory_space<hbm>>) target(%dma_start3A_54 : memref<64x64xbf16, #tpu.memory_space<vmem>>) offsets(%dma_start3A_57 : memref<64xi32, #tpu.memory_space<vmem>>) semaphore(%arg20 : memref<!tpu.dma_semaphore, #tpu.memory_space<semaphore_mem>>)
    %scan3A_61 = arith.constant 0 : i32
    %scan3A_62 = arith.constant 0 : i32
    %scan3A_63 = arith.constant 40 : i32
    %scan3A_64 = arith.addi %scan3A_62, %scan3A_63 : i32
    %scan3A_65 = arith.constant 1 : i32
    %scan3A_66 = scf.for %scan3A_125 = %scan3A_62 to %scan3A_64 step %scan3A_65 iter_args(%scan3A_126 = %scan3A_61) -> (i32)  : i32 {
      %mul3A_127 = arith.constant 2 : i32
      %mul3A_128 = arith.muli %scan3A_125, %mul3A_127 : i32
      %add3A_129 = arith.constant 0 : i32
      %add3A_130 = arith.addi %mul3A_128, %add3A_129 : i32
      %add3A_131 = arith.constant 1 : i32
      %add3A_132 = arith.addi %add3A_130, %add3A_131 : i32
      %lt3A = arith.constant 80 : i32
      %lt3A_133 = arith.cmpi slt, %add3A_132, %lt3A : i32
      %convert_element_type3A = arith.extui %lt3A_133 : i1 to i32
      %cond3A = arith.constant 0 : i32
      %cond3A_134 = arith.cmpi ne, %convert_element_type3A, %cond3A : i32
      scf.if %cond3A_134 {
        %add3A_196 = arith.constant 1 : i32
        %add3A_197 = arith.addi %add3A_130, %add3A_196 : i32
        %dma_start3A_198 = arith.constant 0 : i32
        %dma_start3A_199 = arith.constant 0 : i32
        %dma_start3A_200 = tpu.memref_slice %arg15[%dma_start3A_198, %dma_start3A_199] : memref<128x64xbf16, #tpu.memory_space<vmem>> -> memref<64x64xbf16, #tpu.memory_space<vmem>>
        %dma_start3A_201 = arith.constant 0 : i32
        %dma_start3A_202 = tpu.memref_slice %arg10[%add3A_197, %dma_start3A_201] : memref<80x128xi32, #tpu.memory_space<vmem>> -> memref<1x64xi32, #tpu.memory_space<vmem>>
        %dma_start3A_203 = tpu.memref_squeeze %dma_start3A_202 : memref<1x64xi32, #tpu.memory_space<vmem>> -> memref<64xi32, #tpu.memory_space<vmem>>
        %dma_start3A_204 = arith.constant 0 : i32
        %dma_start3A_205 = arith.constant 0 : i32
        %dma_start3A_206 = tpu.memref_slice %arg2[%dma_start3A_204, %dma_start3A_205] : memref<20480x64xbf16, #tpu.memory_space<hbm>> -> memref<20480x64xbf16, #tpu.memory_space<hbm>>
        tpu.enqueue_indirect_dma source(%dma_start3A_206 : memref<20480x64xbf16, #tpu.memory_space<hbm>>) target(%dma_start3A_200 : memref<64x64xbf16, #tpu.memory_space<vmem>>) offsets(%dma_start3A_203 : memref<64xi32, #tpu.memory_space<vmem>>) semaphore(%arg19 : memref<!tpu.dma_semaphore, #tpu.memory_space<semaphore_mem>>)
        %add3A_207 = arith.constant 1 : i32
        %add3A_208 = arith.addi %add3A_130, %add3A_207 : i32
        %dma_start3A_209 = arith.constant 64 : i32
        %dma_start3A_210 = arith.constant 0 : i32
        %dma_start3A_211 = tpu.memref_slice %arg15[%dma_start3A_209, %dma_start3A_210] : memref<128x64xbf16, #tpu.memory_space<vmem>> -> memref<64x64xbf16, #tpu.memory_space<vmem>>
        %dma_start3A_212 = arith.constant 64 : i32
        %dma_start3A_213 = tpu.memref_slice %arg10[%add3A_208, %dma_start3A_212] : memref<80x128xi32, #tpu.memory_space<vmem>> -> memref<1x64xi32, #tpu.memory_space<vmem>>
        %dma_start3A_214 = tpu.memref_squeeze %dma_start3A_213 : memref<1x64xi32, #tpu.memory_space<vmem>> -> memref<64xi32, #tpu.memory_space<vmem>>
        %dma_start3A_215 = arith.constant 0 : i32
        %dma_start3A_216 = arith.constant 0 : i32
        %dma_start3A_217 = tpu.memref_slice %arg2[%dma_start3A_215, %dma_start3A_216] : memref<20480x64xbf16, #tpu.memory_space<hbm>> -> memref<20480x64xbf16, #tpu.memory_space<hbm>>
        tpu.enqueue_indirect_dma source(%dma_start3A_217 : memref<20480x64xbf16, #tpu.memory_space<hbm>>) target(%dma_start3A_211 : memref<64x64xbf16, #tpu.memory_space<vmem>>) offsets(%dma_start3A_214 : memref<64xi32, #tpu.memory_space<vmem>>) semaphore(%arg21 : memref<!tpu.dma_semaphore, #tpu.memory_space<semaphore_mem>>)
      } else {
      }
      %dma_wait3A = arith.constant 0 : i32
      %dma_wait3A_135 = arith.constant 0 : i32
      %dma_wait3A_136 = tpu.memref_slice %arg14[%dma_wait3A, %dma_wait3A_135] : memref<128x64xbf16, #tpu.memory_space<vmem>> -> memref<64x64xbf16, #tpu.memory_space<vmem>>
      %dma_wait3A_137 = arith.constant 0 : i32
      %dma_wait3A_138 = tpu.memref_slice %arg10[%add3A_130, %dma_wait3A_137] : memref<80x128xi32, #tpu.memory_space<vmem>> -> memref<1x64xi32, #tpu.memory_space<vmem>>
      %dma_wait3A_139 = tpu.memref_squeeze %dma_wait3A_138 : memref<1x64xi32, #tpu.memory_space<vmem>> -> memref<64xi32, #tpu.memory_space<vmem>>
      %dma_wait3A_140 = arith.constant 0 : i32
      %dma_wait3A_141 = arith.constant 0 : i32
      %dma_wait3A_142 = tpu.memref_slice %arg2[%dma_wait3A_140, %dma_wait3A_141] : memref<20480x64xbf16, #tpu.memory_space<hbm>> -> memref<20480x64xbf16, #tpu.memory_space<hbm>>
      tpu.wait_indirect_dma semaphore(%arg18 : memref<!tpu.dma_semaphore, #tpu.memory_space<semaphore_mem>>) src(%dma_wait3A_142 : memref<20480x64xbf16, #tpu.memory_space<hbm>>) dst(%dma_wait3A_136 : memref<64x64xbf16, #tpu.memory_space<vmem>>)
      %dma_wait3A_143 = arith.constant 64 : i32
      %dma_wait3A_144 = arith.constant 0 : i32
      %dma_wait3A_145 = tpu.memref_slice %arg14[%dma_wait3A_143, %dma_wait3A_144] : memref<128x64xbf16, #tpu.memory_space<vmem>> -> memref<64x64xbf16, #tpu.memory_space<vmem>>
      %dma_wait3A_146 = arith.constant 64 : i32
      %dma_wait3A_147 = tpu.memref_slice %arg10[%add3A_130, %dma_wait3A_146] : memref<80x128xi32, #tpu.memory_space<vmem>> -> memref<1x64xi32, #tpu.memory_space<vmem>>
      %dma_wait3A_148 = tpu.memref_squeeze %dma_wait3A_147 : memref<1x64xi32, #tpu.memory_space<vmem>> -> memref<64xi32, #tpu.memory_space<vmem>>
      %dma_wait3A_149 = arith.constant 0 : i32
      %dma_wait3A_150 = arith.constant 0 : i32
      %dma_wait3A_151 = tpu.memref_slice %arg2[%dma_wait3A_149, %dma_wait3A_150] : memref<20480x64xbf16, #tpu.memory_space<hbm>> -> memref<20480x64xbf16, #tpu.memory_space<hbm>>
      tpu.wait_indirect_dma semaphore(%arg20 : memref<!tpu.dma_semaphore, #tpu.memory_space<semaphore_mem>>) src(%dma_wait3A_151 : memref<20480x64xbf16, #tpu.memory_space<hbm>>) dst(%dma_wait3A_145 : memref<64x64xbf16, #tpu.memory_space<vmem>>)
      %scan3A_152 = arith.constant 0 : i32
      %scan3A_153 = arith.constant 0 : i32
      %scan3A_154 = arith.constant 128 : i32
      %scan3A_155 = arith.addi %scan3A_153, %scan3A_154 : i32
      %scan3A_156 = arith.constant 1 : i32
      %scan3A_157 = scf.for %scan3A_196 = %scan3A_153 to %scan3A_155 step %scan3A_156 iter_args(%scan3A_197 = %scan3A_152) -> (i32)  : i32 {
        %broadcast_in_dim3A_198 = arith.constant 0 : i32
        %broadcast_in_dim3A_199 = vector.broadcast %broadcast_in_dim3A_198 : i32 to vector<16xi32>
        %add3A_200 = vector.broadcast %scan3A_196 : i32 to vector<16xi32>
        %add3A_201 = arith.addi %broadcast_in_dim3A_199, %add3A_200 : vector<16xi32>
        %gather3A = arith.constant 0 : i32
        %gather3A_202 = tpu.memref_slice %arg11[%add3A_130, %gather3A] : memref<80x128xf32, #tpu.memory_space<vmem>> -> memref<1x128xf32, #tpu.memory_space<vmem>>
        %gather3A_203 = tpu.memref_squeeze %gather3A_202 : memref<1x128xf32, #tpu.memory_space<vmem>> -> memref<128xf32, #tpu.memory_space<vmem>>
        %gather3A_204 = tpu.vector_load_idx %gather3A_203[%add3A_201] : memref<128xf32, #tpu.memory_space<vmem>>[vector<16xi32>], vector<16xf32>,
        %get3A = arith.index_cast %scan3A_196 : i32 to index
        %get3A_205 = arith.constant 0 : index
        %get3A_206 = tpu.vector_load %arg14[%get3A, %get3A_205] {strides = array<i32>} : memref<128x64xbf16, #tpu.memory_space<vmem>>, vector<32xbf16>,
        %bitcast3A = vector.bitcast %get3A_206 : vector<32xbf16> to vector<16xi32>
        %shift_left3A = arith.constant 16 : i32
        %shift_left3A_207 = vector.broadcast %shift_left3A : i32 to vector<16xi32>
        %shift_left3A_208 = arith.shli %bitcast3A, %shift_left3A_207 : vector<16xi32>
        %bitcast3A_209 = vector.bitcast %shift_left3A_208 : vector<16xi32> to vector<16xf32>
        %and3A = arith.constant -65536 : i32
        %and3A_210 = vector.broadcast %and3A : i32 to vector<16xi32>
        %and3A_211 = arith.andi %bitcast3A, %and3A_210 : vector<16xi32>
        %bitcast3A_212 = vector.bitcast %and3A_211 : vector<16xi32> to vector<16xf32>
        %mul3A_213 = arith.mulf %bitcast3A_209, %gather3A_204 : vector<16xf32>
        %swap3A = arith.index_cast %scan3A_196 : i32 to index
        %swap3A_214 = arith.constant 0 : index
        %swap3A_215 = tpu.vector_load %arg16[%swap3A, %swap3A_214] {strides = array<i32>} : memref<128x64xf32, #tpu.memory_space<vmem>>, vector<16xf32>,
        tpu.vector_store %arg16[%swap3A, %swap3A_214], %mul3A_213 {strides = array<i32>} : memref<128x64xf32, #tpu.memory_space<vmem>>, vector<16xf32>,
        %mul3A_216 = arith.mulf %bitcast3A_212, %gather3A_204 : vector<16xf32>
        %swap3A_217 = arith.index_cast %scan3A_196 : i32 to index
        %swap3A_218 = arith.constant 16 : index
        %swap3A_219 = tpu.vector_load %arg16[%swap3A_217, %swap3A_218] {strides = array<i32>} : memref<128x64xf32, #tpu.memory_space<vmem>>, vector<16xf32>,
        tpu.vector_store %arg16[%swap3A_217, %swap3A_218], %mul3A_216 {strides = array<i32>} : memref<128x64xf32, #tpu.memory_space<vmem>>, vector<16xf32>,
        %get3A_220 = arith.index_cast %scan3A_196 : i32 to index
        %get3A_221 = arith.constant 32 : index
        %get3A_222 = tpu.vector_load %arg14[%get3A_220, %get3A_221] {strides = array<i32>} : memref<128x64xbf16, #tpu.memory_space<vmem>>, vector<32xbf16>,
        %bitcast3A_223 = vector.bitcast %get3A_222 : vector<32xbf16> to vector<16xi32>
        %shift_left3A_224 = arith.constant 16 : i32
        %shift_left3A_225 = vector.broadcast %shift_left3A_224 : i32 to vector<16xi32>
        %shift_left3A_226 = arith.shli %bitcast3A_223, %shift_left3A_225 : vector<16xi32>
        %bitcast3A_227 = vector.bitcast %shift_left3A_226 : vector<16xi32> to vector<16xf32>
        %and3A_228 = arith.constant -65536 : i32
        %and3A_229 = vector.broadcast %and3A_228 : i32 to vector<16xi32>
        %and3A_230 = arith.andi %bitcast3A_223, %and3A_229 : vector<16xi32>
        %bitcast3A_231 = vector.bitcast %and3A_230 : vector<16xi32> to vector<16xf32>
        %mul3A_232 = arith.mulf %bitcast3A_227, %gather3A_204 : vector<16xf32>
        %swap3A_233 = arith.index_cast %scan3A_196 : i32 to index
        %swap3A_234 = arith.constant 32 : index
        %swap3A_235 = tpu.vector_load %arg16[%swap3A_233, %swap3A_234] {strides = array<i32>} : memref<128x64xf32, #tpu.memory_space<vmem>>, vector<16xf32>,
        tpu.vector_store %arg16[%swap3A_233, %swap3A_234], %mul3A_232 {strides = array<i32>} : memref<128x64xf32, #tpu.memory_space<vmem>>, vector<16xf32>,
        %mul3A_236 = arith.mulf %bitcast3A_231, %gather3A_204 : vector<16xf32>
        %swap3A_237 = arith.index_cast %scan3A_196 : i32 to index
        %swap3A_238 = arith.constant 48 : index
        %swap3A_239 = tpu.vector_load %arg16[%swap3A_237, %swap3A_238] {strides = array<i32>} : memref<128x64xf32, #tpu.memory_space<vmem>>, vector<16xf32>,
        tpu.vector_store %arg16[%swap3A_237, %swap3A_238], %mul3A_236 {strides = array<i32>} : memref<128x64xf32, #tpu.memory_space<vmem>>, vector<16xf32>,
        %scan3A_240 = arith.constant 0 : i32
        scf.yield %scan3A_240 : i32
      }
      %scan3A_158 = arith.constant 128 : i32
      "tpu.region"() ({
        %run_scoped3A_196 = tpu.sem_alloc : memref<!tpu.dma_semaphore, #tpu.memory_space<semaphore_mem>>
        %dma_start3A_197 = arith.constant 0 : i32
        %dma_start3A_198 = tpu.memref_slice %arg9[%add3A_130, %dma_start3A_197] : memref<80x128xi32, #tpu.memory_space<vmem>> -> memref<1x128xi32, #tpu.memory_space<vmem>>
        %dma_start3A_199 = tpu.memref_squeeze %dma_start3A_198 : memref<1x128xi32, #tpu.memory_space<vmem>> -> memref<128xi32, #tpu.memory_space<vmem>>
        %dma_start3A_200 = arith.constant 0 : i32
        %dma_start3A_201 = arith.constant 0 : i32
        %dma_start3A_202 = tpu.memref_slice %arg17[%dma_start3A_200, %dma_start3A_201] : memref<10240x64xf32, #tpu.memory_space<vmem_shared>> -> memref<10240x64xf32, #tpu.memory_space<vmem_shared>>
        tpu.enqueue_indirect_dma source(%arg16 : memref<128x64xf32, #tpu.memory_space<vmem>>) target(%dma_start3A_202 : memref<10240x64xf32, #tpu.memory_space<vmem_shared>>) offsets(%dma_start3A_199 : memref<128xi32, #tpu.memory_space<vmem>>) semaphore(%run_scoped3A_196 : memref<!tpu.dma_semaphore, #tpu.memory_space<semaphore_mem>>) {add = true}
        %dma_wait3A_203 = arith.constant 0 : i32
        %dma_wait3A_204 = tpu.memref_slice %arg9[%add3A_130, %dma_wait3A_203] : memref<80x128xi32, #tpu.memory_space<vmem>> -> memref<1x128xi32, #tpu.memory_space<vmem>>
        %dma_wait3A_205 = tpu.memref_squeeze %dma_wait3A_204 : memref<1x128xi32, #tpu.memory_space<vmem>> -> memref<128xi32, #tpu.memory_space<vmem>>
        %dma_wait3A_206 = arith.constant 0 : i32
        %dma_wait3A_207 = arith.constant 0 : i32
        %dma_wait3A_208 = tpu.memref_slice %arg17[%dma_wait3A_206, %dma_wait3A_207] : memref<10240x64xf32, #tpu.memory_space<vmem_shared>> -> memref<10240x64xf32, #tpu.memory_space<vmem_shared>>
        tpu.wait_indirect_dma semaphore(%run_scoped3A_196 : memref<!tpu.dma_semaphore, #tpu.memory_space<semaphore_mem>>) src(%arg16 : memref<128x64xf32, #tpu.memory_space<vmem>>) dst(%dma_wait3A_208 : memref<10240x64xf32, #tpu.memory_space<vmem_shared>>)
        tpu.yield
      }) : () -> ()
      %mul3A_159 = arith.constant 2 : i32
      %mul3A_160 = arith.muli %scan3A_125, %mul3A_159 : i32
      %add3A_161 = arith.constant 1 : i32
      %add3A_162 = arith.addi %mul3A_160, %add3A_161 : i32
      %add3A_163 = arith.constant 1 : i32
      %add3A_164 = arith.addi %add3A_162, %add3A_163 : i32
      %lt3A_165 = arith.constant 80 : i32
      %lt3A_166 = arith.cmpi slt, %add3A_164, %lt3A_165 : i32
      %convert_element_type3A_167 = arith.extui %lt3A_166 : i1 to i32
      %cond3A_168 = arith.constant 0 : i32
      %cond3A_169 = arith.cmpi ne, %convert_element_type3A_167, %cond3A_168 : i32
      scf.if %cond3A_169 {
        %add3A_196 = arith.constant 1 : i32
        %add3A_197 = arith.addi %add3A_162, %add3A_196 : i32
        %dma_start3A_198 = arith.constant 0 : i32
        %dma_start3A_199 = arith.constant 0 : i32
        %dma_start3A_200 = tpu.memref_slice %arg14[%dma_start3A_198, %dma_start3A_199] : memref<128x64xbf16, #tpu.memory_space<vmem>> -> memref<64x64xbf16, #tpu.memory_space<vmem>>
        %dma_start3A_201 = arith.constant 0 : i32
        %dma_start3A_202 = tpu.memref_slice %arg10[%add3A_197, %dma_start3A_201] : memref<80x128xi32, #tpu.memory_space<vmem>> -> memref<1x64xi32, #tpu.memory_space<vmem>>
        %dma_start3A_203 = tpu.memref_squeeze %dma_start3A_202 : memref<1x64xi32, #tpu.memory_space<vmem>> -> memref<64xi32, #tpu.memory_space<vmem>>
        %dma_start3A_204 = arith.constant 0 : i32
        %dma_start3A_205 = arith.constant 0 : i32
        %dma_start3A_206 = tpu.memref_slice %arg2[%dma_start3A_204, %dma_start3A_205] : memref<20480x64xbf16, #tpu.memory_space<hbm>> -> memref<20480x64xbf16, #tpu.memory_space<hbm>>
        tpu.enqueue_indirect_dma source(%dma_start3A_206 : memref<20480x64xbf16, #tpu.memory_space<hbm>>) target(%dma_start3A_200 : memref<64x64xbf16, #tpu.memory_space<vmem>>) offsets(%dma_start3A_203 : memref<64xi32, #tpu.memory_space<vmem>>) semaphore(%arg18 : memref<!tpu.dma_semaphore, #tpu.memory_space<semaphore_mem>>)
        %add3A_207 = arith.constant 1 : i32
        %add3A_208 = arith.addi %add3A_162, %add3A_207 : i32
        %dma_start3A_209 = arith.constant 64 : i32
        %dma_start3A_210 = arith.constant 0 : i32
        %dma_start3A_211 = tpu.memref_slice %arg14[%dma_start3A_209, %dma_start3A_210] : memref<128x64xbf16, #tpu.memory_space<vmem>> -> memref<64x64xbf16, #tpu.memory_space<vmem>>
        %dma_start3A_212 = arith.constant 64 : i32
        %dma_start3A_213 = tpu.memref_slice %arg10[%add3A_208, %dma_start3A_212] : memref<80x128xi32, #tpu.memory_space<vmem>> -> memref<1x64xi32, #tpu.memory_space<vmem>>
        %dma_start3A_214 = tpu.memref_squeeze %dma_start3A_213 : memref<1x64xi32, #tpu.memory_space<vmem>> -> memref<64xi32, #tpu.memory_space<vmem>>
        %dma_start3A_215 = arith.constant 0 : i32
        %dma_start3A_216 = arith.constant 0 : i32
        %dma_start3A_217 = tpu.memref_slice %arg2[%dma_start3A_215, %dma_start3A_216] : memref<20480x64xbf16, #tpu.memory_space<hbm>> -> memref<20480x64xbf16, #tpu.memory_space<hbm>>
        tpu.enqueue_indirect_dma source(%dma_start3A_217 : memref<20480x64xbf16, #tpu.memory_space<hbm>>) target(%dma_start3A_211 : memref<64x64xbf16, #tpu.memory_space<vmem>>) offsets(%dma_start3A_214 : memref<64xi32, #tpu.memory_space<vmem>>) semaphore(%arg20 : memref<!tpu.dma_semaphore, #tpu.memory_space<semaphore_mem>>)
      } else {
      }
      %dma_wait3A_170 = arith.constant 0 : i32
      %dma_wait3A_171 = arith.constant 0 : i32
      %dma_wait3A_172 = tpu.memref_slice %arg15[%dma_wait3A_170, %dma_wait3A_171] : memref<128x64xbf16, #tpu.memory_space<vmem>> -> memref<64x64xbf16, #tpu.memory_space<vmem>>
      %dma_wait3A_173 = arith.constant 0 : i32
      %dma_wait3A_174 = tpu.memref_slice %arg10[%add3A_162, %dma_wait3A_173] : memref<80x128xi32, #tpu.memory_space<vmem>> -> memref<1x64xi32, #tpu.memory_space<vmem>>
      %dma_wait3A_175 = tpu.memref_squeeze %dma_wait3A_174 : memref<1x64xi32, #tpu.memory_space<vmem>> -> memref<64xi32, #tpu.memory_space<vmem>>
      %dma_wait3A_176 = arith.constant 0 : i32
      %dma_wait3A_177 = arith.constant 0 : i32
      %dma_wait3A_178 = tpu.memref_slice %arg2[%dma_wait3A_176, %dma_wait3A_177] : memref<20480x64xbf16, #tpu.memory_space<hbm>> -> memref<20480x64xbf16, #tpu.memory_space<hbm>>
      tpu.wait_indirect_dma semaphore(%arg19 : memref<!tpu.dma_semaphore, #tpu.memory_space<semaphore_mem>>) src(%dma_wait3A_178 : memref<20480x64xbf16, #tpu.memory_space<hbm>>) dst(%dma_wait3A_172 : memref<64x64xbf16, #tpu.memory_space<vmem>>)
      %dma_wait3A_179 = arith.constant 64 : i32
      %dma_wait3A_180 = arith.constant 0 : i32
      %dma_wait3A_181 = tpu.memref_slice %arg15[%dma_wait3A_179, %dma_wait3A_180] : memref<128x64xbf16, #tpu.memory_space<vmem>> -> memref<64x64xbf16, #tpu.memory_space<vmem>>
      %dma_wait3A_182 = arith.constant 64 : i32
      %dma_wait3A_183 = tpu.memref_slice %arg10[%add3A_162, %dma_wait3A_182] : memref<80x128xi32, #tpu.memory_space<vmem>> -> memref<1x64xi32, #tpu.memory_space<vmem>>
      %dma_wait3A_184 = tpu.memref_squeeze %dma_wait3A_183 : memref<1x64xi32, #tpu.memory_space<vmem>> -> memref<64xi32, #tpu.memory_space<vmem>>
      %dma_wait3A_185 = arith.constant 0 : i32
      %dma_wait3A_186 = arith.constant 0 : i32
      %dma_wait3A_187 = tpu.memref_slice %arg2[%dma_wait3A_185, %dma_wait3A_186] : memref<20480x64xbf16, #tpu.memory_space<hbm>> -> memref<20480x64xbf16, #tpu.memory_space<hbm>>
      tpu.wait_indirect_dma semaphore(%arg21 : memref<!tpu.dma_semaphore, #tpu.memory_space<semaphore_mem>>) src(%dma_wait3A_187 : memref<20480x64xbf16, #tpu.memory_space<hbm>>) dst(%dma_wait3A_181 : memref<64x64xbf16, #tpu.memory_space<vmem>>)
      %scan3A_188 = arith.constant 0 : i32
      %scan3A_189 = arith.constant 0 : i32
      %scan3A_190 = arith.constant 128 : i32
      %scan3A_191 = arith.addi %scan3A_189, %scan3A_190 : i32
      %scan3A_192 = arith.constant 1 : i32
      %scan3A_193 = scf.for %scan3A_196 = %scan3A_189 to %scan3A_191 step %scan3A_192 iter_args(%scan3A_197 = %scan3A_188) -> (i32)  : i32 {
        %broadcast_in_dim3A_198 = arith.constant 0 : i32
        %broadcast_in_dim3A_199 = vector.broadcast %broadcast_in_dim3A_198 : i32 to vector<16xi32>
        %add3A_200 = vector.broadcast %scan3A_196 : i32 to vector<16xi32>
        %add3A_201 = arith.addi %broadcast_in_dim3A_199, %add3A_200 : vector<16xi32>
        %gather3A = arith.constant 0 : i32
        %gather3A_202 = tpu.memref_slice %arg11[%add3A_162, %gather3A] : memref<80x128xf32, #tpu.memory_space<vmem>> -> memref<1x128xf32, #tpu.memory_space<vmem>>
        %gather3A_203 = tpu.memref_squeeze %gather3A_202 : memref<1x128xf32, #tpu.memory_space<vmem>> -> memref<128xf32, #tpu.memory_space<vmem>>
        %gather3A_204 = tpu.vector_load_idx %gather3A_203[%add3A_201] : memref<128xf32, #tpu.memory_space<vmem>>[vector<16xi32>], vector<16xf32>,
        %get3A = arith.index_cast %scan3A_196 : i32 to index
        %get3A_205 = arith.constant 0 : index
        %get3A_206 = tpu.vector_load %arg15[%get3A, %get3A_205] {strides = array<i32>} : memref<128x64xbf16, #tpu.memory_space<vmem>>, vector<32xbf16>,
        %bitcast3A = vector.bitcast %get3A_206 : vector<32xbf16> to vector<16xi32>
        %shift_left3A = arith.constant 16 : i32
        %shift_left3A_207 = vector.broadcast %shift_left3A : i32 to vector<16xi32>
        %shift_left3A_208 = arith.shli %bitcast3A, %shift_left3A_207 : vector<16xi32>
        %bitcast3A_209 = vector.bitcast %shift_left3A_208 : vector<16xi32> to vector<16xf32>
        %and3A = arith.constant -65536 : i32
        %and3A_210 = vector.broadcast %and3A : i32 to vector<16xi32>
        %and3A_211 = arith.andi %bitcast3A, %and3A_210 : vector<16xi32>
        %bitcast3A_212 = vector.bitcast %and3A_211 : vector<16xi32> to vector<16xf32>
        %mul3A_213 = arith.mulf %bitcast3A_209, %gather3A_204 : vector<16xf32>
        %swap3A = arith.index_cast %scan3A_196 : i32 to index
        %swap3A_214 = arith.constant 0 : index
        %swap3A_215 = tpu.vector_load %arg16[%swap3A, %swap3A_214] {strides = array<i32>} : memref<128x64xf32, #tpu.memory_space<vmem>>, vector<16xf32>,
        tpu.vector_store %arg16[%swap3A, %swap3A_214], %mul3A_213 {strides = array<i32>} : memref<128x64xf32, #tpu.memory_space<vmem>>, vector<16xf32>,
        %mul3A_216 = arith.mulf %bitcast3A_212, %gather3A_204 : vector<16xf32>
        %swap3A_217 = arith.index_cast %scan3A_196 : i32 to index
        %swap3A_218 = arith.constant 16 : index
        %swap3A_219 = tpu.vector_load %arg16[%swap3A_217, %swap3A_218] {strides = array<i32>} : memref<128x64xf32, #tpu.memory_space<vmem>>, vector<16xf32>,
        tpu.vector_store %arg16[%swap3A_217, %swap3A_218], %mul3A_216 {strides = array<i32>} : memref<128x64xf32, #tpu.memory_space<vmem>>, vector<16xf32>,
        %get3A_220 = arith.index_cast %scan3A_196 : i32 to index
        %get3A_221 = arith.constant 32 : index
        %get3A_222 = tpu.vector_load %arg15[%get3A_220, %get3A_221] {strides = array<i32>} : memref<128x64xbf16, #tpu.memory_space<vmem>>, vector<32xbf16>,
        %bitcast3A_223 = vector.bitcast %get3A_222 : vector<32xbf16> to vector<16xi32>
        %shift_left3A_224 = arith.constant 16 : i32
        %shift_left3A_225 = vector.broadcast %shift_left3A_224 : i32 to vector<16xi32>
        %shift_left3A_226 = arith.shli %bitcast3A_223, %shift_left3A_225 : vector<16xi32>
        %bitcast3A_227 = vector.bitcast %shift_left3A_226 : vector<16xi32> to vector<16xf32>
        %and3A_228 = arith.constant -65536 : i32
        %and3A_229 = vector.broadcast %and3A_228 : i32 to vector<16xi32>
        %and3A_230 = arith.andi %bitcast3A_223, %and3A_229 : vector<16xi32>
        %bitcast3A_231 = vector.bitcast %and3A_230 : vector<16xi32> to vector<16xf32>
        %mul3A_232 = arith.mulf %bitcast3A_227, %gather3A_204 : vector<16xf32>
        %swap3A_233 = arith.index_cast %scan3A_196 : i32 to index
        %swap3A_234 = arith.constant 32 : index
        %swap3A_235 = tpu.vector_load %arg16[%swap3A_233, %swap3A_234] {strides = array<i32>} : memref<128x64xf32, #tpu.memory_space<vmem>>, vector<16xf32>,
        tpu.vector_store %arg16[%swap3A_233, %swap3A_234], %mul3A_232 {strides = array<i32>} : memref<128x64xf32, #tpu.memory_space<vmem>>, vector<16xf32>,
        %mul3A_236 = arith.mulf %bitcast3A_231, %gather3A_204 : vector<16xf32>
        %swap3A_237 = arith.index_cast %scan3A_196 : i32 to index
        %swap3A_238 = arith.constant 48 : index
        %swap3A_239 = tpu.vector_load %arg16[%swap3A_237, %swap3A_238] {strides = array<i32>} : memref<128x64xf32, #tpu.memory_space<vmem>>, vector<16xf32>,
        tpu.vector_store %arg16[%swap3A_237, %swap3A_238], %mul3A_236 {strides = array<i32>} : memref<128x64xf32, #tpu.memory_space<vmem>>, vector<16xf32>,
        %scan3A_240 = arith.constant 0 : i32
        scf.yield %scan3A_240 : i32
      }
      %scan3A_194 = arith.constant 128 : i32
      "tpu.region"() ({
        %run_scoped3A_196 = tpu.sem_alloc : memref<!tpu.dma_semaphore, #tpu.memory_space<semaphore_mem>>
        %dma_start3A_197 = arith.constant 0 : i32
        %dma_start3A_198 = tpu.memref_slice %arg9[%add3A_162, %dma_start3A_197] : memref<80x128xi32, #tpu.memory_space<vmem>> -> memref<1x128xi32, #tpu.memory_space<vmem>>
        %dma_start3A_199 = tpu.memref_squeeze %dma_start3A_198 : memref<1x128xi32, #tpu.memory_space<vmem>> -> memref<128xi32, #tpu.memory_space<vmem>>
        %dma_start3A_200 = arith.constant 0 : i32
        %dma_start3A_201 = arith.constant 0 : i32
        %dma_start3A_202 = tpu.memref_slice %arg17[%dma_start3A_200, %dma_start3A_201] : memref<10240x64xf32, #tpu.memory_space<vmem_shared>> -> memref<10240x64xf32, #tpu.memory_space<vmem_shared>>
        tpu.enqueue_indirect_dma source(%arg16 : memref<128x64xf32, #tpu.memory_space<vmem>>) target(%dma_start3A_202 : memref<10240x64xf32, #tpu.memory_space<vmem_shared>>) offsets(%dma_start3A_199 : memref<128xi32, #tpu.memory_space<vmem>>) semaphore(%run_scoped3A_196 : memref<!tpu.dma_semaphore, #tpu.memory_space<semaphore_mem>>) {add = true}
        %dma_wait3A_203 = arith.constant 0 : i32
        %dma_wait3A_204 = tpu.memref_slice %arg9[%add3A_162, %dma_wait3A_203] : memref<80x128xi32, #tpu.memory_space<vmem>> -> memref<1x128xi32, #tpu.memory_space<vmem>>
        %dma_wait3A_205 = tpu.memref_squeeze %dma_wait3A_204 : memref<1x128xi32, #tpu.memory_space<vmem>> -> memref<128xi32, #tpu.memory_space<vmem>>
        %dma_wait3A_206 = arith.constant 0 : i32
        %dma_wait3A_207 = arith.constant 0 : i32
        %dma_wait3A_208 = tpu.memref_slice %arg17[%dma_wait3A_206, %dma_wait3A_207] : memref<10240x64xf32, #tpu.memory_space<vmem_shared>> -> memref<10240x64xf32, #tpu.memory_space<vmem_shared>>
        tpu.wait_indirect_dma semaphore(%run_scoped3A_196 : memref<!tpu.dma_semaphore, #tpu.memory_space<semaphore_mem>>) src(%arg16 : memref<128x64xf32, #tpu.memory_space<vmem>>) dst(%dma_wait3A_208 : memref<10240x64xf32, #tpu.memory_space<vmem_shared>>)
        tpu.yield
      }) : () -> ()
      %scan3A_195 = arith.constant 0 : i32
      scf.yield %scan3A_195 : i32
    }
    %scan3A_67 = arith.constant 40 : i32
    %barrier3A_68 = arith.constant 0 : index
    tpu.barrier barrier_id(%barrier3A_68)
    %run_scoped3A_69 = arith.constant 0 : i32
    "tpu.region"() ({
      %run_scoped3A_125 = tpu.sem_alloc : memref<!tpu.dma_semaphore, #tpu.memory_space<semaphore_mem>>
      %dma_start3A_126 = arith.constant 0 : i32
      %dma_start3A_127 = tpu.memref_slice %arg7[%arg0, %run_scoped3A_69, %mul3A_17, %dma_start3A_126] : memref<2x2x10240x64xf32, #tpu.memory_space<hbm>> -> memref<1x1x640x64xf32, #tpu.memory_space<hbm>>
      %dma_start3A_128 = tpu.memref_squeeze %dma_start3A_127 : memref<1x1x640x64xf32, #tpu.memory_space<hbm>> -> memref<640x64xf32, #tpu.memory_space<hbm>>
      %dma_start3A_129 = arith.constant 0 : i32
      %dma_start3A_130 = tpu.memref_slice %arg17[%mul3A_17, %dma_start3A_129] : memref<10240x64xf32, #tpu.memory_space<vmem_shared>> -> memref<640x64xf32, #tpu.memory_space<vmem_shared>>
      tpu.enqueue_dma source(%dma_start3A_130 : memref<640x64xf32, #tpu.memory_space<vmem_shared>>) target(%dma_start3A_128 : memref<640x64xf32, #tpu.memory_space<hbm>>) target_semaphore(%run_scoped3A_125 : memref<!tpu.dma_semaphore, #tpu.memory_space<semaphore_mem>>)
      %dma_wait3A = arith.constant 0 : i32
      %dma_wait3A_131 = tpu.memref_slice %arg7[%arg0, %run_scoped3A_69, %mul3A_17, %dma_wait3A] : memref<2x2x10240x64xf32, #tpu.memory_space<hbm>> -> memref<1x1x640x64xf32, #tpu.memory_space<hbm>>
      %dma_wait3A_132 = tpu.memref_squeeze %dma_wait3A_131 : memref<1x1x640x64xf32, #tpu.memory_space<hbm>> -> memref<640x64xf32, #tpu.memory_space<hbm>>
      %dma_wait3A_133 = arith.constant 0 : i32
      %dma_wait3A_134 = tpu.memref_slice %arg17[%mul3A_17, %dma_wait3A_133] : memref<10240x64xf32, #tpu.memory_space<vmem_shared>> -> memref<640x64xf32, #tpu.memory_space<vmem_shared>>
      tpu.wait_dma2 semaphore(%run_scoped3A_125 : memref<!tpu.dma_semaphore, #tpu.memory_space<semaphore_mem>>) src(%dma_wait3A_134 : memref<640x64xf32, #tpu.memory_space<vmem_shared>>) dst(%dma_wait3A_132 : memref<640x64xf32, #tpu.memory_space<hbm>>)
      tpu.yield
    }) : () -> ()
    %barrier3A_70 = arith.constant 0 : index
    tpu.barrier barrier_id(%barrier3A_70)
    %scan3A_71 = arith.constant 0 : i32
    %scan3A_72 = arith.constant 0 : i32
    %scan3A_73 = arith.constant 80 : i32
    %scan3A_74 = arith.addi %scan3A_72, %scan3A_73 : i32
    %scan3A_75 = arith.constant 1 : i32
    %scan3A_76 = scf.for %scan3A_125 = %scan3A_72 to %scan3A_74 step %scan3A_75 iter_args(%scan3A_126 = %scan3A_71) -> (i32)  : i32 {
      %get3A = arith.index_cast %scan3A_125 : i32 to index
      %get3A_127 = arith.constant 0 : index
      %get3A_128 = tpu.vector_load %arg8[%get3A, %get3A_127] {strides = array<i32>} : memref<80x128xi32, #tpu.memory_space<vmem>>, vector<16xi32>,
      %mul3A_129 = arith.constant 2 : i32
      %mul3A_130 = vector.broadcast %mul3A_129 : i32 to vector<16xi32>
      %mul3A_131 = arith.muli %get3A_128, %mul3A_130 : vector<16xi32>
      %add3A_132 = arith.constant 1 : i32
      %add3A_133 = vector.broadcast %add3A_132 : i32 to vector<16xi32>
      %add3A_134 = arith.addi %mul3A_131, %add3A_133 : vector<16xi32>
      %swap3A = arith.index_cast %scan3A_125 : i32 to index
      %swap3A_135 = arith.constant 0 : index
      %swap3A_136 = tpu.vector_load %arg10[%swap3A, %swap3A_135] {strides = array<i32>} : memref<80x128xi32, #tpu.memory_space<vmem>>, vector<16xi32>,
      tpu.vector_store %arg10[%swap3A, %swap3A_135], %add3A_134 {strides = array<i32>} : memref<80x128xi32, #tpu.memory_space<vmem>>, vector<16xi32>,
      %get3A_137 = arith.index_cast %scan3A_125 : i32 to index
      %get3A_138 = arith.constant 16 : index
      %get3A_139 = tpu.vector_load %arg8[%get3A_137, %get3A_138] {strides = array<i32>} : memref<80x128xi32, #tpu.memory_space<vmem>>, vector<16xi32>,
      %mul3A_140 = arith.constant 2 : i32
      %mul3A_141 = vector.broadcast %mul3A_140 : i32 to vector<16xi32>
      %mul3A_142 = arith.muli %get3A_139, %mul3A_141 : vector<16xi32>
      %add3A_143 = arith.constant 1 : i32
      %add3A_144 = vector.broadcast %add3A_143 : i32 to vector<16xi32>
      %add3A_145 = arith.addi %mul3A_142, %add3A_144 : vector<16xi32>
      %swap3A_146 = arith.index_cast %scan3A_125 : i32 to index
      %swap3A_147 = arith.constant 16 : index
      %swap3A_148 = tpu.vector_load %arg10[%swap3A_146, %swap3A_147] {strides = array<i32>} : memref<80x128xi32, #tpu.memory_space<vmem>>, vector<16xi32>,
      tpu.vector_store %arg10[%swap3A_146, %swap3A_147], %add3A_145 {strides = array<i32>} : memref<80x128xi32, #tpu.memory_space<vmem>>, vector<16xi32>,
      %get3A_149 = arith.index_cast %scan3A_125 : i32 to index
      %get3A_150 = arith.constant 32 : index
      %get3A_151 = tpu.vector_load %arg8[%get3A_149, %get3A_150] {strides = array<i32>} : memref<80x128xi32, #tpu.memory_space<vmem>>, vector<16xi32>,
      %mul3A_152 = arith.constant 2 : i32
      %mul3A_153 = vector.broadcast %mul3A_152 : i32 to vector<16xi32>
      %mul3A_154 = arith.muli %get3A_151, %mul3A_153 : vector<16xi32>
      %add3A_155 = arith.constant 1 : i32
      %add3A_156 = vector.broadcast %add3A_155 : i32 to vector<16xi32>
      %add3A_157 = arith.addi %mul3A_154, %add3A_156 : vector<16xi32>
      %swap3A_158 = arith.index_cast %scan3A_125 : i32 to index
      %swap3A_159 = arith.constant 32 : index
      %swap3A_160 = tpu.vector_load %arg10[%swap3A_158, %swap3A_159] {strides = array<i32>} : memref<80x128xi32, #tpu.memory_space<vmem>>, vector<16xi32>,
      tpu.vector_store %arg10[%swap3A_158, %swap3A_159], %add3A_157 {strides = array<i32>} : memref<80x128xi32, #tpu.memory_space<vmem>>, vector<16xi32>,
      %get3A_161 = arith.index_cast %scan3A_125 : i32 to index
      %get3A_162 = arith.constant 48 : index
      %get3A_163 = tpu.vector_load %arg8[%get3A_161, %get3A_162] {strides = array<i32>} : memref<80x128xi32, #tpu.memory_space<vmem>>, vector<16xi32>,
      %mul3A_164 = arith.constant 2 : i32
      %mul3A_165 = vector.broadcast %mul3A_164 : i32 to vector<16xi32>
      %mul3A_166 = arith.muli %get3A_163, %mul3A_165 : vector<16xi32>
      %add3A_167 = arith.constant 1 : i32
      %add3A_168 = vector.broadcast %add3A_167 : i32 to vector<16xi32>
      %add3A_169 = arith.addi %mul3A_166, %add3A_168 : vector<16xi32>
      %swap3A_170 = arith.index_cast %scan3A_125 : i32 to index
      %swap3A_171 = arith.constant 48 : index
      %swap3A_172 = tpu.vector_load %arg10[%swap3A_170, %swap3A_171] {strides = array<i32>} : memref<80x128xi32, #tpu.memory_space<vmem>>, vector<16xi32>,
      tpu.vector_store %arg10[%swap3A_170, %swap3A_171], %add3A_169 {strides = array<i32>} : memref<80x128xi32, #tpu.memory_space<vmem>>, vector<16xi32>,
      %get3A_173 = arith.index_cast %scan3A_125 : i32 to index
      %get3A_174 = arith.constant 64 : index
      %get3A_175 = tpu.vector_load %arg8[%get3A_173, %get3A_174] {strides = array<i32>} : memref<80x128xi32, #tpu.memory_space<vmem>>, vector<16xi32>,
      %mul3A_176 = arith.constant 2 : i32
      %mul3A_177 = vector.broadcast %mul3A_176 : i32 to vector<16xi32>
      %mul3A_178 = arith.muli %get3A_175, %mul3A_177 : vector<16xi32>
      %add3A_179 = arith.constant 1 : i32
      %add3A_180 = vector.broadcast %add3A_179 : i32 to vector<16xi32>
      %add3A_181 = arith.addi %mul3A_178, %add3A_180 : vector<16xi32>
      %swap3A_182 = arith.index_cast %scan3A_125 : i32 to index
      %swap3A_183 = arith.constant 64 : index
      %swap3A_184 = tpu.vector_load %arg10[%swap3A_182, %swap3A_183] {strides = array<i32>} : memref<80x128xi32, #tpu.memory_space<vmem>>, vector<16xi32>,
      tpu.vector_store %arg10[%swap3A_182, %swap3A_183], %add3A_181 {strides = array<i32>} : memref<80x128xi32, #tpu.memory_space<vmem>>, vector<16xi32>,
      %get3A_185 = arith.index_cast %scan3A_125 : i32 to index
      %get3A_186 = arith.constant 80 : index
      %get3A_187 = tpu.vector_load %arg8[%get3A_185, %get3A_186] {strides = array<i32>} : memref<80x128xi32, #tpu.memory_space<vmem>>, vector<16xi32>,
      %mul3A_188 = arith.constant 2 : i32
      %mul3A_189 = vector.broadcast %mul3A_188 : i32 to vector<16xi32>
      %mul3A_190 = arith.muli %get3A_187, %mul3A_189 : vector<16xi32>
      %add3A_191 = arith.constant 1 : i32
      %add3A_192 = vector.broadcast %add3A_191 : i32 to vector<16xi32>
      %add3A_193 = arith.addi %mul3A_190, %add3A_192 : vector<16xi32>
      %swap3A_194 = arith.index_cast %scan3A_125 : i32 to index
      %swap3A_195 = arith.constant 80 : index
      %swap3A_196 = tpu.vector_load %arg10[%swap3A_194, %swap3A_195] {strides = array<i32>} : memref<80x128xi32, #tpu.memory_space<vmem>>, vector<16xi32>,
      tpu.vector_store %arg10[%swap3A_194, %swap3A_195], %add3A_193 {strides = array<i32>} : memref<80x128xi32, #tpu.memory_space<vmem>>, vector<16xi32>,
      %get3A_197 = arith.index_cast %scan3A_125 : i32 to index
      %get3A_198 = arith.constant 96 : index
      %get3A_199 = tpu.vector_load %arg8[%get3A_197, %get3A_198] {strides = array<i32>} : memref<80x128xi32, #tpu.memory_space<vmem>>, vector<16xi32>,
      %mul3A_200 = arith.constant 2 : i32
      %mul3A_201 = vector.broadcast %mul3A_200 : i32 to vector<16xi32>
      %mul3A_202 = arith.muli %get3A_199, %mul3A_201 : vector<16xi32>
      %add3A_203 = arith.constant 1 : i32
      %add3A_204 = vector.broadcast %add3A_203 : i32 to vector<16xi32>
      %add3A_205 = arith.addi %mul3A_202, %add3A_204 : vector<16xi32>
      %swap3A_206 = arith.index_cast %scan3A_125 : i32 to index
      %swap3A_207 = arith.constant 96 : index
      %swap3A_208 = tpu.vector_load %arg10[%swap3A_206, %swap3A_207] {strides = array<i32>} : memref<80x128xi32, #tpu.memory_space<vmem>>, vector<16xi32>,
      tpu.vector_store %arg10[%swap3A_206, %swap3A_207], %add3A_205 {strides = array<i32>} : memref<80x128xi32, #tpu.memory_space<vmem>>, vector<16xi32>,
      %get3A_209 = arith.index_cast %scan3A_125 : i32 to index
      %get3A_210 = arith.constant 112 : index
      %get3A_211 = tpu.vector_load %arg8[%get3A_209, %get3A_210] {strides = array<i32>} : memref<80x128xi32, #tpu.memory_space<vmem>>, vector<16xi32>,
      %mul3A_212 = arith.constant 2 : i32
      %mul3A_213 = vector.broadcast %mul3A_212 : i32 to vector<16xi32>
      %mul3A_214 = arith.muli %get3A_211, %mul3A_213 : vector<16xi32>
      %add3A_215 = arith.constant 1 : i32
      %add3A_216 = vector.broadcast %add3A_215 : i32 to vector<16xi32>
      %add3A_217 = arith.addi %mul3A_214, %add3A_216 : vector<16xi32>
      %swap3A_218 = arith.index_cast %scan3A_125 : i32 to index
      %swap3A_219 = arith.constant 112 : index
      %swap3A_220 = tpu.vector_load %arg10[%swap3A_218, %swap3A_219] {strides = array<i32>} : memref<80x128xi32, #tpu.memory_space<vmem>>, vector<16xi32>,
      tpu.vector_store %arg10[%swap3A_218, %swap3A_219], %add3A_217 {strides = array<i32>} : memref<80x128xi32, #tpu.memory_space<vmem>>, vector<16xi32>,
      %scan3A_221 = arith.constant 0 : i32
      scf.yield %scan3A_221 : i32
    }
    %scan3A_77 = arith.constant 80 : i32
    %scan3A_78 = arith.constant 0 : i32
    %scan3A_79 = arith.constant 0 : i32
    %scan3A_80 = arith.constant 128 : i32
    %scan3A_81 = arith.addi %scan3A_79, %scan3A_80 : i32
    %scan3A_82 = arith.constant 1 : i32
    %scan3A_83 = scf.for %scan3A_125 = %scan3A_79 to %scan3A_81 step %scan3A_82 iter_args(%scan3A_126 = %scan3A_78) -> (i32)  : i32 {
      %swap3A = arith.index_cast %scan3A_125 : i32 to index
      %swap3A_127 = arith.constant 0 : index
      %swap3A_128 = tpu.vector_load %arg16[%swap3A, %swap3A_127] {strides = array<i32>} : memref<128x64xf32, #tpu.memory_space<vmem>>, vector<16xf32>,
      tpu.vector_store %arg16[%swap3A, %swap3A_127], %broadcast_in_dim3A_15 {strides = array<i32>} : memref<128x64xf32, #tpu.memory_space<vmem>>, vector<16xf32>,
      %swap3A_129 = arith.index_cast %scan3A_125 : i32 to index
      %swap3A_130 = arith.constant 16 : index
      %swap3A_131 = tpu.vector_load %arg16[%swap3A_129, %swap3A_130] {strides = array<i32>} : memref<128x64xf32, #tpu.memory_space<vmem>>, vector<16xf32>,
      tpu.vector_store %arg16[%swap3A_129, %swap3A_130], %broadcast_in_dim3A_15 {strides = array<i32>} : memref<128x64xf32, #tpu.memory_space<vmem>>, vector<16xf32>,
      %swap3A_132 = arith.index_cast %scan3A_125 : i32 to index
      %swap3A_133 = arith.constant 32 : index
      %swap3A_134 = tpu.vector_load %arg16[%swap3A_132, %swap3A_133] {strides = array<i32>} : memref<128x64xf32, #tpu.memory_space<vmem>>, vector<16xf32>,
      tpu.vector_store %arg16[%swap3A_132, %swap3A_133], %broadcast_in_dim3A_15 {strides = array<i32>} : memref<128x64xf32, #tpu.memory_space<vmem>>, vector<16xf32>,
      %swap3A_135 = arith.index_cast %scan3A_125 : i32 to index
      %swap3A_136 = arith.constant 48 : index
      %swap3A_137 = tpu.vector_load %arg16[%swap3A_135, %swap3A_136] {strides = array<i32>} : memref<128x64xf32, #tpu.memory_space<vmem>>, vector<16xf32>,
      tpu.vector_store %arg16[%swap3A_135, %swap3A_136], %broadcast_in_dim3A_15 {strides = array<i32>} : memref<128x64xf32, #tpu.memory_space<vmem>>, vector<16xf32>,
      %scan3A_138 = arith.constant 0 : i32
      scf.yield %scan3A_138 : i32
    }
    %scan3A_84 = arith.constant 128 : i32
    %add3A_85 = arith.constant 0 : i32
    %add3A_86 = arith.addi %mul3A_17, %add3A_85 : i32
    "tpu.region"() ({
      %run_scoped3A_125 = tpu.sem_alloc : memref<!tpu.dma_semaphore, #tpu.memory_space<semaphore_mem>>
      %dma_start3A_126 = arith.constant 0 : i32
      %dma_start3A_127 = tpu.memref_slice %arg17[%add3A_86, %dma_start3A_126] : memref<10240x64xf32, #tpu.memory_space<vmem_shared>> -> memref<128x64xf32, #tpu.memory_space<vmem_shared>>
      %dma_start3A_128 = arith.constant 0 : i32
      %dma_start3A_129 = tpu.memref_slice %arg17[%add3A_86, %dma_start3A_128] : memref<10240x64xf32, #tpu.memory_space<vmem_shared>> -> memref<128x64xf32, #tpu.memory_space<vmem_shared>>
      tpu.enqueue_dma source(%arg16 : memref<128x64xf32, #tpu.memory_space<vmem>>) target(%dma_start3A_129 : memref<128x64xf32, #tpu.memory_space<vmem_shared>>) target_semaphore(%run_scoped3A_125 : memref<!tpu.dma_semaphore, #tpu.memory_space<semaphore_mem>>)
      %dma_wait3A = arith.constant 0 : i32
      %dma_wait3A_130 = tpu.memref_slice %arg17[%add3A_86, %dma_wait3A] : memref<10240x64xf32, #tpu.memory_space<vmem_shared>> -> memref<128x64xf32, #tpu.memory_space<vmem_shared>>
      %dma_wait3A_131 = arith.constant 0 : i32
      %dma_wait3A_132 = tpu.memref_slice %arg17[%add3A_86, %dma_wait3A_131] : memref<10240x64xf32, #tpu.memory_space<vmem_shared>> -> memref<128x64xf32, #tpu.memory_space<vmem_shared>>
      tpu.wait_dma2 semaphore(%run_scoped3A_125 : memref<!tpu.dma_semaphore, #tpu.memory_space<semaphore_mem>>) src(%arg16 : memref<128x64xf32, #tpu.memory_space<vmem>>) dst(%dma_wait3A_132 : memref<128x64xf32, #tpu.memory_space<vmem_shared>>)
      tpu.yield
    }) : () -> ()
    %add3A_87 = arith.constant 128 : i32
    %add3A_88 = arith.addi %mul3A_17, %add3A_87 : i32
    "tpu.region"() ({
      %run_scoped3A_125 = tpu.sem_alloc : memref<!tpu.dma_semaphore, #tpu.memory_space<semaphore_mem>>
      %dma_start3A_126 = arith.constant 0 : i32
      %dma_start3A_127 = tpu.memref_slice %arg17[%add3A_88, %dma_start3A_126] : memref<10240x64xf32, #tpu.memory_space<vmem_shared>> -> memref<128x64xf32, #tpu.memory_space<vmem_shared>>
      %dma_start3A_128 = arith.constant 0 : i32
      %dma_start3A_129 = tpu.memref_slice %arg17[%add3A_88, %dma_start3A_128] : memref<10240x64xf32, #tpu.memory_space<vmem_shared>> -> memref<128x64xf32, #tpu.memory_space<vmem_shared>>
      tpu.enqueue_dma source(%arg16 : memref<128x64xf32, #tpu.memory_space<vmem>>) target(%dma_start3A_129 : memref<128x64xf32, #tpu.memory_space<vmem_shared>>) target_semaphore(%run_scoped3A_125 : memref<!tpu.dma_semaphore, #tpu.memory_space<semaphore_mem>>)
      %dma_wait3A = arith.constant 0 : i32
      %dma_wait3A_130 = tpu.memref_slice %arg17[%add3A_88, %dma_wait3A] : memref<10240x64xf32, #tpu.memory_space<vmem_shared>> -> memref<128x64xf32, #tpu.memory_space<vmem_shared>>
      %dma_wait3A_131 = arith.constant 0 : i32
      %dma_wait3A_132 = tpu.memref_slice %arg17[%add3A_88, %dma_wait3A_131] : memref<10240x64xf32, #tpu.memory_space<vmem_shared>> -> memref<128x64xf32, #tpu.memory_space<vmem_shared>>
      tpu.wait_dma2 semaphore(%run_scoped3A_125 : memref<!tpu.dma_semaphore, #tpu.memory_space<semaphore_mem>>) src(%arg16 : memref<128x64xf32, #tpu.memory_space<vmem>>) dst(%dma_wait3A_132 : memref<128x64xf32, #tpu.memory_space<vmem_shared>>)
      tpu.yield
    }) : () -> ()
    %add3A_89 = arith.constant 256 : i32
    %add3A_90 = arith.addi %mul3A_17, %add3A_89 : i32
    "tpu.region"() ({
      %run_scoped3A_125 = tpu.sem_alloc : memref<!tpu.dma_semaphore, #tpu.memory_space<semaphore_mem>>
      %dma_start3A_126 = arith.constant 0 : i32
      %dma_start3A_127 = tpu.memref_slice %arg17[%add3A_90, %dma_start3A_126] : memref<10240x64xf32, #tpu.memory_space<vmem_shared>> -> memref<128x64xf32, #tpu.memory_space<vmem_shared>>
      %dma_start3A_128 = arith.constant 0 : i32
      %dma_start3A_129 = tpu.memref_slice %arg17[%add3A_90, %dma_start3A_128] : memref<10240x64xf32, #tpu.memory_space<vmem_shared>> -> memref<128x64xf32, #tpu.memory_space<vmem_shared>>
      tpu.enqueue_dma source(%arg16 : memref<128x64xf32, #tpu.memory_space<vmem>>) target(%dma_start3A_129 : memref<128x64xf32, #tpu.memory_space<vmem_shared>>) target_semaphore(%run_scoped3A_125 : memref<!tpu.dma_semaphore, #tpu.memory_space<semaphore_mem>>)
      %dma_wait3A = arith.constant 0 : i32
      %dma_wait3A_130 = tpu.memref_slice %arg17[%add3A_90, %dma_wait3A] : memref<10240x64xf32, #tpu.memory_space<vmem_shared>> -> memref<128x64xf32, #tpu.memory_space<vmem_shared>>
      %dma_wait3A_131 = arith.constant 0 : i32
      %dma_wait3A_132 = tpu.memref_slice %arg17[%add3A_90, %dma_wait3A_131] : memref<10240x64xf32, #tpu.memory_space<vmem_shared>> -> memref<128x64xf32, #tpu.memory_space<vmem_shared>>
      tpu.wait_dma2 semaphore(%run_scoped3A_125 : memref<!tpu.dma_semaphore, #tpu.memory_space<semaphore_mem>>) src(%arg16 : memref<128x64xf32, #tpu.memory_space<vmem>>) dst(%dma_wait3A_132 : memref<128x64xf32, #tpu.memory_space<vmem_shared>>)
      tpu.yield
    }) : () -> ()
    %add3A_91 = arith.constant 384 : i32
    %add3A_92 = arith.addi %mul3A_17, %add3A_91 : i32
    "tpu.region"() ({
      %run_scoped3A_125 = tpu.sem_alloc : memref<!tpu.dma_semaphore, #tpu.memory_space<semaphore_mem>>
      %dma_start3A_126 = arith.constant 0 : i32
      %dma_start3A_127 = tpu.memref_slice %arg17[%add3A_92, %dma_start3A_126] : memref<10240x64xf32, #tpu.memory_space<vmem_shared>> -> memref<128x64xf32, #tpu.memory_space<vmem_shared>>
      %dma_start3A_128 = arith.constant 0 : i32
      %dma_start3A_129 = tpu.memref_slice %arg17[%add3A_92, %dma_start3A_128] : memref<10240x64xf32, #tpu.memory_space<vmem_shared>> -> memref<128x64xf32, #tpu.memory_space<vmem_shared>>
      tpu.enqueue_dma source(%arg16 : memref<128x64xf32, #tpu.memory_space<vmem>>) target(%dma_start3A_129 : memref<128x64xf32, #tpu.memory_space<vmem_shared>>) target_semaphore(%run_scoped3A_125 : memref<!tpu.dma_semaphore, #tpu.memory_space<semaphore_mem>>)
      %dma_wait3A = arith.constant 0 : i32
      %dma_wait3A_130 = tpu.memref_slice %arg17[%add3A_92, %dma_wait3A] : memref<10240x64xf32, #tpu.memory_space<vmem_shared>> -> memref<128x64xf32, #tpu.memory_space<vmem_shared>>
      %dma_wait3A_131 = arith.constant 0 : i32
      %dma_wait3A_132 = tpu.memref_slice %arg17[%add3A_92, %dma_wait3A_131] : memref<10240x64xf32, #tpu.memory_space<vmem_shared>> -> memref<128x64xf32, #tpu.memory_space<vmem_shared>>
      tpu.wait_dma2 semaphore(%run_scoped3A_125 : memref<!tpu.dma_semaphore, #tpu.memory_space<semaphore_mem>>) src(%arg16 : memref<128x64xf32, #tpu.memory_space<vmem>>) dst(%dma_wait3A_132 : memref<128x64xf32, #tpu.memory_space<vmem_shared>>)
      tpu.yield
    }) : () -> ()
    %add3A_93 = arith.constant 512 : i32
    %add3A_94 = arith.addi %mul3A_17, %add3A_93 : i32
    "tpu.region"() ({
      %run_scoped3A_125 = tpu.sem_alloc : memref<!tpu.dma_semaphore, #tpu.memory_space<semaphore_mem>>
      %dma_start3A_126 = arith.constant 0 : i32
      %dma_start3A_127 = tpu.memref_slice %arg17[%add3A_94, %dma_start3A_126] : memref<10240x64xf32, #tpu.memory_space<vmem_shared>> -> memref<128x64xf32, #tpu.memory_space<vmem_shared>>
      %dma_start3A_128 = arith.constant 0 : i32
      %dma_start3A_129 = tpu.memref_slice %arg17[%add3A_94, %dma_start3A_128] : memref<10240x64xf32, #tpu.memory_space<vmem_shared>> -> memref<128x64xf32, #tpu.memory_space<vmem_shared>>
      tpu.enqueue_dma source(%arg16 : memref<128x64xf32, #tpu.memory_space<vmem>>) target(%dma_start3A_129 : memref<128x64xf32, #tpu.memory_space<vmem_shared>>) target_semaphore(%run_scoped3A_125 : memref<!tpu.dma_semaphore, #tpu.memory_space<semaphore_mem>>)
      %dma_wait3A = arith.constant 0 : i32
      %dma_wait3A_130 = tpu.memref_slice %arg17[%add3A_94, %dma_wait3A] : memref<10240x64xf32, #tpu.memory_space<vmem_shared>> -> memref<128x64xf32, #tpu.memory_space<vmem_shared>>
      %dma_wait3A_131 = arith.constant 0 : i32
      %dma_wait3A_132 = tpu.memref_slice %arg17[%add3A_94, %dma_wait3A_131] : memref<10240x64xf32, #tpu.memory_space<vmem_shared>> -> memref<128x64xf32, #tpu.memory_space<vmem_shared>>
      tpu.wait_dma2 semaphore(%run_scoped3A_125 : memref<!tpu.dma_semaphore, #tpu.memory_space<semaphore_mem>>) src(%arg16 : memref<128x64xf32, #tpu.memory_space<vmem>>) dst(%dma_wait3A_132 : memref<128x64xf32, #tpu.memory_space<vmem_shared>>)
      tpu.yield
    }) : () -> ()
    %barrier3A_95 = arith.constant 0 : index
    tpu.barrier barrier_id(%barrier3A_95)
    %dma_start3A_96 = arith.constant 0 : i32
    %dma_start3A_97 = arith.constant 0 : i32
    %dma_start3A_98 = arith.constant 0 : i32
    %dma_start3A_99 = tpu.memref_slice %arg14[%dma_start3A_97, %dma_start3A_98] : memref<128x64xbf16, #tpu.memory_space<vmem>> -> memref<64x64xbf16, #tpu.memory_space<vmem>>
    %dma_start3A_100 = arith.constant 0 : i32
    %dma_start3A_101 = tpu.memref_slice %arg10[%dma_start3A_96, %dma_start3A_100] : memref<80x128xi32, #tpu.memory_space<vmem>> -> memref<1x64xi32, #tpu.memory_space<vmem>>
    %dma_start3A_102 = tpu.memref_squeeze %dma_start3A_101 : memref<1x64xi32, #tpu.memory_space<vmem>> -> memref<64xi32, #tpu.memory_space<vmem>>
    %dma_start3A_103 = arith.constant 0 : i32
    %dma_start3A_104 = arith.constant 0 : i32
    %dma_start3A_105 = tpu.memref_slice %arg2[%dma_start3A_103, %dma_start3A_104] : memref<20480x64xbf16, #tpu.memory_space<hbm>> -> memref<20480x64xbf16, #tpu.memory_space<hbm>>
    tpu.enqueue_indirect_dma source(%dma_start3A_105 : memref<20480x64xbf16, #tpu.memory_space<hbm>>) target(%dma_start3A_99 : memref<64x64xbf16, #tpu.memory_space<vmem>>) offsets(%dma_start3A_102 : memref<64xi32, #tpu.memory_space<vmem>>) semaphore(%arg18 : memref<!tpu.dma_semaphore, #tpu.memory_space<semaphore_mem>>)
    %dma_start3A_106 = arith.constant 0 : i32
    %dma_start3A_107 = arith.constant 64 : i32
    %dma_start3A_108 = arith.constant 0 : i32
    %dma_start3A_109 = tpu.memref_slice %arg14[%dma_start3A_107, %dma_start3A_108] : memref<128x64xbf16, #tpu.memory_space<vmem>> -> memref<64x64xbf16, #tpu.memory_space<vmem>>
    %dma_start3A_110 = arith.constant 64 : i32
    %dma_start3A_111 = tpu.memref_slice %arg10[%dma_start3A_106, %dma_start3A_110] : memref<80x128xi32, #tpu.memory_space<vmem>> -> memref<1x64xi32, #tpu.memory_space<vmem>>
    %dma_start3A_112 = tpu.memref_squeeze %dma_start3A_111 : memref<1x64xi32, #tpu.memory_space<vmem>> -> memref<64xi32, #tpu.memory_space<vmem>>
    %dma_start3A_113 = arith.constant 0 : i32
    %dma_start3A_114 = arith.constant 0 : i32
    %dma_start3A_115 = tpu.memref_slice %arg2[%dma_start3A_113, %dma_start3A_114] : memref<20480x64xbf16, #tpu.memory_space<hbm>> -> memref<20480x64xbf16, #tpu.memory_space<hbm>>
    tpu.enqueue_indirect_dma source(%dma_start3A_115 : memref<20480x64xbf16, #tpu.memory_space<hbm>>) target(%dma_start3A_109 : memref<64x64xbf16, #tpu.memory_space<vmem>>) offsets(%dma_start3A_112 : memref<64xi32, #tpu.memory_space<vmem>>) semaphore(%arg20 : memref<!tpu.dma_semaphore, #tpu.memory_space<semaphore_mem>>)
    %scan3A_116 = arith.constant 0 : i32
    %scan3A_117 = arith.constant 0 : i32
    %scan3A_118 = arith.constant 40 : i32
    %scan3A_119 = arith.addi %scan3A_117, %scan3A_118 : i32
    %scan3A_120 = arith.constant 1 : i32
    %scan3A_121 = scf.for %scan3A_125 = %scan3A_117 to %scan3A_119 step %scan3A_120 iter_args(%scan3A_126 = %scan3A_116) -> (i32)  : i32 {
      %mul3A_127 = arith.constant 2 : i32
      %mul3A_128 = arith.muli %scan3A_125, %mul3A_127 : i32
      %add3A_129 = arith.constant 0 : i32
      %add3A_130 = arith.addi %mul3A_128, %add3A_129 : i32
      %add3A_131 = arith.constant 1 : i32
      %add3A_132 = arith.addi %add3A_130, %add3A_131 : i32
      %lt3A = arith.constant 80 : i32
      %lt3A_133 = arith.cmpi slt, %add3A_132, %lt3A : i32
      %convert_element_type3A = arith.extui %lt3A_133 : i1 to i32
      %cond3A = arith.constant 0 : i32
      %cond3A_134 = arith.cmpi ne, %convert_element_type3A, %cond3A : i32
      scf.if %cond3A_134 {
        %add3A_196 = arith.constant 1 : i32
        %add3A_197 = arith.addi %add3A_130, %add3A_196 : i32
        %dma_start3A_198 = arith.constant 0 : i32
        %dma_start3A_199 = arith.constant 0 : i32
        %dma_start3A_200 = tpu.memref_slice %arg15[%dma_start3A_198, %dma_start3A_199] : memref<128x64xbf16, #tpu.memory_space<vmem>> -> memref<64x64xbf16, #tpu.memory_space<vmem>>
        %dma_start3A_201 = arith.constant 0 : i32
        %dma_start3A_202 = tpu.memref_slice %arg10[%add3A_197, %dma_start3A_201] : memref<80x128xi32, #tpu.memory_space<vmem>> -> memref<1x64xi32, #tpu.memory_space<vmem>>
        %dma_start3A_203 = tpu.memref_squeeze %dma_start3A_202 : memref<1x64xi32, #tpu.memory_space<vmem>> -> memref<64xi32, #tpu.memory_space<vmem>>
        %dma_start3A_204 = arith.constant 0 : i32
        %dma_start3A_205 = arith.constant 0 : i32
        %dma_start3A_206 = tpu.memref_slice %arg2[%dma_start3A_204, %dma_start3A_205] : memref<20480x64xbf16, #tpu.memory_space<hbm>> -> memref<20480x64xbf16, #tpu.memory_space<hbm>>
        tpu.enqueue_indirect_dma source(%dma_start3A_206 : memref<20480x64xbf16, #tpu.memory_space<hbm>>) target(%dma_start3A_200 : memref<64x64xbf16, #tpu.memory_space<vmem>>) offsets(%dma_start3A_203 : memref<64xi32, #tpu.memory_space<vmem>>) semaphore(%arg19 : memref<!tpu.dma_semaphore, #tpu.memory_space<semaphore_mem>>)
        %add3A_207 = arith.constant 1 : i32
        %add3A_208 = arith.addi %add3A_130, %add3A_207 : i32
        %dma_start3A_209 = arith.constant 64 : i32
        %dma_start3A_210 = arith.constant 0 : i32
        %dma_start3A_211 = tpu.memref_slice %arg15[%dma_start3A_209, %dma_start3A_210] : memref<128x64xbf16, #tpu.memory_space<vmem>> -> memref<64x64xbf16, #tpu.memory_space<vmem>>
        %dma_start3A_212 = arith.constant 64 : i32
        %dma_start3A_213 = tpu.memref_slice %arg10[%add3A_208, %dma_start3A_212] : memref<80x128xi32, #tpu.memory_space<vmem>> -> memref<1x64xi32, #tpu.memory_space<vmem>>
        %dma_start3A_214 = tpu.memref_squeeze %dma_start3A_213 : memref<1x64xi32, #tpu.memory_space<vmem>> -> memref<64xi32, #tpu.memory_space<vmem>>
        %dma_start3A_215 = arith.constant 0 : i32
        %dma_start3A_216 = arith.constant 0 : i32
        %dma_start3A_217 = tpu.memref_slice %arg2[%dma_start3A_215, %dma_start3A_216] : memref<20480x64xbf16, #tpu.memory_space<hbm>> -> memref<20480x64xbf16, #tpu.memory_space<hbm>>
        tpu.enqueue_indirect_dma source(%dma_start3A_217 : memref<20480x64xbf16, #tpu.memory_space<hbm>>) target(%dma_start3A_211 : memref<64x64xbf16, #tpu.memory_space<vmem>>) offsets(%dma_start3A_214 : memref<64xi32, #tpu.memory_space<vmem>>) semaphore(%arg21 : memref<!tpu.dma_semaphore, #tpu.memory_space<semaphore_mem>>)
      } else {
      }
      %dma_wait3A = arith.constant 0 : i32
      %dma_wait3A_135 = arith.constant 0 : i32
      %dma_wait3A_136 = tpu.memref_slice %arg14[%dma_wait3A, %dma_wait3A_135] : memref<128x64xbf16, #tpu.memory_space<vmem>> -> memref<64x64xbf16, #tpu.memory_space<vmem>>
      %dma_wait3A_137 = arith.constant 0 : i32
      %dma_wait3A_138 = tpu.memref_slice %arg10[%add3A_130, %dma_wait3A_137] : memref<80x128xi32, #tpu.memory_space<vmem>> -> memref<1x64xi32, #tpu.memory_space<vmem>>
      %dma_wait3A_139 = tpu.memref_squeeze %dma_wait3A_138 : memref<1x64xi32, #tpu.memory_space<vmem>> -> memref<64xi32, #tpu.memory_space<vmem>>
      %dma_wait3A_140 = arith.constant 0 : i32
      %dma_wait3A_141 = arith.constant 0 : i32
      %dma_wait3A_142 = tpu.memref_slice %arg2[%dma_wait3A_140, %dma_wait3A_141] : memref<20480x64xbf16, #tpu.memory_space<hbm>> -> memref<20480x64xbf16, #tpu.memory_space<hbm>>
      tpu.wait_indirect_dma semaphore(%arg18 : memref<!tpu.dma_semaphore, #tpu.memory_space<semaphore_mem>>) src(%dma_wait3A_142 : memref<20480x64xbf16, #tpu.memory_space<hbm>>) dst(%dma_wait3A_136 : memref<64x64xbf16, #tpu.memory_space<vmem>>)
      %dma_wait3A_143 = arith.constant 64 : i32
      %dma_wait3A_144 = arith.constant 0 : i32
      %dma_wait3A_145 = tpu.memref_slice %arg14[%dma_wait3A_143, %dma_wait3A_144] : memref<128x64xbf16, #tpu.memory_space<vmem>> -> memref<64x64xbf16, #tpu.memory_space<vmem>>
      %dma_wait3A_146 = arith.constant 64 : i32
      %dma_wait3A_147 = tpu.memref_slice %arg10[%add3A_130, %dma_wait3A_146] : memref<80x128xi32, #tpu.memory_space<vmem>> -> memref<1x64xi32, #tpu.memory_space<vmem>>
      %dma_wait3A_148 = tpu.memref_squeeze %dma_wait3A_147 : memref<1x64xi32, #tpu.memory_space<vmem>> -> memref<64xi32, #tpu.memory_space<vmem>>
      %dma_wait3A_149 = arith.constant 0 : i32
      %dma_wait3A_150 = arith.constant 0 : i32
      %dma_wait3A_151 = tpu.memref_slice %arg2[%dma_wait3A_149, %dma_wait3A_150] : memref<20480x64xbf16, #tpu.memory_space<hbm>> -> memref<20480x64xbf16, #tpu.memory_space<hbm>>
      tpu.wait_indirect_dma semaphore(%arg20 : memref<!tpu.dma_semaphore, #tpu.memory_space<semaphore_mem>>) src(%dma_wait3A_151 : memref<20480x64xbf16, #tpu.memory_space<hbm>>) dst(%dma_wait3A_145 : memref<64x64xbf16, #tpu.memory_space<vmem>>)
      %scan3A_152 = arith.constant 0 : i32
      %scan3A_153 = arith.constant 0 : i32
      %scan3A_154 = arith.constant 128 : i32
      %scan3A_155 = arith.addi %scan3A_153, %scan3A_154 : i32
      %scan3A_156 = arith.constant 1 : i32
      %scan3A_157 = scf.for %scan3A_196 = %scan3A_153 to %scan3A_155 step %scan3A_156 iter_args(%scan3A_197 = %scan3A_152) -> (i32)  : i32 {
        %broadcast_in_dim3A_198 = arith.constant 0 : i32
        %broadcast_in_dim3A_199 = vector.broadcast %broadcast_in_dim3A_198 : i32 to vector<16xi32>
        %add3A_200 = vector.broadcast %scan3A_196 : i32 to vector<16xi32>
        %add3A_201 = arith.addi %broadcast_in_dim3A_199, %add3A_200 : vector<16xi32>
        %gather3A = arith.constant 0 : i32
        %gather3A_202 = tpu.memref_slice %arg11[%add3A_130, %gather3A] : memref<80x128xf32, #tpu.memory_space<vmem>> -> memref<1x128xf32, #tpu.memory_space<vmem>>
        %gather3A_203 = tpu.memref_squeeze %gather3A_202 : memref<1x128xf32, #tpu.memory_space<vmem>> -> memref<128xf32, #tpu.memory_space<vmem>>
        %gather3A_204 = tpu.vector_load_idx %gather3A_203[%add3A_201] : memref<128xf32, #tpu.memory_space<vmem>>[vector<16xi32>], vector<16xf32>,
        %get3A = arith.index_cast %scan3A_196 : i32 to index
        %get3A_205 = arith.constant 0 : index
        %get3A_206 = tpu.vector_load %arg14[%get3A, %get3A_205] {strides = array<i32>} : memref<128x64xbf16, #tpu.memory_space<vmem>>, vector<32xbf16>,
        %bitcast3A = vector.bitcast %get3A_206 : vector<32xbf16> to vector<16xi32>
        %shift_left3A = arith.constant 16 : i32
        %shift_left3A_207 = vector.broadcast %shift_left3A : i32 to vector<16xi32>
        %shift_left3A_208 = arith.shli %bitcast3A, %shift_left3A_207 : vector<16xi32>
        %bitcast3A_209 = vector.bitcast %shift_left3A_208 : vector<16xi32> to vector<16xf32>
        %and3A = arith.constant -65536 : i32
        %and3A_210 = vector.broadcast %and3A : i32 to vector<16xi32>
        %and3A_211 = arith.andi %bitcast3A, %and3A_210 : vector<16xi32>
        %bitcast3A_212 = vector.bitcast %and3A_211 : vector<16xi32> to vector<16xf32>
        %mul3A_213 = arith.mulf %bitcast3A_209, %gather3A_204 : vector<16xf32>
        %swap3A = arith.index_cast %scan3A_196 : i32 to index
        %swap3A_214 = arith.constant 0 : index
        %swap3A_215 = tpu.vector_load %arg16[%swap3A, %swap3A_214] {strides = array<i32>} : memref<128x64xf32, #tpu.memory_space<vmem>>, vector<16xf32>,
        tpu.vector_store %arg16[%swap3A, %swap3A_214], %mul3A_213 {strides = array<i32>} : memref<128x64xf32, #tpu.memory_space<vmem>>, vector<16xf32>,
        %mul3A_216 = arith.mulf %bitcast3A_212, %gather3A_204 : vector<16xf32>
        %swap3A_217 = arith.index_cast %scan3A_196 : i32 to index
        %swap3A_218 = arith.constant 16 : index
        %swap3A_219 = tpu.vector_load %arg16[%swap3A_217, %swap3A_218] {strides = array<i32>} : memref<128x64xf32, #tpu.memory_space<vmem>>, vector<16xf32>,
        tpu.vector_store %arg16[%swap3A_217, %swap3A_218], %mul3A_216 {strides = array<i32>} : memref<128x64xf32, #tpu.memory_space<vmem>>, vector<16xf32>,
        %get3A_220 = arith.index_cast %scan3A_196 : i32 to index
        %get3A_221 = arith.constant 32 : index
        %get3A_222 = tpu.vector_load %arg14[%get3A_220, %get3A_221] {strides = array<i32>} : memref<128x64xbf16, #tpu.memory_space<vmem>>, vector<32xbf16>,
        %bitcast3A_223 = vector.bitcast %get3A_222 : vector<32xbf16> to vector<16xi32>
        %shift_left3A_224 = arith.constant 16 : i32
        %shift_left3A_225 = vector.broadcast %shift_left3A_224 : i32 to vector<16xi32>
        %shift_left3A_226 = arith.shli %bitcast3A_223, %shift_left3A_225 : vector<16xi32>
        %bitcast3A_227 = vector.bitcast %shift_left3A_226 : vector<16xi32> to vector<16xf32>
        %and3A_228 = arith.constant -65536 : i32
        %and3A_229 = vector.broadcast %and3A_228 : i32 to vector<16xi32>
        %and3A_230 = arith.andi %bitcast3A_223, %and3A_229 : vector<16xi32>
        %bitcast3A_231 = vector.bitcast %and3A_230 : vector<16xi32> to vector<16xf32>
        %mul3A_232 = arith.mulf %bitcast3A_227, %gather3A_204 : vector<16xf32>
        %swap3A_233 = arith.index_cast %scan3A_196 : i32 to index
        %swap3A_234 = arith.constant 32 : index
        %swap3A_235 = tpu.vector_load %arg16[%swap3A_233, %swap3A_234] {strides = array<i32>} : memref<128x64xf32, #tpu.memory_space<vmem>>, vector<16xf32>,
        tpu.vector_store %arg16[%swap3A_233, %swap3A_234], %mul3A_232 {strides = array<i32>} : memref<128x64xf32, #tpu.memory_space<vmem>>, vector<16xf32>,
        %mul3A_236 = arith.mulf %bitcast3A_231, %gather3A_204 : vector<16xf32>
        %swap3A_237 = arith.index_cast %scan3A_196 : i32 to index
        %swap3A_238 = arith.constant 48 : index
        %swap3A_239 = tpu.vector_load %arg16[%swap3A_237, %swap3A_238] {strides = array<i32>} : memref<128x64xf32, #tpu.memory_space<vmem>>, vector<16xf32>,
        tpu.vector_store %arg16[%swap3A_237, %swap3A_238], %mul3A_236 {strides = array<i32>} : memref<128x64xf32, #tpu.memory_space<vmem>>, vector<16xf32>,
        %scan3A_240 = arith.constant 0 : i32
        scf.yield %scan3A_240 : i32
      }
      %scan3A_158 = arith.constant 128 : i32
      "tpu.region"() ({
        %run_scoped3A_196 = tpu.sem_alloc : memref<!tpu.dma_semaphore, #tpu.memory_space<semaphore_mem>>
        %dma_start3A_197 = arith.constant 0 : i32
        %dma_start3A_198 = tpu.memref_slice %arg9[%add3A_130, %dma_start3A_197] : memref<80x128xi32, #tpu.memory_space<vmem>> -> memref<1x128xi32, #tpu.memory_space<vmem>>
        %dma_start3A_199 = tpu.memref_squeeze %dma_start3A_198 : memref<1x128xi32, #tpu.memory_space<vmem>> -> memref<128xi32, #tpu.memory_space<vmem>>
        %dma_start3A_200 = arith.constant 0 : i32
        %dma_start3A_201 = arith.constant 0 : i32
        %dma_start3A_202 = tpu.memref_slice %arg17[%dma_start3A_200, %dma_start3A_201] : memref<10240x64xf32, #tpu.memory_space<vmem_shared>> -> memref<10240x64xf32, #tpu.memory_space<vmem_shared>>
        tpu.enqueue_indirect_dma source(%arg16 : memref<128x64xf32, #tpu.memory_space<vmem>>) target(%dma_start3A_202 : memref<10240x64xf32, #tpu.memory_space<vmem_shared>>) offsets(%dma_start3A_199 : memref<128xi32, #tpu.memory_space<vmem>>) semaphore(%run_scoped3A_196 : memref<!tpu.dma_semaphore, #tpu.memory_space<semaphore_mem>>) {add = true}
        %dma_wait3A_203 = arith.constant 0 : i32
        %dma_wait3A_204 = tpu.memref_slice %arg9[%add3A_130, %dma_wait3A_203] : memref<80x128xi32, #tpu.memory_space<vmem>> -> memref<1x128xi32, #tpu.memory_space<vmem>>
        %dma_wait3A_205 = tpu.memref_squeeze %dma_wait3A_204 : memref<1x128xi32, #tpu.memory_space<vmem>> -> memref<128xi32, #tpu.memory_space<vmem>>
        %dma_wait3A_206 = arith.constant 0 : i32
        %dma_wait3A_207 = arith.constant 0 : i32
        %dma_wait3A_208 = tpu.memref_slice %arg17[%dma_wait3A_206, %dma_wait3A_207] : memref<10240x64xf32, #tpu.memory_space<vmem_shared>> -> memref<10240x64xf32, #tpu.memory_space<vmem_shared>>
        tpu.wait_indirect_dma semaphore(%run_scoped3A_196 : memref<!tpu.dma_semaphore, #tpu.memory_space<semaphore_mem>>) src(%arg16 : memref<128x64xf32, #tpu.memory_space<vmem>>) dst(%dma_wait3A_208 : memref<10240x64xf32, #tpu.memory_space<vmem_shared>>)
        tpu.yield
      }) : () -> ()
      %mul3A_159 = arith.constant 2 : i32
      %mul3A_160 = arith.muli %scan3A_125, %mul3A_159 : i32
      %add3A_161 = arith.constant 1 : i32
      %add3A_162 = arith.addi %mul3A_160, %add3A_161 : i32
      %add3A_163 = arith.constant 1 : i32
      %add3A_164 = arith.addi %add3A_162, %add3A_163 : i32
      %lt3A_165 = arith.constant 80 : i32
      %lt3A_166 = arith.cmpi slt, %add3A_164, %lt3A_165 : i32
      %convert_element_type3A_167 = arith.extui %lt3A_166 : i1 to i32
      %cond3A_168 = arith.constant 0 : i32
      %cond3A_169 = arith.cmpi ne, %convert_element_type3A_167, %cond3A_168 : i32
      scf.if %cond3A_169 {
        %add3A_196 = arith.constant 1 : i32
        %add3A_197 = arith.addi %add3A_162, %add3A_196 : i32
        %dma_start3A_198 = arith.constant 0 : i32
        %dma_start3A_199 = arith.constant 0 : i32
        %dma_start3A_200 = tpu.memref_slice %arg14[%dma_start3A_198, %dma_start3A_199] : memref<128x64xbf16, #tpu.memory_space<vmem>> -> memref<64x64xbf16, #tpu.memory_space<vmem>>
        %dma_start3A_201 = arith.constant 0 : i32
        %dma_start3A_202 = tpu.memref_slice %arg10[%add3A_197, %dma_start3A_201] : memref<80x128xi32, #tpu.memory_space<vmem>> -> memref<1x64xi32, #tpu.memory_space<vmem>>
        %dma_start3A_203 = tpu.memref_squeeze %dma_start3A_202 : memref<1x64xi32, #tpu.memory_space<vmem>> -> memref<64xi32, #tpu.memory_space<vmem>>
        %dma_start3A_204 = arith.constant 0 : i32
        %dma_start3A_205 = arith.constant 0 : i32
        %dma_start3A_206 = tpu.memref_slice %arg2[%dma_start3A_204, %dma_start3A_205] : memref<20480x64xbf16, #tpu.memory_space<hbm>> -> memref<20480x64xbf16, #tpu.memory_space<hbm>>
        tpu.enqueue_indirect_dma source(%dma_start3A_206 : memref<20480x64xbf16, #tpu.memory_space<hbm>>) target(%dma_start3A_200 : memref<64x64xbf16, #tpu.memory_space<vmem>>) offsets(%dma_start3A_203 : memref<64xi32, #tpu.memory_space<vmem>>) semaphore(%arg18 : memref<!tpu.dma_semaphore, #tpu.memory_space<semaphore_mem>>)
        %add3A_207 = arith.constant 1 : i32
        %add3A_208 = arith.addi %add3A_162, %add3A_207 : i32
        %dma_start3A_209 = arith.constant 64 : i32
        %dma_start3A_210 = arith.constant 0 : i32
        %dma_start3A_211 = tpu.memref_slice %arg14[%dma_start3A_209, %dma_start3A_210] : memref<128x64xbf16, #tpu.memory_space<vmem>> -> memref<64x64xbf16, #tpu.memory_space<vmem>>
        %dma_start3A_212 = arith.constant 64 : i32
        %dma_start3A_213 = tpu.memref_slice %arg10[%add3A_208, %dma_start3A_212] : memref<80x128xi32, #tpu.memory_space<vmem>> -> memref<1x64xi32, #tpu.memory_space<vmem>>
        %dma_start3A_214 = tpu.memref_squeeze %dma_start3A_213 : memref<1x64xi32, #tpu.memory_space<vmem>> -> memref<64xi32, #tpu.memory_space<vmem>>
        %dma_start3A_215 = arith.constant 0 : i32
        %dma_start3A_216 = arith.constant 0 : i32
        %dma_start3A_217 = tpu.memref_slice %arg2[%dma_start3A_215, %dma_start3A_216] : memref<20480x64xbf16, #tpu.memory_space<hbm>> -> memref<20480x64xbf16, #tpu.memory_space<hbm>>
        tpu.enqueue_indirect_dma source(%dma_start3A_217 : memref<20480x64xbf16, #tpu.memory_space<hbm>>) target(%dma_start3A_211 : memref<64x64xbf16, #tpu.memory_space<vmem>>) offsets(%dma_start3A_214 : memref<64xi32, #tpu.memory_space<vmem>>) semaphore(%arg20 : memref<!tpu.dma_semaphore, #tpu.memory_space<semaphore_mem>>)
      } else {
      }
      %dma_wait3A_170 = arith.constant 0 : i32
      %dma_wait3A_171 = arith.constant 0 : i32
      %dma_wait3A_172 = tpu.memref_slice %arg15[%dma_wait3A_170, %dma_wait3A_171] : memref<128x64xbf16, #tpu.memory_space<vmem>> -> memref<64x64xbf16, #tpu.memory_space<vmem>>
      %dma_wait3A_173 = arith.constant 0 : i32
      %dma_wait3A_174 = tpu.memref_slice %arg10[%add3A_162, %dma_wait3A_173] : memref<80x128xi32, #tpu.memory_space<vmem>> -> memref<1x64xi32, #tpu.memory_space<vmem>>
      %dma_wait3A_175 = tpu.memref_squeeze %dma_wait3A_174 : memref<1x64xi32, #tpu.memory_space<vmem>> -> memref<64xi32, #tpu.memory_space<vmem>>
      %dma_wait3A_176 = arith.constant 0 : i32
      %dma_wait3A_177 = arith.constant 0 : i32
      %dma_wait3A_178 = tpu.memref_slice %arg2[%dma_wait3A_176, %dma_wait3A_177] : memref<20480x64xbf16, #tpu.memory_space<hbm>> -> memref<20480x64xbf16, #tpu.memory_space<hbm>>
      tpu.wait_indirect_dma semaphore(%arg19 : memref<!tpu.dma_semaphore, #tpu.memory_space<semaphore_mem>>) src(%dma_wait3A_178 : memref<20480x64xbf16, #tpu.memory_space<hbm>>) dst(%dma_wait3A_172 : memref<64x64xbf16, #tpu.memory_space<vmem>>)
      %dma_wait3A_179 = arith.constant 64 : i32
      %dma_wait3A_180 = arith.constant 0 : i32
      %dma_wait3A_181 = tpu.memref_slice %arg15[%dma_wait3A_179, %dma_wait3A_180] : memref<128x64xbf16, #tpu.memory_space<vmem>> -> memref<64x64xbf16, #tpu.memory_space<vmem>>
      %dma_wait3A_182 = arith.constant 64 : i32
      %dma_wait3A_183 = tpu.memref_slice %arg10[%add3A_162, %dma_wait3A_182] : memref<80x128xi32, #tpu.memory_space<vmem>> -> memref<1x64xi32, #tpu.memory_space<vmem>>
      %dma_wait3A_184 = tpu.memref_squeeze %dma_wait3A_183 : memref<1x64xi32, #tpu.memory_space<vmem>> -> memref<64xi32, #tpu.memory_space<vmem>>
      %dma_wait3A_185 = arith.constant 0 : i32
      %dma_wait3A_186 = arith.constant 0 : i32
      %dma_wait3A_187 = tpu.memref_slice %arg2[%dma_wait3A_185, %dma_wait3A_186] : memref<20480x64xbf16, #tpu.memory_space<hbm>> -> memref<20480x64xbf16, #tpu.memory_space<hbm>>
      tpu.wait_indirect_dma semaphore(%arg21 : memref<!tpu.dma_semaphore, #tpu.memory_space<semaphore_mem>>) src(%dma_wait3A_187 : memref<20480x64xbf16, #tpu.memory_space<hbm>>) dst(%dma_wait3A_181 : memref<64x64xbf16, #tpu.memory_space<vmem>>)
      %scan3A_188 = arith.constant 0 : i32
      %scan3A_189 = arith.constant 0 : i32
      %scan3A_190 = arith.constant 128 : i32
      %scan3A_191 = arith.addi %scan3A_189, %scan3A_190 : i32
      %scan3A_192 = arith.constant 1 : i32
      %scan3A_193 = scf.for %scan3A_196 = %scan3A_189 to %scan3A_191 step %scan3A_192 iter_args(%scan3A_197 = %scan3A_188) -> (i32)  : i32 {
        %broadcast_in_dim3A_198 = arith.constant 0 : i32
        %broadcast_in_dim3A_199 = vector.broadcast %broadcast_in_dim3A_198 : i32 to vector<16xi32>
        %add3A_200 = vector.broadcast %scan3A_196 : i32 to vector<16xi32>
        %add3A_201 = arith.addi %broadcast_in_dim3A_199, %add3A_200 : vector<16xi32>
        %gather3A = arith.constant 0 : i32
        %gather3A_202 = tpu.memref_slice %arg11[%add3A_162, %gather3A] : memref<80x128xf32, #tpu.memory_space<vmem>> -> memref<1x128xf32, #tpu.memory_space<vmem>>
        %gather3A_203 = tpu.memref_squeeze %gather3A_202 : memref<1x128xf32, #tpu.memory_space<vmem>> -> memref<128xf32, #tpu.memory_space<vmem>>
        %gather3A_204 = tpu.vector_load_idx %gather3A_203[%add3A_201] : memref<128xf32, #tpu.memory_space<vmem>>[vector<16xi32>], vector<16xf32>,
        %get3A = arith.index_cast %scan3A_196 : i32 to index
        %get3A_205 = arith.constant 0 : index
        %get3A_206 = tpu.vector_load %arg15[%get3A, %get3A_205] {strides = array<i32>} : memref<128x64xbf16, #tpu.memory_space<vmem>>, vector<32xbf16>,
        %bitcast3A = vector.bitcast %get3A_206 : vector<32xbf16> to vector<16xi32>
        %shift_left3A = arith.constant 16 : i32
        %shift_left3A_207 = vector.broadcast %shift_left3A : i32 to vector<16xi32>
        %shift_left3A_208 = arith.shli %bitcast3A, %shift_left3A_207 : vector<16xi32>
        %bitcast3A_209 = vector.bitcast %shift_left3A_208 : vector<16xi32> to vector<16xf32>
        %and3A = arith.constant -65536 : i32
        %and3A_210 = vector.broadcast %and3A : i32 to vector<16xi32>
        %and3A_211 = arith.andi %bitcast3A, %and3A_210 : vector<16xi32>
        %bitcast3A_212 = vector.bitcast %and3A_211 : vector<16xi32> to vector<16xf32>
        %mul3A_213 = arith.mulf %bitcast3A_209, %gather3A_204 : vector<16xf32>
        %swap3A = arith.index_cast %scan3A_196 : i32 to index
        %swap3A_214 = arith.constant 0 : index
        %swap3A_215 = tpu.vector_load %arg16[%swap3A, %swap3A_214] {strides = array<i32>} : memref<128x64xf32, #tpu.memory_space<vmem>>, vector<16xf32>,
        tpu.vector_store %arg16[%swap3A, %swap3A_214], %mul3A_213 {strides = array<i32>} : memref<128x64xf32, #tpu.memory_space<vmem>>, vector<16xf32>,
        %mul3A_216 = arith.mulf %bitcast3A_212, %gather3A_204 : vector<16xf32>
        %swap3A_217 = arith.index_cast %scan3A_196 : i32 to index
        %swap3A_218 = arith.constant 16 : index
        %swap3A_219 = tpu.vector_load %arg16[%swap3A_217, %swap3A_218] {strides = array<i32>} : memref<128x64xf32, #tpu.memory_space<vmem>>, vector<16xf32>,
        tpu.vector_store %arg16[%swap3A_217, %swap3A_218], %mul3A_216 {strides = array<i32>} : memref<128x64xf32, #tpu.memory_space<vmem>>, vector<16xf32>,
        %get3A_220 = arith.index_cast %scan3A_196 : i32 to index
        %get3A_221 = arith.constant 32 : index
        %get3A_222 = tpu.vector_load %arg15[%get3A_220, %get3A_221] {strides = array<i32>} : memref<128x64xbf16, #tpu.memory_space<vmem>>, vector<32xbf16>,
        %bitcast3A_223 = vector.bitcast %get3A_222 : vector<32xbf16> to vector<16xi32>
        %shift_left3A_224 = arith.constant 16 : i32
        %shift_left3A_225 = vector.broadcast %shift_left3A_224 : i32 to vector<16xi32>
        %shift_left3A_226 = arith.shli %bitcast3A_223, %shift_left3A_225 : vector<16xi32>
        %bitcast3A_227 = vector.bitcast %shift_left3A_226 : vector<16xi32> to vector<16xf32>
        %and3A_228 = arith.constant -65536 : i32
        %and3A_229 = vector.broadcast %and3A_228 : i32 to vector<16xi32>
        %and3A_230 = arith.andi %bitcast3A_223, %and3A_229 : vector<16xi32>
        %bitcast3A_231 = vector.bitcast %and3A_230 : vector<16xi32> to vector<16xf32>
        %mul3A_232 = arith.mulf %bitcast3A_227, %gather3A_204 : vector<16xf32>
        %swap3A_233 = arith.index_cast %scan3A_196 : i32 to index
        %swap3A_234 = arith.constant 32 : index
        %swap3A_235 = tpu.vector_load %arg16[%swap3A_233, %swap3A_234] {strides = array<i32>} : memref<128x64xf32, #tpu.memory_space<vmem>>, vector<16xf32>,
        tpu.vector_store %arg16[%swap3A_233, %swap3A_234], %mul3A_232 {strides = array<i32>} : memref<128x64xf32, #tpu.memory_space<vmem>>, vector<16xf32>,
        %mul3A_236 = arith.mulf %bitcast3A_231, %gather3A_204 : vector<16xf32>
        %swap3A_237 = arith.index_cast %scan3A_196 : i32 to index
        %swap3A_238 = arith.constant 48 : index
        %swap3A_239 = tpu.vector_load %arg16[%swap3A_237, %swap3A_238] {strides = array<i32>} : memref<128x64xf32, #tpu.memory_space<vmem>>, vector<16xf32>,
        tpu.vector_store %arg16[%swap3A_237, %swap3A_238], %mul3A_236 {strides = array<i32>} : memref<128x64xf32, #tpu.memory_space<vmem>>, vector<16xf32>,
        %scan3A_240 = arith.constant 0 : i32
        scf.yield %scan3A_240 : i32
      }
      %scan3A_194 = arith.constant 128 : i32
      "tpu.region"() ({
        %run_scoped3A_196 = tpu.sem_alloc : memref<!tpu.dma_semaphore, #tpu.memory_space<semaphore_mem>>
        %dma_start3A_197 = arith.constant 0 : i32
        %dma_start3A_198 = tpu.memref_slice %arg9[%add3A_162, %dma_start3A_197] : memref<80x128xi32, #tpu.memory_space<vmem>> -> memref<1x128xi32, #tpu.memory_space<vmem>>
        %dma_start3A_199 = tpu.memref_squeeze %dma_start3A_198 : memref<1x128xi32, #tpu.memory_space<vmem>> -> memref<128xi32, #tpu.memory_space<vmem>>
        %dma_start3A_200 = arith.constant 0 : i32
        %dma_start3A_201 = arith.constant 0 : i32
        %dma_start3A_202 = tpu.memref_slice %arg17[%dma_start3A_200, %dma_start3A_201] : memref<10240x64xf32, #tpu.memory_space<vmem_shared>> -> memref<10240x64xf32, #tpu.memory_space<vmem_shared>>
        tpu.enqueue_indirect_dma source(%arg16 : memref<128x64xf32, #tpu.memory_space<vmem>>) target(%dma_start3A_202 : memref<10240x64xf32, #tpu.memory_space<vmem_shared>>) offsets(%dma_start3A_199 : memref<128xi32, #tpu.memory_space<vmem>>) semaphore(%run_scoped3A_196 : memref<!tpu.dma_semaphore, #tpu.memory_space<semaphore_mem>>) {add = true}
        %dma_wait3A_203 = arith.constant 0 : i32
        %dma_wait3A_204 = tpu.memref_slice %arg9[%add3A_162, %dma_wait3A_203] : memref<80x128xi32, #tpu.memory_space<vmem>> -> memref<1x128xi32, #tpu.memory_space<vmem>>
        %dma_wait3A_205 = tpu.memref_squeeze %dma_wait3A_204 : memref<1x128xi32, #tpu.memory_space<vmem>> -> memref<128xi32, #tpu.memory_space<vmem>>
        %dma_wait3A_206 = arith.constant 0 : i32
        %dma_wait3A_207 = arith.constant 0 : i32
        %dma_wait3A_208 = tpu.memref_slice %arg17[%dma_wait3A_206, %dma_wait3A_207] : memref<10240x64xf32, #tpu.memory_space<vmem_shared>> -> memref<10240x64xf32, #tpu.memory_space<vmem_shared>>
        tpu.wait_indirect_dma semaphore(%run_scoped3A_196 : memref<!tpu.dma_semaphore, #tpu.memory_space<semaphore_mem>>) src(%arg16 : memref<128x64xf32, #tpu.memory_space<vmem>>) dst(%dma_wait3A_208 : memref<10240x64xf32, #tpu.memory_space<vmem_shared>>)
        tpu.yield
      }) : () -> ()
      %scan3A_195 = arith.constant 0 : i32
      scf.yield %scan3A_195 : i32
    }
    %scan3A_122 = arith.constant 40 : i32
    %barrier3A_123 = arith.constant 0 : index
    tpu.barrier barrier_id(%barrier3A_123)
    %run_scoped3A_124 = arith.constant 1 : i32
    "tpu.region"() ({
      %run_scoped3A_125 = tpu.sem_alloc : memref<!tpu.dma_semaphore, #tpu.memory_space<semaphore_mem>>
      %dma_start3A_126 = arith.constant 0 : i32
      %dma_start3A_127 = tpu.memref_slice %arg7[%arg0, %run_scoped3A_124, %mul3A_17, %dma_start3A_126] : memref<2x2x10240x64xf32, #tpu.memory_space<hbm>> -> memref<1x1x640x64xf32, #tpu.memory_space<hbm>>
      %dma_start3A_128 = tpu.memref_squeeze %dma_start3A_127 : memref<1x1x640x64xf32, #tpu.memory_space<hbm>> -> memref<640x64xf32, #tpu.memory_space<hbm>>
      %dma_start3A_129 = arith.constant 0 : i32
      %dma_start3A_130 = tpu.memref_slice %arg17[%mul3A_17, %dma_start3A_129] : memref<10240x64xf32, #tpu.memory_space<vmem_shared>> -> memref<640x64xf32, #tpu.memory_space<vmem_shared>>
      tpu.enqueue_dma source(%dma_start3A_130 : memref<640x64xf32, #tpu.memory_space<vmem_shared>>) target(%dma_start3A_128 : memref<640x64xf32, #tpu.memory_space<hbm>>) target_semaphore(%run_scoped3A_125 : memref<!tpu.dma_semaphore, #tpu.memory_space<semaphore_mem>>)
      %dma_wait3A = arith.constant 0 : i32
      %dma_wait3A_131 = tpu.memref_slice %arg7[%arg0, %run_scoped3A_124, %mul3A_17, %dma_wait3A] : memref<2x2x10240x64xf32, #tpu.memory_space<hbm>> -> memref<1x1x640x64xf32, #tpu.memory_space<hbm>>
      %dma_wait3A_132 = tpu.memref_squeeze %dma_wait3A_131 : memref<1x1x640x64xf32, #tpu.memory_space<hbm>> -> memref<640x64xf32, #tpu.memory_space<hbm>>
      %dma_wait3A_133 = arith.constant 0 : i32
      %dma_wait3A_134 = tpu.memref_slice %arg17[%mul3A_17, %dma_wait3A_133] : memref<10240x64xf32, #tpu.memory_space<vmem_shared>> -> memref<640x64xf32, #tpu.memory_space<vmem_shared>>
      tpu.wait_dma2 semaphore(%run_scoped3A_125 : memref<!tpu.dma_semaphore, #tpu.memory_space<semaphore_mem>>) src(%dma_wait3A_134 : memref<640x64xf32, #tpu.memory_space<vmem_shared>>) dst(%dma_wait3A_132 : memref<640x64xf32, #tpu.memory_space<hbm>>)
      tpu.yield
    }) : () -> ()
    return
  }
}

module attributes {stable_mosaic.version = 14 : i64} {
  func.func @body(%arg0: i32, %arg1: memref<1280x128xf32, #tpu.memory_space<vmem>>, %arg2: memref<128x128xf32, #tpu.memory_space<vmem>>, %arg3: memref<1280x128xf32, #tpu.memory_space<vmem>>) attributes {dimension_semantics = [#tpu.dimension_semantics<arbitrary>], iteration_bounds = array<i64: 8>, scalar_prefetch = 0 : i64, scratch_operands = 0 : i64, tpu.core_type = #tpu.core_type<tc>, window_params = [{transform_indices = @transform_0, window_bounds = array<i64: 1280, 128>}, {pipeline_mode = #tpu.pipeline_mode<synchronous>, transform_indices = @transform_1, window_bounds = array<i64: 128, 128>}, {transform_indices = @transform_2, window_bounds = array<i64: 1280, 128>}]} {
    %get3A = arith.constant 0 : index
    %get3A_0 = arith.constant 0 : index
    %get3A_1 = vector.load %arg1[%get3A, %get3A_0] : memref<1280x128xf32, #tpu.memory_space<vmem>>, vector<1280x128xf32>
    %get3A_2 = arith.constant 0 : index
    %get3A_3 = arith.constant 0 : index
    %get3A_4 = vector.load %arg2[%get3A_2, %get3A_3] : memref<128x128xf32, #tpu.memory_space<vmem>>, vector<128x128xf32>
    %dot_general3A = arith.constant dense<0.000000e+00> : vector<1280x128xf32>
    %dot_general3A_5 = tpu.matmul %get3A_1, %get3A_4, %dot_general3A {dimension_numbers = #tpu.dot_dimension_numbers<[1], [0], [0], [1], [0, 0, 1, 1], [], []>, transpose_lhs_hint = false} : vector<1280x128xf32>, vector<128x128xf32>, vector<1280x128xf32> -> vector<1280x128xf32>
    %swap3A = arith.constant 0 : index
    %swap3A_6 = arith.constant 0 : index
    %swap3A_7 = vector.load %arg3[%swap3A, %swap3A_6] : memref<1280x128xf32, #tpu.memory_space<vmem>>, vector<1280x128xf32>
    tpu.vector_store %arg3[%swap3A, %swap3A_6], %dot_general3A_5 {strides = array<i32>} : memref<1280x128xf32, #tpu.memory_space<vmem>>, vector<1280x128xf32>,
    return
  }
  func.func @transform_0(%arg0: i32) -> (i32, i32) {
    %c0_i32 = arith.constant 0 : i32
    %c0_i32_0 = arith.constant 0 : i32
    return %arg0, %c0_i32 : i32, i32
  }
  func.func @transform_1(%arg0: i32) -> (i32, i32) {
    %c0_i32 = arith.constant 0 : i32
    %c0_i32_0 = arith.constant 0 : i32
    %c0_i32_1 = arith.constant 0 : i32
    return %c0_i32, %c0_i32_0 : i32, i32
  }
  func.func @transform_2(%arg0: i32) -> (i32, i32) {
    %c0_i32 = arith.constant 0 : i32
    %c0_i32_0 = arith.constant 0 : i32
    return %arg0, %c0_i32 : i32, i32
  }
}

module attributes {stable_mosaic.version = 14 : i64} {
  func.func @body(%arg0: i32, %arg1: memref<2x2x1280x64xf32, #tpu.memory_space<vmem>>, %arg2: memref<1280x128xf32, #tpu.memory_space<vmem>>, %arg3: memref<2x1280xf32, #tpu.memory_space<vmem>>, %arg4: memref<128xf32, #tpu.memory_space<vmem>>, %arg5: memref<128x64xf32, #tpu.memory_space<vmem>>, %arg6: memref<1280x64xf32, #tpu.memory_space<vmem>>) attributes {dimension_semantics = [#tpu.dimension_semantics<arbitrary>], iteration_bounds = array<i64: 8>, scalar_prefetch = 0 : i64, scratch_operands = 0 : i64, tpu.core_type = #tpu.core_type<tc>, window_params = [{transform_indices = @transform_0, window_bounds = array<i64: 2, 2, 1280, 64>}, {transform_indices = @transform_1, window_bounds = array<i64: 1280, 128>}, {transform_indices = @transform_2, window_bounds = array<i64: 2, 1280>}, {pipeline_mode = #tpu.pipeline_mode<synchronous>, transform_indices = @transform_3, window_bounds = array<i64: 128>}, {pipeline_mode = #tpu.pipeline_mode<synchronous>, transform_indices = @transform_4, window_bounds = array<i64: 128, 64>}, {transform_indices = @transform_5, window_bounds = array<i64: 1280, 64>}]} {
    %get3A = arith.constant 0 : index
    %get3A_0 = arith.constant 0 : index
    %get3A_1 = vector.load %arg3[%get3A, %get3A_0] : memref<2x1280xf32, #tpu.memory_space<vmem>>, vector<1x1280xf32>
    %get3A_2 = vector.shape_cast %get3A_1 : vector<1x1280xf32> to vector<1280xf32>
    %get3A_3 = arith.constant 1 : index
    %get3A_4 = arith.constant 0 : index
    %get3A_5 = vector.load %arg3[%get3A_3, %get3A_4] : memref<2x1280xf32, #tpu.memory_space<vmem>>, vector<1x1280xf32>
    %get3A_6 = vector.shape_cast %get3A_5 : vector<1x1280xf32> to vector<1280xf32>
    %add3A = arith.addf %get3A_2, %get3A_6 : vector<1280xf32>
    %add3A_7 = arith.constant 1.000000e+00 : f32
    %add3A_8 = vector.broadcast %add3A_7 : f32 to vector<1280xf32>
    %add3A_9 = arith.addf %add3A, %add3A_8 : vector<1280xf32>
    %div3A = arith.constant 1.000000e+00 : f32
    %div3A_10 = vector.broadcast %div3A : f32 to vector<1280xf32>
    %div3A_11 = arith.divf %div3A_10, %add3A_9 : vector<1280xf32>
    %get3A_12 = arith.constant 0 : index
    %get3A_13 = arith.constant 0 : index
    %get3A_14 = arith.constant 0 : index
    %get3A_15 = arith.constant 0 : index
    %get3A_16 = vector.load %arg1[%get3A_12, %get3A_13, %get3A_14, %get3A_15] : memref<2x2x1280x64xf32, #tpu.memory_space<vmem>>, vector<1x1x1280x64xf32>
    %get3A_17 = vector.shape_cast %get3A_16 : vector<1x1x1280x64xf32> to vector<1280x64xf32>
    %get3A_18 = arith.constant 1 : index
    %get3A_19 = arith.constant 0 : index
    %get3A_20 = arith.constant 0 : index
    %get3A_21 = arith.constant 0 : index
    %get3A_22 = vector.load %arg1[%get3A_18, %get3A_19, %get3A_20, %get3A_21] : memref<2x2x1280x64xf32, #tpu.memory_space<vmem>>, vector<1x1x1280x64xf32>
    %get3A_23 = vector.shape_cast %get3A_22 : vector<1x1x1280x64xf32> to vector<1280x64xf32>
    %add3A_24 = arith.addf %get3A_17, %get3A_23 : vector<1280x64xf32>
    %broadcast_in_dim3A = vector.shape_cast %div3A_11 : vector<1280xf32> to vector<1280x1xf32>
    %get3A_25 = arith.constant 0 : index
    %get3A_26 = arith.constant 0 : index
    %get3A_27 = vector.load %arg2[%get3A_25, %get3A_26] : memref<1280x128xf32, #tpu.memory_space<vmem>>, vector<1280x64xf32>
    %mul3A = vector.broadcast %broadcast_in_dim3A : vector<1280x1xf32> to vector<1280x64xf32>
    %mul3A_28 = arith.mulf %mul3A, %get3A_27 : vector<1280x64xf32>
    %add3A_29 = arith.addf %add3A_24, %mul3A_28 : vector<1280x64xf32>
    %get3A_30 = arith.constant 0 : index
    %get3A_31 = vector.load %arg4[%get3A_30] : memref<128xf32, #tpu.memory_space<vmem>>, vector<128xf32>
    %slice3A = vector.extract_strided_slice %get3A_31 {offsets = [0], sizes = [64], strides = [1]} : vector<128xf32> to vector<64xf32>
    %broadcast_in_dim3A_32 = vector.shape_cast %slice3A : vector<64xf32> to vector<1x64xf32>
    %add3A_33 = vector.broadcast %broadcast_in_dim3A_32 : vector<1x64xf32> to vector<1280x64xf32>
    %add3A_34 = arith.addf %add3A_29, %add3A_33 : vector<1280x64xf32>
    %get3A_35 = arith.constant 0 : index
    %get3A_36 = arith.constant 1 : index
    %get3A_37 = arith.constant 0 : index
    %get3A_38 = arith.constant 0 : index
    %get3A_39 = vector.load %arg1[%get3A_35, %get3A_36, %get3A_37, %get3A_38] : memref<2x2x1280x64xf32, #tpu.memory_space<vmem>>, vector<1x1x1280x64xf32>
    %get3A_40 = vector.shape_cast %get3A_39 : vector<1x1x1280x64xf32> to vector<1280x64xf32>
    %get3A_41 = arith.constant 1 : index
    %get3A_42 = arith.constant 1 : index
    %get3A_43 = arith.constant 0 : index
    %get3A_44 = arith.constant 0 : index
    %get3A_45 = vector.load %arg1[%get3A_41, %get3A_42, %get3A_43, %get3A_44] : memref<2x2x1280x64xf32, #tpu.memory_space<vmem>>, vector<1x1x1280x64xf32>
    %get3A_46 = vector.shape_cast %get3A_45 : vector<1x1x1280x64xf32> to vector<1280x64xf32>
    %add3A_47 = arith.addf %get3A_40, %get3A_46 : vector<1280x64xf32>
    %broadcast_in_dim3A_48 = vector.shape_cast %div3A_11 : vector<1280xf32> to vector<1280x1xf32>
    %get3A_49 = arith.constant 0 : index
    %get3A_50 = arith.constant 64 : index
    %get3A_51 = vector.load %arg2[%get3A_49, %get3A_50] : memref<1280x128xf32, #tpu.memory_space<vmem>>, vector<1280x64xf32>
    %mul3A_52 = vector.broadcast %broadcast_in_dim3A_48 : vector<1280x1xf32> to vector<1280x64xf32>
    %mul3A_53 = arith.mulf %mul3A_52, %get3A_51 : vector<1280x64xf32>
    %add3A_54 = arith.addf %add3A_47, %mul3A_53 : vector<1280x64xf32>
    %get3A_55 = arith.constant 0 : index
    %get3A_56 = vector.load %arg4[%get3A_55] : memref<128xf32, #tpu.memory_space<vmem>>, vector<128xf32>
    %slice3A_57 = vector.extract_strided_slice %get3A_56 {offsets = [64], sizes = [64], strides = [1]} : vector<128xf32> to vector<64xf32>
    %broadcast_in_dim3A_58 = vector.shape_cast %slice3A_57 : vector<64xf32> to vector<1x64xf32>
    %add3A_59 = vector.broadcast %broadcast_in_dim3A_58 : vector<1x64xf32> to vector<1280x64xf32>
    %add3A_60 = arith.addf %add3A_54, %add3A_59 : vector<1280x64xf32>
    %max3A = arith.constant 0.000000e+00 : f32
    %max3A_61 = vector.broadcast %max3A : f32 to vector<1280x64xf32>
    %max3A_62 = arith.maximumf %add3A_34, %max3A_61 : vector<1280x64xf32>
    %max3A_63 = arith.constant 0.000000e+00 : f32
    %max3A_64 = vector.broadcast %max3A_63 : f32 to vector<1280x64xf32>
    %max3A_65 = arith.maximumf %add3A_60, %max3A_64 : vector<1280x64xf32>
    %get3A_66 = arith.constant 0 : index
    %get3A_67 = arith.constant 0 : index
    %get3A_68 = vector.load %arg5[%get3A_66, %get3A_67] : memref<128x64xf32, #tpu.memory_space<vmem>>, vector<64x64xf32>
    %dot_general3A = arith.constant dense<0.000000e+00> : vector<1280x64xf32>
    %dot_general3A_69 = tpu.matmul %max3A_62, %get3A_68, %dot_general3A {dimension_numbers = #tpu.dot_dimension_numbers<[1], [0], [0], [1], [0, 0, 1, 1], [], []>, transpose_lhs_hint = false} : vector<1280x64xf32>, vector<64x64xf32>, vector<1280x64xf32> -> vector<1280x64xf32>
    %get3A_70 = arith.constant 64 : index
    %get3A_71 = arith.constant 0 : index
    %get3A_72 = vector.load %arg5[%get3A_70, %get3A_71] : memref<128x64xf32, #tpu.memory_space<vmem>>, vector<64x64xf32>
    %dot_general3A_73 = arith.constant dense<0.000000e+00> : vector<1280x64xf32>
    %dot_general3A_74 = tpu.matmul %max3A_65, %get3A_72, %dot_general3A_73 {dimension_numbers = #tpu.dot_dimension_numbers<[1], [0], [0], [1], [0, 0, 1, 1], [], []>, transpose_lhs_hint = false} : vector<1280x64xf32>, vector<64x64xf32>, vector<1280x64xf32> -> vector<1280x64xf32>
    %add3A_75 = arith.addf %dot_general3A_69, %dot_general3A_74 : vector<1280x64xf32>
    %swap3A = arith.constant 0 : index
    %swap3A_76 = arith.constant 0 : index
    %swap3A_77 = vector.load %arg6[%swap3A, %swap3A_76] : memref<1280x64xf32, #tpu.memory_space<vmem>>, vector<1280x64xf32>
    tpu.vector_store %arg6[%swap3A, %swap3A_76], %add3A_75 {strides = array<i32>} : memref<1280x64xf32, #tpu.memory_space<vmem>>, vector<1280x64xf32>,
    return
  }
  func.func @transform_0(%arg0: i32) -> (i32, i32, i32, i32) {
    %c0_i32 = arith.constant 0 : i32
    %c0_i32_0 = arith.constant 0 : i32
    %c0_i32_1 = arith.constant 0 : i32
    %c0_i32_2 = arith.constant 0 : i32
    return %c0_i32, %c0_i32_0, %arg0, %c0_i32_1 : i32, i32, i32, i32
  }
  func.func @transform_1(%arg0: i32) -> (i32, i32) {
    %c0_i32 = arith.constant 0 : i32
    %c0_i32_0 = arith.constant 0 : i32
    return %arg0, %c0_i32 : i32, i32
  }
  func.func @transform_2(%arg0: i32) -> (i32, i32) {
    %c0_i32 = arith.constant 0 : i32
    %c0_i32_0 = arith.constant 0 : i32
    return %c0_i32, %arg0 : i32, i32
  }
  func.func @transform_3(%arg0: i32) -> i32 {
    %c0_i32 = arith.constant 0 : i32
    %c0_i32_0 = arith.constant 0 : i32
    return %c0_i32 : i32
  }
  func.func @transform_4(%arg0: i32) -> (i32, i32) {
    %c0_i32 = arith.constant 0 : i32
    %c0_i32_0 = arith.constant 0 : i32
    %c0_i32_1 = arith.constant 0 : i32
    return %c0_i32, %c0_i32_0 : i32, i32
  }
  func.func @transform_5(%arg0: i32) -> (i32, i32) {
    %c0_i32 = arith.constant 0 : i32
    %c0_i32_0 = arith.constant 0 : i32
    return %arg0, %c0_i32 : i32, i32
  }
}

module attributes {stable_mosaic.version = 14 : i64} {
  func.func @body(%arg0: i32, %arg1: memref<2x1x1280x64xf32, #tpu.memory_space<vmem>>, %arg2: memref<1280x64xf32, #tpu.memory_space<vmem>>, %arg3: memref<2x1280xf32, #tpu.memory_space<vmem>>, %arg4: memref<64xf32, #tpu.memory_space<vmem>>, %arg5: memref<1280x64xf32, #tpu.memory_space<vmem>>) attributes {dimension_semantics = [#tpu.dimension_semantics<arbitrary>], iteration_bounds = array<i64: 8>, scalar_prefetch = 0 : i64, scratch_operands = 0 : i64, tpu.core_type = #tpu.core_type<tc>, window_params = [{transform_indices = @transform_0, window_bounds = array<i64: 2, 1, 1280, 64>}, {transform_indices = @transform_1, window_bounds = array<i64: 1280, 64>}, {transform_indices = @transform_2, window_bounds = array<i64: 2, 1280>}, {pipeline_mode = #tpu.pipeline_mode<synchronous>, transform_indices = @transform_3, window_bounds = array<i64: 64>}, {transform_indices = @transform_4, window_bounds = array<i64: 1280, 64>}]} {
    %get3A = arith.constant 0 : index
    %get3A_0 = arith.constant 0 : index
    %get3A_1 = vector.load %arg3[%get3A, %get3A_0] : memref<2x1280xf32, #tpu.memory_space<vmem>>, vector<1x1280xf32>
    %get3A_2 = vector.shape_cast %get3A_1 : vector<1x1280xf32> to vector<1280xf32>
    %get3A_3 = arith.constant 1 : index
    %get3A_4 = arith.constant 0 : index
    %get3A_5 = vector.load %arg3[%get3A_3, %get3A_4] : memref<2x1280xf32, #tpu.memory_space<vmem>>, vector<1x1280xf32>
    %get3A_6 = vector.shape_cast %get3A_5 : vector<1x1280xf32> to vector<1280xf32>
    %add3A = arith.addf %get3A_2, %get3A_6 : vector<1280xf32>
    %add3A_7 = arith.constant 1.000000e+00 : f32
    %add3A_8 = vector.broadcast %add3A_7 : f32 to vector<1280xf32>
    %add3A_9 = arith.addf %add3A, %add3A_8 : vector<1280xf32>
    %div3A = arith.constant 1.000000e+00 : f32
    %div3A_10 = vector.broadcast %div3A : f32 to vector<1280xf32>
    %div3A_11 = arith.divf %div3A_10, %add3A_9 : vector<1280xf32>
    %get3A_12 = arith.constant 0 : index
    %get3A_13 = arith.constant 0 : index
    %get3A_14 = arith.constant 0 : index
    %get3A_15 = arith.constant 0 : index
    %get3A_16 = vector.load %arg1[%get3A_12, %get3A_13, %get3A_14, %get3A_15] : memref<2x1x1280x64xf32, #tpu.memory_space<vmem>>, vector<1x1x1280x64xf32>
    %get3A_17 = vector.shape_cast %get3A_16 : vector<1x1x1280x64xf32> to vector<1280x64xf32>
    %get3A_18 = arith.constant 1 : index
    %get3A_19 = arith.constant 0 : index
    %get3A_20 = arith.constant 0 : index
    %get3A_21 = arith.constant 0 : index
    %get3A_22 = vector.load %arg1[%get3A_18, %get3A_19, %get3A_20, %get3A_21] : memref<2x1x1280x64xf32, #tpu.memory_space<vmem>>, vector<1x1x1280x64xf32>
    %get3A_23 = vector.shape_cast %get3A_22 : vector<1x1x1280x64xf32> to vector<1280x64xf32>
    %add3A_24 = arith.addf %get3A_17, %get3A_23 : vector<1280x64xf32>
    %broadcast_in_dim3A = vector.shape_cast %div3A_11 : vector<1280xf32> to vector<1280x1xf32>
    %get3A_25 = arith.constant 0 : index
    %get3A_26 = arith.constant 0 : index
    %get3A_27 = vector.load %arg2[%get3A_25, %get3A_26] : memref<1280x64xf32, #tpu.memory_space<vmem>>, vector<1280x64xf32>
    %mul3A = vector.broadcast %broadcast_in_dim3A : vector<1280x1xf32> to vector<1280x64xf32>
    %mul3A_28 = arith.mulf %mul3A, %get3A_27 : vector<1280x64xf32>
    %add3A_29 = arith.addf %add3A_24, %mul3A_28 : vector<1280x64xf32>
    %get3A_30 = arith.constant 0 : index
    %get3A_31 = vector.load %arg4[%get3A_30] : memref<64xf32, #tpu.memory_space<vmem>>, vector<64xf32>
    %broadcast_in_dim3A_32 = vector.shape_cast %get3A_31 : vector<64xf32> to vector<1x64xf32>
    %add3A_33 = vector.broadcast %broadcast_in_dim3A_32 : vector<1x64xf32> to vector<1280x64xf32>
    %add3A_34 = arith.addf %add3A_29, %add3A_33 : vector<1280x64xf32>
    %iota3A = tpu.iota {dimensions = array<i32: 1>} : vector<1280x64xi32>
    %lt3A = arith.constant 40 : i32
    %lt3A_35 = vector.broadcast %lt3A : i32 to vector<1280x64xi32>
    %lt3A_36 = arith.cmpi slt, %iota3A, %lt3A_35 : vector<1280x64xi32>
    %jit3A = arith.constant 0xFF800000 : f32
    %broadcast_in_dim3A_37 = vector.broadcast %jit3A : f32 to vector<1280x64xf32>
    %select_n3A = arith.select %lt3A_36, %add3A_34, %broadcast_in_dim3A_37 : vector<1280x64xi1>, vector<1280x64xf32>
    %reduce_max3A = arith.constant dense<0xFF800000> : vector<1280xf32>
    %reduce_max3A_38 = vector.multi_reduction <maximumf>, %select_n3A, %reduce_max3A [1] : vector<1280x64xf32> to vector<1280xf32>
    %broadcast_in_dim3A_39 = vector.shape_cast %reduce_max3A_38 : vector<1280xf32> to vector<1280x1xf32>
    %sub3A = vector.broadcast %broadcast_in_dim3A_39 : vector<1280x1xf32> to vector<1280x64xf32>
    %sub3A_40 = arith.subf %add3A_34, %sub3A : vector<1280x64xf32>
    %exp3A = math.exp %sub3A_40 : vector<1280x64xf32>
    %jit3A_41 = arith.constant 0.000000e+00 : f32
    %broadcast_in_dim3A_42 = vector.broadcast %jit3A_41 : f32 to vector<1280x64xf32>
    %select_n3A_43 = arith.select %lt3A_36, %exp3A, %broadcast_in_dim3A_42 : vector<1280x64xi1>, vector<1280x64xf32>
    %reduce_sum3A = arith.constant dense<0.000000e+00> : vector<1280xf32>
    %reduce_sum3A_44 = vector.multi_reduction <add>, %select_n3A_43, %reduce_sum3A [1] : vector<1280x64xf32> to vector<1280xf32>
    %broadcast_in_dim3A_45 = vector.shape_cast %reduce_sum3A_44 : vector<1280xf32> to vector<1280x1xf32>
    %log3A = math.log %broadcast_in_dim3A_45 : vector<1280x1xf32>
    %add3A_46 = arith.addf %log3A, %broadcast_in_dim3A_39 : vector<1280x1xf32>
    %sub3A_47 = vector.broadcast %add3A_46 : vector<1280x1xf32> to vector<1280x64xf32>
    %sub3A_48 = arith.subf %add3A_34, %sub3A_47 : vector<1280x64xf32>
    %swap3A = arith.constant 0 : index
    %swap3A_49 = arith.constant 0 : index
    %swap3A_50 = vector.load %arg5[%swap3A, %swap3A_49] : memref<1280x64xf32, #tpu.memory_space<vmem>>, vector<1280x64xf32>
    tpu.vector_store %arg5[%swap3A, %swap3A_49], %sub3A_48 {strides = array<i32>} : memref<1280x64xf32, #tpu.memory_space<vmem>>, vector<1280x64xf32>,
    return
  }
  func.func @transform_0(%arg0: i32) -> (i32, i32, i32, i32) {
    %c0_i32 = arith.constant 0 : i32
    %c0_i32_0 = arith.constant 0 : i32
    %c0_i32_1 = arith.constant 0 : i32
    %c0_i32_2 = arith.constant 0 : i32
    return %c0_i32, %c0_i32_0, %arg0, %c0_i32_1 : i32, i32, i32, i32
  }
  func.func @transform_1(%arg0: i32) -> (i32, i32) {
    %c0_i32 = arith.constant 0 : i32
    %c0_i32_0 = arith.constant 0 : i32
    return %arg0, %c0_i32 : i32, i32
  }
  func.func @transform_2(%arg0: i32) -> (i32, i32) {
    %c0_i32 = arith.constant 0 : i32
    %c0_i32_0 = arith.constant 0 : i32
    return %c0_i32, %arg0 : i32, i32
  }
  func.func @transform_3(%arg0: i32) -> i32 {
    %c0_i32 = arith.constant 0 : i32
    %c0_i32_0 = arith.constant 0 : i32
    return %c0_i32 : i32
  }
  func.func @transform_4(%arg0: i32) -> (i32, i32) {
    %c0_i32 = arith.constant 0 : i32
    %c0_i32_0 = arith.constant 0 : i32
    return %arg0, %c0_i32 : i32, i32
  }
}

</mosaic_0001>

<sc_bundles>
// kernel: kernel.11.cloned.1.call-start
scs
__scs_entry_jumppad:
0x0: {  	(pc) =	sbr.rel $0x88, $3  }
0x1: {  	(tag) =	ssettag $0x0;
	lr =	simm.s32 $0x1  }
0x2: {  	[smem:$0x3F9A] =	sst lr;
	_ =	strace $0xD0000000  }
0x3: {  	_ = 	snop  }
0x4: {  	_ = 	snop  }
0x5: {  	_ = 	snop  }
0x6: {  	_ = 	snop  }
0x7: {  	_ = 	snop  }
__scs_overlays_trampoline_lowered:
0x8: {  	[smem:$0x3FA9] =	sst s0  }
0x9: {  	[smem:$0x3FAA] =	sst s1  }
0xa: {  	[smem:$0x3FAB] =	sst s2  }
0xb: {  	[smem:$0x3FAC] =	sst s3  }
0xc: {  	[smem:$0x3FAD] =	sst s4  }
0xd: {  	[smem:$0x3FAE] =	sst s5  }
0xe: {  	[smem:$0x3FAF] =	sst s6  }
0xf: {  	[smem:$0x3FB0] =	sst s7  }
0x10: {  	[smem:$0x3FB1] =	sst s8  }
0x11: {  	[smem:$0x3FB2] =	sst s9;
	s0 =	simm.s32 @!p0 $0x0  }
0x12: {  	s1 =	sld [smem:$0x3F98];
	s0 =	simm.s32 @p0 $0x1  }
0x13: {  	[smem:$0x3FB3] =	sst s0;
	s0 =	simm.s32 @!p1 $0x0  }
0x14: {  	s2 =	sld [smem:$0x3F97];
	s0 =	simm.s32 @p1 $0x1  }
0x15: {  	[smem:$0x3FB4] =	sst s0;
	s0 =	simm.s32 @!p2 $0x0  }
0x16: {  	s3 =	sld [smem:$0x3FDB];
	s0 =	simm.s32 @p2 $0x1  }
0x17: {  	s4 =	simm.s32 $0x1BF5;
	[smem:$0x3FB6] =	sst s0  }
0x18: {  	s0 =	sld [smem:$0x3F99];
	_ =	swait.ge [sflag:s4], $0x0  }
0x19: {  	s7 =	sld [smem:$0x3F9A]  }
0x1a: {  	s8 =	sadd.s32 $0xFFFFE003, lr  }
0x1b: {  	s9 =	sadd.s32 $0xFFFFFEF7, lr;
	s5 =	simm.s32 $0xFFFFFFFF;
	p2 =	slt.u32 s8, $0xFFFFF086  }
0x1c: {  	p1 =	slt.u32 s9, $0xF7A;
	s5 =	simm.s32 @!p2 $0x0  }
0x1d: {  	s5 =	simm.s32 @p1 $0x1;
	p0 =	seq.s32 s7, s2  }
0x1e: {  	s7 =	smul.u32 @!p0 $0xF7A, s2;
	p2 =	seq.s32 @!p0 s5, $0x0  }
0x1f: {  	s9 =	smul.u32 $0xF7A, s1;
	s8 =	simm.s32 @!p0 $0x1BF5;
	p2 =	por !p2, p0  }
0x20: {  	[sflag:s8] =	ssyncset.s32 @!p0 $0xFFFFF086;
	s6 =	sadd.s32 @!p0 s3, s7;
	s7 =	simm.s32 @!p0 $0x108  }
0x21: {  	s3 =	sadd.s32 s3, s9;
	s6 =	sadd.s32 @!p0 $0x88, s6;
	s7 =	simm.s32 @p2 $0x1082  }
0x22: {  	[simem:s7], [sflag:s8] =	dma.local @!p0 [hbm:s6], $0xF7A  }
0x23: {  	s9 =	sor.u32 $0xD0000000, s2;
	s6 =	simm.s32 $0x108;
	_ =	swait.ge @!p0 [sflag:s8], $0x0  }
0x24: {  	s3 =	sadd.s32 $0x88, s3;
	s6 =	simm.s32 @!p1 $0x1082;
	[sflag:s4] =	ssyncset.s32 $0xFFFFF086  }
0x25: {  	[simem:s6], [sflag:s4] =	dma.local [hbm:s3], $0xF7A  }
0x26: {  	[smem:$0x3F9A] =	sst s1;
	(tag) =	ssettag s2;
	_ =	strace s9  }
0x27: {  	s1 =	sld [smem:$0x3FAA]  }
0x28: {  	s2 =	sld [smem:$0x3FAB]  }
0x29: {  	s4 =	sld [smem:$0x3FAD]  }
0x2a: {  	p0 =	seq.s32 s5, $0x0;
	s5 =	sld [smem:$0x3FAE]  }
0x2b: {  	s6 =	sld [smem:$0x3FAF]  }
0x2c: {  	s7 =	sld [smem:$0x3FB0]  }
0x2d: {  	s3 =	simm.s32 $0x108;
	s8 =	sld [smem:$0x3FB1]  }
0x2e: {  	s3 =	simm.s32 @!p0 $0x1082;
	s9 =	sld [smem:$0x3FB2]  }
0x2f: {  	lr =	sadd.s32 s0, s3;
	s0 =	sld [smem:$0x3FA9]  }
0x30: {  	s3 =	sld [smem:$0x3FAC]  }
0x31: {  	[smem:$0x3FB5] =	sst s10  }
0x32: {  	s10 =	sld [smem:$0x3FB3];
	_ =	sdelay $0x3  }
0x33: {  	p0 =	seq.s32 s10, $0x1;
	s10 =	sld [smem:$0x3FB5];
	_ =	sdelay $0x3  }
0x34: {  	[smem:$0x3FB5] =	sst s10  }
0x35: {  	s10 =	sld [smem:$0x3FB4];
	_ =	sdelay $0x3  }
0x36: {  	p1 =	seq.s32 s10, $0x1;
	s10 =	sld [smem:$0x3FB5];
	_ =	sdelay $0x3  }
0x37: {  	[smem:$0x3FB5] =	sst s10  }
0x38: {  	s10 =	sld [smem:$0x3FB6]  }
0x39: {  	_ = 	snop;
	(pc) =	sbr.ind lr, $3  }
0x3a: {  	_ = 	snop  }
0x3b: {  	_ = 	snop  }
0x3c: {  	p2 =	seq.s32 s10, $0x1;
	s10 =	sld [smem:$0x3FB5]  }
0x3d: {  	_ =	shalt  }
0x3e: {  	_ =	shalt  }
0x3f: {  	_ =	shalt  }
0x40: {  	_ =	shalt  }
0x41: {  	_ =	shalt  }
0x42: {  	_ =	shalt  }
0x43: {  	_ =	shalt  }
0x44: {  	_ =	shalt  }
0x45: {  	_ =	shalt  }
0x46: {  	_ =	shalt  }
0x47: {  	_ =	shalt  }
0x48: {  	_ =	shalt  }
0x49: {  	_ =	shalt  }
0x4a: {  	_ =	shalt  }
0x4b: {  	_ =	shalt  }
0x4c: {  	_ =	shalt  }
0x4d: {  	_ =	shalt  }
0x4e: {  	_ =	shalt  }
0x4f: {  	_ =	shalt  }
0x50: {  	_ =	shalt  }
0x51: {  	_ =	shalt  }
0x52: {  	_ =	shalt  }
0x53: {  	_ =	shalt  }
0x54: {  	_ =	shalt  }
0x55: {  	_ =	shalt  }
0x56: {  	_ =	shalt  }
0x57: {  	_ =	shalt  }
0x58: {  	_ =	shalt  }
0x59: {  	_ =	shalt  }
0x5a: {  	_ =	shalt  }
0x5b: {  	_ =	shalt  }
0x5c: {  	_ =	shalt  }
0x5d: {  	_ =	shalt  }
0x5e: {  	_ =	shalt  }
0x5f: {  	_ =	shalt  }
0x60: {  	_ =	shalt  }
0x61: {  	_ =	shalt  }
0x62: {  	_ =	shalt  }
0x63: {  	_ =	shalt  }
0x64: {  	_ =	shalt  }
0x65: {  	_ =	shalt  }
0x66: {  	_ =	shalt  }
0x67: {  	_ =	shalt  }
0x68: {  	_ =	shalt  }
0x69: {  	_ =	shalt  }
0x6a: {  	_ =	shalt  }
0x6b: {  	_ =	shalt  }
0x6c: {  	_ =	shalt  }
0x6d: {  	_ =	shalt  }
0x6e: {  	_ =	shalt  }
0x6f: {  	_ =	shalt  }
0x70: {  	_ =	shalt  }
0x71: {  	_ =	shalt  }
0x72: {  	_ =	shalt  }
0x73: {  	_ =	shalt  }
0x74: {  	_ =	shalt  }
0x75: {  	_ =	shalt  }
0x76: {  	_ =	shalt  }
0x77: {  	_ =	shalt  }
0x78: {  	_ =	shalt  }
0x79: {  	_ =	shalt  }
0x7a: {  	_ =	shalt  }
0x7b: {  	_ =	shalt  }
0x7c: {  	_ =	shalt  }
0x7d: {  	_ =	shalt  }
0x7e: {  	_ =	shalt  }
0x7f: {  	_ =	shalt  }
0x80: {  	_ =	shalt  }
0x81: {  	_ =	shalt  }
0x82: {  	_ =	shalt  }
0x83: {  	_ =	shalt  }
0x84: {  	_ =	shalt  }
0x85: {  	_ =	shalt  }
0x86: {  	_ =	shalt  }
0x87: {  	_ =	shalt  }
.Lfunc_end0:
.L_simem_size_0:
called_computation.1_lowered:
.L_overlay_start_0:
0x88: {  	s2 =	sld [smem:$0x3FD9]  }
0x89: {  	s3 =	sld [smem:$0x3FFE];
	_ =	sdelay $0x1  }
0x8a: {  	s1 =	srdreg.scid  }
0x8b: {  	s0 =	sand.u32 $0x1, s1  }
0x8c: {  	s17 =	sshll.u32 s0, $0xA;
	s2 =	sadd.s32 s3, s2  }
0x8d: {  	s2 =	sadd.s32 s2, s17  }
0x8e: {  	[smem:$0x3FC1] =	sst s2  }
0x8f: {  	_ = 	snop  }
0x90: {  	s2 =	sld [smem:$0x3FD0];
	(tm) =	ssettm $0x1  }
0x91: {  	s18 =	sld [smem:$0x3FFB];
	_ =	sdelay $0x3  }
0x92: {  	_ =	strace s18  }
0x93: {  	s3 =	sld [smem:$0x3FFC];
	_ =	sdelay $0x3  }
0x94: {  	_ =	strace s3  }
0x95: {  	s3 =	sld [smem:$0x3FFD];
	_ =	sdelay $0x3  }
0x96: {  	_ =	strace s3  }
0x97: {  	_ =	strace $0x8FFFFFFF  }
0x98: {  	s19 =	sld [smem:$0x3FDB];
	_ =	sdelay $0x1  }
0x99: {  	s4 =	simm.s32 $_scs_section_size  }
0x9a: {  	s5 =	simm.s32 $_size__tile_overlayer_lowered;
	s6 =	simm.s32 $_tile_overlayer_lowered  }
0x9b: {  	s22 =	simm.s32 $0x1BFF;
	s21 =	sshll.u32 s6, $0x1;
	s3 =	sadd.s32 s4, s19  }
0x9c: {  	s7 =	simm.s32 $0x0;
	s20 =	sshll.u32 s5, $0x1;
	s5 =	sadd.s32 s21, s3  }
0x9d: {  	[timem:s7], [sflag:s22] =	dma.local [hbm:s5], s20  }
0x9e: {  	_ =	swait.ge [sflag:s22], s20  }
0x9f: {  	s4 =	ssub.s32 $0x0, s20;
	[sflag:s22] =	ssyncset.done $0x0  }
0xa0: {  	[sflag:s22] =	ssyncadd.s32 s4;
	_ =	sdelay $0x1  }
0xa1: {  	s23 =	simm.s32 $0x1B8B  }
0xa2: {  	_ =	swait.ge [sflag:s23], $0x1  }
0xa3: {  	[sflag:s23] =	ssyncset.done $0x0  }
0xa4: {  	s25 =	simm.s32 $0x1B8E;
	s24 =	sld [smem:$0x3FFE];
	[sflag:s23] =	ssyncadd.s32 $0xFFFFFFFF  }
0xa5: {  	s26 =	simm.s32 $execute0_lowered;
	[smem:$0x3FD2] =	sst s25  }
0xa6: {  	s5 =	sshll.u32 s26, $0x1;
	_ =	strace $0x80000049;
	[dreg:$0x1] =	wrdreg $0xFFFFFFFF  }
0xa7: {  	s28 =	simm.s32 $_size_execute0_lowered;
	s3 =	sadd.s32 s3, s5;
	[dreg:$0x0] =	wrdreg $0x0  }
0xa8: {  	s5 =	sshll.u32 s28, $0x1;
	[dreg:$0x2] =	wrdreg s3  }
0xa9: {  	[dreg:$0x3] =	wrdreg s5  }
0xaa: {  	[dreg:$0x4] =	wrdreg $0xC0  }
0xab: {  	_ =	task [dreg:s7], $0x5FFFF  }
0xac: {  	[dreg:$0x1] =	wrdreg $0xFFFFFFFF  }
0xad: {  	[dreg:$0x0] =	wrdreg $0x60  }
0xae: {  	[dreg:$0x2] =	wrdreg s24  }
0xaf: {  	[dreg:$0x3] =	wrdreg s2  }
0xb0: {  	[dreg:$0x4] =	wrdreg $0x130000  }
0xb1: {  	[dreg:$0x5] =	wrdreg $0x9  }
0xb2: {  	_ =	task.clear_ibuf [dreg:s7], $0x6FFFF;
	_ =	strace $0x90000049  }
0xb3: {  	s29 =	simm.s32 $0x9;
	_ =	strace $0x8000004B  }
0xb4: {  	_ =	swait.ge [sflag:s29], $0x1  }
0xb5: {  	[sflag:s29] =	ssyncadd.s32 $0xFFFFFFFF  }
0xb6: {  	_ =	strace $0x9000004B  }
0xb7: {  	_ =	sfence  }
0xb8: {  	s30 =	sld [smem:$0x0];
	_ =	sdelay $0x2  }
0xb9: {  	s31 =	sshll.u32 s1, $0xD;
	s1 =	sshrl.u32 s1, $0x2  }
0xba: {  	s3 =	sand.u32 $0x4000, s31;
	s1 =	sadd.s32 s1, s30  }
0xbb: {  	s0 =	sor.u32 s3, s0;
	s1 =	sshll.u32 s1, $0x11  }
0xbc: {  	s0 =	sor.u32 s1, s0  }
0xbd: {  	s0 =	sadd.s32 $0x8F2B, s0  }
0xbe: {  	[sflag:s0] =	ssyncadd.remote.s32 $0x1  }
0xbf: {  	_ =	sfence.sel $0xFFFF  }
0xc0: {  	[dreg:$0x0] =	wrdreg $0xFFFFFFFF;
	(pc) =	sbr.abs _section_cstart, $3  }
0xc1: {  	[dreg:$0x1] =	wrdreg $0xFFFFFFFF  }
0xc2: {  	_ =	task.clear_ibuf [dreg:s7], $0x2FFFF;
	_ =	strace $0x9FFFFFFF  }
0xc3: {  	(tm) =	ssettm $0x7FFFFFFF  }
tec
execute0_lowered:
.L_overlay_start_1:
0x0: {  	(tag) =	ssettag $0x1  }
0x1: {  	s0 =	srdreg.scid  }
0x2: {  	s11 =	stileid.u32;
	s1 =	rddreg [dreg:$0x0]  }
0x3: {  	s5 =	rddreg [dreg:$0x1];
	s21 =	simm.s32 $0x0;
	s18 =	simm.s32 $0x5  }
0x4: {  	s30 =	simm.s32 $0x10000;
	s31 =	simm.s32 $0x10800;
	s19 =	simm.s32 $0x3  }
0x5: {  	s20 =	simm.s32 $0x80;
	s0 =	sand.u32 $0x1, s0;
	s2 =	sshll.u32 s11, $0x1  }
0x6: {  	s7 =	smul.u32 $0xA000, s11;
	[smem:$0x7FF] =	sst s21;
	s4 =	sadd.s32 $0x16200, s1  }
0x7: {  	s11 =	smul.u32 $0x28000, s11;
	s12 =	sadd.s32 $0x15800, s1;
	s21 =	simm.s32 $0xA000  }
0x8: {  	s3 =	sor.u32 s0, s2;
	s2 =	rddreg [dreg:$0x2];
	s8 =	smul.u32 $0x140000, s0  }
0x9: {  	_ =	strace $0x8000004A;
	s0 =	ssub.s32 $0x2, s0;
	[dreg:$0x4] =	wrdreg s12  }
0xa: {  	s6 =	smul.u32 $0x500, s3;
	s10 =	sshrl.u32 s0, $0x1;
	s23 =	sshrl.u32 s11, $0x2  }
0xb: {  	s8 =	sadd.s32 s7, s8;
	s0 =	ssub.s32 s0, s10;
	s25 =	sadd.s32 s23, s2  }
0xc: {  	s10 =	sadd.s32 s7, s2;
	s23 =	simm.s32 $0x11000;
	s5 =	sadd.s32 s5, s6  }
0xd: {  	s9 =	sadd.s32 s6, s1;
	s26 =	sadd.s32 $0x6000, s25;
	[dreg:$0x5] =	wrdreg s5  }
0xe: {  	s8 =	sshrl.u32 s8, $0x3;
	s0 =	smax.u32 s0, $0x1;
	[dreg:$0x9] =	wrdreg s26  }
0xf: {  	s12 =	sadd.s32 $0x2000, s25;
	s22 =	sadd.s32 $0x1800, s9;
	[dreg:$0xd] =	wrdreg s0  }
0x10: {  	s13 =	sadd.s32 $0x4000, s25;
	s24 =	sadd.s32 $0xB800, s9;
	[dreg:$0x6] =	wrdreg s22  }
0x11: {  	s8 =	sadd.s32 s8, s1;
	s1 =	sadd.s32 $0x15D00, s1;
	[dreg:$0x7] =	wrdreg s24  }
0x12: {  	s0 =	simm.s32 $0x4;
	[dreg:$0x8] =	wrdreg s1;
	s1 =	sadd.s32 $0x8000, s25  }
0x13: {  	s5 =	simm.s32 $0x0;
	s28 =	sadd.s32 $0x2A200, s8;
	[dreg:$0xa] =	wrdreg s1  }
0x14: {  	s29 =	sadd.s32 $0x3E200, s8;
	s24 =	simm.s32 $0x40;
	[dreg:$0xb] =	wrdreg s28  }
0x15: {  	v0 =	vimm.f32 $0.0e+00;
	s22 =	simm.s32 $0x2;
	[dreg:$0xc] =	wrdreg s29;
	s1 =	simm.s32 $0x1  }
.LBB2_1:
0x16: {  	s6 =	rddreg [dreg:$0x5];
	s3 =	simm.s32 $0x0  }
0x17: {  	[tilespmem:s3], [sflag:$0x5] =	stream.linear.gather [hbm4b:s6+s3], $0x2800, $0x38;
	[tilespmem:$0x1D000] =	vst v63  }
0x18: {  	_ =	swait.ge [sflag:s18], $0x2800  }
0x19: {  	[sflag:s18] =	ssyncset.done $0x0  }
0x1a: {  	s7 =	simm.s32 $0x2800;
	s16 =	rddreg [dreg:$0x6];
	[sflag:s18] =	ssyncadd.s32 $0xFFFFD800  }
0x1b: {  	[tilespmem:s7], [sflag:$0x5] =	stream.linear.gather [hbm4b:s16+s3], $0x2800, $0x38;
	[tilespmem:$0x1D000] =	vst v63  }
0x1c: {  	_ =	swait.ge [sflag:s18], $0x2800  }
0x1d: {  	[sflag:s18] =	ssyncset.done $0x0  }
0x1e: {  	s25 =	simm.s32 $0x7800;
	s17 =	rddreg [dreg:$0x7];
	[sflag:s18] =	ssyncadd.s32 $0xFFFFD800  }
0x1f: {  	[tilespmem:s25], [sflag:$0x5] =	stream.linear.gather [hbm4b:s17+s3], $0x2800, $0x38;
	[tilespmem:$0x1D000] =	vst v63  }
0x20: {  	_ =	swait.ge [sflag:s18], $0x2800  }
0x21: {  	[sflag:s18] =	ssyncset.done $0x0  }
0x22: {  	s26 =	rddreg [dreg:$0x4];
	[sflag:s18] =	ssyncadd.s32 $0xFFFFD800  }
0x23: {  	[tilespmem:s21], [sflag:$0x5] =	stream.linear.gather [hbm4b:s26+s3], $0x2800, $0x38;
	[tilespmem:$0x1D000] =	vst v63  }
0x24: {  	_ =	swait.ge [sflag:s18], $0x2800  }
0x25: {  	[sflag:s18] =	ssyncset.done $0x0  }
0x26: {  	s29 =	simm.s32 $0xC800;
	s28 =	rddreg [dreg:$0x8];
	[sflag:s18] =	ssyncadd.s32 $0xFFFFD800  }
0x27: {  	[tilespmem:s29], [sflag:$0x5] =	stream.linear.gather [hbm4b:s28+s3], $0x2800, $0x38;
	[tilespmem:$0x1D000] =	vst v63  }
0x28: {  	_ =	swait.ge [sflag:s18], $0x2800  }
0x29: {  	[sflag:s18] =	ssyncset.done $0x0  }
0x2a: {  	s6 =	simm.s32 $0x0;
	[sflag:s18] =	ssyncadd.s32 $0xFFFFD800  }
0x2b: {  	s7 =	simm.s32 $0x40;
	v1 =	vld [tilespmem:s6+$0xC800]  }
.LBB2_2:
0x2c: {  	p0 =	sne.s32 s7, $0x9FC0;
	v2 =	vld [tilespmem:s6+$0xA000];
	_ =	sdelay $0x4  }
0x2d: {  	v1 =	vadd.f32 v1, v2;
	_ =	sdelay $0x1  }
0x2e: {  	v1 =	vadd.f32 $1.000000000e+00, v1;
	_ =	sdelay $0x1  }
0x2f: {  	v2 =	vshra.s32 v1, $0x1;
	v1 =	vmul.f32 $5.000000000e-01, v1  }
0x30: {  	v2 =	vsub.s32 $0x5F3759DF, v2  }
0x31: {  	v3 =	vmul.f32 v2, v1;
	_ =	sdelay $0x1  }
0x32: {  	v3 =	vmul.f32 v2, v3;
	_ =	sdelay $0x1  }
0x33: {  	v3 =	vsub.f32 $1.500000000e+00, v3;
	_ =	sdelay $0x1  }
0x34: {  	v2 =	vmul.f32 v2, v3;
	_ =	sdelay $0x1  }
0x35: {  	v3 =	vmul.f32 v2, v1;
	_ =	sdelay $0x1  }
0x36: {  	v3 =	vmul.f32 v3, v2;
	_ =	sdelay $0x1  }
0x37: {  	v3 =	vsub.f32 $1.500000000e+00, v3;
	_ =	sdelay $0x1  }
0x38: {  	v2 =	vmul.f32 v3, v2;
	_ =	sdelay $0x1  }
0x39: {  	v1 =	vmul.f32 v2, v1;
	_ =	sdelay $0x1  }
0x3a: {  	v1 =	vmul.f32 v1, v2;
	_ =	sdelay $0x1  }
.Ltmp0:
0x3b: {  	v1 =	vsub.f32 $1.500000000e+00, v1;
	(pc) =	sbr.rel @p0 .LBB2_2-.Ltmp0, $4  }
0x3c: {  	_ = 	snop  }
0x3d: {  	v2 =	vmul.f32 v1, v2  }
0x3e: {  	s8 =	sshra.s32 s7, $0x2  }
0x3f: {  	s7 =	sadd.s32 $0x40, s7;
	v1 =	vld [tilespmem:s8+$0xC800];
	[tilespmem:s6+$0xA000] =	vst v2;
	s6 =	smov.u32 s8  }
0x40: {  	v2 =	vld [tilespmem:s6+$0xA000];
	_ =	sdelay $0x4  }
0x41: {  	v1 =	vadd.f32 v1, v2;
	_ =	sdelay $0x1  }
0x42: {  	v1 =	vadd.f32 $1.000000000e+00, v1;
	_ =	sdelay $0x1  }
0x43: {  	v2 =	vshra.s32 v1, $0x1;
	v1 =	vmul.f32 $5.000000000e-01, v1  }
0x44: {  	v2 =	vsub.s32 $0x5F3759DF, v2  }
0x45: {  	v3 =	vmul.f32 v2, v1;
	_ =	sdelay $0x1  }
0x46: {  	v3 =	vmul.f32 v2, v3;
	_ =	sdelay $0x1  }
0x47: {  	v3 =	vsub.f32 $1.500000000e+00, v3;
	_ =	sdelay $0x1  }
0x48: {  	v2 =	vmul.f32 v2, v3;
	_ =	sdelay $0x1  }
0x49: {  	v3 =	vmul.f32 v2, v1;
	_ =	sdelay $0x1  }
0x4a: {  	v3 =	vmul.f32 v3, v2;
	_ =	sdelay $0x1  }
0x4b: {  	v3 =	vsub.f32 $1.500000000e+00, v3;
	_ =	sdelay $0x1  }
0x4c: {  	v2 =	vmul.f32 v3, v2;
	_ =	sdelay $0x1  }
0x4d: {  	v1 =	vmul.f32 v2, v1;
	_ =	sdelay $0x1  }
0x4e: {  	v1 =	vmul.f32 v1, v2;
	_ =	sdelay $0x1  }
0x4f: {  	v1 =	vsub.f32 $1.500000000e+00, v1;
	_ =	sdelay $0x1  }
0x50: {  	v1 =	vmul.f32 v1, v2;
	_ =	sdelay $0x1  }
0x51: {  	[tilespmem:s6+$0xA000] =	vst v1;
	s6 =	simm.s32 $0x0  }
0x52: {  	v1 =	vld [tilespmem:s6+$0x0];
	_ =	sdelay $0x1  }
0x53: {  	v2 =	vld [tilespmem:s6+$0x2800];
	_ =	sdelay $0x4  }
0x54: {  	v3 =	vld [tilespmem:s6+$0x7800]  }
0x55: {  	v1 =	vld.idx.msk [tilespmem:v1+s21+$0x0], $0xffff  }
0x56: {  	v4 =	vld [tilespmem:s6+$0x10]  }
0x57: {  	v2 =	vld.idx.msk [tilespmem:v2+s21+$0x0], $0xffff  }
0x58: {  	v5 =	vld [tilespmem:s6+$0x2810];
	_ =	sdelay $0x1  }
0x59: {  	v1 =	vmul.f32 v3, v1;
	_ =	sdelay $0x1  }
0x5a: {  	v1 =	vmul.f32 v1, v2;
	_ =	sdelay $0x1  }
0x5b: {  	v2 =	vld [tilespmem:s6+$0x7810];
	[tilespmem:s6+$0x7800] =	vst v1  }
0x5c: {  	v1 =	vld.idx.msk [tilespmem:v4+s21+$0x0], $0xffff  }
0x5d: {  	v3 =	vld.idx.msk [tilespmem:v5+s21+$0x0], $0xffff  }
0x5e: {  	v4 =	vld [tilespmem:s6+$0x20]  }
0x5f: {  	v5 =	vld [tilespmem:s6+$0x2820];
	_ =	sdelay $0x1  }
0x60: {  	v1 =	vmul.f32 v2, v1;
	_ =	sdelay $0x1  }
0x61: {  	v1 =	vmul.f32 v1, v3;
	_ =	sdelay $0x1  }
0x62: {  	v2 =	vld [tilespmem:s6+$0x7820];
	[tilespmem:s6+$0x7810] =	vst v1  }
0x63: {  	v1 =	vld.idx.msk [tilespmem:v4+s21+$0x0], $0xffff  }
0x64: {  	v3 =	vld.idx.msk [tilespmem:v5+s21+$0x0], $0xffff  }
0x65: {  	v4 =	vld [tilespmem:s6+$0x30]  }
0x66: {  	v5 =	vld [tilespmem:s6+$0x2830];
	_ =	sdelay $0x1  }
0x67: {  	v1 =	vmul.f32 v2, v1;
	_ =	sdelay $0x1  }
0x68: {  	v1 =	vmul.f32 v1, v3;
	_ =	sdelay $0x1  }
0x69: {  	v2 =	vld [tilespmem:s6+$0x7830];
	[tilespmem:s6+$0x7820] =	vst v1  }
0x6a: {  	v1 =	vld.idx.msk [tilespmem:v4+s21+$0x0], $0xffff  }
0x6b: {  	v3 =	vld.idx.msk [tilespmem:v5+s21+$0x0], $0xffff  }
0x6c: {  	v4 =	vld [tilespmem:s6+$0x40]  }
0x6d: {  	v5 =	vld [tilespmem:s6+$0x2840];
	_ =	sdelay $0x1  }
0x6e: {  	v1 =	vmul.f32 v2, v1;
	_ =	sdelay $0x1  }
0x6f: {  	v1 =	vmul.f32 v1, v3;
	_ =	sdelay $0x1  }
0x70: {  	v2 =	vld [tilespmem:s6+$0x7840];
	[tilespmem:s6+$0x7830] =	vst v1  }
0x71: {  	v1 =	vld.idx.msk [tilespmem:v4+s21+$0x0], $0xffff  }
0x72: {  	v3 =	vld.idx.msk [tilespmem:v5+s21+$0x0], $0xffff  }
0x73: {  	v4 =	vld [tilespmem:s6+$0x50]  }
0x74: {  	v5 =	vld [tilespmem:s6+$0x2850];
	_ =	sdelay $0x1  }
0x75: {  	v1 =	vmul.f32 v2, v1;
	_ =	sdelay $0x1  }
0x76: {  	v1 =	vmul.f32 v1, v3;
	_ =	sdelay $0x1  }
0x77: {  	[tilespmem:s6+$0x7840] =	vst v1;
	v1 =	vld [tilespmem:s6+$0x7850]  }
0x78: {  	v2 =	vld.idx.msk [tilespmem:v4+s21+$0x0], $0xffff  }
0x79: {  	v3 =	vld.idx.msk [tilespmem:v5+s21+$0x0], $0xffff  }
0x7a: {  	v4 =	vld [tilespmem:s6+$0x60]  }
0x7b: {  	v5 =	vld [tilespmem:s6+$0x2860];
	_ =	sdelay $0x1  }
0x7c: {  	v1 =	vmul.f32 v1, v2;
	_ =	sdelay $0x1  }
0x7d: {  	v1 =	vmul.f32 v1, v3;
	_ =	sdelay $0x1  }
0x7e: {  	[tilespmem:s6+$0x7850] =	vst v1;
	v1 =	vld [tilespmem:s6+$0x7860]  }
0x7f: {  	v2 =	vld.idx.msk [tilespmem:v4+s21+$0x0], $0xffff  }
0x80: {  	v3 =	vld.idx.msk [tilespmem:v5+s21+$0x0], $0xffff  }
0x81: {  	v4 =	vld [tilespmem:s6+$0x70];
	_ =	sdelay $0x2  }
0x82: {  	v1 =	vmul.f32 v1, v2  }
0x83: {  	v5 =	vld [tilespmem:s6+$0x2870]  }
0x84: {  	v1 =	vmul.f32 v1, v3;
	_ =	sdelay $0x1  }
0x85: {  	[tilespmem:s6+$0x7860] =	vst v1;
	v1 =	vld [tilespmem:s6+$0x7870]  }
0x86: {  	v2 =	vld.idx.msk [tilespmem:v4+s21+$0x0], $0xffff;
	_ =	sdelay $0x3  }
0x87: {  	s9 =	simm.s32 $0x80;
	v3 =	vld.idx.msk [tilespmem:v5+s21+$0x0], $0xffff  }
0x88: {  	v4 =	vmul.f32 v1, v2;
	v2 =	vld [tilespmem:s9+$0x0];
	_ =	sdelay $0x1  }
0x89: {  	v1 =	vld [tilespmem:s9+$0x2800];
	_ =	sdelay $0x2  }
0x8a: {  	s7 =	simm.s32 $0x400;
	v3 =	vmul.f32 v4, v3  }
.LBB2_4:
0x8b: {  	_ = 	snop  }
0x8c: {  	p0 =	sne.s32 s7, $0x9E00;
	s8 =	smov.u32 s7;
	s7 =	sadd.s32 $0x200, s7;
	[tilespmem:s6+$0x7870] =	vst v3  }
0x8d: {  	s6 =	smov.u32 s9;
	v2 =	vld.idx.msk [tilespmem:v2+s21+$0x0], $0xffff  }
0x8e: {  	v3 =	vld [tilespmem:s6+$0x7800]  }
0x8f: {  	v1 =	vld.idx.msk [tilespmem:v1+s21+$0x0], $0xffff  }
0x90: {  	v4 =	vld [tilespmem:s6+$0x10];
	_ =	sdelay $0x1  }
0x91: {  	v5 =	vld [tilespmem:s6+$0x2810]  }
0x92: {  	v2 =	vmul.f32 v3, v2;
	_ =	sdelay $0x1  }
0x93: {  	v1 =	vmul.f32 v2, v1;
	_ =	sdelay $0x1  }
0x94: {  	[tilespmem:s6+$0x7800] =	vst v1  }
0x95: {  	v1 =	vld.idx.msk [tilespmem:v4+s21+$0x0], $0xffff  }
0x96: {  	v2 =	vld [tilespmem:s6+$0x7810]  }
0x97: {  	v3 =	vld.idx.msk [tilespmem:v5+s21+$0x0], $0xffff  }
0x98: {  	v4 =	vld [tilespmem:s6+$0x20];
	_ =	sdelay $0x1  }
0x99: {  	v5 =	vld [tilespmem:s6+$0x2820]  }
0x9a: {  	v1 =	vmul.f32 v2, v1;
	_ =	sdelay $0x1  }
0x9b: {  	v1 =	vmul.f32 v1, v3;
	_ =	sdelay $0x1  }
0x9c: {  	[tilespmem:s6+$0x7810] =	vst v1  }
0x9d: {  	v1 =	vld.idx.msk [tilespmem:v4+s21+$0x0], $0xffff  }
0x9e: {  	v2 =	vld [tilespmem:s6+$0x7820]  }
0x9f: {  	v3 =	vld.idx.msk [tilespmem:v5+s21+$0x0], $0xffff  }
0xa0: {  	v4 =	vld [tilespmem:s6+$0x30];
	_ =	sdelay $0x1  }
0xa1: {  	v5 =	vld [tilespmem:s6+$0x2830]  }
0xa2: {  	v1 =	vmul.f32 v2, v1;
	_ =	sdelay $0x1  }
0xa3: {  	v1 =	vmul.f32 v1, v3;
	_ =	sdelay $0x1  }
0xa4: {  	[tilespmem:s6+$0x7820] =	vst v1  }
0xa5: {  	v1 =	vld.idx.msk [tilespmem:v4+s21+$0x0], $0xffff  }
0xa6: {  	v2 =	vld [tilespmem:s6+$0x7830]  }
0xa7: {  	v3 =	vld.idx.msk [tilespmem:v5+s21+$0x0], $0xffff  }
0xa8: {  	v4 =	vld [tilespmem:s6+$0x40];
	_ =	sdelay $0x1  }
0xa9: {  	v5 =	vld [tilespmem:s6+$0x2840]  }
0xaa: {  	v1 =	vmul.f32 v2, v1;
	_ =	sdelay $0x1  }
0xab: {  	v1 =	vmul.f32 v1, v3;
	_ =	sdelay $0x1  }
0xac: {  	[tilespmem:s6+$0x7830] =	vst v1  }
0xad: {  	v1 =	vld.idx.msk [tilespmem:v4+s21+$0x0], $0xffff  }
0xae: {  	v2 =	vld [tilespmem:s6+$0x7840]  }
0xaf: {  	v3 =	vld.idx.msk [tilespmem:v5+s21+$0x0], $0xffff  }
0xb0: {  	v4 =	vld [tilespmem:s6+$0x50]  }
0xb1: {  	v5 =	vld [tilespmem:s6+$0x2850];
	_ =	sdelay $0x1  }
0xb2: {  	v1 =	vmul.f32 v2, v1;
	_ =	sdelay $0x1  }
0xb3: {  	v1 =	vmul.f32 v1, v3;
	_ =	sdelay $0x1  }
0xb4: {  	[tilespmem:s6+$0x7840] =	vst v1;
	v1 =	vld [tilespmem:s6+$0x7850]  }
0xb5: {  	v2 =	vld.idx.msk [tilespmem:v4+s21+$0x0], $0xffff  }
0xb6: {  	v3 =	vld.idx.msk [tilespmem:v5+s21+$0x0], $0xffff;
	_ =	sdelay $0x1  }
0xb7: {  	v4 =	vld [tilespmem:s6+$0x60]  }
0xb8: {  	v5 =	vld [tilespmem:s6+$0x2860];
	_ =	sdelay $0x1  }
0xb9: {  	v1 =	vmul.f32 v1, v2;
	_ =	sdelay $0x1  }
0xba: {  	v1 =	vmul.f32 v1, v3;
	_ =	sdelay $0x1  }
0xbb: {  	[tilespmem:s6+$0x7850] =	vst v1;
	v1 =	vld [tilespmem:s6+$0x7860]  }
0xbc: {  	v2 =	vld.idx.msk [tilespmem:v4+s21+$0x0], $0xffff  }
0xbd: {  	v3 =	vld.idx.msk [tilespmem:v5+s21+$0x0], $0xffff;
	_ =	sdelay $0x1  }
0xbe: {  	v4 =	vld [tilespmem:s6+$0x70]  }
0xbf: {  	v5 =	vld [tilespmem:s6+$0x2870];
	_ =	sdelay $0x1  }
0xc0: {  	v1 =	vmul.f32 v1, v2;
	_ =	sdelay $0x1  }
0xc1: {  	v1 =	vmul.f32 v1, v3;
	_ =	sdelay $0x1  }
0xc2: {  	[tilespmem:s6+$0x7860] =	vst v1;
	v3 =	vld [tilespmem:s6+$0x7870]  }
0xc3: {  	v4 =	vld.idx.msk [tilespmem:v4+s21+$0x0], $0xffff  }
0xc4: {  	v5 =	vld.idx.msk [tilespmem:v5+s21+$0x0], $0xffff  }
0xc5: {  	s9 =	sshra.s32 s8, $0x2  }
0xc6: {  	v2 =	vld [tilespmem:s9+$0x0]  }
.Ltmp1:
0xc7: {  	v1 =	vld [tilespmem:s9+$0x2800];
	(pc) =	sbr.rel @p0 .LBB2_4-.Ltmp1, $3  }
0xc8: {  	_ = 	snop  }
0xc9: {  	v3 =	vmul.f32 v3, v4;
	_ =	sdelay $0x1  }
0xca: {  	v3 =	vmul.f32 v3, v5  }
0xcb: {  	_ =	sdelay $0x2  }
0xcc: {  	[tilespmem:s6+$0x7870] =	vst v3  }
0xcd: {  	v2 =	vld.idx.msk [tilespmem:v2+s21+$0x0], $0xffff  }
0xce: {  	v3 =	vld [tilespmem:s9+$0x7800]  }
0xcf: {  	v1 =	vld.idx.msk [tilespmem:v1+s21+$0x0], $0xffff  }
0xd0: {  	v4 =	vld [tilespmem:s9+$0x10]  }
0xd1: {  	v5 =	vld [tilespmem:s9+$0x2810];
	_ =	sdelay $0x1  }
0xd2: {  	v2 =	vmul.f32 v3, v2;
	_ =	sdelay $0x1  }
0xd3: {  	v1 =	vmul.f32 v2, v1;
	_ =	sdelay $0x1  }
0xd4: {  	v2 =	vld [tilespmem:s9+$0x7810];
	[tilespmem:s9+$0x7800] =	vst v1  }
0xd5: {  	v1 =	vld.idx.msk [tilespmem:v4+s21+$0x0], $0xffff  }
0xd6: {  	v3 =	vld.idx.msk [tilespmem:v5+s21+$0x0], $0xffff  }
0xd7: {  	v4 =	vld [tilespmem:s9+$0x20]  }
0xd8: {  	v5 =	vld [tilespmem:s9+$0x2820];
	_ =	sdelay $0x1  }
0xd9: {  	v1 =	vmul.f32 v2, v1;
	_ =	sdelay $0x1  }
0xda: {  	v1 =	vmul.f32 v1, v3;
	_ =	sdelay $0x1  }
0xdb: {  	v2 =	vld [tilespmem:s9+$0x7820];
	[tilespmem:s9+$0x7810] =	vst v1  }
0xdc: {  	v1 =	vld.idx.msk [tilespmem:v4+s21+$0x0], $0xffff  }
0xdd: {  	v3 =	vld.idx.msk [tilespmem:v5+s21+$0x0], $0xffff  }
0xde: {  	v4 =	vld [tilespmem:s9+$0x30]  }
0xdf: {  	v5 =	vld [tilespmem:s9+$0x2830];
	_ =	sdelay $0x1  }
0xe0: {  	v1 =	vmul.f32 v2, v1;
	_ =	sdelay $0x1  }
0xe1: {  	v1 =	vmul.f32 v1, v3;
	_ =	sdelay $0x1  }
0xe2: {  	v2 =	vld [tilespmem:s9+$0x7830];
	[tilespmem:s9+$0x7820] =	vst v1  }
0xe3: {  	v1 =	vld.idx.msk [tilespmem:v4+s21+$0x0], $0xffff  }
0xe4: {  	v3 =	vld.idx.msk [tilespmem:v5+s21+$0x0], $0xffff  }
0xe5: {  	v4 =	vld [tilespmem:s9+$0x40]  }
0xe6: {  	v5 =	vld [tilespmem:s9+$0x2840];
	_ =	sdelay $0x1  }
0xe7: {  	v1 =	vmul.f32 v2, v1;
	_ =	sdelay $0x1  }
0xe8: {  	v1 =	vmul.f32 v1, v3;
	_ =	sdelay $0x1  }
0xe9: {  	v2 =	vld [tilespmem:s9+$0x7840];
	[tilespmem:s9+$0x7830] =	vst v1  }
0xea: {  	v1 =	vld.idx.msk [tilespmem:v4+s21+$0x0], $0xffff  }
0xeb: {  	v3 =	vld.idx.msk [tilespmem:v5+s21+$0x0], $0xffff  }
0xec: {  	v4 =	vld [tilespmem:s9+$0x50]  }
0xed: {  	v5 =	vld [tilespmem:s9+$0x2850];
	_ =	sdelay $0x1  }
0xee: {  	v1 =	vmul.f32 v2, v1;
	_ =	sdelay $0x1  }
0xef: {  	v1 =	vmul.f32 v1, v3;
	_ =	sdelay $0x1  }
0xf0: {  	[tilespmem:s9+$0x7840] =	vst v1;
	v1 =	vld [tilespmem:s9+$0x7850]  }
0xf1: {  	v2 =	vld.idx.msk [tilespmem:v4+s21+$0x0], $0xffff  }
0xf2: {  	v3 =	vld.idx.msk [tilespmem:v5+s21+$0x0], $0xffff  }
0xf3: {  	v4 =	vld [tilespmem:s9+$0x60]  }
0xf4: {  	v5 =	vld [tilespmem:s9+$0x2860];
	_ =	sdelay $0x1  }
0xf5: {  	v1 =	vmul.f32 v1, v2;
	_ =	sdelay $0x1  }
0xf6: {  	v1 =	vmul.f32 v1, v3;
	_ =	sdelay $0x1  }
0xf7: {  	[tilespmem:s9+$0x7850] =	vst v1;
	v1 =	vld [tilespmem:s9+$0x7860]  }
0xf8: {  	v2 =	vld.idx.msk [tilespmem:v4+s21+$0x0], $0xffff  }
0xf9: {  	v3 =	vld.idx.msk [tilespmem:v5+s21+$0x0], $0xffff  }
0xfa: {  	v4 =	vld [tilespmem:s9+$0x70];
	_ =	sdelay $0x1  }
0xfb: {  	v5 =	vld [tilespmem:s9+$0x2870]  }
0xfc: {  	v1 =	vmul.f32 v1, v2;
	_ =	sdelay $0x1  }
0xfd: {  	v1 =	vmul.f32 v1, v3;
	_ =	sdelay $0x1  }
0xfe: {  	[tilespmem:s9+$0x7860] =	vst v1;
	v1 =	vld [tilespmem:s9+$0x7870]  }
0xff: {  	v2 =	vld.idx.msk [tilespmem:v4+s21+$0x0], $0xffff;
	_ =	sdelay $0x1  }
0x100: {  	v3 =	vld.idx.msk [tilespmem:v5+s21+$0x0], $0xffff;
	_ =	sdelay $0x2  }
0x101: {  	v1 =	vmul.f32 v1, v2;
	_ =	sdelay $0x1  }
0x102: {  	v1 =	vmul.f32 v1, v3;
	_ =	sdelay $0x1  }
0x103: {  	s7 =	simm.s32 $0x0;
	[tilespmem:s9+$0x7870] =	vst v1  }
0x104: {  	v2 =	vld [tilespmem:s7+$0x70]  }
0x105: {  	v5 =	vld [tilespmem:s7+$0x0]  }
0x106: {  	v6 =	vld [tilespmem:s7+$0x10]  }
0x107: {  	v4 =	vld [tilespmem:s7+$0x20]  }
0x108: {  	v3 =	vld [tilespmem:s7+$0x30]  }
0x109: {  	v1 =	vld [tilespmem:s7+$0x40];
	v7 =	vshll.u32 v2, $0x1  }
0x10a: {  	v2 =	vld [tilespmem:s7+$0x50];
	v5 =	vshll.u32 v5, $0x1;
	[tilespmem:s7+$0x5070] =	vst v7  }
0x10b: {  	s8 =	simm.s32 $0x400;
	s6 =	simm.s32 $0x80;
	v6 =	vshll.u32 v6, $0x1;
	[tilespmem:s7+$0x5000] =	vst v5;
	v5 =	vld [tilespmem:s7+$0x60]  }
.LBB2_6:
0x10c: {  	p0 =	sne.s32 s8, $0x9E00;
	v7 =	vld [tilespmem:s6+$0x70];
	[tilespmem:s7+$0x5010] =	vst v6;
	v4 =	vshll.u32 v4, $0x1  }
0x10d: {  	v6 =	vld [tilespmem:s6+$0x0];
	[tilespmem:s7+$0x5020] =	vst v4;
	v3 =	vshll.u32 v3, $0x1  }
0x10e: {  	v8 =	vld [tilespmem:s6+$0x10];
	[tilespmem:s7+$0x5030] =	vst v3;
	v1 =	vshll.u32 v1, $0x1  }
.Ltmp2:
0x10f: {  	v4 =	vld [tilespmem:s6+$0x20];
	[tilespmem:s7+$0x5040] =	vst v1;
	v1 =	vshll.u32 v2, $0x1;
	(pc) =	sbr.rel @p0 .LBB2_6-.Ltmp2, $4  }
0x110: {  	v3 =	vld [tilespmem:s6+$0x30];
	[tilespmem:s7+$0x5050] =	vst v1;
	v2 =	vshll.u32 v5, $0x1  }
0x111: {  	v1 =	vld [tilespmem:s6+$0x40];
	v5 =	vshll.u32 v7, $0x1;
	[tilespmem:s7+$0x5060] =	vst v2;
	s7 =	smov.u32 s6  }
0x112: {  	v6 =	vshll.u32 v6, $0x1;
	v2 =	vld [tilespmem:s7+$0x50];
	[tilespmem:s7+$0x5070] =	vst v5  }
0x113: {  	s6 =	sshra.s32 s8, $0x2;
	s8 =	sadd.s32 $0x200, s8;
	[tilespmem:s7+$0x5000] =	vst v6;
	v6 =	vshll.u32 v8, $0x1;
	v5 =	vld [tilespmem:s7+$0x60]  }
0x114: {  	v7 =	vld [tilespmem:s6+$0x70];
	[tilespmem:s7+$0x5010] =	vst v6;
	v4 =	vshll.u32 v4, $0x1  }
0x115: {  	v6 =	vld [tilespmem:s6+$0x0];
	[tilespmem:s7+$0x5020] =	vst v4;
	v3 =	vshll.u32 v3, $0x1  }
0x116: {  	v4 =	vld [tilespmem:s6+$0x10];
	[tilespmem:s7+$0x5030] =	vst v3;
	v1 =	vshll.u32 v1, $0x1  }
0x117: {  	v3 =	vld [tilespmem:s6+$0x20];
	[tilespmem:s7+$0x5040] =	vst v1;
	v1 =	vshll.u32 v2, $0x1  }
0x118: {  	v2 =	vld [tilespmem:s6+$0x30];
	[tilespmem:s7+$0x5050] =	vst v1;
	v1 =	vshll.u32 v5, $0x1  }
0x119: {  	v61 =	vld [tilespmem:s6+$0x40];
	[tilespmem:s7+$0x5060] =	vst v1;
	v1 =	vshll.u32 v7, $0x1  }
0x11a: {  	v62 =	vld [tilespmem:s6+$0x50];
	v6 =	vshll.u32 v6, $0x1;
	[tilespmem:s6+$0x5070] =	vst v1  }
0x11b: {  	v63 =	vld [tilespmem:s6+$0x60];
	[tilespmem:s6+$0x5000] =	vst v6;
	v1 =	vshll.u32 v4, $0x1  }
0x11c: {  	[tilespmem:s6+$0x5010] =	vst v1;
	v1 =	vshll.u32 v3, $0x1  }
0x11d: {  	[tilespmem:s6+$0x5020] =	vst v1;
	v1 =	vshll.u32 v2, $0x1  }
0x11e: {  	[tilespmem:s6+$0x5030] =	vst v1;
	v1 =	vshll.u32 v61, $0x1  }
0x11f: {  	[tilespmem:s6+$0x5040] =	vst v1;
	v1 =	vshll.u32 v62, $0x1  }
0x120: {  	[tilespmem:s6+$0x5050] =	vst v1;
	v1 =	vshll.u32 v63, $0x1  }
0x121: {  	s7 =	simm.s32 $0x100;
	[tilespmem:s6+$0x5060] =	vst v1;
	s6 =	simm.s32 $0x0  }
.LBB2_8:
0x122: {  	p0 =	sne.s32 s7, $0x7F00;
	[tilespmem:s6+$0x11030] =	vst v0;
	s8 =	smov.u32 s7;
	s7 =	sadd.s32 $0x100, s7  }
.Ltmp3:
0x123: {  	[tilespmem:s6+$0x11020] =	vst v0;
	(pc) =	sbr.rel @p0 .LBB2_8-.Ltmp3, $3  }
0x124: {  	[tilespmem:s6+$0x11000] =	vst v0  }
0x125: {  	[tilespmem:s6+$0x11010] =	vst v0;
	_ =	sdelay $0x1  }
0x126: {  	s6 =	sshra.s32 s8, $0x2  }
0x127: {  	[tilespmem:s6+$0x11030] =	vst v0  }
0x128: {  	[tilespmem:s6+$0x11020] =	vst v0  }
0x129: {  	[tilespmem:s6+$0x11000] =	vst v0  }
0x12a: {  	[tilespmem:s6+$0x11010] =	vst v0  }
0x12b: {  	[spmem:s10] =	stream.linear.scatter [tilespmem:s23], [sflag:$0x5], $0x2000, $0x38;
	[tilespmem:$0x1D000] =	vst v63  }
0x12c: {  	_ =	swait.ge [sflag:s18], $0x2000  }
0x12d: {  	[sflag:s18] =	ssyncset.done $0x0  }
0x12e: {  	[sflag:s18] =	ssyncadd.s32 $0xFFFFE000  }
0x12f: {  	[spmem:s12] =	stream.linear.scatter [tilespmem:s23], [sflag:$0x5], $0x2000, $0x38;
	[tilespmem:$0x1D000] =	vst v63  }
0x130: {  	_ =	swait.ge [sflag:s18], $0x2000  }
0x131: {  	[sflag:s18] =	ssyncset.done $0x0  }
0x132: {  	[sflag:s18] =	ssyncadd.s32 $0xFFFFE000  }
0x133: {  	[spmem:s13] =	stream.linear.scatter [tilespmem:s23], [sflag:$0x5], $0x2000, $0x38;
	[tilespmem:$0x1D000] =	vst v63  }
0x134: {  	_ =	swait.ge [sflag:s18], $0x2000  }
0x135: {  	[sflag:s18] =	ssyncset.done $0x0  }
0x136: {  	s3 =	rddreg [dreg:$0x9];
	[sflag:s18] =	ssyncadd.s32 $0xFFFFE000  }
0x137: {  	[spmem:s3] =	stream.linear.scatter [tilespmem:s23], [sflag:$0x5], $0x2000, $0x38;
	[tilespmem:$0x1D000] =	vst v63  }
0x138: {  	_ =	swait.ge [sflag:s18], $0x2000  }
0x139: {  	[sflag:s18] =	ssyncset.done $0x0  }
0x13a: {  	s17 =	rddreg [dreg:$0xa];
	[sflag:s18] =	ssyncadd.s32 $0xFFFFE000  }
0x13b: {  	[spmem:s17] =	stream.linear.scatter [tilespmem:s23], [sflag:$0x5], $0x2000, $0x38;
	[tilespmem:$0x1D000] =	vst v63  }
0x13c: {  	_ =	swait.ge [sflag:s18], $0x2000  }
0x13d: {  	[sflag:s18] =	ssyncset.done $0x0  }
0x13e: {  	s25 =	simm.s32 $0x5000;
	[sflag:s18] =	ssyncadd.s32 $0xFFFFE000  }
0x13f: {  	s26 =	simm.s32 $0xF000;
	s28 =	simm.s32 $0x5040;
	[bflag:$0x0] =	sbarrier.arrive $0xFFFF  }
0x140: {  	[tilespmem:s26], [sflag:$0x1] =	stream.indirect.gather [hbm4b:s4+s24], $0x20, s25, s24, $0xb8;
	[tilespmem:$0x1D000] =	vst v63  }
0x141: {  	s29 =	simm.s32 $0xF800;
	s6 =	simm.s32 $0x0;
	s7 =	simm.s32 $0x0  }
0x142: {  	[tilespmem:s29], [sflag:$0x3] =	stream.indirect.gather [hbm4b:s4+s24], $0x20, s28, s24, $0xb8;
	[tilespmem:$0x1D000] =	vst v63  }
.LBB2_10:
0x143: {  	s25 =	sshll.u32 s7, $0xA  }
0x144: {  	s8 =	sor.u32 $0x200, s25  }
0x145: {  	s8 =	sshra.s32 s8, $0x2  }
0x146: {  	s9 =	sadd.s32 $0x5000, s8  }
0x147: {  	[tilespmem:s30], [sflag:$0x2] =	stream.indirect.gather [hbm4b:s4+s24], $0x20, s9, s24, $0xb8;
	[tilespmem:$0x1D000] =	vst v63  }
0x148: {  	s26 =	sadd.s32 $0x5040, s8  }
0x149: {  	[tilespmem:s31], [sflag:$0x4] =	stream.indirect.gather [hbm4b:s4+s24], $0x20, s26, s24, $0xb8;
	[tilespmem:$0x1D000] =	vst v63  }
0x14a: {  	_ =	swait.ge [sflag:s1], $0x800  }
0x14b: {  	[sflag:s1] =	ssyncset.done $0x0  }
0x14c: {  	v1 =	vmov s6;
	[sflag:s1] =	ssyncadd.s32 $0xFFFFF800  }
0x14d: {  	_ =	swait.ge [sflag:s19], $0x800  }
0x14e: {  	[sflag:s19] =	ssyncset.done $0x0  }
0x14f: {  	s29 =	simm.s32 $0xF010;
	s9 =	sshra.s32 s25, $0x2;
	[sflag:s19] =	ssyncadd.s32 $0xFFFFF800  }
0x150: {  	s26 =	sadd.s32 $0x7800, s9;
	v2 =	vld [tilespmem:s29+$0xFFFFFFF0]  }
0x151: {  	v4 =	vld.idx.msk [tilespmem:v1+s26+$0x0], $0xffff;
	_ =	sdelay $0x3  }
0x152: {  	v1 =	vshll.u32 v2, $0x10  }
0x153: {  	v2 =	vand.u32 $0xFFFF0000, v2;
	v1 =	vmul.f32 v1, v4  }
0x154: {  	s28 =	simm.s32 $0x11020;
	v2 =	vmul.f32 v2, v4  }
0x155: {  	[tilespmem:s28+$0xFFFFFFE0] =	vst v1  }
0x156: {  	[tilespmem:s28+$0xFFFFFFF0] =	vst v2  }
0x157: {  	v1 =	vld [tilespmem:s29+$0x0];
	_ =	sdelay $0x4  }
0x158: {  	s11 =	simm.s32 $0x1;
	v2 =	vshll.u32 v1, $0x10;
	v5 =	vand.u32 $0xFFFF0000, v1  }
0x159: {  	s16 =	simm.s32 $0x2;
	s15 =	simm.s32 $0x11020;
	v1 =	vmov s11;
	v3 =	vmul.f32 v2, v4;
	v2 =	vmul.f32 v5, v4  }
.LBB2_11:
0x15a: {  	s28 =	sadd.s32 $0x40, s28  }
0x15b: {  	s29 =	sadd.s32 $0x20, s29;
	s11 =	smov.u32 s16;
	s17 =	sadd.s32 $0x1, s16  }
0x15c: {  	p0 =	sne.s32 s16, $0x7F;
	[tilespmem:s15+$0x0] =	vst v3  }
0x15d: {  	[tilespmem:s15+$0x10] =	vst v2;
	s15 =	smov.u32 s28  }
0x15e: {  	v2 =	vld [tilespmem:s29+$0xFFFFFFF0]  }
0x15f: {  	v4 =	vld.idx.msk [tilespmem:v1+s26+$0x0], $0xffff;
	_ =	sdelay $0x4  }
0x160: {  	v1 =	vshll.u32 v2, $0x10;
	v2 =	vand.u32 $0xFFFF0000, v2  }
0x161: {  	v1 =	vmul.f32 v1, v4;
	v2 =	vmul.f32 v2, v4;
	_ =	sdelay $0x1  }
0x162: {  	[tilespmem:s28+$0xFFFFFFE0] =	vst v1  }
0x163: {  	[tilespmem:s28+$0xFFFFFFF0] =	vst v2  }
0x164: {  	v1 =	vld [tilespmem:s29+$0x0];
	_ =	sdelay $0x1  }
.Ltmp4:
0x165: {  	(pc) =	sbr.rel @p0 .LBB2_11-.Ltmp4, $3  }
0x166: {  	_ =	sdelay $0x1  }
0x167: {  	v2 =	vshll.u32 v1, $0x10;
	v5 =	vand.u32 $0xFFFF0000, v1  }
0x168: {  	s16 =	smov.u32 s17;
	v1 =	vmov s11;
	v3 =	vmul.f32 v2, v4;
	v2 =	vmul.f32 v5, v4  }
0x169: {  	_ = 	snop  }
0x16a: {  	[tilespmem:s15+$0x0] =	vst v3  }
0x16b: {  	s11 =	sadd.s32 $0x20, s29;
	[tilespmem:s15+$0x10] =	vst v2  }
0x16c: {  	v2 =	vld [tilespmem:s11+$0xFFFFFFF0]  }
0x16d: {  	v1 =	vld.idx.msk [tilespmem:v1+s26+$0x0], $0xffff;
	_ =	sdelay $0x3  }
0x16e: {  	v3 =	vshll.u32 v2, $0x10  }
0x16f: {  	v2 =	vand.u32 $0xFFFF0000, v2;
	v3 =	vmul.f32 v3, v1  }
0x170: {  	s26 =	sadd.s32 $0x40, s28;
	v2 =	vmul.f32 v2, v1  }
0x171: {  	[tilespmem:s26+$0xFFFFFFE0] =	vst v3  }
0x172: {  	[tilespmem:s26+$0xFFFFFFF0] =	vst v2  }
0x173: {  	v2 =	vld [tilespmem:s11+$0x0];
	_ =	sdelay $0x4  }
0x174: {  	v3 =	vshll.u32 v2, $0x10  }
0x175: {  	v2 =	vand.u32 $0xFFFF0000, v2;
	v3 =	vmul.f32 v3, v1  }
0x176: {  	v1 =	vmul.f32 v2, v1  }
0x177: {  	[tilespmem:s26+$0x0] =	vst v3  }
0x178: {  	s9 =	sadd.s32 $0x2800, s9;
	[tilespmem:s26+$0x10] =	vst v1  }
0x179: {  	[spmem:s2] =	stream.indirect.scatter.add.f32 [tilespmem:s23], [sflag:$0x5], $0x40, s9, s20, $0xb8;
	[tilespmem:$0x1D000] =	vst v63  }
0x17a: {  	p0 =	seq.s32 s7, $0x27;
	_ =	swait.ge [sflag:s18], $0x2000  }
0x17b: {  	s15 =	simm.s32 @!p0 $0x40;
	s9 =	sshra.s32 @!p0 s25, $0x2;
	[sflag:s18] =	ssyncset.done $0x0  }
0x17c: {  	s16 =	simm.s32 @!p0 $0xF000;
	s11 =	sadd.s32 @!p0 $0x5100, s9;
	[sflag:s18] =	ssyncadd.s32 $0xFFFFE000  }
0x17d: {  	[tilespmem:s16], [sflag:$0x1] =	stream.indirect.gather @!p0 [hbm4b:s4+s15], $0x20, s11, s15, $0xb8;
	[tilespmem:$0x1D000] =	vst v63  }
0x17e: {  	s9 =	sadd.s32 @!p0 $0x5140, s9;
	s11 =	simm.s32 @!p0 $0xF800  }
0x17f: {  	[tilespmem:s11], [sflag:$0x3] =	stream.indirect.gather @!p0 [hbm4b:s4+s15], $0x20, s9, s15, $0xb8;
	[tilespmem:$0x1D000] =	vst v63  }
0x180: {  	_ =	swait.ge [sflag:s22], $0x800  }
0x181: {  	s28 =	simm.s32 $0x0;
	[sflag:s22] =	ssyncset.done $0x0  }
0x182: {  	v1 =	vmov s28;
	[sflag:s22] =	ssyncadd.s32 $0xFFFFF800  }
0x183: {  	_ =	swait.ge [sflag:s0], $0x800  }
0x184: {  	[sflag:s0] =	ssyncset.done $0x0  }
0x185: {  	s26 =	simm.s32 $0x10010;
	[sflag:s0] =	ssyncadd.s32 $0xFFFFF800  }
0x186: {  	s9 =	sadd.s32 $0x7800, s8;
	v2 =	vld [tilespmem:s26+$0xFFFFFFF0]  }
0x187: {  	v4 =	vld.idx.msk [tilespmem:v1+s9+$0x0], $0xffff;
	_ =	sdelay $0x3  }
0x188: {  	v1 =	vshll.u32 v2, $0x10  }
0x189: {  	v2 =	vand.u32 $0xFFFF0000, v2;
	v1 =	vmul.f32 v1, v4  }
0x18a: {  	s25 =	simm.s32 $0x11020;
	v2 =	vmul.f32 v2, v4  }
0x18b: {  	[tilespmem:s25+$0xFFFFFFE0] =	vst v1  }
0x18c: {  	[tilespmem:s25+$0xFFFFFFF0] =	vst v2  }
0x18d: {  	v1 =	vld [tilespmem:s26+$0x0];
	_ =	sdelay $0x4  }
0x18e: {  	s29 =	simm.s32 $0x1;
	v2 =	vshll.u32 v1, $0x10;
	v5 =	vand.u32 $0xFFFF0000, v1  }
0x18f: {  	s16 =	simm.s32 $0x2;
	s15 =	simm.s32 $0x11020;
	v1 =	vmov s29;
	v3 =	vmul.f32 v2, v4;
	v2 =	vmul.f32 v5, v4  }
.LBB2_13:
0x190: {  	s25 =	sadd.s32 $0x40, s25  }
0x191: {  	s26 =	sadd.s32 $0x20, s26;
	s11 =	smov.u32 s16;
	s17 =	sadd.s32 $0x1, s16  }
0x192: {  	p0 =	sne.s32 s16, $0x7F;
	[tilespmem:s15+$0x0] =	vst v3  }
0x193: {  	[tilespmem:s15+$0x10] =	vst v2;
	s15 =	smov.u32 s25  }
0x194: {  	v2 =	vld [tilespmem:s26+$0xFFFFFFF0]  }
0x195: {  	v4 =	vld.idx.msk [tilespmem:v1+s9+$0x0], $0xffff;
	_ =	sdelay $0x4  }
0x196: {  	v1 =	vshll.u32 v2, $0x10;
	v2 =	vand.u32 $0xFFFF0000, v2  }
0x197: {  	v1 =	vmul.f32 v1, v4;
	v2 =	vmul.f32 v2, v4;
	_ =	sdelay $0x1  }
0x198: {  	[tilespmem:s25+$0xFFFFFFE0] =	vst v1  }
0x199: {  	[tilespmem:s25+$0xFFFFFFF0] =	vst v2  }
0x19a: {  	v1 =	vld [tilespmem:s26+$0x0];
	_ =	sdelay $0x1  }
.Ltmp5:
0x19b: {  	(pc) =	sbr.rel @p0 .LBB2_13-.Ltmp5, $3  }
0x19c: {  	_ =	sdelay $0x1  }
0x19d: {  	v2 =	vshll.u32 v1, $0x10;
	v5 =	vand.u32 $0xFFFF0000, v1  }
0x19e: {  	s16 =	smov.u32 s17;
	v1 =	vmov s11;
	v3 =	vmul.f32 v2, v4;
	v2 =	vmul.f32 v5, v4  }
0x19f: {  	_ = 	snop  }
0x1a0: {  	[tilespmem:s15+$0x0] =	vst v3  }
0x1a1: {  	s11 =	sadd.s32 $0x20, s26;
	[tilespmem:s15+$0x10] =	vst v2  }
0x1a2: {  	v2 =	vld [tilespmem:s11+$0xFFFFFFF0]  }
0x1a3: {  	v1 =	vld.idx.msk [tilespmem:v1+s9+$0x0], $0xffff;
	_ =	sdelay $0x3  }
0x1a4: {  	v3 =	vshll.u32 v2, $0x10  }
0x1a5: {  	v2 =	vand.u32 $0xFFFF0000, v2;
	v3 =	vmul.f32 v3, v1  }
0x1a6: {  	s29 =	sadd.s32 $0x40, s25;
	v2 =	vmul.f32 v2, v1  }
0x1a7: {  	[tilespmem:s29+$0xFFFFFFE0] =	vst v3  }
0x1a8: {  	[tilespmem:s29+$0xFFFFFFF0] =	vst v2  }
0x1a9: {  	v2 =	vld [tilespmem:s11+$0x0];
	_ =	sdelay $0x4  }
0x1aa: {  	v3 =	vshll.u32 v2, $0x10  }
0x1ab: {  	v2 =	vand.u32 $0xFFFF0000, v2;
	v3 =	vmul.f32 v3, v1  }
0x1ac: {  	s7 =	sadd.s32 $0x1, s7;
	v1 =	vmul.f32 v2, v1  }
0x1ad: {  	p0 =	sne.s32 s7, $0x28;
	[tilespmem:s29+$0x0] =	vst v3  }
.Ltmp6:
0x1ae: {  	s8 =	sadd.s32 $0x2800, s8;
	[tilespmem:s29+$0x10] =	vst v1;
	(pc) =	sbr.rel @p0 .LBB2_10-.Ltmp6, $4  }
0x1af: {  	[spmem:s2] =	stream.indirect.scatter.add.f32 [tilespmem:s23], [sflag:$0x5], $0x40, s8, s20, $0xb8;
	[tilespmem:$0x1D000] =	vst v63  }
0x1b0: {  	_ =	swait.ge [sflag:s18], $0x2000  }
0x1b1: {  	[sflag:s18] =	ssyncset.done $0x0  }
0x1b2: {  	[sflag:s18] =	ssyncadd.s32 $0xFFFFE000  }
0x1b3: {  	s6 =	stileid.u32  }
0x1b4: {  	[bflag:$0x0] =	sbarrier.arrive $0xFFFF;
	s6 =	sshll.u32 s6, $0x6  }
0x1b5: {  	s7 =	sshrl.u32 s10, $0x3;
	s3 =	rddreg [dreg:$0xb];
	s6 =	sor.u32 $0x1C05, s6  }
0x1b6: {  	[hbm:s3], [sflag:s6] =	dma.local [spmem:s7], $0x1400  }
0x1b7: {  	_ =	swait.ge [sflag:s18], $0x1400  }
0x1b8: {  	[sflag:s18] =	ssyncset.done $0x0  }
0x1b9: {  	[sflag:s18] =	ssyncadd.s32 $0xFFFFEC00  }
0x1ba: {  	s9 =	simm.s32 $0x0;
	[bflag:$0x0] =	sbarrier.arrive $0xFFFF  }
0x1bb: {  	v1 =	vld [tilespmem:s9+$0x70]  }
0x1bc: {  	v3 =	vld [tilespmem:s9+$0x0]  }
0x1bd: {  	v7 =	vld [tilespmem:s9+$0x10]  }
0x1be: {  	v5 =	vld [tilespmem:s9+$0x20]  }
0x1bf: {  	v4 =	vld [tilespmem:s9+$0x30]  }
0x1c0: {  	v2 =	vld [tilespmem:s9+$0x40];
	v6 =	vshll.u32 v1, $0x1  }
0x1c1: {  	v1 =	vld [tilespmem:s9+$0x50];
	v8 =	vshll.u32 v3, $0x1;
	v9 =	vor.u32 $0x1, v6  }
0x1c2: {  	s8 =	simm.s32 $0x80;
	s15 =	simm.s32 $0x400;
	v3 =	vld [tilespmem:s9+$0x60];
	v7 =	vshll.u32 v7, $0x1;
	v6 =	vor.u32 $0x1, v8;
	[tilespmem:s9+$0x5070] =	vst v9  }
.LBB2_16:
0x1c3: {  	p0 =	sne.s32 s15, $0x9E00;
	v8 =	vld [tilespmem:s8+$0x70];
	[tilespmem:s9+$0x5000] =	vst v6;
	v6 =	vor.u32 $0x1, v7;
	v5 =	vshll.u32 v5, $0x1  }
0x1c4: {  	v7 =	vld [tilespmem:s8+$0x0];
	[tilespmem:s9+$0x5010] =	vst v6;
	v5 =	vor.u32 $0x1, v5;
	v4 =	vshll.u32 v4, $0x1  }
0x1c5: {  	v9 =	vld [tilespmem:s8+$0x10];
	[tilespmem:s9+$0x5020] =	vst v5;
	v4 =	vor.u32 $0x1, v4;
	v2 =	vshll.u32 v2, $0x1  }
.Ltmp7:
0x1c6: {  	v5 =	vld [tilespmem:s8+$0x20];
	[tilespmem:s9+$0x5030] =	vst v4;
	v2 =	vor.u32 $0x1, v2;
	v1 =	vshll.u32 v1, $0x1;
	(pc) =	sbr.rel @p0 .LBB2_16-.Ltmp7, $4  }
0x1c7: {  	v4 =	vld [tilespmem:s8+$0x30];
	[tilespmem:s9+$0x5040] =	vst v2;
	v1 =	vor.u32 $0x1, v1;
	v3 =	vshll.u32 v3, $0x1  }
0x1c8: {  	v2 =	vld [tilespmem:s8+$0x40];
	v6 =	vshll.u32 v8, $0x1;
	[tilespmem:s9+$0x5050] =	vst v1;
	v3 =	vor.u32 $0x1, v3  }
0x1c9: {  	v7 =	vshll.u32 v7, $0x1;
	v1 =	vld [tilespmem:s8+$0x50];
	v8 =	vor.u32 $0x1, v6;
	[tilespmem:s9+$0x5060] =	vst v3;
	s9 =	smov.u32 s8  }
0x1ca: {  	s8 =	sshra.s32 s15, $0x2;
	s15 =	sadd.s32 $0x200, s15;
	v6 =	vor.u32 $0x1, v7;
	v7 =	vshll.u32 v9, $0x1;
	v3 =	vld [tilespmem:s9+$0x60];
	[tilespmem:s9+$0x5070] =	vst v8  }
0x1cb: {  	v8 =	vld [tilespmem:s8+$0x70];
	[tilespmem:s9+$0x5000] =	vst v6;
	v60 =	vor.u32 $0x1, v7;
	v5 =	vshll.u32 v5, $0x1  }
0x1cc: {  	v61 =	vld [tilespmem:s8+$0x0];
	[tilespmem:s9+$0x5010] =	vst v60;
	v5 =	vor.u32 $0x1, v5;
	v4 =	vshll.u32 v4, $0x1  }
0x1cd: {  	v6 =	vld [tilespmem:s8+$0x10];
	[tilespmem:s9+$0x5020] =	vst v5;
	v4 =	vor.u32 $0x1, v4;
	v2 =	vshll.u32 v2, $0x1  }
0x1ce: {  	v5 =	vld [tilespmem:s8+$0x20];
	[tilespmem:s9+$0x5030] =	vst v4;
	v2 =	vor.u32 $0x1, v2;
	v1 =	vshll.u32 v1, $0x1  }
0x1cf: {  	v4 =	vld [tilespmem:s8+$0x30];
	[tilespmem:s9+$0x5040] =	vst v2;
	v1 =	vor.u32 $0x1, v1;
	v3 =	vshll.u32 v3, $0x1  }
0x1d0: {  	v2 =	vld [tilespmem:s8+$0x40];
	[tilespmem:s9+$0x5050] =	vst v1;
	v1 =	vor.u32 $0x1, v3;
	v8 =	vshll.u32 v8, $0x1  }
0x1d1: {  	v3 =	vld [tilespmem:s8+$0x50];
	[tilespmem:s9+$0x5060] =	vst v1;
	v1 =	vshll.u32 v61, $0x1;
	v62 =	vor.u32 $0x1, v8  }
0x1d2: {  	v63 =	vld [tilespmem:s8+$0x60];
	v1 =	vor.u32 $0x1, v1;
	v6 =	vshll.u32 v6, $0x1;
	[tilespmem:s8+$0x5070] =	vst v62  }
0x1d3: {  	[tilespmem:s8+$0x5000] =	vst v1;
	v1 =	vor.u32 $0x1, v6;
	v5 =	vshll.u32 v5, $0x1  }
0x1d4: {  	[tilespmem:s8+$0x5010] =	vst v1;
	v1 =	vor.u32 $0x1, v5;
	v4 =	vshll.u32 v4, $0x1  }
0x1d5: {  	[tilespmem:s8+$0x5020] =	vst v1;
	v1 =	vor.u32 $0x1, v4;
	v2 =	vshll.u32 v2, $0x1  }
0x1d6: {  	[tilespmem:s8+$0x5030] =	vst v1;
	v1 =	vor.u32 $0x1, v2;
	v2 =	vshll.u32 v3, $0x1  }
0x1d7: {  	[tilespmem:s8+$0x5040] =	vst v1;
	v1 =	vor.u32 $0x1, v2;
	v2 =	vshll.u32 v63, $0x1  }
0x1d8: {  	[tilespmem:s8+$0x5050] =	vst v1;
	v1 =	vor.u32 $0x1, v2  }
0x1d9: {  	s9 =	simm.s32 $0x100;
	[tilespmem:s8+$0x5060] =	vst v1;
	s8 =	simm.s32 $0x0  }
.LBB2_18:
0x1da: {  	p0 =	sne.s32 s9, $0x7F00;
	[tilespmem:s8+$0x11030] =	vst v0;
	s11 =	smov.u32 s9;
	s9 =	sadd.s32 $0x100, s9  }
.Ltmp8:
0x1db: {  	[tilespmem:s8+$0x11020] =	vst v0;
	(pc) =	sbr.rel @p0 .LBB2_18-.Ltmp8, $3  }
0x1dc: {  	[tilespmem:s8+$0x11000] =	vst v0  }
0x1dd: {  	[tilespmem:s8+$0x11010] =	vst v0;
	_ =	sdelay $0x1  }
0x1de: {  	s8 =	sshra.s32 s11, $0x2  }
0x1df: {  	[tilespmem:s8+$0x11030] =	vst v0  }
0x1e0: {  	[tilespmem:s8+$0x11020] =	vst v0  }
0x1e1: {  	[tilespmem:s8+$0x11000] =	vst v0  }
0x1e2: {  	[tilespmem:s8+$0x11010] =	vst v0  }
0x1e3: {  	[spmem:s10] =	stream.linear.scatter [tilespmem:s23], [sflag:$0x5], $0x2000, $0x38;
	[tilespmem:$0x1D000] =	vst v63  }
0x1e4: {  	_ =	swait.ge [sflag:s18], $0x2000  }
0x1e5: {  	[sflag:s18] =	ssyncset.done $0x0  }
0x1e6: {  	[sflag:s18] =	ssyncadd.s32 $0xFFFFE000  }
0x1e7: {  	[spmem:s12] =	stream.linear.scatter [tilespmem:s23], [sflag:$0x5], $0x2000, $0x38;
	[tilespmem:$0x1D000] =	vst v63  }
0x1e8: {  	_ =	swait.ge [sflag:s18], $0x2000  }
0x1e9: {  	[sflag:s18] =	ssyncset.done $0x0  }
0x1ea: {  	[sflag:s18] =	ssyncadd.s32 $0xFFFFE000  }
0x1eb: {  	[spmem:s13] =	stream.linear.scatter [tilespmem:s23], [sflag:$0x5], $0x2000, $0x38;
	[tilespmem:$0x1D000] =	vst v63  }
0x1ec: {  	_ =	swait.ge [sflag:s18], $0x2000  }
0x1ed: {  	[sflag:s18] =	ssyncset.done $0x0  }
0x1ee: {  	s17 =	rddreg [dreg:$0x9];
	[sflag:s18] =	ssyncadd.s32 $0xFFFFE000  }
0x1ef: {  	[spmem:s17] =	stream.linear.scatter [tilespmem:s23], [sflag:$0x5], $0x2000, $0x38;
	[tilespmem:$0x1D000] =	vst v63  }
0x1f0: {  	_ =	swait.ge [sflag:s18], $0x2000  }
0x1f1: {  	[sflag:s18] =	ssyncset.done $0x0  }
0x1f2: {  	s25 =	rddreg [dreg:$0xa];
	[sflag:s18] =	ssyncadd.s32 $0xFFFFE000  }
0x1f3: {  	[spmem:s25] =	stream.linear.scatter [tilespmem:s23], [sflag:$0x5], $0x2000, $0x38;
	[tilespmem:$0x1D000] =	vst v63  }
0x1f4: {  	_ =	swait.ge [sflag:s18], $0x2000  }
0x1f5: {  	s14 =	smov.u32 s12;
	[sflag:s18] =	ssyncset.done $0x0  }
0x1f6: {  	s3 =	smov.u32 s13;
	s26 =	simm.s32 $0x5000;
	[sflag:s18] =	ssyncadd.s32 $0xFFFFE000  }
0x1f7: {  	s9 =	simm.s32 $0xF000;
	s28 =	simm.s32 $0x5040;
	[bflag:$0x0] =	sbarrier.arrive $0xFFFF  }
0x1f8: {  	[tilespmem:s9], [sflag:$0x1] =	stream.indirect.gather [hbm4b:s4+s24], $0x20, s26, s24, $0xb8;
	[tilespmem:$0x1D000] =	vst v63  }
0x1f9: {  	s29 =	simm.s32 $0xF800;
	s8 =	simm.s32 $0x0;
	s25 =	simm.s32 $0x0  }
0x1fa: {  	[tilespmem:s29], [sflag:$0x3] =	stream.indirect.gather [hbm4b:s4+s24], $0x20, s28, s24, $0xb8;
	[tilespmem:$0x1D000] =	vst v63  }
.LBB2_20:
0x1fb: {  	s9 =	sshll.u32 s8, $0xA  }
0x1fc: {  	s11 =	sor.u32 $0x200, s9  }
0x1fd: {  	s26 =	sshra.s32 s11, $0x2  }
0x1fe: {  	s11 =	sadd.s32 $0x5000, s26  }
0x1ff: {  	[tilespmem:s30], [sflag:$0x2] =	stream.indirect.gather [hbm4b:s4+s24], $0x20, s11, s24, $0xb8;
	[tilespmem:$0x1D000] =	vst v63  }
0x200: {  	s17 =	sadd.s32 $0x5040, s26  }
0x201: {  	[tilespmem:s31], [sflag:$0x4] =	stream.indirect.gather [hbm4b:s4+s24], $0x20, s17, s24, $0xb8;
	[tilespmem:$0x1D000] =	vst v63  }
0x202: {  	_ =	swait.ge [sflag:s1], $0x800  }
0x203: {  	[sflag:s1] =	ssyncset.done $0x0  }
0x204: {  	v1 =	vmov s25;
	[sflag:s1] =	ssyncadd.s32 $0xFFFFF800  }
0x205: {  	_ =	swait.ge [sflag:s19], $0x800  }
0x206: {  	[sflag:s19] =	ssyncset.done $0x0  }
0x207: {  	s16 =	simm.s32 $0xF010;
	s28 =	sshra.s32 s9, $0x2;
	[sflag:s19] =	ssyncadd.s32 $0xFFFFF800  }
0x208: {  	s29 =	sadd.s32 $0x7800, s28;
	v2 =	vld [tilespmem:s16+$0xFFFFFFF0]  }
0x209: {  	v4 =	vld.idx.msk [tilespmem:v1+s29+$0x0], $0xffff;
	_ =	sdelay $0x3  }
0x20a: {  	v1 =	vshll.u32 v2, $0x10  }
0x20b: {  	v2 =	vand.u32 $0xFFFF0000, v2;
	v1 =	vmul.f32 v1, v4  }
0x20c: {  	s15 =	simm.s32 $0x11020;
	v2 =	vmul.f32 v2, v4  }
0x20d: {  	[tilespmem:s15+$0xFFFFFFE0] =	vst v1  }
0x20e: {  	[tilespmem:s15+$0xFFFFFFF0] =	vst v2  }
0x20f: {  	v1 =	vld [tilespmem:s16+$0x0];
	_ =	sdelay $0x4  }
0x210: {  	s17 =	simm.s32 $0x1;
	v2 =	vshll.u32 v1, $0x10;
	v5 =	vand.u32 $0xFFFF0000, v1  }
0x211: {  	s11 =	simm.s32 $0x2;
	v1 =	vmov s17;
	s17 =	simm.s32 $0x11020;
	v3 =	vmul.f32 v2, v4;
	v2 =	vmul.f32 v5, v4  }
.LBB2_21:
0x212: {  	s15 =	sadd.s32 $0x40, s15  }
0x213: {  	s16 =	sadd.s32 $0x20, s16;
	s12 =	smov.u32 s11;
	s13 =	sadd.s32 $0x1, s11  }
0x214: {  	p0 =	sne.s32 s11, $0x7F;
	[tilespmem:s17+$0x0] =	vst v3  }
0x215: {  	[tilespmem:s17+$0x10] =	vst v2;
	s17 =	smov.u32 s15  }
0x216: {  	v2 =	vld [tilespmem:s16+$0xFFFFFFF0]  }
0x217: {  	v4 =	vld.idx.msk [tilespmem:v1+s29+$0x0], $0xffff;
	_ =	sdelay $0x4  }
0x218: {  	v1 =	vshll.u32 v2, $0x10;
	v2 =	vand.u32 $0xFFFF0000, v2  }
0x219: {  	v1 =	vmul.f32 v1, v4;
	v2 =	vmul.f32 v2, v4;
	_ =	sdelay $0x1  }
0x21a: {  	[tilespmem:s15+$0xFFFFFFE0] =	vst v1  }
0x21b: {  	[tilespmem:s15+$0xFFFFFFF0] =	vst v2  }
0x21c: {  	v1 =	vld [tilespmem:s16+$0x0];
	_ =	sdelay $0x1  }
.Ltmp9:
0x21d: {  	(pc) =	sbr.rel @p0 .LBB2_21-.Ltmp9, $3  }
0x21e: {  	_ =	sdelay $0x1  }
0x21f: {  	v2 =	vshll.u32 v1, $0x10;
	v5 =	vand.u32 $0xFFFF0000, v1  }
0x220: {  	s11 =	smov.u32 s13;
	v1 =	vmov s12;
	v3 =	vmul.f32 v2, v4;
	v2 =	vmul.f32 v5, v4  }
0x221: {  	_ = 	snop  }
0x222: {  	[tilespmem:s17+$0x0] =	vst v3  }
0x223: {  	s11 =	sadd.s32 $0x20, s16;
	[tilespmem:s17+$0x10] =	vst v2  }
0x224: {  	v2 =	vld [tilespmem:s11+$0xFFFFFFF0]  }
0x225: {  	v1 =	vld.idx.msk [tilespmem:v1+s29+$0x0], $0xffff;
	_ =	sdelay $0x3  }
0x226: {  	v3 =	vshll.u32 v2, $0x10  }
0x227: {  	v2 =	vand.u32 $0xFFFF0000, v2;
	v3 =	vmul.f32 v3, v1  }
0x228: {  	s12 =	sadd.s32 $0x40, s15;
	v2 =	vmul.f32 v2, v1  }
0x229: {  	[tilespmem:s12+$0xFFFFFFE0] =	vst v3  }
0x22a: {  	[tilespmem:s12+$0xFFFFFFF0] =	vst v2  }
0x22b: {  	v2 =	vld [tilespmem:s11+$0x0];
	_ =	sdelay $0x4  }
0x22c: {  	v3 =	vshll.u32 v2, $0x10  }
0x22d: {  	v2 =	vand.u32 $0xFFFF0000, v2;
	v3 =	vmul.f32 v3, v1  }
0x22e: {  	v1 =	vmul.f32 v2, v1  }
0x22f: {  	[tilespmem:s12+$0x0] =	vst v3  }
0x230: {  	s17 =	sadd.s32 $0x2800, s28;
	[tilespmem:s12+$0x10] =	vst v1  }
0x231: {  	[spmem:s2] =	stream.indirect.scatter.add.f32 [tilespmem:s23], [sflag:$0x5], $0x40, s17, s20, $0xb8;
	[tilespmem:$0x1D000] =	vst v63  }
0x232: {  	p0 =	seq.s32 s8, $0x27;
	_ =	swait.ge [sflag:s18], $0x2000  }
0x233: {  	s9 =	sshra.s32 @!p0 s9, $0x2;
	s13 =	simm.s32 @!p0 $0xF000;
	[sflag:s18] =	ssyncset.done $0x0  }
0x234: {  	s11 =	sadd.s32 @!p0 $0x5100, s9;
	s12 =	simm.s32 @!p0 $0x40;
	[sflag:s18] =	ssyncadd.s32 $0xFFFFE000  }
0x235: {  	[tilespmem:s13], [sflag:$0x1] =	stream.indirect.gather @!p0 [hbm4b:s4+s12], $0x20, s11, s12, $0xb8;
	[tilespmem:$0x1D000] =	vst v63  }
0x236: {  	s9 =	sadd.s32 @!p0 $0x5140, s9;
	s11 =	simm.s32 @!p0 $0xF800  }
0x237: {  	[tilespmem:s11], [sflag:$0x3] =	stream.indirect.gather @!p0 [hbm4b:s4+s12], $0x20, s9, s12, $0xb8;
	[tilespmem:$0x1D000] =	vst v63  }
0x238: {  	_ =	swait.ge [sflag:s22], $0x800  }
0x239: {  	s28 =	simm.s32 $0x0;
	[sflag:s22] =	ssyncset.done $0x0  }
0x23a: {  	v1 =	vmov s28;
	[sflag:s22] =	ssyncadd.s32 $0xFFFFF800  }
0x23b: {  	_ =	swait.ge [sflag:s0], $0x800  }
0x23c: {  	[sflag:s0] =	ssyncset.done $0x0  }
0x23d: {  	s16 =	simm.s32 $0x10010;
	[sflag:s0] =	ssyncadd.s32 $0xFFFFF800  }
0x23e: {  	s9 =	sadd.s32 $0x7800, s26;
	v2 =	vld [tilespmem:s16+$0xFFFFFFF0]  }
0x23f: {  	v4 =	vld.idx.msk [tilespmem:v1+s9+$0x0], $0xffff;
	_ =	sdelay $0x3  }
0x240: {  	v1 =	vshll.u32 v2, $0x10  }
0x241: {  	v2 =	vand.u32 $0xFFFF0000, v2;
	v1 =	vmul.f32 v1, v4  }
0x242: {  	s15 =	simm.s32 $0x11020;
	v2 =	vmul.f32 v2, v4  }
0x243: {  	[tilespmem:s15+$0xFFFFFFE0] =	vst v1  }
0x244: {  	[tilespmem:s15+$0xFFFFFFF0] =	vst v2  }
0x245: {  	v1 =	vld [tilespmem:s16+$0x0];
	_ =	sdelay $0x4  }
0x246: {  	s29 =	simm.s32 $0x1;
	v2 =	vshll.u32 v1, $0x10;
	v5 =	vand.u32 $0xFFFF0000, v1  }
0x247: {  	s17 =	simm.s32 $0x11020;
	s11 =	simm.s32 $0x2;
	v1 =	vmov s29;
	v3 =	vmul.f32 v2, v4;
	v2 =	vmul.f32 v5, v4  }
.LBB2_23:
0x248: {  	s15 =	sadd.s32 $0x40, s15  }
0x249: {  	s16 =	sadd.s32 $0x20, s16;
	s12 =	smov.u32 s11;
	s13 =	sadd.s32 $0x1, s11  }
0x24a: {  	p0 =	sne.s32 s11, $0x7F;
	[tilespmem:s17+$0x0] =	vst v3  }
0x24b: {  	[tilespmem:s17+$0x10] =	vst v2;
	s17 =	smov.u32 s15  }
0x24c: {  	v2 =	vld [tilespmem:s16+$0xFFFFFFF0]  }
0x24d: {  	v4 =	vld.idx.msk [tilespmem:v1+s9+$0x0], $0xffff;
	_ =	sdelay $0x4  }
0x24e: {  	v1 =	vshll.u32 v2, $0x10;
	v2 =	vand.u32 $0xFFFF0000, v2  }
0x24f: {  	v1 =	vmul.f32 v1, v4;
	v2 =	vmul.f32 v2, v4;
	_ =	sdelay $0x1  }
0x250: {  	[tilespmem:s15+$0xFFFFFFE0] =	vst v1  }
0x251: {  	[tilespmem:s15+$0xFFFFFFF0] =	vst v2  }
0x252: {  	v1 =	vld [tilespmem:s16+$0x0];
	_ =	sdelay $0x1  }
.Ltmp10:
0x253: {  	(pc) =	sbr.rel @p0 .LBB2_23-.Ltmp10, $3  }
0x254: {  	_ =	sdelay $0x1  }
0x255: {  	v2 =	vshll.u32 v1, $0x10;
	v5 =	vand.u32 $0xFFFF0000, v1  }
0x256: {  	s11 =	smov.u32 s13;
	v1 =	vmov s12;
	v3 =	vmul.f32 v2, v4;
	v2 =	vmul.f32 v5, v4  }
0x257: {  	_ = 	snop  }
0x258: {  	[tilespmem:s17+$0x0] =	vst v3  }
0x259: {  	s11 =	sadd.s32 $0x20, s16;
	[tilespmem:s17+$0x10] =	vst v2  }
0x25a: {  	v2 =	vld [tilespmem:s11+$0xFFFFFFF0]  }
0x25b: {  	v1 =	vld.idx.msk [tilespmem:v1+s9+$0x0], $0xffff;
	_ =	sdelay $0x3  }
0x25c: {  	v3 =	vshll.u32 v2, $0x10  }
0x25d: {  	v2 =	vand.u32 $0xFFFF0000, v2;
	v3 =	vmul.f32 v3, v1  }
0x25e: {  	s28 =	sadd.s32 $0x40, s15;
	v2 =	vmul.f32 v2, v1  }
0x25f: {  	[tilespmem:s28+$0xFFFFFFE0] =	vst v3  }
0x260: {  	[tilespmem:s28+$0xFFFFFFF0] =	vst v2  }
0x261: {  	v2 =	vld [tilespmem:s11+$0x0];
	_ =	sdelay $0x4  }
0x262: {  	v3 =	vshll.u32 v2, $0x10  }
0x263: {  	v2 =	vand.u32 $0xFFFF0000, v2;
	v3 =	vmul.f32 v3, v1  }
0x264: {  	s8 =	sadd.s32 $0x1, s8;
	v1 =	vmul.f32 v2, v1  }
0x265: {  	p0 =	sne.s32 s8, $0x28;
	[tilespmem:s28+$0x0] =	vst v3  }
.Ltmp11:
0x266: {  	s29 =	sadd.s32 $0x2800, s26;
	[tilespmem:s28+$0x10] =	vst v1;
	(pc) =	sbr.rel @p0 .LBB2_20-.Ltmp11, $4  }
0x267: {  	[spmem:s2] =	stream.indirect.scatter.add.f32 [tilespmem:s23], [sflag:$0x5], $0x40, s29, s20, $0xb8;
	[tilespmem:$0x1D000] =	vst v63  }
0x268: {  	_ =	swait.ge [sflag:s18], $0x2000  }
0x269: {  	[sflag:s18] =	ssyncset.done $0x0  }
0x26a: {  	[sflag:s18] =	ssyncadd.s32 $0xFFFFE000  }
0x26b: {  	[bflag:$0x0] =	sbarrier.arrive $0xFFFF  }
0x26c: {  	s8 =	rddreg [dreg:$0xc]  }
0x26d: {  	[hbm:s8], [sflag:s6] =	dma.local [spmem:s7], $0x1400  }
0x26e: {  	_ =	swait.ge [sflag:s18], $0x1400  }
0x26f: {  	s5 =	sadd.s32 $0x1, s5;
	s29 =	rddreg [dreg:$0xd]  }
0x270: {  	p0 =	sne.s32 s5, s29  }
.Ltmp12:
0x271: {  	_ = 	snop;
	(pc) =	sbr.rel @p0 .LBB2_1-.Ltmp12, $3  }
0x272: {  	_ =	sdelay $0x1  }
0x273: {  	[sflag:s18] =	ssyncset.done $0x0  }
0x274: {  	s12 =	smov.u32 s14;
	s13 =	smov.u32 s3;
	[sflag:s18] =	ssyncadd.s32 $0xFFFFEC00  }
0x275: {  	_ =	sfence.sel $0x180000  }
0x276: {  	[bflag:$0x0] =	sbarrier.arrive $0xFFFF  }
0x277: {  	_ =	strace $0x9000004A  }
0x278: {  	s0 =	stileid.u32;
	[bflag:$0x2] =	sbarrier.arrive $0xFFFF  }
0x279: {  	p0 =	sne.s32 s0, $0x0;
	s0 =	rddreg [dreg:$0x3]  }
0x27a: {  	s0 =	sadd.s32 @!p0 $0x100000, s0  }
0x27b: {  	[sflag:s0] =	ssyncadd.tile.s32 @!p0 $0x1;
	_ =	shalt  }
.Lfunc_end2:
_tile_overlayer_lowered:
.L_overlay_start_2:
0x27c: {  	(tag) =	ssettag $0x2  }
0x27d: {  	s0 =	rddreg [dreg:$0x0];
	s2 =	stileid.u32  }
0x27e: {  	s1 =	rddreg [dreg:$0x1];
	p0 =	sne.s32 s2, $0x0  }
0x27f: {  	s3 =	rddreg [dreg:$0x2];
	[bflag:$0x3] =	sbarrier.arrive $0xFFFF;
	s2 =	simm.s32 @!p0 $0x1C05  }
0x280: {  	[timem:s3], [sflag:s2] =	dma.local @!p0 [hbm:s0], s1  }
0x281: {  	s0 =	simm.s32 @!p0 $0x5  }
0x282: {  	_ =	swait.ge @!p0 [sflag:s0], s1  }
0x283: {  	s1 =	ssub.s32 @!p0 $0x0, s1;
	[sflag:s0] =	ssyncset.done @!p0 $0x0  }
0x284: {  	[sflag:s0] =	ssyncadd.s32 @!p0 s1  }
0x285: {  	[bflag:$0x3] =	sbarrier.arrive $0xFFFF  }
0x286: {  	_ =	shalt  }

// kernel: kernel.14.cloned.1.call-start
scs
__scs_entry_jumppad:
0x0: {  	(pc) =	sbr.rel $0x88, $3  }
0x1: {  	(tag) =	ssettag $0x0;
	lr =	simm.s32 $0x1  }
0x2: {  	[smem:$0x3F9A] =	sst lr;
	_ =	strace $0xD0000000  }
0x3: {  	_ = 	snop  }
0x4: {  	_ = 	snop  }
0x5: {  	_ = 	snop  }
0x6: {  	_ = 	snop  }
0x7: {  	_ = 	snop  }
__scs_overlays_trampoline_lowered:
0x8: {  	[smem:$0x3FA9] =	sst s0  }
0x9: {  	[smem:$0x3FAA] =	sst s1  }
0xa: {  	[smem:$0x3FAB] =	sst s2  }
0xb: {  	[smem:$0x3FAC] =	sst s3  }
0xc: {  	[smem:$0x3FAD] =	sst s4  }
0xd: {  	[smem:$0x3FAE] =	sst s5  }
0xe: {  	[smem:$0x3FAF] =	sst s6  }
0xf: {  	[smem:$0x3FB0] =	sst s7  }
0x10: {  	[smem:$0x3FB1] =	sst s8  }
0x11: {  	[smem:$0x3FB2] =	sst s9;
	s0 =	simm.s32 @!p0 $0x0  }
0x12: {  	s1 =	sld [smem:$0x3F98];
	s0 =	simm.s32 @p0 $0x1  }
0x13: {  	[smem:$0x3FB3] =	sst s0;
	s0 =	simm.s32 @!p1 $0x0  }
0x14: {  	s2 =	sld [smem:$0x3F97];
	s0 =	simm.s32 @p1 $0x1  }
0x15: {  	[smem:$0x3FB4] =	sst s0;
	s0 =	simm.s32 @!p2 $0x0  }
0x16: {  	s3 =	sld [smem:$0x3FDB];
	s0 =	simm.s32 @p2 $0x1  }
0x17: {  	s4 =	simm.s32 $0x1BF5;
	[smem:$0x3FB6] =	sst s0  }
0x18: {  	s0 =	sld [smem:$0x3F99];
	_ =	swait.ge [sflag:s4], $0x0  }
0x19: {  	s7 =	sld [smem:$0x3F9A]  }
0x1a: {  	s8 =	sadd.s32 $0xFFFFE003, lr  }
0x1b: {  	s9 =	sadd.s32 $0xFFFFFEF7, lr;
	s5 =	simm.s32 $0xFFFFFFFF;
	p2 =	slt.u32 s8, $0xFFFFF086  }
0x1c: {  	p1 =	slt.u32 s9, $0xF7A;
	s5 =	simm.s32 @!p2 $0x0  }
0x1d: {  	s5 =	simm.s32 @p1 $0x1;
	p0 =	seq.s32 s7, s2  }
0x1e: {  	s7 =	smul.u32 @!p0 $0xF7A, s2;
	p2 =	seq.s32 @!p0 s5, $0x0  }
0x1f: {  	s9 =	smul.u32 $0xF7A, s1;
	s8 =	simm.s32 @!p0 $0x1BF5;
	p2 =	por !p2, p0  }
0x20: {  	[sflag:s8] =	ssyncset.s32 @!p0 $0xFFFFF086;
	s6 =	sadd.s32 @!p0 s3, s7;
	s7 =	simm.s32 @!p0 $0x108  }
0x21: {  	s3 =	sadd.s32 s3, s9;
	s6 =	sadd.s32 @!p0 $0x88, s6;
	s7 =	simm.s32 @p2 $0x1082  }
0x22: {  	[simem:s7], [sflag:s8] =	dma.local @!p0 [hbm:s6], $0xF7A  }
0x23: {  	s9 =	sor.u32 $0xD0000000, s2;
	s6 =	simm.s32 $0x108;
	_ =	swait.ge @!p0 [sflag:s8], $0x0  }
0x24: {  	s3 =	sadd.s32 $0x88, s3;
	s6 =	simm.s32 @!p1 $0x1082;
	[sflag:s4] =	ssyncset.s32 $0xFFFFF086  }
0x25: {  	[simem:s6], [sflag:s4] =	dma.local [hbm:s3], $0xF7A  }
0x26: {  	[smem:$0x3F9A] =	sst s1;
	(tag) =	ssettag s2;
	_ =	strace s9  }
0x27: {  	s1 =	sld [smem:$0x3FAA]  }
0x28: {  	s2 =	sld [smem:$0x3FAB]  }
0x29: {  	s4 =	sld [smem:$0x3FAD]  }
0x2a: {  	p0 =	seq.s32 s5, $0x0;
	s5 =	sld [smem:$0x3FAE]  }
0x2b: {  	s6 =	sld [smem:$0x3FAF]  }
0x2c: {  	s7 =	sld [smem:$0x3FB0]  }
0x2d: {  	s3 =	simm.s32 $0x108;
	s8 =	sld [smem:$0x3FB1]  }
0x2e: {  	s3 =	simm.s32 @!p0 $0x1082;
	s9 =	sld [smem:$0x3FB2]  }
0x2f: {  	lr =	sadd.s32 s0, s3;
	s0 =	sld [smem:$0x3FA9]  }
0x30: {  	s3 =	sld [smem:$0x3FAC]  }
0x31: {  	[smem:$0x3FB5] =	sst s10  }
0x32: {  	s10 =	sld [smem:$0x3FB3];
	_ =	sdelay $0x3  }
0x33: {  	p0 =	seq.s32 s10, $0x1;
	s10 =	sld [smem:$0x3FB5];
	_ =	sdelay $0x3  }
0x34: {  	[smem:$0x3FB5] =	sst s10  }
0x35: {  	s10 =	sld [smem:$0x3FB4];
	_ =	sdelay $0x3  }
0x36: {  	p1 =	seq.s32 s10, $0x1;
	s10 =	sld [smem:$0x3FB5];
	_ =	sdelay $0x3  }
0x37: {  	[smem:$0x3FB5] =	sst s10  }
0x38: {  	s10 =	sld [smem:$0x3FB6]  }
0x39: {  	_ = 	snop;
	(pc) =	sbr.ind lr, $3  }
0x3a: {  	_ = 	snop  }
0x3b: {  	_ = 	snop  }
0x3c: {  	p2 =	seq.s32 s10, $0x1;
	s10 =	sld [smem:$0x3FB5]  }
0x3d: {  	_ =	shalt  }
0x3e: {  	_ =	shalt  }
0x3f: {  	_ =	shalt  }
0x40: {  	_ =	shalt  }
0x41: {  	_ =	shalt  }
0x42: {  	_ =	shalt  }
0x43: {  	_ =	shalt  }
0x44: {  	_ =	shalt  }
0x45: {  	_ =	shalt  }
0x46: {  	_ =	shalt  }
0x47: {  	_ =	shalt  }
0x48: {  	_ =	shalt  }
0x49: {  	_ =	shalt  }
0x4a: {  	_ =	shalt  }
0x4b: {  	_ =	shalt  }
0x4c: {  	_ =	shalt  }
0x4d: {  	_ =	shalt  }
0x4e: {  	_ =	shalt  }
0x4f: {  	_ =	shalt  }
0x50: {  	_ =	shalt  }
0x51: {  	_ =	shalt  }
0x52: {  	_ =	shalt  }
0x53: {  	_ =	shalt  }
0x54: {  	_ =	shalt  }
0x55: {  	_ =	shalt  }
0x56: {  	_ =	shalt  }
0x57: {  	_ =	shalt  }
0x58: {  	_ =	shalt  }
0x59: {  	_ =	shalt  }
0x5a: {  	_ =	shalt  }
0x5b: {  	_ =	shalt  }
0x5c: {  	_ =	shalt  }
0x5d: {  	_ =	shalt  }
0x5e: {  	_ =	shalt  }
0x5f: {  	_ =	shalt  }
0x60: {  	_ =	shalt  }
0x61: {  	_ =	shalt  }
0x62: {  	_ =	shalt  }
0x63: {  	_ =	shalt  }
0x64: {  	_ =	shalt  }
0x65: {  	_ =	shalt  }
0x66: {  	_ =	shalt  }
0x67: {  	_ =	shalt  }
0x68: {  	_ =	shalt  }
0x69: {  	_ =	shalt  }
0x6a: {  	_ =	shalt  }
0x6b: {  	_ =	shalt  }
0x6c: {  	_ =	shalt  }
0x6d: {  	_ =	shalt  }
0x6e: {  	_ =	shalt  }
0x6f: {  	_ =	shalt  }
0x70: {  	_ =	shalt  }
0x71: {  	_ =	shalt  }
0x72: {  	_ =	shalt  }
0x73: {  	_ =	shalt  }
0x74: {  	_ =	shalt  }
0x75: {  	_ =	shalt  }
0x76: {  	_ =	shalt  }
0x77: {  	_ =	shalt  }
0x78: {  	_ =	shalt  }
0x79: {  	_ =	shalt  }
0x7a: {  	_ =	shalt  }
0x7b: {  	_ =	shalt  }
0x7c: {  	_ =	shalt  }
0x7d: {  	_ =	shalt  }
0x7e: {  	_ =	shalt  }
0x7f: {  	_ =	shalt  }
0x80: {  	_ =	shalt  }
0x81: {  	_ =	shalt  }
0x82: {  	_ =	shalt  }
0x83: {  	_ =	shalt  }
0x84: {  	_ =	shalt  }
0x85: {  	_ =	shalt  }
0x86: {  	_ =	shalt  }
0x87: {  	_ =	shalt  }
.Lfunc_end0:
.L_simem_size_0:
called_computation.2_lowered:
.L_overlay_start_0:
0x88: {  	s2 =	sld [smem:$0x3FD9]  }
0x89: {  	s3 =	sld [smem:$0x3FFE];
	_ =	sdelay $0x1  }
0x8a: {  	s1 =	srdreg.scid  }
0x8b: {  	s0 =	sand.u32 $0x1, s1  }
0x8c: {  	s17 =	sshll.u32 s0, $0xA;
	s2 =	sadd.s32 s3, s2  }
0x8d: {  	s2 =	sadd.s32 s2, s17  }
0x8e: {  	[smem:$0x3FC1] =	sst s2  }
0x8f: {  	_ = 	snop  }
0x90: {  	s2 =	sld [smem:$0x3FD0];
	(tm) =	ssettm $0x1  }
0x91: {  	s18 =	sld [smem:$0x3FFB];
	_ =	sdelay $0x3  }
0x92: {  	_ =	strace s18  }
0x93: {  	s3 =	sld [smem:$0x3FFC];
	_ =	sdelay $0x3  }
0x94: {  	_ =	strace s3  }
0x95: {  	s3 =	sld [smem:$0x3FFD];
	_ =	sdelay $0x3  }
0x96: {  	_ =	strace s3  }
0x97: {  	_ =	strace $0x8FFFFFFF  }
0x98: {  	s19 =	sld [smem:$0x3FDB];
	_ =	sdelay $0x1  }
0x99: {  	s4 =	simm.s32 $_scs_section_size  }
0x9a: {  	s5 =	simm.s32 $_size__tile_overlayer_lowered;
	s6 =	simm.s32 $_tile_overlayer_lowered  }
0x9b: {  	s22 =	simm.s32 $0x1BFF;
	s21 =	sshll.u32 s6, $0x1;
	s3 =	sadd.s32 s4, s19  }
0x9c: {  	s7 =	simm.s32 $0x0;
	s20 =	sshll.u32 s5, $0x1;
	s5 =	sadd.s32 s21, s3  }
0x9d: {  	[timem:s7], [sflag:s22] =	dma.local [hbm:s5], s20  }
0x9e: {  	_ =	swait.ge [sflag:s22], s20  }
0x9f: {  	s4 =	ssub.s32 $0x0, s20;
	[sflag:s22] =	ssyncset.done $0x0  }
0xa0: {  	[sflag:s22] =	ssyncadd.s32 s4;
	_ =	sdelay $0x1  }
0xa1: {  	s23 =	simm.s32 $0x1B8B  }
0xa2: {  	_ =	swait.ge [sflag:s23], $0x1  }
0xa3: {  	[sflag:s23] =	ssyncset.done $0x0  }
0xa4: {  	s25 =	simm.s32 $0x1B8E;
	s24 =	sld [smem:$0x3FFE];
	[sflag:s23] =	ssyncadd.s32 $0xFFFFFFFF  }
0xa5: {  	s26 =	simm.s32 $execute0_lowered;
	[smem:$0x3FD2] =	sst s25  }
0xa6: {  	s5 =	sshll.u32 s26, $0x1;
	_ =	strace $0x8000004C;
	[dreg:$0x1] =	wrdreg $0xFFFFFFFF  }
0xa7: {  	s28 =	simm.s32 $_size_execute0_lowered;
	s3 =	sadd.s32 s3, s5;
	[dreg:$0x0] =	wrdreg $0x0  }
0xa8: {  	s5 =	sshll.u32 s28, $0x1;
	[dreg:$0x2] =	wrdreg s3  }
0xa9: {  	[dreg:$0x3] =	wrdreg s5  }
0xaa: {  	[dreg:$0x4] =	wrdreg $0xC0  }
0xab: {  	_ =	task [dreg:s7], $0x5FFFF  }
0xac: {  	[dreg:$0x1] =	wrdreg $0xFFFFFFFF  }
0xad: {  	[dreg:$0x0] =	wrdreg $0x60  }
0xae: {  	[dreg:$0x2] =	wrdreg s24  }
0xaf: {  	[dreg:$0x3] =	wrdreg s2  }
0xb0: {  	[dreg:$0x4] =	wrdreg $0x108000  }
0xb1: {  	[dreg:$0x5] =	wrdreg $0x9  }
0xb2: {  	_ =	task.clear_ibuf [dreg:s7], $0x6FFFF;
	_ =	strace $0x9000004C  }
0xb3: {  	s29 =	simm.s32 $0x9;
	_ =	strace $0x8000004E  }
0xb4: {  	_ =	swait.ge [sflag:s29], $0x1  }
0xb5: {  	[sflag:s29] =	ssyncadd.s32 $0xFFFFFFFF  }
0xb6: {  	_ =	strace $0x9000004E  }
0xb7: {  	_ =	sfence  }
0xb8: {  	s30 =	sld [smem:$0x0];
	_ =	sdelay $0x2  }
0xb9: {  	s31 =	sshll.u32 s1, $0xD;
	s1 =	sshrl.u32 s1, $0x2  }
0xba: {  	s3 =	sand.u32 $0x4000, s31;
	s1 =	sadd.s32 s1, s30  }
0xbb: {  	s0 =	sor.u32 s3, s0;
	s1 =	sshll.u32 s1, $0x11  }
0xbc: {  	s0 =	sor.u32 s1, s0  }
0xbd: {  	s0 =	sadd.s32 $0x8F2B, s0  }
0xbe: {  	[sflag:s0] =	ssyncadd.remote.s32 $0x1  }
0xbf: {  	_ =	sfence.sel $0xFFFF  }
0xc0: {  	[dreg:$0x0] =	wrdreg $0xFFFFFFFF;
	(pc) =	sbr.abs _section_cstart, $3  }
0xc1: {  	[dreg:$0x1] =	wrdreg $0xFFFFFFFF  }
0xc2: {  	_ =	task.clear_ibuf [dreg:s7], $0x2FFFF;
	_ =	strace $0x9FFFFFFF  }
0xc3: {  	(tm) =	ssettm $0x7FFFFFFF  }
tec
execute0_lowered:
.L_overlay_start_1:
0x0: {  	(tag) =	ssettag $0x1  }
0x1: {  	s0 =	srdreg.scid  }
0x2: {  	s11 =	stileid.u32;
	s1 =	rddreg [dreg:$0x0]  }
0x3: {  	s5 =	rddreg [dreg:$0x1];
	s17 =	simm.s32 $0x5;
	s20 =	simm.s32 $0x7800  }
0x4: {  	s28 =	simm.s32 $0xE000;
	s29 =	simm.s32 $0x1;
	s30 =	simm.s32 $0x3  }
0x5: {  	s31 =	simm.s32 $0x80;
	s18 =	simm.s32 $0x4;
	s19 =	simm.s32 $0x0  }
0x6: {  	s0 =	sand.u32 $0x1, s0;
	s2 =	sshll.u32 s11, $0x1;
	s7 =	smul.u32 $0xA000, s11  }
0x7: {  	s4 =	sadd.s32 $0x16200, s1;
	s11 =	smul.u32 $0x28000, s11;
	s12 =	sadd.s32 $0x15800, s1  }
0x8: {  	s3 =	sor.u32 s0, s2;
	s2 =	rddreg [dreg:$0x2];
	s8 =	smul.u32 $0xA0000, s0  }
0x9: {  	s0 =	ssub.s32 $0x2, s0;
	s6 =	smul.u32 $0x500, s3;
	s3 =	simm.s32 $0x0  }
0xa: {  	s10 =	sshrl.u32 s0, $0x1;
	s22 =	sshrl.u32 s11, $0x2;
	[smem:$0x7FF] =	sst s3  }
0xb: {  	s8 =	sadd.s32 s7, s8;
	s0 =	ssub.s32 s0, s10;
	s24 =	sadd.s32 s22, s2  }
0xc: {  	_ =	strace $0x8000004D;
	[dreg:$0x4] =	wrdreg s12;
	s5 =	sadd.s32 s5, s6  }
0xd: {  	s10 =	sadd.s32 s7, s2;
	s25 =	sadd.s32 $0x4000, s24;
	[dreg:$0x5] =	wrdreg s5  }
0xe: {  	s9 =	sadd.s32 s6, s1;
	s26 =	sadd.s32 $0x6000, s24;
	[dreg:$0xa] =	wrdreg s25  }
0xf: {  	s22 =	simm.s32 $0xE800;
	s21 =	sadd.s32 $0x1800, s9;
	[dreg:$0xb] =	wrdreg s26  }
0x10: {  	s8 =	sshrl.u32 s8, $0x3;
	s23 =	sadd.s32 $0xB800, s9;
	[dreg:$0x6] =	wrdreg s21  }
0x11: {  	s8 =	sadd.s32 s8, s1;
	s1 =	sadd.s32 $0x15D00, s1;
	[dreg:$0x7] =	wrdreg s23  }
0x12: {  	s14 =	sadd.s32 $0x8000, s24;
	s5 =	sadd.s32 $0x2000, s24;
	[dreg:$0x8] =	wrdreg s1  }
0x13: {  	s16 =	smax.u32 s0, $0x1;
	s26 =	simm.s32 $0xD800;
	[dreg:$0x9] =	wrdreg s5  }
0x14: {  	v0 =	vimm.f32 $0.0e+00;
	s15 =	sadd.s32 $0x20200, s8;
	s23 =	simm.s32 $0x40;
	s1 =	simm.s32 $0x2  }
.LBB2_1:
0x15: {  	s0 =	rddreg [dreg:$0x5]  }
0x16: {  	[tilespmem:s3], [sflag:$0x5] =	stream.linear.gather [hbm4b:s0+s3], $0x2800, $0x38;
	[tilespmem:$0x1A800] =	vst v63  }
0x17: {  	_ =	swait.ge [sflag:s17], $0x2800  }
0x18: {  	[sflag:s17] =	ssyncset.done $0x0  }
0x19: {  	s5 =	simm.s32 $0x2800;
	s11 =	rddreg [dreg:$0x6];
	[sflag:s17] =	ssyncadd.s32 $0xFFFFD800  }
0x1a: {  	[tilespmem:s5], [sflag:$0x5] =	stream.linear.gather [hbm4b:s11+s3], $0x2800, $0x38;
	[tilespmem:$0x1A800] =	vst v63  }
0x1b: {  	_ =	swait.ge [sflag:s17], $0x2800  }
0x1c: {  	[sflag:s17] =	ssyncset.done $0x0  }
0x1d: {  	s13 =	simm.s32 $0x5000;
	s12 =	rddreg [dreg:$0x7];
	[sflag:s17] =	ssyncadd.s32 $0xFFFFD800  }
0x1e: {  	[tilespmem:s13], [sflag:$0x5] =	stream.linear.gather [hbm4b:s12+s3], $0x2800, $0x38;
	[tilespmem:$0x1A800] =	vst v63  }
0x1f: {  	_ =	swait.ge [sflag:s17], $0x2800  }
0x20: {  	[sflag:s17] =	ssyncset.done $0x0  }
0x21: {  	s21 =	rddreg [dreg:$0x4];
	[sflag:s17] =	ssyncadd.s32 $0xFFFFD800  }
0x22: {  	[tilespmem:s20], [sflag:$0x5] =	stream.linear.gather [hbm4b:s21+s3], $0x2800, $0x38;
	[tilespmem:$0x1A800] =	vst v63  }
0x23: {  	_ =	swait.ge [sflag:s17], $0x2800  }
0x24: {  	[sflag:s17] =	ssyncset.done $0x0  }
0x25: {  	s25 =	simm.s32 $0xA000;
	s24 =	rddreg [dreg:$0x8];
	[sflag:s17] =	ssyncadd.s32 $0xFFFFD800  }
0x26: {  	[tilespmem:s25], [sflag:$0x5] =	stream.linear.gather [hbm4b:s24+s3], $0x2800, $0x38;
	[tilespmem:$0x1A800] =	vst v63  }
0x27: {  	_ =	swait.ge [sflag:s17], $0x2800  }
0x28: {  	[sflag:s17] =	ssyncset.done $0x0  }
0x29: {  	s0 =	simm.s32 $0x0;
	[sflag:s17] =	ssyncadd.s32 $0xFFFFD800  }
0x2a: {  	s5 =	simm.s32 $0x40;
	v1 =	vld [tilespmem:s0+$0xA000]  }
.LBB2_2:
0x2b: {  	p0 =	sne.s32 s5, $0x9FC0;
	v2 =	vld [tilespmem:s0+$0x7800];
	_ =	sdelay $0x4  }
0x2c: {  	v1 =	vadd.f32 v1, v2;
	_ =	sdelay $0x1  }
0x2d: {  	v1 =	vadd.f32 $1.000000000e+00, v1;
	_ =	sdelay $0x1  }
0x2e: {  	v2 =	vshra.s32 v1, $0x1;
	v1 =	vmul.f32 $5.000000000e-01, v1  }
0x2f: {  	v2 =	vsub.s32 $0x5F3759DF, v2  }
0x30: {  	v3 =	vmul.f32 v2, v1;
	_ =	sdelay $0x1  }
0x31: {  	v3 =	vmul.f32 v2, v3;
	_ =	sdelay $0x1  }
0x32: {  	v3 =	vsub.f32 $1.500000000e+00, v3;
	_ =	sdelay $0x1  }
0x33: {  	v2 =	vmul.f32 v2, v3;
	_ =	sdelay $0x1  }
0x34: {  	v3 =	vmul.f32 v2, v1;
	_ =	sdelay $0x1  }
0x35: {  	v3 =	vmul.f32 v3, v2;
	_ =	sdelay $0x1  }
0x36: {  	v3 =	vsub.f32 $1.500000000e+00, v3;
	_ =	sdelay $0x1  }
0x37: {  	v2 =	vmul.f32 v3, v2;
	_ =	sdelay $0x1  }
0x38: {  	v1 =	vmul.f32 v2, v1;
	_ =	sdelay $0x1  }
0x39: {  	v1 =	vmul.f32 v1, v2;
	_ =	sdelay $0x1  }
.Ltmp0:
0x3a: {  	v1 =	vsub.f32 $1.500000000e+00, v1;
	(pc) =	sbr.rel @p0 .LBB2_2-.Ltmp0, $4  }
0x3b: {  	_ = 	snop  }
0x3c: {  	v2 =	vmul.f32 v1, v2  }
0x3d: {  	s6 =	sshra.s32 s5, $0x2  }
0x3e: {  	s5 =	sadd.s32 $0x40, s5;
	v1 =	vld [tilespmem:s6+$0xA000];
	[tilespmem:s0+$0x7800] =	vst v2;
	s0 =	smov.u32 s6  }
0x3f: {  	v2 =	vld [tilespmem:s0+$0x7800];
	_ =	sdelay $0x4  }
0x40: {  	v1 =	vadd.f32 v1, v2;
	_ =	sdelay $0x1  }
0x41: {  	v1 =	vadd.f32 $1.000000000e+00, v1;
	_ =	sdelay $0x1  }
0x42: {  	v2 =	vshra.s32 v1, $0x1;
	v1 =	vmul.f32 $5.000000000e-01, v1  }
0x43: {  	v2 =	vsub.s32 $0x5F3759DF, v2  }
0x44: {  	v3 =	vmul.f32 v2, v1;
	_ =	sdelay $0x1  }
0x45: {  	v3 =	vmul.f32 v2, v3;
	_ =	sdelay $0x1  }
0x46: {  	v3 =	vsub.f32 $1.500000000e+00, v3;
	_ =	sdelay $0x1  }
0x47: {  	v2 =	vmul.f32 v2, v3;
	_ =	sdelay $0x1  }
0x48: {  	v3 =	vmul.f32 v2, v1;
	_ =	sdelay $0x1  }
0x49: {  	v3 =	vmul.f32 v3, v2;
	_ =	sdelay $0x1  }
0x4a: {  	v3 =	vsub.f32 $1.500000000e+00, v3;
	_ =	sdelay $0x1  }
0x4b: {  	v2 =	vmul.f32 v3, v2;
	_ =	sdelay $0x1  }
0x4c: {  	v1 =	vmul.f32 v2, v1;
	_ =	sdelay $0x1  }
0x4d: {  	v1 =	vmul.f32 v1, v2;
	_ =	sdelay $0x1  }
0x4e: {  	v1 =	vsub.f32 $1.500000000e+00, v1;
	_ =	sdelay $0x1  }
0x4f: {  	v1 =	vmul.f32 v1, v2;
	_ =	sdelay $0x1  }
0x50: {  	s21 =	simm.s32 $0x0;
	[tilespmem:s0+$0x7800] =	vst v1  }
0x51: {  	v1 =	vld [tilespmem:s21+$0x0];
	_ =	sdelay $0x1  }
0x52: {  	v2 =	vld [tilespmem:s21+$0x2800];
	_ =	sdelay $0x4  }
0x53: {  	v3 =	vld [tilespmem:s21+$0x5000]  }
0x54: {  	v1 =	vld.idx.msk [tilespmem:v1+s20+$0x0], $0xffff  }
0x55: {  	v4 =	vld [tilespmem:s21+$0x10]  }
0x56: {  	v2 =	vld.idx.msk [tilespmem:v2+s20+$0x0], $0xffff  }
0x57: {  	v5 =	vld [tilespmem:s21+$0x2810];
	_ =	sdelay $0x1  }
0x58: {  	v1 =	vmul.f32 v3, v1;
	_ =	sdelay $0x1  }
0x59: {  	v1 =	vmul.f32 v1, v2;
	_ =	sdelay $0x1  }
0x5a: {  	v2 =	vld [tilespmem:s21+$0x5010];
	[tilespmem:s21+$0x5000] =	vst v1  }
0x5b: {  	v1 =	vld.idx.msk [tilespmem:v4+s20+$0x0], $0xffff  }
0x5c: {  	v3 =	vld.idx.msk [tilespmem:v5+s20+$0x0], $0xffff  }
0x5d: {  	v4 =	vld [tilespmem:s21+$0x20]  }
0x5e: {  	v5 =	vld [tilespmem:s21+$0x2820];
	_ =	sdelay $0x1  }
0x5f: {  	v1 =	vmul.f32 v2, v1;
	_ =	sdelay $0x1  }
0x60: {  	v1 =	vmul.f32 v1, v3;
	_ =	sdelay $0x1  }
0x61: {  	v2 =	vld [tilespmem:s21+$0x5020];
	[tilespmem:s21+$0x5010] =	vst v1  }
0x62: {  	v1 =	vld.idx.msk [tilespmem:v4+s20+$0x0], $0xffff  }
0x63: {  	v3 =	vld.idx.msk [tilespmem:v5+s20+$0x0], $0xffff  }
0x64: {  	v4 =	vld [tilespmem:s21+$0x30]  }
0x65: {  	v5 =	vld [tilespmem:s21+$0x2830];
	_ =	sdelay $0x1  }
0x66: {  	v1 =	vmul.f32 v2, v1;
	_ =	sdelay $0x1  }
0x67: {  	v1 =	vmul.f32 v1, v3;
	_ =	sdelay $0x1  }
0x68: {  	v2 =	vld [tilespmem:s21+$0x5030];
	[tilespmem:s21+$0x5020] =	vst v1  }
0x69: {  	v1 =	vld.idx.msk [tilespmem:v4+s20+$0x0], $0xffff  }
0x6a: {  	v3 =	vld.idx.msk [tilespmem:v5+s20+$0x0], $0xffff  }
0x6b: {  	v4 =	vld [tilespmem:s21+$0x40]  }
0x6c: {  	v5 =	vld [tilespmem:s21+$0x2840];
	_ =	sdelay $0x1  }
0x6d: {  	v1 =	vmul.f32 v2, v1;
	_ =	sdelay $0x1  }
0x6e: {  	v1 =	vmul.f32 v1, v3;
	_ =	sdelay $0x1  }
0x6f: {  	v2 =	vld [tilespmem:s21+$0x5040];
	[tilespmem:s21+$0x5030] =	vst v1  }
0x70: {  	v1 =	vld.idx.msk [tilespmem:v4+s20+$0x0], $0xffff  }
0x71: {  	v3 =	vld.idx.msk [tilespmem:v5+s20+$0x0], $0xffff  }
0x72: {  	v4 =	vld [tilespmem:s21+$0x50]  }
0x73: {  	v5 =	vld [tilespmem:s21+$0x2850];
	_ =	sdelay $0x1  }
0x74: {  	v1 =	vmul.f32 v2, v1;
	_ =	sdelay $0x1  }
0x75: {  	v1 =	vmul.f32 v1, v3;
	_ =	sdelay $0x1  }
0x76: {  	[tilespmem:s21+$0x5040] =	vst v1;
	v1 =	vld [tilespmem:s21+$0x5050]  }
0x77: {  	v2 =	vld.idx.msk [tilespmem:v4+s20+$0x0], $0xffff  }
0x78: {  	v3 =	vld.idx.msk [tilespmem:v5+s20+$0x0], $0xffff  }
0x79: {  	v4 =	vld [tilespmem:s21+$0x60]  }
0x7a: {  	v5 =	vld [tilespmem:s21+$0x2860];
	_ =	sdelay $0x1  }
0x7b: {  	v1 =	vmul.f32 v1, v2;
	_ =	sdelay $0x1  }
0x7c: {  	v1 =	vmul.f32 v1, v3;
	_ =	sdelay $0x1  }
0x7d: {  	[tilespmem:s21+$0x5050] =	vst v1;
	v1 =	vld [tilespmem:s21+$0x5060]  }
0x7e: {  	v2 =	vld.idx.msk [tilespmem:v4+s20+$0x0], $0xffff  }
0x7f: {  	v3 =	vld.idx.msk [tilespmem:v5+s20+$0x0], $0xffff  }
0x80: {  	v4 =	vld [tilespmem:s21+$0x70];
	_ =	sdelay $0x2  }
0x81: {  	v1 =	vmul.f32 v1, v2  }
0x82: {  	v5 =	vld [tilespmem:s21+$0x2870]  }
0x83: {  	v1 =	vmul.f32 v1, v3;
	_ =	sdelay $0x1  }
0x84: {  	[tilespmem:s21+$0x5060] =	vst v1;
	v1 =	vld [tilespmem:s21+$0x5070]  }
0x85: {  	v2 =	vld.idx.msk [tilespmem:v4+s20+$0x0], $0xffff;
	_ =	sdelay $0x3  }
0x86: {  	s5 =	simm.s32 $0x80;
	v3 =	vld.idx.msk [tilespmem:v5+s20+$0x0], $0xffff  }
0x87: {  	v4 =	vmul.f32 v1, v2;
	v2 =	vld [tilespmem:s5+$0x0];
	_ =	sdelay $0x1  }
0x88: {  	v1 =	vld [tilespmem:s5+$0x2800];
	_ =	sdelay $0x2  }
0x89: {  	s24 =	simm.s32 $0x400;
	s25 =	simm.s32 $0x0;
	v3 =	vmul.f32 v4, v3  }
.LBB2_4:
0x8a: {  	_ = 	snop  }
0x8b: {  	p0 =	sne.s32 s24, $0x9E00;
	s0 =	smov.u32 s24;
	s24 =	sadd.s32 $0x200, s24;
	[tilespmem:s25+$0x5070] =	vst v3  }
0x8c: {  	s25 =	smov.u32 s5;
	v2 =	vld.idx.msk [tilespmem:v2+s20+$0x0], $0xffff  }
0x8d: {  	v3 =	vld [tilespmem:s25+$0x5000]  }
0x8e: {  	v1 =	vld.idx.msk [tilespmem:v1+s20+$0x0], $0xffff  }
0x8f: {  	v4 =	vld [tilespmem:s25+$0x10];
	_ =	sdelay $0x1  }
0x90: {  	v5 =	vld [tilespmem:s25+$0x2810]  }
0x91: {  	v2 =	vmul.f32 v3, v2;
	_ =	sdelay $0x1  }
0x92: {  	v1 =	vmul.f32 v2, v1;
	_ =	sdelay $0x1  }
0x93: {  	[tilespmem:s25+$0x5000] =	vst v1  }
0x94: {  	v1 =	vld.idx.msk [tilespmem:v4+s20+$0x0], $0xffff  }
0x95: {  	v2 =	vld [tilespmem:s25+$0x5010]  }
0x96: {  	v3 =	vld.idx.msk [tilespmem:v5+s20+$0x0], $0xffff  }
0x97: {  	v4 =	vld [tilespmem:s25+$0x20];
	_ =	sdelay $0x1  }
0x98: {  	v5 =	vld [tilespmem:s25+$0x2820]  }
0x99: {  	v1 =	vmul.f32 v2, v1;
	_ =	sdelay $0x1  }
0x9a: {  	v1 =	vmul.f32 v1, v3;
	_ =	sdelay $0x1  }
0x9b: {  	[tilespmem:s25+$0x5010] =	vst v1  }
0x9c: {  	v1 =	vld.idx.msk [tilespmem:v4+s20+$0x0], $0xffff  }
0x9d: {  	v2 =	vld [tilespmem:s25+$0x5020]  }
0x9e: {  	v3 =	vld.idx.msk [tilespmem:v5+s20+$0x0], $0xffff  }
0x9f: {  	v4 =	vld [tilespmem:s25+$0x30];
	_ =	sdelay $0x1  }
0xa0: {  	v5 =	vld [tilespmem:s25+$0x2830]  }
0xa1: {  	v1 =	vmul.f32 v2, v1;
	_ =	sdelay $0x1  }
0xa2: {  	v1 =	vmul.f32 v1, v3;
	_ =	sdelay $0x1  }
0xa3: {  	[tilespmem:s25+$0x5020] =	vst v1  }
0xa4: {  	v1 =	vld.idx.msk [tilespmem:v4+s20+$0x0], $0xffff  }
0xa5: {  	v2 =	vld [tilespmem:s25+$0x5030]  }
0xa6: {  	v3 =	vld.idx.msk [tilespmem:v5+s20+$0x0], $0xffff  }
0xa7: {  	v4 =	vld [tilespmem:s25+$0x40];
	_ =	sdelay $0x1  }
0xa8: {  	v5 =	vld [tilespmem:s25+$0x2840]  }
0xa9: {  	v1 =	vmul.f32 v2, v1;
	_ =	sdelay $0x1  }
0xaa: {  	v1 =	vmul.f32 v1, v3;
	_ =	sdelay $0x1  }
0xab: {  	[tilespmem:s25+$0x5030] =	vst v1  }
0xac: {  	v1 =	vld.idx.msk [tilespmem:v4+s20+$0x0], $0xffff  }
0xad: {  	v2 =	vld [tilespmem:s25+$0x5040]  }
0xae: {  	v3 =	vld.idx.msk [tilespmem:v5+s20+$0x0], $0xffff  }
0xaf: {  	v4 =	vld [tilespmem:s25+$0x50]  }
0xb0: {  	v5 =	vld [tilespmem:s25+$0x2850];
	_ =	sdelay $0x1  }
0xb1: {  	v1 =	vmul.f32 v2, v1;
	_ =	sdelay $0x1  }
0xb2: {  	v1 =	vmul.f32 v1, v3;
	_ =	sdelay $0x1  }
0xb3: {  	[tilespmem:s25+$0x5040] =	vst v1;
	v1 =	vld [tilespmem:s25+$0x5050]  }
0xb4: {  	v2 =	vld.idx.msk [tilespmem:v4+s20+$0x0], $0xffff  }
0xb5: {  	v3 =	vld.idx.msk [tilespmem:v5+s20+$0x0], $0xffff;
	_ =	sdelay $0x1  }
0xb6: {  	v4 =	vld [tilespmem:s25+$0x60]  }
0xb7: {  	v5 =	vld [tilespmem:s25+$0x2860];
	_ =	sdelay $0x1  }
0xb8: {  	v1 =	vmul.f32 v1, v2;
	_ =	sdelay $0x1  }
0xb9: {  	v1 =	vmul.f32 v1, v3;
	_ =	sdelay $0x1  }
0xba: {  	[tilespmem:s25+$0x5050] =	vst v1;
	v1 =	vld [tilespmem:s25+$0x5060]  }
0xbb: {  	v2 =	vld.idx.msk [tilespmem:v4+s20+$0x0], $0xffff  }
0xbc: {  	v3 =	vld.idx.msk [tilespmem:v5+s20+$0x0], $0xffff;
	_ =	sdelay $0x1  }
0xbd: {  	v4 =	vld [tilespmem:s25+$0x70]  }
0xbe: {  	v5 =	vld [tilespmem:s25+$0x2870];
	_ =	sdelay $0x1  }
0xbf: {  	v1 =	vmul.f32 v1, v2;
	_ =	sdelay $0x1  }
0xc0: {  	v1 =	vmul.f32 v1, v3;
	_ =	sdelay $0x1  }
0xc1: {  	[tilespmem:s25+$0x5060] =	vst v1;
	v3 =	vld [tilespmem:s25+$0x5070]  }
0xc2: {  	v4 =	vld.idx.msk [tilespmem:v4+s20+$0x0], $0xffff  }
0xc3: {  	v5 =	vld.idx.msk [tilespmem:v5+s20+$0x0], $0xffff  }
0xc4: {  	s5 =	sshra.s32 s0, $0x2  }
0xc5: {  	v2 =	vld [tilespmem:s5+$0x0]  }
.Ltmp1:
0xc6: {  	v1 =	vld [tilespmem:s5+$0x2800];
	(pc) =	sbr.rel @p0 .LBB2_4-.Ltmp1, $3  }
0xc7: {  	_ = 	snop  }
0xc8: {  	v3 =	vmul.f32 v3, v4;
	_ =	sdelay $0x1  }
0xc9: {  	v3 =	vmul.f32 v3, v5  }
0xca: {  	_ =	sdelay $0x2  }
0xcb: {  	[tilespmem:s25+$0x5070] =	vst v3  }
0xcc: {  	v2 =	vld.idx.msk [tilespmem:v2+s20+$0x0], $0xffff  }
0xcd: {  	v3 =	vld [tilespmem:s5+$0x5000]  }
0xce: {  	v1 =	vld.idx.msk [tilespmem:v1+s20+$0x0], $0xffff  }
0xcf: {  	v4 =	vld [tilespmem:s5+$0x10];
	_ =	sdelay $0x1  }
0xd0: {  	v5 =	vld [tilespmem:s5+$0x2810]  }
0xd1: {  	v2 =	vmul.f32 v3, v2;
	_ =	sdelay $0x1  }
0xd2: {  	v1 =	vmul.f32 v2, v1;
	_ =	sdelay $0x1  }
0xd3: {  	v2 =	vld [tilespmem:s5+$0x5010];
	[tilespmem:s5+$0x5000] =	vst v1  }
0xd4: {  	v1 =	vld.idx.msk [tilespmem:v4+s20+$0x0], $0xffff  }
0xd5: {  	v52 =	vld [tilespmem:s5+$0x20]  }
0xd6: {  	v3 =	vld.idx.msk [tilespmem:v5+s20+$0x0], $0xffff;
	_ =	sdelay $0x1  }
0xd7: {  	v53 =	vld [tilespmem:s5+$0x2820]  }
0xd8: {  	v1 =	vmul.f32 v2, v1;
	_ =	sdelay $0x1  }
0xd9: {  	v1 =	vmul.f32 v1, v3;
	_ =	sdelay $0x1  }
0xda: {  	v2 =	vld [tilespmem:s5+$0x5020];
	[tilespmem:s5+$0x5010] =	vst v1  }
0xdb: {  	v1 =	vld.idx.msk [tilespmem:v52+s20+$0x0], $0xffff  }
0xdc: {  	v54 =	vld [tilespmem:s5+$0x30]  }
0xdd: {  	v3 =	vld.idx.msk [tilespmem:v53+s20+$0x0], $0xffff;
	_ =	sdelay $0x1  }
0xde: {  	v55 =	vld [tilespmem:s5+$0x2830]  }
0xdf: {  	v1 =	vmul.f32 v2, v1;
	_ =	sdelay $0x1  }
0xe0: {  	v1 =	vmul.f32 v1, v3;
	_ =	sdelay $0x1  }
0xe1: {  	v2 =	vld [tilespmem:s5+$0x5030];
	[tilespmem:s5+$0x5020] =	vst v1  }
0xe2: {  	v1 =	vld.idx.msk [tilespmem:v54+s20+$0x0], $0xffff  }
0xe3: {  	v56 =	vld [tilespmem:s5+$0x40]  }
0xe4: {  	v3 =	vld.idx.msk [tilespmem:v55+s20+$0x0], $0xffff;
	_ =	sdelay $0x1  }
0xe5: {  	v57 =	vld [tilespmem:s5+$0x2840]  }
0xe6: {  	v1 =	vmul.f32 v2, v1;
	_ =	sdelay $0x1  }
0xe7: {  	v1 =	vmul.f32 v1, v3;
	_ =	sdelay $0x1  }
0xe8: {  	v2 =	vld [tilespmem:s5+$0x5040];
	[tilespmem:s5+$0x5030] =	vst v1  }
0xe9: {  	v1 =	vld.idx.msk [tilespmem:v56+s20+$0x0], $0xffff  }
0xea: {  	v58 =	vld [tilespmem:s5+$0x50]  }
0xeb: {  	v3 =	vld.idx.msk [tilespmem:v57+s20+$0x0], $0xffff;
	_ =	sdelay $0x1  }
0xec: {  	v59 =	vld [tilespmem:s5+$0x2850]  }
0xed: {  	v1 =	vmul.f32 v2, v1;
	_ =	sdelay $0x1  }
0xee: {  	v1 =	vmul.f32 v1, v3;
	_ =	sdelay $0x1  }
0xef: {  	[tilespmem:s5+$0x5040] =	vst v1;
	v1 =	vld [tilespmem:s5+$0x5050]  }
0xf0: {  	v2 =	vld.idx.msk [tilespmem:v58+s20+$0x0], $0xffff  }
0xf1: {  	v60 =	vld [tilespmem:s5+$0x60]  }
0xf2: {  	v3 =	vld.idx.msk [tilespmem:v59+s20+$0x0], $0xffff;
	_ =	sdelay $0x1  }
0xf3: {  	v61 =	vld [tilespmem:s5+$0x2860]  }
0xf4: {  	v1 =	vmul.f32 v1, v2;
	_ =	sdelay $0x1  }
0xf5: {  	v1 =	vmul.f32 v1, v3;
	_ =	sdelay $0x1  }
0xf6: {  	[tilespmem:s5+$0x5050] =	vst v1;
	v1 =	vld [tilespmem:s5+$0x5060]  }
0xf7: {  	v2 =	vld.idx.msk [tilespmem:v60+s20+$0x0], $0xffff  }
0xf8: {  	v62 =	vld [tilespmem:s5+$0x70]  }
0xf9: {  	v3 =	vld.idx.msk [tilespmem:v61+s20+$0x0], $0xffff;
	_ =	sdelay $0x1  }
0xfa: {  	v63 =	vld [tilespmem:s5+$0x2870]  }
0xfb: {  	v1 =	vmul.f32 v1, v2;
	_ =	sdelay $0x1  }
0xfc: {  	v1 =	vmul.f32 v1, v3;
	_ =	sdelay $0x1  }
0xfd: {  	[tilespmem:s5+$0x5060] =	vst v1;
	v1 =	vld [tilespmem:s5+$0x5070]  }
0xfe: {  	v2 =	vld.idx.msk [tilespmem:v62+s20+$0x0], $0xffff;
	_ =	sdelay $0x1  }
0xff: {  	v3 =	vld.idx.msk [tilespmem:v63+s20+$0x0], $0xffff;
	_ =	sdelay $0x2  }
0x100: {  	v1 =	vmul.f32 v1, v2;
	_ =	sdelay $0x1  }
0x101: {  	v1 =	vmul.f32 v1, v3;
	_ =	sdelay $0x1  }
0x102: {  	s0 =	simm.s32 $0x100;
	[tilespmem:s5+$0x5070] =	vst v1  }
.LBB2_6:
0x103: {  	p0 =	sne.s32 s0, $0x7F00;
	[tilespmem:s21+$0xE830] =	vst v0;
	s5 =	smov.u32 s0;
	s0 =	sadd.s32 $0x100, s0  }
.Ltmp2:
0x104: {  	[tilespmem:s21+$0xE820] =	vst v0;
	(pc) =	sbr.rel @p0 .LBB2_6-.Ltmp2, $3  }
0x105: {  	[tilespmem:s21+$0xE800] =	vst v0  }
0x106: {  	[tilespmem:s21+$0xE810] =	vst v0;
	_ =	sdelay $0x1  }
0x107: {  	s21 =	sshra.s32 s5, $0x2  }
0x108: {  	[tilespmem:s21+$0xE830] =	vst v0  }
0x109: {  	[tilespmem:s21+$0xE820] =	vst v0  }
0x10a: {  	[tilespmem:s21+$0xE800] =	vst v0  }
0x10b: {  	[tilespmem:s21+$0xE810] =	vst v0  }
0x10c: {  	[spmem:s10] =	stream.linear.scatter [tilespmem:s22], [sflag:$0x5], $0x2000, $0x38;
	[tilespmem:$0x1A800] =	vst v63  }
0x10d: {  	_ =	swait.ge [sflag:s17], $0x2000  }
0x10e: {  	[sflag:s17] =	ssyncset.done $0x0  }
0x10f: {  	s0 =	rddreg [dreg:$0x9];
	[sflag:s17] =	ssyncadd.s32 $0xFFFFE000  }
0x110: {  	[spmem:s0] =	stream.linear.scatter [tilespmem:s22], [sflag:$0x5], $0x2000, $0x38;
	[tilespmem:$0x1A800] =	vst v63  }
0x111: {  	_ =	swait.ge [sflag:s17], $0x2000  }
0x112: {  	[sflag:s17] =	ssyncset.done $0x0  }
0x113: {  	s13 =	rddreg [dreg:$0xa];
	[sflag:s17] =	ssyncadd.s32 $0xFFFFE000  }
0x114: {  	[spmem:s13] =	stream.linear.scatter [tilespmem:s22], [sflag:$0x5], $0x2000, $0x38;
	[tilespmem:$0x1A800] =	vst v63  }
0x115: {  	_ =	swait.ge [sflag:s17], $0x2000  }
0x116: {  	[sflag:s17] =	ssyncset.done $0x0  }
0x117: {  	s21 =	rddreg [dreg:$0xb];
	[sflag:s17] =	ssyncadd.s32 $0xFFFFE000  }
0x118: {  	[spmem:s21] =	stream.linear.scatter [tilespmem:s22], [sflag:$0x5], $0x2000, $0x38;
	[tilespmem:$0x1A800] =	vst v63  }
0x119: {  	_ =	swait.ge [sflag:s17], $0x2000  }
0x11a: {  	[sflag:s17] =	ssyncset.done $0x0  }
0x11b: {  	[sflag:s17] =	ssyncadd.s32 $0xFFFFE000  }
0x11c: {  	[spmem:s14] =	stream.linear.scatter [tilespmem:s22], [sflag:$0x5], $0x2000, $0x38;
	[tilespmem:$0x1A800] =	vst v63  }
0x11d: {  	_ =	swait.ge [sflag:s17], $0x2000  }
0x11e: {  	[sflag:s17] =	ssyncset.done $0x0  }
0x11f: {  	[sflag:s17] =	ssyncadd.s32 $0xFFFFE000  }
0x120: {  	s24 =	simm.s32 $0xC800;
	s21 =	simm.s32 $0x0;
	[bflag:$0x0] =	sbarrier.arrive $0xFFFF  }
0x121: {  	[tilespmem:s24], [sflag:$0x1] =	stream.indirect.gather [hbm4b:s4+s23], $0x20, s21, s23, $0xb8;
	[tilespmem:$0x1A800] =	vst v63  }
0x122: {  	s25 =	simm.s32 $0xD000;
	s24 =	simm.s32 $0x0  }
0x123: {  	[tilespmem:s25], [sflag:$0x3] =	stream.indirect.gather [hbm4b:s4+s23], $0x20, s23, s23, $0xb8;
	[tilespmem:$0x1A800] =	vst v63  }
.LBB2_8:
0x124: {  	s0 =	sshll.u32 s24, $0xA  }
0x125: {  	s5 =	sor.u32 $0x200, s0  }
0x126: {  	s25 =	sshra.s32 s5, $0x2  }
0x127: {  	[tilespmem:s26], [sflag:$0x2] =	stream.indirect.gather [hbm4b:s4+s23], $0x20, s25, s23, $0xb8;
	[tilespmem:$0x1A800] =	vst v63  }
0x128: {  	s5 =	sor.u32 $0x40, s25  }
0x129: {  	[tilespmem:s28], [sflag:$0x4] =	stream.indirect.gather [hbm4b:s4+s23], $0x20, s5, s23, $0xb8;
	[tilespmem:$0x1A800] =	vst v63  }
0x12a: {  	_ =	swait.ge [sflag:s29], $0x800  }
0x12b: {  	[sflag:s29] =	ssyncset.done $0x0  }
0x12c: {  	v1 =	vmov s21;
	[sflag:s29] =	ssyncadd.s32 $0xFFFFF800  }
0x12d: {  	_ =	swait.ge [sflag:s30], $0x800  }
0x12e: {  	[sflag:s30] =	ssyncset.done $0x0  }
0x12f: {  	s8 =	simm.s32 $0xC810;
	s5 =	sshra.s32 s0, $0x2;
	[sflag:s30] =	ssyncadd.s32 $0xFFFFF800  }
0x130: {  	s6 =	sadd.s32 $0x5000, s5;
	v2 =	vld [tilespmem:s8+$0xFFFFFFF0]  }
0x131: {  	v4 =	vld.idx.msk [tilespmem:v1+s6+$0x0], $0xffff;
	_ =	sdelay $0x3  }
0x132: {  	v1 =	vshll.u32 v2, $0x10  }
0x133: {  	v2 =	vand.u32 $0xFFFF0000, v2;
	v1 =	vmul.f32 v1, v4  }
0x134: {  	s7 =	simm.s32 $0xE820;
	v2 =	vmul.f32 v2, v4  }
0x135: {  	[tilespmem:s7+$0xFFFFFFE0] =	vst v1  }
0x136: {  	[tilespmem:s7+$0xFFFFFFF0] =	vst v2  }
0x137: {  	v1 =	vld [tilespmem:s8+$0x0];
	_ =	sdelay $0x4  }
0x138: {  	s9 =	simm.s32 $0x1;
	v2 =	vshll.u32 v1, $0x10;
	v5 =	vand.u32 $0xFFFF0000, v1  }
0x139: {  	s11 =	simm.s32 $0x2;
	v1 =	vmov s9;
	s9 =	simm.s32 $0xE820;
	v3 =	vmul.f32 v2, v4;
	v2 =	vmul.f32 v5, v4  }
.LBB2_9:
0x13a: {  	s7 =	sadd.s32 $0x40, s7  }
0x13b: {  	s8 =	sadd.s32 $0x20, s8;
	s12 =	smov.u32 s11;
	s13 =	sadd.s32 $0x1, s11  }
0x13c: {  	p0 =	sne.s32 s11, $0x7F;
	[tilespmem:s9+$0x0] =	vst v3  }
0x13d: {  	[tilespmem:s9+$0x10] =	vst v2;
	s9 =	smov.u32 s7  }
0x13e: {  	v2 =	vld [tilespmem:s8+$0xFFFFFFF0]  }
0x13f: {  	v4 =	vld.idx.msk [tilespmem:v1+s6+$0x0], $0xffff;
	_ =	sdelay $0x4  }
0x140: {  	v1 =	vshll.u32 v2, $0x10;
	v2 =	vand.u32 $0xFFFF0000, v2  }
0x141: {  	v1 =	vmul.f32 v1, v4;
	v2 =	vmul.f32 v2, v4;
	_ =	sdelay $0x1  }
0x142: {  	[tilespmem:s7+$0xFFFFFFE0] =	vst v1  }
0x143: {  	[tilespmem:s7+$0xFFFFFFF0] =	vst v2  }
0x144: {  	v1 =	vld [tilespmem:s8+$0x0];
	_ =	sdelay $0x1  }
.Ltmp3:
0x145: {  	(pc) =	sbr.rel @p0 .LBB2_9-.Ltmp3, $3  }
0x146: {  	_ =	sdelay $0x1  }
0x147: {  	v2 =	vshll.u32 v1, $0x10;
	v5 =	vand.u32 $0xFFFF0000, v1  }
0x148: {  	s11 =	smov.u32 s13;
	v1 =	vmov s12;
	v3 =	vmul.f32 v2, v4;
	v2 =	vmul.f32 v5, v4  }
0x149: {  	_ = 	snop  }
0x14a: {  	[tilespmem:s9+$0x0] =	vst v3  }
0x14b: {  	s8 =	sadd.s32 $0x20, s8;
	[tilespmem:s9+$0x10] =	vst v2  }
0x14c: {  	v2 =	vld [tilespmem:s8+$0xFFFFFFF0]  }
0x14d: {  	v1 =	vld.idx.msk [tilespmem:v1+s6+$0x0], $0xffff;
	_ =	sdelay $0x3  }
0x14e: {  	v3 =	vshll.u32 v2, $0x10  }
0x14f: {  	v2 =	vand.u32 $0xFFFF0000, v2;
	v3 =	vmul.f32 v3, v1  }
0x150: {  	s11 =	sadd.s32 $0x40, s7;
	v2 =	vmul.f32 v2, v1  }
0x151: {  	[tilespmem:s11+$0xFFFFFFE0] =	vst v3  }
0x152: {  	[tilespmem:s11+$0xFFFFFFF0] =	vst v2  }
0x153: {  	v2 =	vld [tilespmem:s8+$0x0];
	_ =	sdelay $0x4  }
0x154: {  	v3 =	vshll.u32 v2, $0x10  }
0x155: {  	v2 =	vand.u32 $0xFFFF0000, v2;
	v3 =	vmul.f32 v3, v1  }
0x156: {  	v1 =	vmul.f32 v2, v1  }
0x157: {  	[tilespmem:s11+$0x0] =	vst v3  }
0x158: {  	s5 =	sadd.s32 $0x2800, s5;
	[tilespmem:s11+$0x10] =	vst v1  }
0x159: {  	[spmem:s2] =	stream.indirect.scatter.add.f32 [tilespmem:s22], [sflag:$0x5], $0x40, s5, s31, $0xb8;
	[tilespmem:$0x1A800] =	vst v63  }
0x15a: {  	p0 =	seq.s32 s24, $0x27;
	_ =	swait.ge [sflag:s17], $0x2000  }
0x15b: {  	s0 =	sshra.s32 @!p0 s0, $0x2;
	s7 =	simm.s32 @!p0 $0xC800;
	[sflag:s17] =	ssyncset.done $0x0  }
0x15c: {  	s6 =	simm.s32 @!p0 $0x40;
	s5 =	sadd.s32 @!p0 $0x100, s0;
	[sflag:s17] =	ssyncadd.s32 $0xFFFFE000  }
0x15d: {  	[tilespmem:s7], [sflag:$0x1] =	stream.indirect.gather @!p0 [hbm4b:s4+s6], $0x20, s5, s6, $0xb8;
	[tilespmem:$0x1A800] =	vst v63  }
0x15e: {  	s0 =	sadd.s32 @!p0 $0x140, s0;
	s5 =	simm.s32 @!p0 $0xD000  }
0x15f: {  	[tilespmem:s5], [sflag:$0x3] =	stream.indirect.gather @!p0 [hbm4b:s4+s6], $0x20, s0, s6, $0xb8;
	[tilespmem:$0x1A800] =	vst v63  }
0x160: {  	_ =	swait.ge [sflag:s1], $0x800  }
0x161: {  	s12 =	simm.s32 $0x0;
	[sflag:s1] =	ssyncset.done $0x0  }
0x162: {  	v1 =	vmov s12;
	[sflag:s1] =	ssyncadd.s32 $0xFFFFF800  }
0x163: {  	_ =	swait.ge [sflag:s18], $0x800  }
0x164: {  	[sflag:s18] =	ssyncset.done $0x0  }
0x165: {  	s6 =	simm.s32 $0xD810;
	[sflag:s18] =	ssyncadd.s32 $0xFFFFF800  }
0x166: {  	s0 =	sadd.s32 $0x5000, s25;
	v2 =	vld [tilespmem:s6+$0xFFFFFFF0]  }
0x167: {  	v4 =	vld.idx.msk [tilespmem:v1+s0+$0x0], $0xffff;
	_ =	sdelay $0x3  }
0x168: {  	v1 =	vshll.u32 v2, $0x10  }
0x169: {  	v2 =	vand.u32 $0xFFFF0000, v2;
	v1 =	vmul.f32 v1, v4  }
0x16a: {  	s5 =	simm.s32 $0xE820;
	v2 =	vmul.f32 v2, v4  }
0x16b: {  	[tilespmem:s5+$0xFFFFFFE0] =	vst v1  }
0x16c: {  	[tilespmem:s5+$0xFFFFFFF0] =	vst v2  }
0x16d: {  	v1 =	vld [tilespmem:s6+$0x0];
	_ =	sdelay $0x4  }
0x16e: {  	s13 =	simm.s32 $0x1;
	v2 =	vshll.u32 v1, $0x10;
	v5 =	vand.u32 $0xFFFF0000, v1  }
0x16f: {  	s8 =	simm.s32 $0x2;
	s7 =	simm.s32 $0xE820;
	v1 =	vmov s13;
	v3 =	vmul.f32 v2, v4;
	v2 =	vmul.f32 v5, v4  }
.LBB2_11:
0x170: {  	s5 =	sadd.s32 $0x40, s5  }
0x171: {  	s6 =	sadd.s32 $0x20, s6;
	s9 =	smov.u32 s8;
	s11 =	sadd.s32 $0x1, s8  }
0x172: {  	p0 =	sne.s32 s8, $0x7F;
	[tilespmem:s7+$0x0] =	vst v3  }
0x173: {  	[tilespmem:s7+$0x10] =	vst v2;
	s7 =	smov.u32 s5  }
0x174: {  	v2 =	vld [tilespmem:s6+$0xFFFFFFF0]  }
0x175: {  	v4 =	vld.idx.msk [tilespmem:v1+s0+$0x0], $0xffff;
	_ =	sdelay $0x4  }
0x176: {  	v1 =	vshll.u32 v2, $0x10;
	v2 =	vand.u32 $0xFFFF0000, v2  }
0x177: {  	v1 =	vmul.f32 v1, v4;
	v2 =	vmul.f32 v2, v4;
	_ =	sdelay $0x1  }
0x178: {  	[tilespmem:s5+$0xFFFFFFE0] =	vst v1  }
0x179: {  	[tilespmem:s5+$0xFFFFFFF0] =	vst v2  }
0x17a: {  	v1 =	vld [tilespmem:s6+$0x0];
	_ =	sdelay $0x1  }
.Ltmp4:
0x17b: {  	(pc) =	sbr.rel @p0 .LBB2_11-.Ltmp4, $3  }
0x17c: {  	_ =	sdelay $0x1  }
0x17d: {  	v2 =	vshll.u32 v1, $0x10;
	v5 =	vand.u32 $0xFFFF0000, v1  }
0x17e: {  	s8 =	smov.u32 s11;
	v1 =	vmov s9;
	v3 =	vmul.f32 v2, v4;
	v2 =	vmul.f32 v5, v4  }
0x17f: {  	_ = 	snop  }
0x180: {  	[tilespmem:s7+$0x0] =	vst v3  }
0x181: {  	s6 =	sadd.s32 $0x20, s6;
	[tilespmem:s7+$0x10] =	vst v2  }
0x182: {  	v2 =	vld [tilespmem:s6+$0xFFFFFFF0]  }
0x183: {  	v1 =	vld.idx.msk [tilespmem:v1+s0+$0x0], $0xffff;
	_ =	sdelay $0x3  }
0x184: {  	v3 =	vshll.u32 v2, $0x10  }
0x185: {  	v2 =	vand.u32 $0xFFFF0000, v2;
	v3 =	vmul.f32 v3, v1  }
0x186: {  	s13 =	sadd.s32 $0x40, s5;
	v2 =	vmul.f32 v2, v1  }
0x187: {  	[tilespmem:s13+$0xFFFFFFE0] =	vst v3  }
0x188: {  	[tilespmem:s13+$0xFFFFFFF0] =	vst v2  }
0x189: {  	v2 =	vld [tilespmem:s6+$0x0];
	_ =	sdelay $0x4  }
0x18a: {  	v3 =	vshll.u32 v2, $0x10  }
0x18b: {  	v2 =	vand.u32 $0xFFFF0000, v2;
	v3 =	vmul.f32 v3, v1  }
0x18c: {  	s24 =	sadd.s32 $0x1, s24;
	v1 =	vmul.f32 v2, v1  }
0x18d: {  	p0 =	sne.s32 s24, $0x28;
	[tilespmem:s13+$0x0] =	vst v3  }
.Ltmp5:
0x18e: {  	s25 =	sadd.s32 $0x2800, s25;
	[tilespmem:s13+$0x10] =	vst v1;
	(pc) =	sbr.rel @p0 .LBB2_8-.Ltmp5, $4  }
0x18f: {  	[spmem:s2] =	stream.indirect.scatter.add.f32 [tilespmem:s22], [sflag:$0x5], $0x40, s25, s31, $0xb8;
	[tilespmem:$0x1A800] =	vst v63  }
0x190: {  	_ =	swait.ge [sflag:s17], $0x2000  }
0x191: {  	[sflag:s17] =	ssyncset.done $0x0  }
0x192: {  	[sflag:s17] =	ssyncadd.s32 $0xFFFFE000  }
0x193: {  	s0 =	stileid.u32;
	s19 =	sadd.s32 $0x1, s19  }
0x194: {  	[bflag:$0x0] =	sbarrier.arrive $0xFFFF;
	s0 =	sshll.u32 s0, $0x6;
	p0 =	sne.s32 s19, s16  }
.Ltmp6:
0x195: {  	s5 =	sshrl.u32 s10, $0x3;
	s0 =	sor.u32 $0x1C05, s0;
	(pc) =	sbr.rel @p0 .LBB2_1-.Ltmp6, $4  }
0x196: {  	[hbm:s15], [sflag:s0] =	dma.local [spmem:s5], $0x1400  }
0x197: {  	_ =	swait.ge [sflag:s17], $0x1400  }
0x198: {  	[sflag:s17] =	ssyncset.done $0x0  }
0x199: {  	[sflag:s17] =	ssyncadd.s32 $0xFFFFEC00  }
0x19a: {  	_ =	sfence.sel $0x180000  }
0x19b: {  	[bflag:$0x0] =	sbarrier.arrive $0xFFFF  }
0x19c: {  	_ =	strace $0x9000004D  }
0x19d: {  	s0 =	stileid.u32;
	[bflag:$0x2] =	sbarrier.arrive $0xFFFF  }
0x19e: {  	p0 =	sne.s32 s0, $0x0;
	s0 =	rddreg [dreg:$0x3]  }
0x19f: {  	s0 =	sadd.s32 @!p0 $0x100000, s0  }
0x1a0: {  	[sflag:s0] =	ssyncadd.tile.s32 @!p0 $0x1;
	_ =	shalt  }
.Lfunc_end2:
_tile_overlayer_lowered:
.L_overlay_start_2:
0x1a1: {  	(tag) =	ssettag $0x2  }
0x1a2: {  	s0 =	rddreg [dreg:$0x0];
	s2 =	stileid.u32  }
0x1a3: {  	s1 =	rddreg [dreg:$0x1];
	p0 =	sne.s32 s2, $0x0  }
0x1a4: {  	s3 =	rddreg [dreg:$0x2];
	[bflag:$0x3] =	sbarrier.arrive $0xFFFF;
	s2 =	simm.s32 @!p0 $0x1C05  }
0x1a5: {  	[timem:s3], [sflag:s2] =	dma.local @!p0 [hbm:s0], s1  }
0x1a6: {  	s0 =	simm.s32 @!p0 $0x5  }
0x1a7: {  	_ =	swait.ge @!p0 [sflag:s0], s1  }
0x1a8: {  	s1 =	ssub.s32 @!p0 $0x0, s1;
	[sflag:s0] =	ssyncset.done @!p0 $0x0  }
0x1a9: {  	[sflag:s0] =	ssyncadd.s32 @!p0 s1  }
0x1aa: {  	[bflag:$0x3] =	sbarrier.arrive $0xFFFF  }
0x1ab: {  	_ =	shalt  }

// kernel: kernel.8.cloned.1.call-start
scs
__scs_entry_jumppad:
0x0: {  	(pc) =	sbr.rel $0x88, $3  }
0x1: {  	(tag) =	ssettag $0x0;
	lr =	simm.s32 $0x1  }
0x2: {  	[smem:$0x3F9A] =	sst lr;
	_ =	strace $0xD0000000  }
0x3: {  	_ = 	snop  }
0x4: {  	_ = 	snop  }
0x5: {  	_ = 	snop  }
0x6: {  	_ = 	snop  }
0x7: {  	_ = 	snop  }
__scs_overlays_trampoline_lowered:
0x8: {  	[smem:$0x3FA9] =	sst s0  }
0x9: {  	[smem:$0x3FAA] =	sst s1  }
0xa: {  	[smem:$0x3FAB] =	sst s2  }
0xb: {  	[smem:$0x3FAC] =	sst s3  }
0xc: {  	[smem:$0x3FAD] =	sst s4  }
0xd: {  	[smem:$0x3FAE] =	sst s5  }
0xe: {  	[smem:$0x3FAF] =	sst s6  }
0xf: {  	[smem:$0x3FB0] =	sst s7  }
0x10: {  	[smem:$0x3FB1] =	sst s8  }
0x11: {  	[smem:$0x3FB2] =	sst s9;
	s0 =	simm.s32 @!p0 $0x0  }
0x12: {  	s1 =	sld [smem:$0x3F98];
	s0 =	simm.s32 @p0 $0x1  }
0x13: {  	[smem:$0x3FB3] =	sst s0;
	s0 =	simm.s32 @!p1 $0x0  }
0x14: {  	s2 =	sld [smem:$0x3F97];
	s0 =	simm.s32 @p1 $0x1  }
0x15: {  	[smem:$0x3FB4] =	sst s0;
	s0 =	simm.s32 @!p2 $0x0  }
0x16: {  	s3 =	sld [smem:$0x3FDB];
	s0 =	simm.s32 @p2 $0x1  }
0x17: {  	s4 =	simm.s32 $0x1BF5;
	[smem:$0x3FB6] =	sst s0  }
0x18: {  	s0 =	sld [smem:$0x3F99];
	_ =	swait.ge [sflag:s4], $0x0  }
0x19: {  	s7 =	sld [smem:$0x3F9A]  }
0x1a: {  	s8 =	sadd.s32 $0xFFFFE003, lr  }
0x1b: {  	s9 =	sadd.s32 $0xFFFFFEF7, lr;
	s5 =	simm.s32 $0xFFFFFFFF;
	p2 =	slt.u32 s8, $0xFFFFF086  }
0x1c: {  	p1 =	slt.u32 s9, $0xF7A;
	s5 =	simm.s32 @!p2 $0x0  }
0x1d: {  	s5 =	simm.s32 @p1 $0x1;
	p0 =	seq.s32 s7, s2  }
0x1e: {  	s7 =	smul.u32 @!p0 $0xF7A, s2;
	p2 =	seq.s32 @!p0 s5, $0x0  }
0x1f: {  	s9 =	smul.u32 $0xF7A, s1;
	s8 =	simm.s32 @!p0 $0x1BF5;
	p2 =	por !p2, p0  }
0x20: {  	[sflag:s8] =	ssyncset.s32 @!p0 $0xFFFFF086;
	s6 =	sadd.s32 @!p0 s3, s7;
	s7 =	simm.s32 @!p0 $0x108  }
0x21: {  	s3 =	sadd.s32 s3, s9;
	s6 =	sadd.s32 @!p0 $0x88, s6;
	s7 =	simm.s32 @p2 $0x1082  }
0x22: {  	[simem:s7], [sflag:s8] =	dma.local @!p0 [hbm:s6], $0xF7A  }
0x23: {  	s9 =	sor.u32 $0xD0000000, s2;
	s6 =	simm.s32 $0x108;
	_ =	swait.ge @!p0 [sflag:s8], $0x0  }
0x24: {  	s3 =	sadd.s32 $0x88, s3;
	s6 =	simm.s32 @!p1 $0x1082;
	[sflag:s4] =	ssyncset.s32 $0xFFFFF086  }
0x25: {  	[simem:s6], [sflag:s4] =	dma.local [hbm:s3], $0xF7A  }
0x26: {  	[smem:$0x3F9A] =	sst s1;
	(tag) =	ssettag s2;
	_ =	strace s9  }
0x27: {  	s1 =	sld [smem:$0x3FAA]  }
0x28: {  	s2 =	sld [smem:$0x3FAB]  }
0x29: {  	s4 =	sld [smem:$0x3FAD]  }
0x2a: {  	p0 =	seq.s32 s5, $0x0;
	s5 =	sld [smem:$0x3FAE]  }
0x2b: {  	s6 =	sld [smem:$0x3FAF]  }
0x2c: {  	s7 =	sld [smem:$0x3FB0]  }
0x2d: {  	s3 =	simm.s32 $0x108;
	s8 =	sld [smem:$0x3FB1]  }
0x2e: {  	s3 =	simm.s32 @!p0 $0x1082;
	s9 =	sld [smem:$0x3FB2]  }
0x2f: {  	lr =	sadd.s32 s0, s3;
	s0 =	sld [smem:$0x3FA9]  }
0x30: {  	s3 =	sld [smem:$0x3FAC]  }
0x31: {  	[smem:$0x3FB5] =	sst s10  }
0x32: {  	s10 =	sld [smem:$0x3FB3];
	_ =	sdelay $0x3  }
0x33: {  	p0 =	seq.s32 s10, $0x1;
	s10 =	sld [smem:$0x3FB5];
	_ =	sdelay $0x3  }
0x34: {  	[smem:$0x3FB5] =	sst s10  }
0x35: {  	s10 =	sld [smem:$0x3FB4];
	_ =	sdelay $0x3  }
0x36: {  	p1 =	seq.s32 s10, $0x1;
	s10 =	sld [smem:$0x3FB5];
	_ =	sdelay $0x3  }
0x37: {  	[smem:$0x3FB5] =	sst s10  }
0x38: {  	s10 =	sld [smem:$0x3FB6]  }
0x39: {  	_ = 	snop;
	(pc) =	sbr.ind lr, $3  }
0x3a: {  	_ = 	snop  }
0x3b: {  	_ = 	snop  }
0x3c: {  	p2 =	seq.s32 s10, $0x1;
	s10 =	sld [smem:$0x3FB5]  }
0x3d: {  	_ =	shalt  }
0x3e: {  	_ =	shalt  }
0x3f: {  	_ =	shalt  }
0x40: {  	_ =	shalt  }
0x41: {  	_ =	shalt  }
0x42: {  	_ =	shalt  }
0x43: {  	_ =	shalt  }
0x44: {  	_ =	shalt  }
0x45: {  	_ =	shalt  }
0x46: {  	_ =	shalt  }
0x47: {  	_ =	shalt  }
0x48: {  	_ =	shalt  }
0x49: {  	_ =	shalt  }
0x4a: {  	_ =	shalt  }
0x4b: {  	_ =	shalt  }
0x4c: {  	_ =	shalt  }
0x4d: {  	_ =	shalt  }
0x4e: {  	_ =	shalt  }
0x4f: {  	_ =	shalt  }
0x50: {  	_ =	shalt  }
0x51: {  	_ =	shalt  }
0x52: {  	_ =	shalt  }
0x53: {  	_ =	shalt  }
0x54: {  	_ =	shalt  }
0x55: {  	_ =	shalt  }
0x56: {  	_ =	shalt  }
0x57: {  	_ =	shalt  }
0x58: {  	_ =	shalt  }
0x59: {  	_ =	shalt  }
0x5a: {  	_ =	shalt  }
0x5b: {  	_ =	shalt  }
0x5c: {  	_ =	shalt  }
0x5d: {  	_ =	shalt  }
0x5e: {  	_ =	shalt  }
0x5f: {  	_ =	shalt  }
0x60: {  	_ =	shalt  }
0x61: {  	_ =	shalt  }
0x62: {  	_ =	shalt  }
0x63: {  	_ =	shalt  }
0x64: {  	_ =	shalt  }
0x65: {  	_ =	shalt  }
0x66: {  	_ =	shalt  }
0x67: {  	_ =	shalt  }
0x68: {  	_ =	shalt  }
0x69: {  	_ =	shalt  }
0x6a: {  	_ =	shalt  }
0x6b: {  	_ =	shalt  }
0x6c: {  	_ =	shalt  }
0x6d: {  	_ =	shalt  }
0x6e: {  	_ =	shalt  }
0x6f: {  	_ =	shalt  }
0x70: {  	_ =	shalt  }
0x71: {  	_ =	shalt  }
0x72: {  	_ =	shalt  }
0x73: {  	_ =	shalt  }
0x74: {  	_ =	shalt  }
0x75: {  	_ =	shalt  }
0x76: {  	_ =	shalt  }
0x77: {  	_ =	shalt  }
0x78: {  	_ =	shalt  }
0x79: {  	_ =	shalt  }
0x7a: {  	_ =	shalt  }
0x7b: {  	_ =	shalt  }
0x7c: {  	_ =	shalt  }
0x7d: {  	_ =	shalt  }
0x7e: {  	_ =	shalt  }
0x7f: {  	_ =	shalt  }
0x80: {  	_ =	shalt  }
0x81: {  	_ =	shalt  }
0x82: {  	_ =	shalt  }
0x83: {  	_ =	shalt  }
0x84: {  	_ =	shalt  }
0x85: {  	_ =	shalt  }
0x86: {  	_ =	shalt  }
0x87: {  	_ =	shalt  }
.Lfunc_end0:
.L_simem_size_0:
called_computation_lowered:
.L_overlay_start_0:
0x88: {  	s2 =	sld [smem:$0x3FD9]  }
0x89: {  	s3 =	sld [smem:$0x3FFE];
	_ =	sdelay $0x1  }
0x8a: {  	s1 =	srdreg.scid  }
0x8b: {  	s0 =	sand.u32 $0x1, s1  }
0x8c: {  	s16 =	sshll.u32 s0, $0xA;
	s2 =	sadd.s32 s3, s2  }
0x8d: {  	s2 =	sadd.s32 s2, s16  }
0x8e: {  	[smem:$0x3FC1] =	sst s2  }
0x8f: {  	_ = 	snop  }
0x90: {  	(tm) =	ssettm $0x1  }
0x91: {  	s17 =	sld [smem:$0x3FFB];
	_ =	sdelay $0x3  }
0x92: {  	_ =	strace s17  }
0x93: {  	s2 =	sld [smem:$0x3FFC];
	_ =	sdelay $0x3  }
0x94: {  	_ =	strace s2  }
0x95: {  	s2 =	sld [smem:$0x3FFD];
	_ =	sdelay $0x3  }
0x96: {  	_ =	strace s2  }
0x97: {  	_ =	strace $0x8FFFFFFF  }
0x98: {  	s18 =	sld [smem:$0x3FDB];
	_ =	sdelay $0x1  }
0x99: {  	s19 =	simm.s32 $_scs_section_size  }
0x9a: {  	s4 =	simm.s32 $_size__tile_overlayer_lowered;
	s5 =	simm.s32 $_tile_overlayer_lowered  }
0x9b: {  	s22 =	simm.s32 $0x1BFF;
	s21 =	sshll.u32 s5, $0x1;
	s2 =	sadd.s32 s19, s18  }
0x9c: {  	s6 =	simm.s32 $0x0;
	s20 =	sshll.u32 s4, $0x1;
	s4 =	sadd.s32 s21, s2  }
0x9d: {  	[timem:s6], [sflag:s22] =	dma.local [hbm:s4], s20  }
0x9e: {  	_ =	swait.ge [sflag:s22], s20  }
0x9f: {  	s3 =	ssub.s32 $0x0, s20;
	[sflag:s22] =	ssyncset.done $0x0  }
0xa0: {  	[sflag:s22] =	ssyncadd.s32 s3;
	_ =	sdelay $0x1  }
0xa1: {  	s23 =	simm.s32 $0x1B8B  }
0xa2: {  	_ =	swait.ge [sflag:s23], $0x1  }
0xa3: {  	[sflag:s23] =	ssyncset.done $0x0  }
0xa4: {  	s25 =	simm.s32 $0x1B8E;
	s24 =	sld [smem:$0x3FFE];
	[sflag:s23] =	ssyncadd.s32 $0xFFFFFFFF  }
0xa5: {  	s26 =	simm.s32 $execute0_lowered;
	[smem:$0x3FD2] =	sst s25  }
0xa6: {  	s4 =	sshll.u32 s26, $0x1;
	_ =	strace $0x80000046;
	[dreg:$0x1] =	wrdreg $0xFFFFFFFF  }
0xa7: {  	s28 =	simm.s32 $_size_execute0_lowered;
	s2 =	sadd.s32 s2, s4;
	[dreg:$0x0] =	wrdreg $0x0  }
0xa8: {  	s4 =	sshll.u32 s28, $0x1;
	[dreg:$0x2] =	wrdreg s2  }
0xa9: {  	[dreg:$0x3] =	wrdreg s4  }
0xaa: {  	[dreg:$0x4] =	wrdreg $0xC0  }
0xab: {  	_ =	task [dreg:s6], $0x5FFFF  }
0xac: {  	[dreg:$0x1] =	wrdreg $0xFFFFFFFF  }
0xad: {  	[dreg:$0x0] =	wrdreg $0x60  }
0xae: {  	[dreg:$0x2] =	wrdreg s24  }
0xaf: {  	[dreg:$0x3] =	wrdreg $0x78A00  }
0xb0: {  	[dreg:$0x4] =	wrdreg $0x9  }
0xb1: {  	_ =	task.clear_ibuf [dreg:s6], $0x5FFFF;
	_ =	strace $0x90000046  }
0xb2: {  	s29 =	simm.s32 $0x9;
	_ =	strace $0x80000048  }
0xb3: {  	_ =	swait.ge [sflag:s29], $0x1  }
0xb4: {  	[sflag:s29] =	ssyncadd.s32 $0xFFFFFFFF  }
0xb5: {  	_ =	strace $0x90000048  }
0xb6: {  	_ =	sfence  }
0xb7: {  	s30 =	sld [smem:$0x0];
	_ =	sdelay $0x2  }
0xb8: {  	s31 =	sshll.u32 s1, $0xD;
	s1 =	sshrl.u32 s1, $0x2  }
0xb9: {  	s3 =	sand.u32 $0x4000, s31;
	s1 =	sadd.s32 s1, s30  }
0xba: {  	s0 =	sor.u32 s3, s0;
	s1 =	sshll.u32 s1, $0x11  }
0xbb: {  	s0 =	sor.u32 s1, s0  }
0xbc: {  	s0 =	sadd.s32 $0x8F2B, s0  }
0xbd: {  	[sflag:s0] =	ssyncadd.remote.s32 $0x1  }
0xbe: {  	_ =	sfence.sel $0xFFFF  }
0xbf: {  	[dreg:$0x0] =	wrdreg $0xFFFFFFFF;
	(pc) =	sbr.abs _section_cstart, $3  }
0xc0: {  	[dreg:$0x1] =	wrdreg $0xFFFFFFFF  }
0xc1: {  	_ =	task.clear_ibuf [dreg:s6], $0x2FFFF;
	_ =	strace $0x9FFFFFFF  }
0xc2: {  	(tm) =	ssettm $0x7FFFFFFF  }
0xc3: {  	_ =	shalt  }
tec
execute0_lowered:
.L_overlay_start_1:
0x0: {  	(tag) =	ssettag $0x1  }
0x1: {  	s3 =	rddreg [dreg:$0x0]  }
0x2: {  	s6 =	rddreg [dreg:$0x1]  }
0x3: {  	s0 =	rddreg [dreg:$0x2];
	s4 =	srdreg.scid  }
0x4: {  	s1 =	stileid.u32;
	s2 =	simm.s32 $0x0;
	s16 =	simm.s32 $0x1  }
0x5: {  	s17 =	simm.s32 $0x2800;
	s18 =	simm.s32 $0x5000;
	s19 =	simm.s32 $0x7800  }
0x6: {  	s20 =	simm.s32 $0x7850;
	s21 =	simm.s32 $0x5500;
	s22 =	simm.s32 $0x5A00  }
0x7: {  	s23 =	simm.s32 $0x5F00;
	s24 =	simm.s32 $0x6400;
	s25 =	simm.s32 $0x6900  }
0x8: {  	s26 =	simm.s32 $0x6E00;
	s28 =	simm.s32 $0x7300;
	s7 =	smul.u32 $0x50, s1  }
0x9: {  	s29 =	simm.s32 $0x0;
	s4 =	sand.u32 $0x1, s4;
	s10 =	smul.u32 $0x1400, s1  }
0xa: {  	[smem:$0x7FF] =	sst s2;
	s5 =	sshll.u32 s1, $0x1;
	s8 =	smul.u32 $0x2800, s4  }
0xb: {  	_ =	strace $0x80000047;
	s5 =	sor.u32 s4, s5;
	s4 =	ssub.s32 $0x2, s4  }
0xc: {  	s5 =	smul.u32 $0x500, s5;
	s9 =	sshrl.u32 s4, $0x1;
	s8 =	sor.u32 s7, s8  }
0xd: {  	s31 =	sshrl.u32 s10, $0x2;
	s15 =	ssub.s32 s4, s9;
	s8 =	sshrl.u32 s8, $0x3  }
0xe: {  	s5 =	sadd.s32 s5, s3;
	s15 =	smax.u32 s15, $0x1;
	s14 =	sadd.s32 s8, s3  }
0xf: {  	s3 =	sadd.s32 $0x1800, s5;
	s4 =	sadd.s32 $0xB800, s5;
	s5 =	sadd.s32 s31, s6  }
0x10: {  	s6 =	sadd.s32 s7, s6;
	s7 =	sadd.s32 $0x15800, s14;
	s8 =	sadd.s32 $0x158A0, s14  }
0x11: {  	s9 =	sadd.s32 $0x15940, s14;
	s10 =	sadd.s32 $0x159E0, s14;
	s11 =	sadd.s32 $0x15A80, s14  }
0x12: {  	v0 =	vimm.f32 $0.0e+00;
	s12 =	sadd.s32 $0x15B20, s14;
	s13 =	sadd.s32 $0x15BC0, s14;
	s14 =	sadd.s32 $0x15C60, s14  }
.LBB2_1:
0x13: {  	[tilespmem:s2], [sflag:$0x1] =	stream.linear.gather [hbm4b:s3+s2], $0x2800, $0x38;
	[tilespmem:$0x7DA0] =	vst v63  }
0x14: {  	_ =	swait.ge [sflag:s16], $0x2800  }
0x15: {  	[sflag:s16] =	ssyncset.done $0x0  }
0x16: {  	[sflag:s16] =	ssyncadd.s32 $0xFFFFD800  }
0x17: {  	[tilespmem:s17], [sflag:$0x1] =	stream.linear.gather [hbm4b:s4+s2], $0x2800, $0x38;
	[tilespmem:$0x7DA0] =	vst v63  }
0x18: {  	_ =	swait.ge [sflag:s16], $0x2800  }
0x19: {  	[sflag:s16] =	ssyncset.done $0x0  }
0x1a: {  	s30 =	simm.s32 $0x0;
	[sflag:s16] =	ssyncadd.s32 $0xFFFFD800  }
.LBB2_2:
0x1b: {  	p0 =	sne.s32 s30, $0x9FC0  }
.Ltmp0:
0x1c: {  	_ = 	snop;
	(pc) =	sbr.rel @p0 .LBB2_2-.Ltmp0, $3  }
0x1d: {  	_ =	sdelay $0x1  }
0x1e: {  	s31 =	sshra.s32 s30, $0x2  }
0x1f: {  	s30 =	sadd.s32 $0x40, s30;
	[tilespmem:s31+$0x5000] =	vst v0  }
0x20: {  	s30 =	simm.s32 $0x0  }
.LBB2_4:
0x21: {  	s31 =	sshra.s32 s30, $0x2  }
0x22: {  	v1 =	vld [tilespmem:s31+$0x0];
	_ =	sdelay $0x2  }
0x23: {  	v2 =	vld [tilespmem:s31+$0x2800];
	_ =	sdelay $0x4  }
0x24: {  	[tilespmem:v1+s18+$0x0] =	vst.idx.add.f32.msk $0xffff, v2  }
0x25: {  	v1 =	vld [tilespmem:s31+$0x10];
	_ =	sdelay $0x2  }
0x26: {  	v2 =	vld [tilespmem:s31+$0x2810];
	_ =	sdelay $0x4  }
0x27: {  	[tilespmem:v1+s18+$0x0] =	vst.idx.add.f32.msk $0xffff, v2  }
0x28: {  	v1 =	vld [tilespmem:s31+$0x20];
	_ =	sdelay $0x2  }
0x29: {  	v2 =	vld [tilespmem:s31+$0x2820];
	_ =	sdelay $0x4  }
0x2a: {  	[tilespmem:v1+s18+$0x0] =	vst.idx.add.f32.msk $0xffff, v2  }
0x2b: {  	v1 =	vld [tilespmem:s31+$0x30];
	_ =	sdelay $0x2  }
0x2c: {  	v2 =	vld [tilespmem:s31+$0x2830];
	_ =	sdelay $0x4  }
0x2d: {  	[tilespmem:v1+s18+$0x0] =	vst.idx.add.f32.msk $0xffff, v2  }
0x2e: {  	v1 =	vld [tilespmem:s31+$0x40];
	_ =	sdelay $0x2  }
0x2f: {  	v2 =	vld [tilespmem:s31+$0x2840];
	_ =	sdelay $0x4  }
0x30: {  	[tilespmem:v1+s18+$0x0] =	vst.idx.add.f32.msk $0xffff, v2  }
0x31: {  	v1 =	vld [tilespmem:s31+$0x50];
	_ =	sdelay $0x2  }
0x32: {  	v2 =	vld [tilespmem:s31+$0x2850];
	_ =	sdelay $0x4  }
0x33: {  	[tilespmem:v1+s18+$0x0] =	vst.idx.add.f32.msk $0xffff, v2  }
0x34: {  	v1 =	vld [tilespmem:s31+$0x60];
	_ =	sdelay $0x2  }
0x35: {  	v2 =	vld [tilespmem:s31+$0x2860];
	_ =	sdelay $0x4  }
0x36: {  	[tilespmem:v1+s18+$0x0] =	vst.idx.add.f32.msk $0xffff, v2  }
0x37: {  	v1 =	vld [tilespmem:s31+$0x70];
	_ =	sdelay $0x2  }
0x38: {  	p0 =	sne.s32 s30, $0x9E00;
	v2 =	vld [tilespmem:s31+$0x2870]  }
.Ltmp1:
0x39: {  	_ = 	snop;
	(pc) =	sbr.rel @p0 .LBB2_4-.Ltmp1, $2  }
0x3a: {  	_ =	sdelay $0x2  }
0x3b: {  	s30 =	sadd.s32 $0x200, s30;
	[tilespmem:v1+s18+$0x0] =	vst.idx.add.f32.msk $0xffff, v2  }
0x3c: {  	[spmem:s5] =	stream.linear.scatter [tilespmem:s18], [sflag:$0x1], $0x500, $0x38;
	[tilespmem:$0x7DA0] =	vst v63  }
0x3d: {  	_ =	swait.ge [sflag:s16], $0x500  }
0x3e: {  	[sflag:s16] =	ssyncset.done $0x0  }
0x3f: {  	[sflag:s16] =	ssyncadd.s32 $0xFFFFFB00  }
0x40: {  	[bflag:$0x0] =	sbarrier.arrive $0xFFFF  }
0x41: {  	[tilespmem:s19], [sflag:$0x1] =	stream.linear.gather [spmem:s6], $0x50, $0x38;
	[tilespmem:$0x7DA0] =	vst v63  }
0x42: {  	_ =	swait.ge [sflag:s16], $0x50  }
0x43: {  	[sflag:s16] =	ssyncset.done $0x0  }
0x44: {  	s30 =	sadd.s32 $0x500, s6;
	[sflag:s16] =	ssyncadd.s32 $0xFFFFFFB0  }
0x45: {  	[tilespmem:s20], [sflag:$0x1] =	stream.linear.gather [spmem:s30], $0x50, $0x38;
	[tilespmem:$0x7DA0] =	vst v63  }
0x46: {  	_ =	swait.ge [sflag:s16], $0x50  }
0x47: {  	[sflag:s16] =	ssyncset.done $0x0  }
0x48: {  	[sflag:s16] =	ssyncadd.s32 $0xFFFFFFB0  }
0x49: {  	v4 =	vld [tilespmem:$0x7890]  }
0x4a: {  	v1 =	vld [tilespmem:$0x7880]  }
0x4b: {  	v5 =	vld [tilespmem:$0x7870]  }
0x4c: {  	v2 =	vld [tilespmem:$0x7860]  }
0x4d: {  	v6 =	vld [tilespmem:$0x7840]  }
0x4e: {  	v3 =	vld [tilespmem:$0x7850]  }
0x4f: {  	s30 =	simm.s32 $0x2800;
	v7 =	vld [tilespmem:$0x7820]  }
.LBB2_6:
0x50: {  	p0 =	sne.s32 s30, $0x12C00;
	v8 =	vld [tilespmem:$0x7830];
	s31 =	smov.u32 s30;
	s30 =	sadd.s32 $0x1400, s30  }
0x51: {  	v9 =	vld [tilespmem:$0x7810]  }
0x52: {  	v10 =	vld [tilespmem:$0x7800];
	v4 =	vadd.f32 v4, v6;
	_ =	sdelay $0x1  }
0x53: {  	v5 =	vadd.f32 v5, v7;
	[tilespmem:$0x7840] =	vst v4  }
0x54: {  	v1 =	vadd.f32 v1, v8  }
0x55: {  	v2 =	vadd.f32 v2, v9;
	[tilespmem:$0x7820] =	vst v5  }
0x56: {  	v3 =	vadd.f32 v3, v10;
	[tilespmem:$0x7830] =	vst v1  }
0x57: {  	s31 =	sshra.s32 s31, $0x2;
	[tilespmem:$0x7810] =	vst v2  }
0x58: {  	s31 =	sadd.s32 s31, s6;
	[tilespmem:$0x7800] =	vst v3  }
0x59: {  	[tilespmem:s20], [sflag:$0x1] =	stream.linear.gather [spmem:s31], $0x50, $0x38;
	[tilespmem:$0x7DA0] =	vst v63  }
0x5a: {  	_ =	swait.ge [sflag:s16], $0x50  }
0x5b: {  	[sflag:s16] =	ssyncset.done $0x0  }
0x5c: {  	[sflag:s16] =	ssyncadd.s32 $0xFFFFFFB0  }
0x5d: {  	v4 =	vld [tilespmem:$0x7890]  }
0x5e: {  	v1 =	vld [tilespmem:$0x7880]  }
.Ltmp2:
0x5f: {  	v5 =	vld [tilespmem:$0x7870];
	(pc) =	sbr.rel @p0 .LBB2_6-.Ltmp2, $4  }
0x60: {  	v2 =	vld [tilespmem:$0x7860]  }
0x61: {  	v6 =	vld [tilespmem:$0x7840]  }
0x62: {  	v3 =	vld [tilespmem:$0x7850]  }
0x63: {  	v7 =	vld [tilespmem:$0x7820]  }
0x64: {  	v8 =	vld [tilespmem:$0x7830]  }
0x65: {  	v9 =	vld [tilespmem:$0x7810]  }
0x66: {  	v10 =	vld [tilespmem:$0x7800]  }
0x67: {  	v4 =	vadd.f32 v4, v6  }
0x68: {  	v5 =	vadd.f32 v5, v7  }
0x69: {  	[tilespmem:$0x7840] =	vst v4;
	v1 =	vadd.f32 v1, v8  }
0x6a: {  	v2 =	vadd.f32 v2, v9;
	[tilespmem:$0x7820] =	vst v5  }
0x6b: {  	v3 =	vadd.f32 v3, v10;
	[tilespmem:$0x7830] =	vst v1  }
0x6c: {  	[tilespmem:$0x7810] =	vst v2  }
0x6d: {  	[tilespmem:$0x7800] =	vst v3  }
0x6e: {  	[hbm4b:s7+s2] =	stream.linear.scatter [tilespmem:s19], [sflag:$0x1], $0x50, $0x38;
	[tilespmem:$0x7DA0] =	vst v63  }
0x6f: {  	_ =	swait.ge [sflag:s16], $0x50  }
0x70: {  	[sflag:s16] =	ssyncset.done $0x0  }
0x71: {  	[sflag:s16] =	ssyncadd.s32 $0xFFFFFFB0  }
0x72: {  	[bflag:$0x0] =	sbarrier.arrive $0xFFFF  }
0x73: {  	[spmem:s5] =	stream.linear.scatter [tilespmem:s21], [sflag:$0x1], $0x500, $0x38;
	[tilespmem:$0x7DA0] =	vst v63  }
0x74: {  	_ =	swait.ge [sflag:s16], $0x500  }
0x75: {  	[sflag:s16] =	ssyncset.done $0x0  }
0x76: {  	[sflag:s16] =	ssyncadd.s32 $0xFFFFFB00  }
0x77: {  	[bflag:$0x0] =	sbarrier.arrive $0xFFFF  }
0x78: {  	[tilespmem:s19], [sflag:$0x1] =	stream.linear.gather [spmem:s6], $0x50, $0x38;
	[tilespmem:$0x7DA0] =	vst v63  }
0x79: {  	_ =	swait.ge [sflag:s16], $0x50  }
0x7a: {  	[sflag:s16] =	ssyncset.done $0x0  }
0x7b: {  	s30 =	sadd.s32 $0x500, s6;
	[sflag:s16] =	ssyncadd.s32 $0xFFFFFFB0  }
0x7c: {  	[tilespmem:s20], [sflag:$0x1] =	stream.linear.gather [spmem:s30], $0x50, $0x38;
	[tilespmem:$0x7DA0] =	vst v63  }
0x7d: {  	_ =	swait.ge [sflag:s16], $0x50  }
0x7e: {  	[sflag:s16] =	ssyncset.done $0x0  }
0x7f: {  	[sflag:s16] =	ssyncadd.s32 $0xFFFFFFB0  }
0x80: {  	v4 =	vld [tilespmem:$0x7890]  }
0x81: {  	v1 =	vld [tilespmem:$0x7880]  }
0x82: {  	v5 =	vld [tilespmem:$0x7870]  }
0x83: {  	v2 =	vld [tilespmem:$0x7860]  }
0x84: {  	v6 =	vld [tilespmem:$0x7840]  }
0x85: {  	v3 =	vld [tilespmem:$0x7850]  }
0x86: {  	s30 =	simm.s32 $0x2800;
	v7 =	vld [tilespmem:$0x7820]  }
.LBB2_8:
0x87: {  	p0 =	sne.s32 s30, $0x12C00;
	v8 =	vld [tilespmem:$0x7830];
	s31 =	smov.u32 s30;
	s30 =	sadd.s32 $0x1400, s30  }
0x88: {  	v9 =	vld [tilespmem:$0x7810]  }
0x89: {  	v10 =	vld [tilespmem:$0x7800];
	v4 =	vadd.f32 v4, v6;
	_ =	sdelay $0x1  }
0x8a: {  	v5 =	vadd.f32 v5, v7;
	[tilespmem:$0x7840] =	vst v4  }
0x8b: {  	v1 =	vadd.f32 v1, v8  }
0x8c: {  	v2 =	vadd.f32 v2, v9;
	[tilespmem:$0x7820] =	vst v5  }
0x8d: {  	v3 =	vadd.f32 v3, v10;
	[tilespmem:$0x7830] =	vst v1  }
0x8e: {  	s31 =	sshra.s32 s31, $0x2;
	[tilespmem:$0x7810] =	vst v2  }
0x8f: {  	s31 =	sadd.s32 s31, s6;
	[tilespmem:$0x7800] =	vst v3  }
0x90: {  	[tilespmem:s20], [sflag:$0x1] =	stream.linear.gather [spmem:s31], $0x50, $0x38;
	[tilespmem:$0x7DA0] =	vst v63  }
0x91: {  	_ =	swait.ge [sflag:s16], $0x50  }
0x92: {  	[sflag:s16] =	ssyncset.done $0x0  }
0x93: {  	[sflag:s16] =	ssyncadd.s32 $0xFFFFFFB0  }
0x94: {  	v4 =	vld [tilespmem:$0x7890]  }
0x95: {  	v1 =	vld [tilespmem:$0x7880]  }
.Ltmp3:
0x96: {  	v5 =	vld [tilespmem:$0x7870];
	(pc) =	sbr.rel @p0 .LBB2_8-.Ltmp3, $4  }
0x97: {  	v2 =	vld [tilespmem:$0x7860]  }
0x98: {  	v6 =	vld [tilespmem:$0x7840]  }
0x99: {  	v3 =	vld [tilespmem:$0x7850]  }
0x9a: {  	v7 =	vld [tilespmem:$0x7820]  }
0x9b: {  	v8 =	vld [tilespmem:$0x7830]  }
0x9c: {  	v9 =	vld [tilespmem:$0x7810]  }
0x9d: {  	v10 =	vld [tilespmem:$0x7800]  }
0x9e: {  	v4 =	vadd.f32 v4, v6  }
0x9f: {  	v5 =	vadd.f32 v5, v7  }
0xa0: {  	[tilespmem:$0x7840] =	vst v4;
	v1 =	vadd.f32 v1, v8  }
0xa1: {  	v2 =	vadd.f32 v2, v9;
	[tilespmem:$0x7820] =	vst v5  }
0xa2: {  	v3 =	vadd.f32 v3, v10;
	[tilespmem:$0x7830] =	vst v1  }
0xa3: {  	[tilespmem:$0x7810] =	vst v2  }
0xa4: {  	[tilespmem:$0x7800] =	vst v3  }
0xa5: {  	[hbm4b:s8+s2] =	stream.linear.scatter [tilespmem:s19], [sflag:$0x1], $0x50, $0x38;
	[tilespmem:$0x7DA0] =	vst v63  }
0xa6: {  	_ =	swait.ge [sflag:s16], $0x50  }
0xa7: {  	[sflag:s16] =	ssyncset.done $0x0  }
0xa8: {  	[sflag:s16] =	ssyncadd.s32 $0xFFFFFFB0  }
0xa9: {  	[bflag:$0x0] =	sbarrier.arrive $0xFFFF  }
0xaa: {  	[spmem:s5] =	stream.linear.scatter [tilespmem:s22], [sflag:$0x1], $0x500, $0x38;
	[tilespmem:$0x7DA0] =	vst v63  }
0xab: {  	_ =	swait.ge [sflag:s16], $0x500  }
0xac: {  	[sflag:s16] =	ssyncset.done $0x0  }
0xad: {  	[sflag:s16] =	ssyncadd.s32 $0xFFFFFB00  }
0xae: {  	[bflag:$0x0] =	sbarrier.arrive $0xFFFF  }
0xaf: {  	[tilespmem:s19], [sflag:$0x1] =	stream.linear.gather [spmem:s6], $0x50, $0x38;
	[tilespmem:$0x7DA0] =	vst v63  }
0xb0: {  	_ =	swait.ge [sflag:s16], $0x50  }
0xb1: {  	[sflag:s16] =	ssyncset.done $0x0  }
0xb2: {  	s30 =	sadd.s32 $0x500, s6;
	[sflag:s16] =	ssyncadd.s32 $0xFFFFFFB0  }
0xb3: {  	[tilespmem:s20], [sflag:$0x1] =	stream.linear.gather [spmem:s30], $0x50, $0x38;
	[tilespmem:$0x7DA0] =	vst v63  }
0xb4: {  	_ =	swait.ge [sflag:s16], $0x50  }
0xb5: {  	[sflag:s16] =	ssyncset.done $0x0  }
0xb6: {  	[sflag:s16] =	ssyncadd.s32 $0xFFFFFFB0  }
0xb7: {  	v4 =	vld [tilespmem:$0x7890]  }
0xb8: {  	v1 =	vld [tilespmem:$0x7880]  }
0xb9: {  	v5 =	vld [tilespmem:$0x7870]  }
0xba: {  	v2 =	vld [tilespmem:$0x7860]  }
0xbb: {  	v6 =	vld [tilespmem:$0x7840]  }
0xbc: {  	v3 =	vld [tilespmem:$0x7850]  }
0xbd: {  	s30 =	simm.s32 $0x2800;
	v7 =	vld [tilespmem:$0x7820]  }
.LBB2_10:
0xbe: {  	p0 =	sne.s32 s30, $0x12C00;
	v8 =	vld [tilespmem:$0x7830];
	s31 =	smov.u32 s30;
	s30 =	sadd.s32 $0x1400, s30  }
0xbf: {  	v9 =	vld [tilespmem:$0x7810]  }
0xc0: {  	v10 =	vld [tilespmem:$0x7800];
	v4 =	vadd.f32 v4, v6;
	_ =	sdelay $0x1  }
0xc1: {  	v5 =	vadd.f32 v5, v7;
	[tilespmem:$0x7840] =	vst v4  }
0xc2: {  	v1 =	vadd.f32 v1, v8  }
0xc3: {  	v2 =	vadd.f32 v2, v9;
	[tilespmem:$0x7820] =	vst v5  }
0xc4: {  	v3 =	vadd.f32 v3, v10;
	[tilespmem:$0x7830] =	vst v1  }
0xc5: {  	s31 =	sshra.s32 s31, $0x2;
	[tilespmem:$0x7810] =	vst v2  }
0xc6: {  	s31 =	sadd.s32 s31, s6;
	[tilespmem:$0x7800] =	vst v3  }
0xc7: {  	[tilespmem:s20], [sflag:$0x1] =	stream.linear.gather [spmem:s31], $0x50, $0x38;
	[tilespmem:$0x7DA0] =	vst v63  }
0xc8: {  	_ =	swait.ge [sflag:s16], $0x50  }
0xc9: {  	[sflag:s16] =	ssyncset.done $0x0  }
0xca: {  	[sflag:s16] =	ssyncadd.s32 $0xFFFFFFB0  }
0xcb: {  	v4 =	vld [tilespmem:$0x7890]  }
0xcc: {  	v1 =	vld [tilespmem:$0x7880]  }
.Ltmp4:
0xcd: {  	v5 =	vld [tilespmem:$0x7870];
	(pc) =	sbr.rel @p0 .LBB2_10-.Ltmp4, $4  }
0xce: {  	v2 =	vld [tilespmem:$0x7860]  }
0xcf: {  	v6 =	vld [tilespmem:$0x7840]  }
0xd0: {  	v3 =	vld [tilespmem:$0x7850]  }
0xd1: {  	v7 =	vld [tilespmem:$0x7820]  }
0xd2: {  	v8 =	vld [tilespmem:$0x7830]  }
0xd3: {  	v9 =	vld [tilespmem:$0x7810]  }
0xd4: {  	v10 =	vld [tilespmem:$0x7800]  }
0xd5: {  	v4 =	vadd.f32 v4, v6  }
0xd6: {  	v5 =	vadd.f32 v5, v7  }
0xd7: {  	[tilespmem:$0x7840] =	vst v4;
	v1 =	vadd.f32 v1, v8  }
0xd8: {  	v2 =	vadd.f32 v2, v9;
	[tilespmem:$0x7820] =	vst v5  }
0xd9: {  	v3 =	vadd.f32 v3, v10;
	[tilespmem:$0x7830] =	vst v1  }
0xda: {  	[tilespmem:$0x7810] =	vst v2  }
0xdb: {  	[tilespmem:$0x7800] =	vst v3  }
0xdc: {  	[hbm4b:s9+s2] =	stream.linear.scatter [tilespmem:s19], [sflag:$0x1], $0x50, $0x38;
	[tilespmem:$0x7DA0] =	vst v63  }
0xdd: {  	_ =	swait.ge [sflag:s16], $0x50  }
0xde: {  	[sflag:s16] =	ssyncset.done $0x0  }
0xdf: {  	[sflag:s16] =	ssyncadd.s32 $0xFFFFFFB0  }
0xe0: {  	[bflag:$0x0] =	sbarrier.arrive $0xFFFF  }
0xe1: {  	[spmem:s5] =	stream.linear.scatter [tilespmem:s23], [sflag:$0x1], $0x500, $0x38;
	[tilespmem:$0x7DA0] =	vst v63  }
0xe2: {  	_ =	swait.ge [sflag:s16], $0x500  }
0xe3: {  	[sflag:s16] =	ssyncset.done $0x0  }
0xe4: {  	[sflag:s16] =	ssyncadd.s32 $0xFFFFFB00  }
0xe5: {  	[bflag:$0x0] =	sbarrier.arrive $0xFFFF  }
0xe6: {  	[tilespmem:s19], [sflag:$0x1] =	stream.linear.gather [spmem:s6], $0x50, $0x38;
	[tilespmem:$0x7DA0] =	vst v63  }
0xe7: {  	_ =	swait.ge [sflag:s16], $0x50  }
0xe8: {  	[sflag:s16] =	ssyncset.done $0x0  }
0xe9: {  	s30 =	sadd.s32 $0x500, s6;
	[sflag:s16] =	ssyncadd.s32 $0xFFFFFFB0  }
0xea: {  	[tilespmem:s20], [sflag:$0x1] =	stream.linear.gather [spmem:s30], $0x50, $0x38;
	[tilespmem:$0x7DA0] =	vst v63  }
0xeb: {  	_ =	swait.ge [sflag:s16], $0x50  }
0xec: {  	[sflag:s16] =	ssyncset.done $0x0  }
0xed: {  	[sflag:s16] =	ssyncadd.s32 $0xFFFFFFB0  }
0xee: {  	v4 =	vld [tilespmem:$0x7890]  }
0xef: {  	v1 =	vld [tilespmem:$0x7880]  }
0xf0: {  	v5 =	vld [tilespmem:$0x7870]  }
0xf1: {  	v2 =	vld [tilespmem:$0x7860]  }
0xf2: {  	v6 =	vld [tilespmem:$0x7840]  }
0xf3: {  	v3 =	vld [tilespmem:$0x7850]  }
0xf4: {  	s30 =	simm.s32 $0x2800;
	v7 =	vld [tilespmem:$0x7820]  }
.LBB2_12:
0xf5: {  	p0 =	sne.s32 s30, $0x12C00;
	v8 =	vld [tilespmem:$0x7830];
	s31 =	smov.u32 s30;
	s30 =	sadd.s32 $0x1400, s30  }
0xf6: {  	v9 =	vld [tilespmem:$0x7810]  }
0xf7: {  	v10 =	vld [tilespmem:$0x7800];
	v4 =	vadd.f32 v4, v6;
	_ =	sdelay $0x1  }
0xf8: {  	v5 =	vadd.f32 v5, v7;
	[tilespmem:$0x7840] =	vst v4  }
0xf9: {  	v1 =	vadd.f32 v1, v8  }
0xfa: {  	v2 =	vadd.f32 v2, v9;
	[tilespmem:$0x7820] =	vst v5  }
0xfb: {  	v3 =	vadd.f32 v3, v10;
	[tilespmem:$0x7830] =	vst v1  }
0xfc: {  	s31 =	sshra.s32 s31, $0x2;
	[tilespmem:$0x7810] =	vst v2  }
0xfd: {  	s31 =	sadd.s32 s31, s6;
	[tilespmem:$0x7800] =	vst v3  }
0xfe: {  	[tilespmem:s20], [sflag:$0x1] =	stream.linear.gather [spmem:s31], $0x50, $0x38;
	[tilespmem:$0x7DA0] =	vst v63  }
0xff: {  	_ =	swait.ge [sflag:s16], $0x50  }
0x100: {  	[sflag:s16] =	ssyncset.done $0x0  }
0x101: {  	[sflag:s16] =	ssyncadd.s32 $0xFFFFFFB0  }
0x102: {  	v4 =	vld [tilespmem:$0x7890]  }
0x103: {  	v1 =	vld [tilespmem:$0x7880]  }
.Ltmp5:
0x104: {  	v5 =	vld [tilespmem:$0x7870];
	(pc) =	sbr.rel @p0 .LBB2_12-.Ltmp5, $4  }
0x105: {  	v2 =	vld [tilespmem:$0x7860]  }
0x106: {  	v6 =	vld [tilespmem:$0x7840]  }
0x107: {  	v3 =	vld [tilespmem:$0x7850]  }
0x108: {  	v7 =	vld [tilespmem:$0x7820]  }
0x109: {  	v8 =	vld [tilespmem:$0x7830]  }
0x10a: {  	v9 =	vld [tilespmem:$0x7810]  }
0x10b: {  	v10 =	vld [tilespmem:$0x7800]  }
0x10c: {  	v4 =	vadd.f32 v4, v6  }
0x10d: {  	v5 =	vadd.f32 v5, v7  }
0x10e: {  	[tilespmem:$0x7840] =	vst v4;
	v1 =	vadd.f32 v1, v8  }
0x10f: {  	v2 =	vadd.f32 v2, v9;
	[tilespmem:$0x7820] =	vst v5  }
0x110: {  	v3 =	vadd.f32 v3, v10;
	[tilespmem:$0x7830] =	vst v1  }
0x111: {  	[tilespmem:$0x7810] =	vst v2  }
0x112: {  	[tilespmem:$0x7800] =	vst v3  }
0x113: {  	[hbm4b:s10+s2] =	stream.linear.scatter [tilespmem:s19], [sflag:$0x1], $0x50, $0x38;
	[tilespmem:$0x7DA0] =	vst v63  }
0x114: {  	_ =	swait.ge [sflag:s16], $0x50  }
0x115: {  	[sflag:s16] =	ssyncset.done $0x0  }
0x116: {  	[sflag:s16] =	ssyncadd.s32 $0xFFFFFFB0  }
0x117: {  	[bflag:$0x0] =	sbarrier.arrive $0xFFFF  }
0x118: {  	[spmem:s5] =	stream.linear.scatter [tilespmem:s24], [sflag:$0x1], $0x500, $0x38;
	[tilespmem:$0x7DA0] =	vst v63  }
0x119: {  	_ =	swait.ge [sflag:s16], $0x500  }
0x11a: {  	[sflag:s16] =	ssyncset.done $0x0  }
0x11b: {  	[sflag:s16] =	ssyncadd.s32 $0xFFFFFB00  }
0x11c: {  	[bflag:$0x0] =	sbarrier.arrive $0xFFFF  }
0x11d: {  	[tilespmem:s19], [sflag:$0x1] =	stream.linear.gather [spmem:s6], $0x50, $0x38;
	[tilespmem:$0x7DA0] =	vst v63  }
0x11e: {  	_ =	swait.ge [sflag:s16], $0x50  }
0x11f: {  	[sflag:s16] =	ssyncset.done $0x0  }
0x120: {  	s30 =	sadd.s32 $0x500, s6;
	[sflag:s16] =	ssyncadd.s32 $0xFFFFFFB0  }
0x121: {  	[tilespmem:s20], [sflag:$0x1] =	stream.linear.gather [spmem:s30], $0x50, $0x38;
	[tilespmem:$0x7DA0] =	vst v63  }
0x122: {  	_ =	swait.ge [sflag:s16], $0x50  }
0x123: {  	[sflag:s16] =	ssyncset.done $0x0  }
0x124: {  	[sflag:s16] =	ssyncadd.s32 $0xFFFFFFB0  }
0x125: {  	v4 =	vld [tilespmem:$0x7890]  }
0x126: {  	v1 =	vld [tilespmem:$0x7880]  }
0x127: {  	v5 =	vld [tilespmem:$0x7870]  }
0x128: {  	v2 =	vld [tilespmem:$0x7860]  }
0x129: {  	v6 =	vld [tilespmem:$0x7840]  }
0x12a: {  	v3 =	vld [tilespmem:$0x7850]  }
0x12b: {  	s30 =	simm.s32 $0x2800;
	v7 =	vld [tilespmem:$0x7820]  }
.LBB2_14:
0x12c: {  	p0 =	sne.s32 s30, $0x12C00;
	v8 =	vld [tilespmem:$0x7830];
	s31 =	smov.u32 s30;
	s30 =	sadd.s32 $0x1400, s30  }
0x12d: {  	v9 =	vld [tilespmem:$0x7810]  }
0x12e: {  	v10 =	vld [tilespmem:$0x7800];
	v4 =	vadd.f32 v4, v6;
	_ =	sdelay $0x1  }
0x12f: {  	v5 =	vadd.f32 v5, v7;
	[tilespmem:$0x7840] =	vst v4  }
0x130: {  	v1 =	vadd.f32 v1, v8  }
0x131: {  	v2 =	vadd.f32 v2, v9;
	[tilespmem:$0x7820] =	vst v5  }
0x132: {  	v3 =	vadd.f32 v3, v10;
	[tilespmem:$0x7830] =	vst v1  }
0x133: {  	s31 =	sshra.s32 s31, $0x2;
	[tilespmem:$0x7810] =	vst v2  }
0x134: {  	s31 =	sadd.s32 s31, s6;
	[tilespmem:$0x7800] =	vst v3  }
0x135: {  	[tilespmem:s20], [sflag:$0x1] =	stream.linear.gather [spmem:s31], $0x50, $0x38;
	[tilespmem:$0x7DA0] =	vst v63  }
0x136: {  	_ =	swait.ge [sflag:s16], $0x50  }
0x137: {  	[sflag:s16] =	ssyncset.done $0x0  }
0x138: {  	[sflag:s16] =	ssyncadd.s32 $0xFFFFFFB0  }
0x139: {  	v4 =	vld [tilespmem:$0x7890]  }
0x13a: {  	v1 =	vld [tilespmem:$0x7880]  }
.Ltmp6:
0x13b: {  	v5 =	vld [tilespmem:$0x7870];
	(pc) =	sbr.rel @p0 .LBB2_14-.Ltmp6, $4  }
0x13c: {  	v2 =	vld [tilespmem:$0x7860]  }
0x13d: {  	v6 =	vld [tilespmem:$0x7840]  }
0x13e: {  	v3 =	vld [tilespmem:$0x7850]  }
0x13f: {  	v7 =	vld [tilespmem:$0x7820]  }
0x140: {  	v8 =	vld [tilespmem:$0x7830]  }
0x141: {  	v9 =	vld [tilespmem:$0x7810]  }
0x142: {  	v10 =	vld [tilespmem:$0x7800]  }
0x143: {  	v4 =	vadd.f32 v4, v6  }
0x144: {  	v5 =	vadd.f32 v5, v7  }
0x145: {  	[tilespmem:$0x7840] =	vst v4;
	v1 =	vadd.f32 v1, v8  }
0x146: {  	v2 =	vadd.f32 v2, v9;
	[tilespmem:$0x7820] =	vst v5  }
0x147: {  	v3 =	vadd.f32 v3, v10;
	[tilespmem:$0x7830] =	vst v1  }
0x148: {  	[tilespmem:$0x7810] =	vst v2  }
0x149: {  	[tilespmem:$0x7800] =	vst v3  }
0x14a: {  	[hbm4b:s11+s2] =	stream.linear.scatter [tilespmem:s19], [sflag:$0x1], $0x50, $0x38;
	[tilespmem:$0x7DA0] =	vst v63  }
0x14b: {  	_ =	swait.ge [sflag:s16], $0x50  }
0x14c: {  	[sflag:s16] =	ssyncset.done $0x0  }
0x14d: {  	[sflag:s16] =	ssyncadd.s32 $0xFFFFFFB0  }
0x14e: {  	[bflag:$0x0] =	sbarrier.arrive $0xFFFF  }
0x14f: {  	[spmem:s5] =	stream.linear.scatter [tilespmem:s25], [sflag:$0x1], $0x500, $0x38;
	[tilespmem:$0x7DA0] =	vst v63  }
0x150: {  	_ =	swait.ge [sflag:s16], $0x500  }
0x151: {  	[sflag:s16] =	ssyncset.done $0x0  }
0x152: {  	[sflag:s16] =	ssyncadd.s32 $0xFFFFFB00  }
0x153: {  	[bflag:$0x0] =	sbarrier.arrive $0xFFFF  }
0x154: {  	[tilespmem:s19], [sflag:$0x1] =	stream.linear.gather [spmem:s6], $0x50, $0x38;
	[tilespmem:$0x7DA0] =	vst v63  }
0x155: {  	_ =	swait.ge [sflag:s16], $0x50  }
0x156: {  	[sflag:s16] =	ssyncset.done $0x0  }
0x157: {  	s30 =	sadd.s32 $0x500, s6;
	[sflag:s16] =	ssyncadd.s32 $0xFFFFFFB0  }
0x158: {  	[tilespmem:s20], [sflag:$0x1] =	stream.linear.gather [spmem:s30], $0x50, $0x38;
	[tilespmem:$0x7DA0] =	vst v63  }
0x159: {  	_ =	swait.ge [sflag:s16], $0x50  }
0x15a: {  	[sflag:s16] =	ssyncset.done $0x0  }
0x15b: {  	[sflag:s16] =	ssyncadd.s32 $0xFFFFFFB0  }
0x15c: {  	v4 =	vld [tilespmem:$0x7890]  }
0x15d: {  	v1 =	vld [tilespmem:$0x7880]  }
0x15e: {  	v5 =	vld [tilespmem:$0x7870]  }
0x15f: {  	v2 =	vld [tilespmem:$0x7860]  }
0x160: {  	v6 =	vld [tilespmem:$0x7840]  }
0x161: {  	v3 =	vld [tilespmem:$0x7850]  }
0x162: {  	s30 =	simm.s32 $0x2800;
	v7 =	vld [tilespmem:$0x7820]  }
.LBB2_16:
0x163: {  	p0 =	sne.s32 s30, $0x12C00;
	v8 =	vld [tilespmem:$0x7830];
	s31 =	smov.u32 s30;
	s30 =	sadd.s32 $0x1400, s30  }
0x164: {  	v9 =	vld [tilespmem:$0x7810]  }
0x165: {  	v10 =	vld [tilespmem:$0x7800];
	v4 =	vadd.f32 v4, v6;
	_ =	sdelay $0x1  }
0x166: {  	v5 =	vadd.f32 v5, v7;
	[tilespmem:$0x7840] =	vst v4  }
0x167: {  	v1 =	vadd.f32 v1, v8  }
0x168: {  	v2 =	vadd.f32 v2, v9;
	[tilespmem:$0x7820] =	vst v5  }
0x169: {  	v3 =	vadd.f32 v3, v10;
	[tilespmem:$0x7830] =	vst v1  }
0x16a: {  	s31 =	sshra.s32 s31, $0x2;
	[tilespmem:$0x7810] =	vst v2  }
0x16b: {  	s31 =	sadd.s32 s31, s6;
	[tilespmem:$0x7800] =	vst v3  }
0x16c: {  	[tilespmem:s20], [sflag:$0x1] =	stream.linear.gather [spmem:s31], $0x50, $0x38;
	[tilespmem:$0x7DA0] =	vst v63  }
0x16d: {  	_ =	swait.ge [sflag:s16], $0x50  }
0x16e: {  	[sflag:s16] =	ssyncset.done $0x0  }
0x16f: {  	[sflag:s16] =	ssyncadd.s32 $0xFFFFFFB0  }
0x170: {  	v4 =	vld [tilespmem:$0x7890]  }
0x171: {  	v1 =	vld [tilespmem:$0x7880]  }
.Ltmp7:
0x172: {  	v5 =	vld [tilespmem:$0x7870];
	(pc) =	sbr.rel @p0 .LBB2_16-.Ltmp7, $4  }
0x173: {  	v2 =	vld [tilespmem:$0x7860]  }
0x174: {  	v6 =	vld [tilespmem:$0x7840]  }
0x175: {  	v3 =	vld [tilespmem:$0x7850]  }
0x176: {  	v7 =	vld [tilespmem:$0x7820]  }
0x177: {  	v8 =	vld [tilespmem:$0x7830]  }
0x178: {  	v9 =	vld [tilespmem:$0x7810]  }
0x179: {  	v10 =	vld [tilespmem:$0x7800]  }
0x17a: {  	v4 =	vadd.f32 v4, v6  }
0x17b: {  	v5 =	vadd.f32 v5, v7  }
0x17c: {  	[tilespmem:$0x7840] =	vst v4;
	v1 =	vadd.f32 v1, v8  }
0x17d: {  	v2 =	vadd.f32 v2, v9;
	[tilespmem:$0x7820] =	vst v5  }
0x17e: {  	v3 =	vadd.f32 v3, v10;
	[tilespmem:$0x7830] =	vst v1  }
0x17f: {  	[tilespmem:$0x7810] =	vst v2  }
0x180: {  	[tilespmem:$0x7800] =	vst v3  }
0x181: {  	[hbm4b:s12+s2] =	stream.linear.scatter [tilespmem:s19], [sflag:$0x1], $0x50, $0x38;
	[tilespmem:$0x7DA0] =	vst v63  }
0x182: {  	_ =	swait.ge [sflag:s16], $0x50  }
0x183: {  	[sflag:s16] =	ssyncset.done $0x0  }
0x184: {  	[sflag:s16] =	ssyncadd.s32 $0xFFFFFFB0  }
0x185: {  	[bflag:$0x0] =	sbarrier.arrive $0xFFFF  }
0x186: {  	[spmem:s5] =	stream.linear.scatter [tilespmem:s26], [sflag:$0x1], $0x500, $0x38;
	[tilespmem:$0x7DA0] =	vst v63  }
0x187: {  	_ =	swait.ge [sflag:s16], $0x500  }
0x188: {  	[sflag:s16] =	ssyncset.done $0x0  }
0x189: {  	[sflag:s16] =	ssyncadd.s32 $0xFFFFFB00  }
0x18a: {  	[bflag:$0x0] =	sbarrier.arrive $0xFFFF  }
0x18b: {  	[tilespmem:s19], [sflag:$0x1] =	stream.linear.gather [spmem:s6], $0x50, $0x38;
	[tilespmem:$0x7DA0] =	vst v63  }
0x18c: {  	_ =	swait.ge [sflag:s16], $0x50  }
0x18d: {  	[sflag:s16] =	ssyncset.done $0x0  }
0x18e: {  	s30 =	sadd.s32 $0x500, s6;
	[sflag:s16] =	ssyncadd.s32 $0xFFFFFFB0  }
0x18f: {  	[tilespmem:s20], [sflag:$0x1] =	stream.linear.gather [spmem:s30], $0x50, $0x38;
	[tilespmem:$0x7DA0] =	vst v63  }
0x190: {  	_ =	swait.ge [sflag:s16], $0x50  }
0x191: {  	[sflag:s16] =	ssyncset.done $0x0  }
0x192: {  	[sflag:s16] =	ssyncadd.s32 $0xFFFFFFB0  }
0x193: {  	v4 =	vld [tilespmem:$0x7890]  }
0x194: {  	v1 =	vld [tilespmem:$0x7880]  }
0x195: {  	v5 =	vld [tilespmem:$0x7870]  }
0x196: {  	v2 =	vld [tilespmem:$0x7860]  }
0x197: {  	v6 =	vld [tilespmem:$0x7840]  }
0x198: {  	v3 =	vld [tilespmem:$0x7850]  }
0x199: {  	s30 =	simm.s32 $0x2800;
	v7 =	vld [tilespmem:$0x7820]  }
.LBB2_18:
0x19a: {  	p0 =	sne.s32 s30, $0x12C00;
	v8 =	vld [tilespmem:$0x7830];
	s31 =	smov.u32 s30;
	s30 =	sadd.s32 $0x1400, s30  }
0x19b: {  	v9 =	vld [tilespmem:$0x7810]  }
0x19c: {  	v10 =	vld [tilespmem:$0x7800];
	v4 =	vadd.f32 v4, v6;
	_ =	sdelay $0x1  }
0x19d: {  	v5 =	vadd.f32 v5, v7;
	[tilespmem:$0x7840] =	vst v4  }
0x19e: {  	v1 =	vadd.f32 v1, v8  }
0x19f: {  	v2 =	vadd.f32 v2, v9;
	[tilespmem:$0x7820] =	vst v5  }
0x1a0: {  	v3 =	vadd.f32 v3, v10;
	[tilespmem:$0x7830] =	vst v1  }
0x1a1: {  	s31 =	sshra.s32 s31, $0x2;
	[tilespmem:$0x7810] =	vst v2  }
0x1a2: {  	s31 =	sadd.s32 s31, s6;
	[tilespmem:$0x7800] =	vst v3  }
0x1a3: {  	[tilespmem:s20], [sflag:$0x1] =	stream.linear.gather [spmem:s31], $0x50, $0x38;
	[tilespmem:$0x7DA0] =	vst v63  }
0x1a4: {  	_ =	swait.ge [sflag:s16], $0x50  }
0x1a5: {  	[sflag:s16] =	ssyncset.done $0x0  }
0x1a6: {  	[sflag:s16] =	ssyncadd.s32 $0xFFFFFFB0  }
0x1a7: {  	v4 =	vld [tilespmem:$0x7890]  }
0x1a8: {  	v1 =	vld [tilespmem:$0x7880]  }
.Ltmp8:
0x1a9: {  	v5 =	vld [tilespmem:$0x7870];
	(pc) =	sbr.rel @p0 .LBB2_18-.Ltmp8, $4  }
0x1aa: {  	v2 =	vld [tilespmem:$0x7860]  }
0x1ab: {  	v6 =	vld [tilespmem:$0x7840]  }
0x1ac: {  	v3 =	vld [tilespmem:$0x7850]  }
0x1ad: {  	v7 =	vld [tilespmem:$0x7820]  }
0x1ae: {  	v8 =	vld [tilespmem:$0x7830]  }
0x1af: {  	v9 =	vld [tilespmem:$0x7810]  }
0x1b0: {  	v10 =	vld [tilespmem:$0x7800]  }
0x1b1: {  	v4 =	vadd.f32 v4, v6  }
0x1b2: {  	v5 =	vadd.f32 v5, v7  }
0x1b3: {  	[tilespmem:$0x7840] =	vst v4;
	v1 =	vadd.f32 v1, v8  }
0x1b4: {  	v2 =	vadd.f32 v2, v9;
	[tilespmem:$0x7820] =	vst v5  }
0x1b5: {  	v3 =	vadd.f32 v3, v10;
	[tilespmem:$0x7830] =	vst v1  }
0x1b6: {  	[tilespmem:$0x7810] =	vst v2  }
0x1b7: {  	[tilespmem:$0x7800] =	vst v3  }
0x1b8: {  	[hbm4b:s13+s2] =	stream.linear.scatter [tilespmem:s19], [sflag:$0x1], $0x50, $0x38;
	[tilespmem:$0x7DA0] =	vst v63  }
0x1b9: {  	_ =	swait.ge [sflag:s16], $0x50  }
0x1ba: {  	[sflag:s16] =	ssyncset.done $0x0  }
0x1bb: {  	[sflag:s16] =	ssyncadd.s32 $0xFFFFFFB0  }
0x1bc: {  	[bflag:$0x0] =	sbarrier.arrive $0xFFFF  }
0x1bd: {  	[spmem:s5] =	stream.linear.scatter [tilespmem:s28], [sflag:$0x1], $0x500, $0x38;
	[tilespmem:$0x7DA0] =	vst v63  }
0x1be: {  	_ =	swait.ge [sflag:s16], $0x500  }
0x1bf: {  	[sflag:s16] =	ssyncset.done $0x0  }
0x1c0: {  	[sflag:s16] =	ssyncadd.s32 $0xFFFFFB00  }
0x1c1: {  	[bflag:$0x0] =	sbarrier.arrive $0xFFFF  }
0x1c2: {  	[tilespmem:s19], [sflag:$0x1] =	stream.linear.gather [spmem:s6], $0x50, $0x38;
	[tilespmem:$0x7DA0] =	vst v63  }
0x1c3: {  	_ =	swait.ge [sflag:s16], $0x50  }
0x1c4: {  	[sflag:s16] =	ssyncset.done $0x0  }
0x1c5: {  	s30 =	sadd.s32 $0x500, s6;
	[sflag:s16] =	ssyncadd.s32 $0xFFFFFFB0  }
0x1c6: {  	[tilespmem:s20], [sflag:$0x1] =	stream.linear.gather [spmem:s30], $0x50, $0x38;
	[tilespmem:$0x7DA0] =	vst v63  }
0x1c7: {  	_ =	swait.ge [sflag:s16], $0x50  }
0x1c8: {  	[sflag:s16] =	ssyncset.done $0x0  }
0x1c9: {  	[sflag:s16] =	ssyncadd.s32 $0xFFFFFFB0  }
0x1ca: {  	v4 =	vld [tilespmem:$0x7890]  }
0x1cb: {  	v1 =	vld [tilespmem:$0x7880]  }
0x1cc: {  	v5 =	vld [tilespmem:$0x7870]  }
0x1cd: {  	v2 =	vld [tilespmem:$0x7860]  }
0x1ce: {  	v6 =	vld [tilespmem:$0x7840]  }
0x1cf: {  	v3 =	vld [tilespmem:$0x7850]  }
0x1d0: {  	s30 =	simm.s32 $0x2800;
	v7 =	vld [tilespmem:$0x7820]  }
.LBB2_20:
0x1d1: {  	p0 =	sne.s32 s30, $0x12C00;
	v8 =	vld [tilespmem:$0x7830];
	s31 =	smov.u32 s30;
	s30 =	sadd.s32 $0x1400, s30  }
0x1d2: {  	v9 =	vld [tilespmem:$0x7810]  }
0x1d3: {  	v10 =	vld [tilespmem:$0x7800];
	v4 =	vadd.f32 v4, v6;
	_ =	sdelay $0x1  }
0x1d4: {  	v5 =	vadd.f32 v5, v7;
	[tilespmem:$0x7840] =	vst v4  }
0x1d5: {  	v1 =	vadd.f32 v1, v8  }
0x1d6: {  	v2 =	vadd.f32 v2, v9;
	[tilespmem:$0x7820] =	vst v5  }
0x1d7: {  	v3 =	vadd.f32 v3, v10;
	[tilespmem:$0x7830] =	vst v1  }
0x1d8: {  	s31 =	sshra.s32 s31, $0x2;
	[tilespmem:$0x7810] =	vst v2  }
0x1d9: {  	s31 =	sadd.s32 s31, s6;
	[tilespmem:$0x7800] =	vst v3  }
0x1da: {  	[tilespmem:s20], [sflag:$0x1] =	stream.linear.gather [spmem:s31], $0x50, $0x38;
	[tilespmem:$0x7DA0] =	vst v63  }
0x1db: {  	_ =	swait.ge [sflag:s16], $0x50  }
0x1dc: {  	[sflag:s16] =	ssyncset.done $0x0  }
0x1dd: {  	[sflag:s16] =	ssyncadd.s32 $0xFFFFFFB0  }
0x1de: {  	v4 =	vld [tilespmem:$0x7890]  }
0x1df: {  	v1 =	vld [tilespmem:$0x7880]  }
.Ltmp9:
0x1e0: {  	v5 =	vld [tilespmem:$0x7870];
	(pc) =	sbr.rel @p0 .LBB2_20-.Ltmp9, $4  }
0x1e1: {  	v2 =	vld [tilespmem:$0x7860]  }
0x1e2: {  	v6 =	vld [tilespmem:$0x7840]  }
0x1e3: {  	v3 =	vld [tilespmem:$0x7850]  }
0x1e4: {  	v7 =	vld [tilespmem:$0x7820]  }
0x1e5: {  	v8 =	vld [tilespmem:$0x7830]  }
0x1e6: {  	v9 =	vld [tilespmem:$0x7810]  }
0x1e7: {  	v10 =	vld [tilespmem:$0x7800]  }
0x1e8: {  	v4 =	vadd.f32 v4, v6  }
0x1e9: {  	v5 =	vadd.f32 v5, v7  }
0x1ea: {  	[tilespmem:$0x7840] =	vst v4;
	v1 =	vadd.f32 v1, v8  }
0x1eb: {  	v2 =	vadd.f32 v2, v9;
	[tilespmem:$0x7820] =	vst v5  }
0x1ec: {  	v3 =	vadd.f32 v3, v10;
	[tilespmem:$0x7830] =	vst v1  }
0x1ed: {  	s29 =	sadd.s32 $0x1, s29;
	[tilespmem:$0x7810] =	vst v2  }
0x1ee: {  	p0 =	sne.s32 s29, s15;
	[tilespmem:$0x7800] =	vst v3  }
0x1ef: {  	[hbm4b:s14+s2] =	stream.linear.scatter [tilespmem:s19], [sflag:$0x1], $0x50, $0x38;
	[tilespmem:$0x7DA0] =	vst v63  }
.Ltmp10:
0x1f0: {  	_ =	swait.ge [sflag:s16], $0x50;
	(pc) =	sbr.rel @p0 .LBB2_1-.Ltmp10, $3  }
0x1f1: {  	[sflag:s16] =	ssyncset.done $0x0  }
0x1f2: {  	[sflag:s16] =	ssyncadd.s32 $0xFFFFFFB0  }
0x1f3: {  	[bflag:$0x0] =	sbarrier.arrive $0xFFFF;
	_ =	sdelay $0x1  }
0x1f4: {  	_ =	sfence.sel $0x180000  }
0x1f5: {  	[bflag:$0x0] =	sbarrier.arrive $0xFFFF  }
0x1f6: {  	p0 =	sne.s32 s1, $0x0;
	_ =	strace $0x90000047  }
0x1f7: {  	s0 =	sadd.s32 @!p0 $0x100000, s0;
	[bflag:$0x2] =	sbarrier.arrive $0xFFFF  }
0x1f8: {  	[sflag:s0] =	ssyncadd.tile.s32 @!p0 $0x1;
	_ =	shalt  }
.Lfunc_end2:
_tile_overlayer_lowered:
.L_overlay_start_2:
0x1f9: {  	(tag) =	ssettag $0x2  }
0x1fa: {  	s0 =	rddreg [dreg:$0x0];
	s2 =	stileid.u32  }
0x1fb: {  	s1 =	rddreg [dreg:$0x1];
	p0 =	sne.s32 s2, $0x0  }
0x1fc: {  	s3 =	rddreg [dreg:$0x2];
	[bflag:$0x3] =	sbarrier.arrive $0xFFFF;
	s2 =	simm.s32 @!p0 $0x1C01  }
0x1fd: {  	[timem:s3], [sflag:s2] =	dma.local @!p0 [hbm:s0], s1  }
0x1fe: {  	s0 =	simm.s32 @!p0 $0x1  }
0x1ff: {  	_ =	swait.ge @!p0 [sflag:s0], s1  }
0x200: {  	s1 =	ssub.s32 @!p0 $0x0, s1;
	[sflag:s0] =	ssyncset.done @!p0 $0x0  }
0x201: {  	[sflag:s0] =	ssyncadd.s32 @!p0 s1  }
0x202: {  	[bflag:$0x3] =	sbarrier.arrive $0xFFFF  }
0x203: {  	_ =	shalt  }

</sc_bundles>
